<compile_context>
chip_gen: v7x
topology: tpu7x:2x2x1
jax: 0.10.2.dev20260603
libtpu: 0.0.44.dev20260713+nightly
codegen_flags: <defaults>
</compile_context>

<pallas_src>
import functools

import jax
import jax.numpy as jnp
from jax.experimental import pallas as pl
from jax.experimental.pallas import tpu as pltpu
from jax.experimental.pallas import tpu_sc as plsc

_N = 10000
_E = 160000
_D = 128
_R = 4
_DW = _D // 2

_NC = 2
_NS = 16
_B = 128
_NB_TILE = 40
_NB_PHASE = 20
_E_PAD = _NC * _NS * _NB_TILE * _B
_ACC_ROWS = 10240
_ROWS_PER_SUB = _ACC_ROWS // _NS
_DEPTH = 2
_HB = _B // 2


def _self_body(x_ref, w_ref, o_ref):
    o_ref[...] = jnp.dot(x_ref[...], w_ref[...],
                         preferred_element_type=jnp.float32)


def _matmul_self(x, s):
    nbx = 5
    bn = _N // nbx
    return pl.pallas_call(
        _self_body,
        grid=(nbx,),
        in_specs=[
            pl.BlockSpec((bn, _D), lambda i: (i, 0)),
            pl.BlockSpec((_D, _D), lambda i: (0, 0)),
        ],
        out_specs=pl.BlockSpec((bn, _D), lambda i: (i, 0)),
        out_shape=jax.ShapeDtypeStruct((_N, _D), jnp.float32),
    )(x, s)


def _rne_bf16_bits(v):
    u = jax.lax.bitcast_convert_type(v, jnp.uint32)
    r = u + jnp.uint32(0x7FFF) + ((u >> jnp.uint32(16)) & jnp.uint32(1))
    return r >> jnp.uint32(16)


def _msg_body(x_ref, w_ref, o_ref):
    y = jnp.dot(x_ref[...], w_ref[0], preferred_element_type=jnp.float32)
    lo = _rne_bf16_bits(y[:, :_DW])
    hi = _rne_bf16_bits(y[:, _DW:])
    o_ref[...] = jax.lax.bitcast_convert_type(
        lo | (hi << jnp.uint32(16)), jnp.int32)


def _matmul_msgs(x, w):
    nbx = 5
    bn = _N // nbx
    return pl.pallas_call(
        _msg_body,
        grid=(_R, nbx),
        in_specs=[
            pl.BlockSpec((bn, _D), lambda r, i: (i, 0)),
            pl.BlockSpec((1, _D, _D), lambda r, i: (r, 0, 0)),
        ],
        out_specs=pl.BlockSpec((bn, _DW), lambda r, i: (r * nbx + i, 0)),
        out_shape=jax.ShapeDtypeStruct((_R * _N, _DW), jnp.int32),
    )(x, w)


_PERM = sum([list(range(g * 32, g * 32 + 16)) for g in range(4)], []) + \
        sum([list(range(g * 32 + 16, g * 32 + 32)) for g in range(4)], [])


def _gidx_body(src_ref, et_ref, o_ref):
    o_ref[...] = et_ref[...] * _N + src_ref[...]


def _make_gidx(src2d, et2d):
    nrows = _E_PAD // _B
    return pl.pallas_call(
        _gidx_body,
        grid=(8,),
        in_specs=[
            pl.BlockSpec((nrows // 8, _B), lambda i: (i, 0)),
            pl.BlockSpec((nrows // 8, _B), lambda i: (i, 0)),
        ],
        out_specs=pl.BlockSpec((nrows // 8, _B), lambda i: (i, 0)),
        out_shape=jax.ShapeDtypeStruct((nrows, _B), jnp.int32),
    )(src2d, et2d)


def _combine_body(y_ref, a0_ref, a1_ref, x_ref, b_ref, o_ref, *, residual):
    o = y_ref[...] + a0_ref[...] + a1_ref[...] + b_ref[...]
    if residual:
        o = o + x_ref[...]
    o_ref[...] = jnp.maximum(o, 0.0)


def _combine(selfy, agg0, agg1, x, b2d, residual):
    nbx = 5
    bn = _N // nbx
    return pl.pallas_call(
        functools.partial(_combine_body, residual=residual),
        grid=(nbx,),
        in_specs=[
            pl.BlockSpec((bn, _D), lambda i: (i, 0)),
            pl.BlockSpec((bn, _D), lambda i: (i, 0)),
            pl.BlockSpec((bn, _D), lambda i: (i, 0)),
            pl.BlockSpec((bn, _D), lambda i: (i, 0)),
            pl.BlockSpec((1, _D), lambda i: (0, 0)),
        ],
        out_specs=pl.BlockSpec((bn, _D), lambda i: (i, 0)),
        out_shape=jax.ShapeDtypeStruct((_N, _D), jnp.float32),
    )(selfy, agg0, agg1, x, b2d)


def _sc_body(ytab, gidx_hbm, dst_hbm, out0, out1,
             acc, gidx_v, dst_v, rows_i, frow2, *allsems):
    sems = allsems[:_DEPTH]
    ssems = allsems[_DEPTH:]
    c = jax.lax.axis_index("c")
    s = jax.lax.axis_index("s")
    wid = c * _NS + s

    def _zero_row(i, _):
        for k in range(_D // 16):
            frow2[0, i, pl.ds(k * 16, 16)] = jnp.zeros((16,), jnp.float32)
        return 0
    jax.lax.fori_loop(0, _HB, _zero_row, 0)
    base = s * _ROWS_PER_SUB
    for j in range(_ROWS_PER_SUB // _HB):
        pltpu.sync_copy(frow2.at[0], acc.at[pl.ds(base + j * _HB, _HB)])
    plsc.subcore_barrier()

    def _convert_half(k, h):
        mask = jnp.full((16,), -65536, jnp.int32)

        def _row(i, _):
            ri = h * _HB + i
            for g in range(_D // 32):
                w = rows_i[k, ri, pl.ds(g * 16, 16)]
                frow2[h, i, pl.ds(g * 32, 16)] = plsc.bitcast(
                    jax.lax.shift_left(w, 16), jnp.float32)
                frow2[h, i, pl.ds(g * 32 + 16, 16)] = plsc.bitcast(
                    jax.lax.bitwise_and(w, mask), jnp.float32)
            return 0
        jax.lax.fori_loop(0, _HB, _row, 0)

    def _wait_scatter(h):
        pltpu.make_async_copy(frow2.at[h], acc.at[dst_v.at[0]],
                              ssems[h]).wait()

    def _start(b, k):
        pltpu.async_copy(ytab.at[gidx_v.at[b]], rows_i.at[k], sems[k])

    def _wait(b, k):
        pltpu.make_async_copy(ytab.at[gidx_v.at[b]], rows_i.at[k],
                              sems[k]).wait()

    for p in range(_NB_TILE // _NB_PHASE):
        row0 = wid * _NB_TILE + p * _NB_PHASE
        pltpu.sync_copy(gidx_hbm.at[pl.ds(row0, _NB_PHASE)], gidx_v)
        pltpu.sync_copy(dst_hbm.at[pl.ds(2 * row0, 2 * _NB_PHASE)], dst_v)

        for k in range(_DEPTH):
            _start(k, k)

        def _step(i, _):
            for k in range(_DEPTH):
                b = i * _DEPTH + k
                _wait(b, k)
                for h in range(2):
                    @pl.when(b > 0)
                    def _():
                        _wait_scatter(h)
                    _convert_half(k, h)
                    pltpu.async_copy(frow2.at[h], acc.at[dst_v.at[2 * b + h]],
                                     ssems[h], add=True)
                nxt = b + _DEPTH

                @pl.when(nxt < _NB_PHASE)
                def _():
                    _start(nxt, k)
            return 0
        jax.lax.fori_loop(0, _NB_PHASE // _DEPTH, _step, 0)
        for h in range(2):
            _wait_scatter(h)
    plsc.subcore_barrier()

    for cc, out_ref in ((0, out0), (1, out1)):
        @pl.when(c == cc)
        def _():
            @pl.when(s < _NS - 1)
            def _():
                r0 = pl.multiple_of(s * 624, 8)
                pltpu.sync_copy(acc.at[pl.ds(r0, 624)],
                                out_ref.at[pl.ds(r0, 624)])

            @pl.when(s == _NS - 1)
            def _():
                pltpu.sync_copy(acc.at[pl.ds(9360, 640)],
                                out_ref.at[pl.ds(9360, 640)])


def _sc_aggregate(ytab, gidx2d, dst2d):
    mesh = plsc.VectorSubcoreMesh(core_axis_name="c", subcore_axis_name="s")
    f = pl.kernel(
        _sc_body,
        out_type=[jax.ShapeDtypeStruct((_N, _D), jnp.float32),
                  jax.ShapeDtypeStruct((_N, _D), jnp.float32)],
        mesh=mesh,
        compiler_params=pltpu.CompilerParams(use_tc_tiling_on_sc=False,
                                             needs_layout_passes=False),
        scratch_types=[
            pltpu.VMEM_SHARED((_ACC_ROWS, _D), jnp.float32),
            pltpu.VMEM((_NB_PHASE, _B), jnp.int32),
            pltpu.VMEM((2 * _NB_PHASE, _HB), jnp.int32),
            pltpu.VMEM((_DEPTH, _B, _DW), jnp.int32),
            pltpu.VMEM((2, _HB, _D), jnp.float32),
        ] + [pltpu.SemaphoreType.DMA] * (_DEPTH + 2),
    )
    return f(ytab, gidx2d, dst2d)


@jax.jit
def kernel(x, edge_index, edge_type, W1, S1, b1, W2, S2, b2):
    src = edge_index[0].astype(jnp.int32)
    dst = edge_index[1].astype(jnp.int32)
    et = edge_type.astype(jnp.int32)

    pad = _E_PAD - _E
    src2d = jnp.concatenate(
        [src, jnp.zeros((pad,), jnp.int32)]).reshape(_E_PAD // _B, _B)
    et2d = jnp.concatenate(
        [et, jnp.zeros((pad,), jnp.int32)]).reshape(_E_PAD // _B, _B)
    dst2d = jnp.concatenate(
        [dst, jnp.full((pad,), _N, jnp.int32)]).reshape(_E_PAD // _HB, _HB)
    gidx2d = _make_gidx(src2d, et2d)

    b1r = b1.reshape(1, _D)
    b2r = b2.reshape(1, _D)

    self1 = _matmul_self(x, S1)
    ytab1 = _matmul_msgs(x, W1[:, :, jnp.array(_PERM)])
    agg0, agg1 = _sc_aggregate(ytab1, gidx2d, dst2d)
    h = _combine(self1, agg0, agg1, x, b1r, residual=True)

    self2 = _matmul_self(h, S2)
    ytab2 = _matmul_msgs(h, W2[:, :, jnp.array(_PERM)])
    agg0b, agg1b = _sc_aggregate(ytab2, gidx2d, dst2d)
    out = _combine(self2, agg0b, agg1b, h, b2r, residual=False)
    return out

# --- scband reference (transcript-rebuilt; emitter-appended) ---
"""Pipeline reference for scband-rgcn-40209483826003 (READ-ONLY COPY).

The authoritative reference and input builder live on the scoring server;
editing this copy changes nothing except your own understanding.
"""

import jax, jax.numpy as jnp
import numpy as np

N = 10000
E = 160000
D = 128
R = 4


def _xavier(k, shape):
    fan_in, fan_out = shape[-2], shape[-1]
    a = (6.0 / (fan_in + fan_out)) ** 0.5
    return jax.random.uniform(k, shape, minval=-a, maxval=a, dtype=jnp.float32)


def setup_inputs(seed: int = 0) -> dict:
    key = jax.random.key(seed)
    ks = jax.random.split(key, 8)
    x = jax.random.normal(ks[0], (N, D), dtype=jnp.float32)
    edge_index = jax.random.randint(ks[1], (2, E), 0, N)
    edge_type = jax.random.randint(ks[2], (E,), 0, R)
    W1 = _xavier(ks[3], (R, D, D))
    S1 = _xavier(ks[4], (D, D))
    b1 = jnp.zeros((D,), dtype=jnp.float32)
    W2 = _xavier(ks[5], (R, D, D))
    S2 = _xavier(ks[6], (D, D))
    b2 = jnp.zeros((D,), dtype=jnp.float32)
    return {"x": x, "edge_index": edge_index, "edge_type": edge_type,
            "W1": W1, "S1": S1, "b1": b1, "W2": W2, "S2": S2, "b2": b2}


def _rgcn_layer(x, src, dst, edge_type, W, S, b, residual):
    # self loop transform
    out = x @ S
    # message: msg[e] = x[src[e]] @ W[edge_type[e]]
    xj = jnp.take(x, src, axis=0)
    # compute per-relation transforms then select by edge_type (same math as
    # torch.bmm(x_j.unsqueeze(1), weight[edge_type]).squeeze(1) without
    # materializing the [E, D, D] gathered weight tensor)
    all_msgs = jnp.einsum('ed,rdo->ero', xj, W)
    msg = jnp.take_along_axis(all_msgs, edge_type[:, None, None], axis=1)[:, 0, :]
    # aggregate (aggr='add') at destination nodes
    agg = jax.ops.segment_sum(msg, dst, num_segments=N)
    out = out + agg
    if residual:
        out = out + x  # res_fc is Identity since in_channels == out_channels
    out = out + b
    return out


def reference(x, edge_index, edge_type, W1, S1, b1, W2, S2, b2):
    src = edge_index[0]
    dst = edge_index[1]
    # dropout p=0.0 -> identity
    h = _rgcn_layer(x, src, dst, edge_type, W1, S1, b1, residual=True)
    h = jax.nn.relu(h)
    h = _rgcn_layer(h, src, dst, edge_type, W2, S2, b2, residual=False)
    h = jax.nn.relu(h)
    return h

if __name__ == "__main__":
    import jax
    _d = setup_inputs()
    print(jax.jit(kernel)(*tuple(_d.values())))

</pallas_src>

<mosaic_0001>
#map = affine_map<(d0, d1) -> (0, 0)>
module attributes {stable_mosaic.version = 14 : i64} {
  func.func @_sc_body(%arg0: i32, %arg1: i32, %arg2: memref<40000x64xi32, #tpu.memory_space<hbm>>, %arg3: memref<1280x128xi32, #tpu.memory_space<hbm>>, %arg4: memref<2560x64xi32, #tpu.memory_space<hbm>>, %arg5: memref<10000x128xf32, #tpu.memory_space<hbm>>, %arg6: memref<10000x128xf32, #tpu.memory_space<hbm>>, %arg7: memref<10240x128xf32, #tpu.memory_space<vmem_shared>>, %arg8: memref<20x128xi32, #tpu.memory_space<vmem>>, %arg9: memref<40x64xi32, #tpu.memory_space<vmem>>, %arg10: memref<2x128x64xi32, #tpu.memory_space<vmem>>, %arg11: memref<2x64x128xf32, #tpu.memory_space<vmem>>, %arg12: memref<!tpu.dma_semaphore, #tpu.memory_space<semaphore_mem>>, %arg13: memref<!tpu.dma_semaphore, #tpu.memory_space<semaphore_mem>>, %arg14: memref<!tpu.dma_semaphore, #tpu.memory_space<semaphore_mem>>, %arg15: memref<!tpu.dma_semaphore, #tpu.memory_space<semaphore_mem>>) attributes {dimension_semantics = [#tpu.dimension_semantics<core_parallel>, #tpu.dimension_semantics<subcore_parallel>], iteration_bounds = array<i64: 2, 16>, scalar_prefetch = 0 : i64, scratch_operands = 9 : i64, tpu.core_type = #tpu.core_type<sc_vector_subcore>, window_params = [{transform_indices = #map}, {transform_indices = #map}, {transform_indices = #map}, {transform_indices = #map}, {transform_indices = #map}]} {
    %mul3A = arith.constant 16 : i32
    %mul3A_0 = arith.muli %arg0, %mul3A : i32
    %add3A = arith.addi %mul3A_0, %arg1 : i32
    %scan3A = arith.constant 0 : i32
    %scan3A_1 = arith.constant 0 : i32
    %scan3A_2 = arith.constant 64 : i32
    %scan3A_3 = arith.addi %scan3A_1, %scan3A_2 : i32
    %scan3A_4 = arith.constant 1 : i32
    %scan3A_5 = scf.for %scan3A_166 = %scan3A_1 to %scan3A_3 step %scan3A_4 iter_args(%scan3A_167 = %scan3A) -> (i32)  : i32 {
      %broadcast_in_dim3A = arith.constant 0.000000e+00 : f32
      %broadcast_in_dim3A_168 = vector.broadcast %broadcast_in_dim3A : f32 to vector<16xf32>
      %swap3A = arith.constant 0 : i32
      %swap3A_169 = arith.index_cast %swap3A : i32 to index
      %swap3A_170 = arith.index_cast %scan3A_166 : i32 to index
      %swap3A_171 = arith.constant 0 : index
      %swap3A_172 = tpu.vector_load %arg11[%swap3A_169, %swap3A_170, %swap3A_171] {strides = array<i32>} : memref<2x64x128xf32, #tpu.memory_space<vmem>>, vector<16xf32>,
      tpu.vector_store %arg11[%swap3A_169, %swap3A_170, %swap3A_171], %broadcast_in_dim3A_168 {strides = array<i32>} : memref<2x64x128xf32, #tpu.memory_space<vmem>>, vector<16xf32>,
      %broadcast_in_dim3A_173 = arith.constant 0.000000e+00 : f32
      %broadcast_in_dim3A_174 = vector.broadcast %broadcast_in_dim3A_173 : f32 to vector<16xf32>
      %swap3A_175 = arith.constant 0 : i32
      %swap3A_176 = arith.index_cast %swap3A_175 : i32 to index
      %swap3A_177 = arith.index_cast %scan3A_166 : i32 to index
      %swap3A_178 = arith.constant 16 : index
      %swap3A_179 = tpu.vector_load %arg11[%swap3A_176, %swap3A_177, %swap3A_178] {strides = array<i32>} : memref<2x64x128xf32, #tpu.memory_space<vmem>>, vector<16xf32>,
      tpu.vector_store %arg11[%swap3A_176, %swap3A_177, %swap3A_178], %broadcast_in_dim3A_174 {strides = array<i32>} : memref<2x64x128xf32, #tpu.memory_space<vmem>>, vector<16xf32>,
      %broadcast_in_dim3A_180 = arith.constant 0.000000e+00 : f32
      %broadcast_in_dim3A_181 = vector.broadcast %broadcast_in_dim3A_180 : f32 to vector<16xf32>
      %swap3A_182 = arith.constant 0 : i32
      %swap3A_183 = arith.index_cast %swap3A_182 : i32 to index
      %swap3A_184 = arith.index_cast %scan3A_166 : i32 to index
      %swap3A_185 = arith.constant 32 : index
      %swap3A_186 = tpu.vector_load %arg11[%swap3A_183, %swap3A_184, %swap3A_185] {strides = array<i32>} : memref<2x64x128xf32, #tpu.memory_space<vmem>>, vector<16xf32>,
      tpu.vector_store %arg11[%swap3A_183, %swap3A_184, %swap3A_185], %broadcast_in_dim3A_181 {strides = array<i32>} : memref<2x64x128xf32, #tpu.memory_space<vmem>>, vector<16xf32>,
      %broadcast_in_dim3A_187 = arith.constant 0.000000e+00 : f32
      %broadcast_in_dim3A_188 = vector.broadcast %broadcast_in_dim3A_187 : f32 to vector<16xf32>
      %swap3A_189 = arith.constant 0 : i32
      %swap3A_190 = arith.index_cast %swap3A_189 : i32 to index
      %swap3A_191 = arith.index_cast %scan3A_166 : i32 to index
      %swap3A_192 = arith.constant 48 : index
      %swap3A_193 = tpu.vector_load %arg11[%swap3A_190, %swap3A_191, %swap3A_192] {strides = array<i32>} : memref<2x64x128xf32, #tpu.memory_space<vmem>>, vector<16xf32>,
      tpu.vector_store %arg11[%swap3A_190, %swap3A_191, %swap3A_192], %broadcast_in_dim3A_188 {strides = array<i32>} : memref<2x64x128xf32, #tpu.memory_space<vmem>>, vector<16xf32>,
      %broadcast_in_dim3A_194 = arith.constant 0.000000e+00 : f32
      %broadcast_in_dim3A_195 = vector.broadcast %broadcast_in_dim3A_194 : f32 to vector<16xf32>
      %swap3A_196 = arith.constant 0 : i32
      %swap3A_197 = arith.index_cast %swap3A_196 : i32 to index
      %swap3A_198 = arith.index_cast %scan3A_166 : i32 to index
      %swap3A_199 = arith.constant 64 : index
      %swap3A_200 = tpu.vector_load %arg11[%swap3A_197, %swap3A_198, %swap3A_199] {strides = array<i32>} : memref<2x64x128xf32, #tpu.memory_space<vmem>>, vector<16xf32>,
      tpu.vector_store %arg11[%swap3A_197, %swap3A_198, %swap3A_199], %broadcast_in_dim3A_195 {strides = array<i32>} : memref<2x64x128xf32, #tpu.memory_space<vmem>>, vector<16xf32>,
      %broadcast_in_dim3A_201 = arith.constant 0.000000e+00 : f32
      %broadcast_in_dim3A_202 = vector.broadcast %broadcast_in_dim3A_201 : f32 to vector<16xf32>
      %swap3A_203 = arith.constant 0 : i32
      %swap3A_204 = arith.index_cast %swap3A_203 : i32 to index
      %swap3A_205 = arith.index_cast %scan3A_166 : i32 to index
      %swap3A_206 = arith.constant 80 : index
      %swap3A_207 = tpu.vector_load %arg11[%swap3A_204, %swap3A_205, %swap3A_206] {strides = array<i32>} : memref<2x64x128xf32, #tpu.memory_space<vmem>>, vector<16xf32>,
      tpu.vector_store %arg11[%swap3A_204, %swap3A_205, %swap3A_206], %broadcast_in_dim3A_202 {strides = array<i32>} : memref<2x64x128xf32, #tpu.memory_space<vmem>>, vector<16xf32>,
      %broadcast_in_dim3A_208 = arith.constant 0.000000e+00 : f32
      %broadcast_in_dim3A_209 = vector.broadcast %broadcast_in_dim3A_208 : f32 to vector<16xf32>
      %swap3A_210 = arith.constant 0 : i32
      %swap3A_211 = arith.index_cast %swap3A_210 : i32 to index
      %swap3A_212 = arith.index_cast %scan3A_166 : i32 to index
      %swap3A_213 = arith.constant 96 : index
      %swap3A_214 = tpu.vector_load %arg11[%swap3A_211, %swap3A_212, %swap3A_213] {strides = array<i32>} : memref<2x64x128xf32, #tpu.memory_space<vmem>>, vector<16xf32>,
      tpu.vector_store %arg11[%swap3A_211, %swap3A_212, %swap3A_213], %broadcast_in_dim3A_209 {strides = array<i32>} : memref<2x64x128xf32, #tpu.memory_space<vmem>>, vector<16xf32>,
      %broadcast_in_dim3A_215 = arith.constant 0.000000e+00 : f32
      %broadcast_in_dim3A_216 = vector.broadcast %broadcast_in_dim3A_215 : f32 to vector<16xf32>
      %swap3A_217 = arith.constant 0 : i32
      %swap3A_218 = arith.index_cast %swap3A_217 : i32 to index
      %swap3A_219 = arith.index_cast %scan3A_166 : i32 to index
      %swap3A_220 = arith.constant 112 : index
      %swap3A_221 = tpu.vector_load %arg11[%swap3A_218, %swap3A_219, %swap3A_220] {strides = array<i32>} : memref<2x64x128xf32, #tpu.memory_space<vmem>>, vector<16xf32>,
      tpu.vector_store %arg11[%swap3A_218, %swap3A_219, %swap3A_220], %broadcast_in_dim3A_216 {strides = array<i32>} : memref<2x64x128xf32, #tpu.memory_space<vmem>>, vector<16xf32>,
      %scan3A_222 = arith.constant 0 : i32
      scf.yield %scan3A_222 : i32
    }
    %scan3A_6 = arith.constant 64 : i32
    %mul3A_7 = arith.constant 640 : i32
    %mul3A_8 = arith.muli %arg1, %mul3A_7 : i32
    %add3A_9 = arith.constant 0 : i32
    %add3A_10 = arith.addi %mul3A_8, %add3A_9 : i32
    %run_scoped3A = arith.constant 0 : i32
    "tpu.region"() ({
      %run_scoped3A_166 = tpu.sem_alloc : memref<!tpu.dma_semaphore, #tpu.memory_space<semaphore_mem>>
      %dma_start3A_167 = arith.constant 0 : i32
      %dma_start3A_168 = arith.constant 0 : i32
      %dma_start3A_169 = tpu.memref_slice %arg11[%run_scoped3A, %dma_start3A_167, %dma_start3A_168] : memref<2x64x128xf32, #tpu.memory_space<vmem>> -> memref<1x64x128xf32, #tpu.memory_space<vmem>>
      %dma_start3A_170 = tpu.memref_squeeze %dma_start3A_169 : memref<1x64x128xf32, #tpu.memory_space<vmem>> -> memref<64x128xf32, #tpu.memory_space<vmem>>
      %dma_start3A_171 = arith.constant 0 : i32
      %dma_start3A_172 = tpu.memref_slice %arg7[%add3A_10, %dma_start3A_171] : memref<10240x128xf32, #tpu.memory_space<vmem_shared>> -> memref<64x128xf32, #tpu.memory_space<vmem_shared>>
      %dma_start3A_173 = arith.constant 0 : i32
      %dma_start3A_174 = tpu.memref_slice %arg7[%add3A_10, %dma_start3A_173] : memref<10240x128xf32, #tpu.memory_space<vmem_shared>> -> memref<64x128xf32, #tpu.memory_space<vmem_shared>>
      %dma_start3A_175 = arith.constant 0 : i32
      %dma_start3A_176 = arith.constant 0 : i32
      %dma_start3A_177 = tpu.memref_slice %arg11[%run_scoped3A, %dma_start3A_175, %dma_start3A_176] : memref<2x64x128xf32, #tpu.memory_space<vmem>> -> memref<1x64x128xf32, #tpu.memory_space<vmem>>
      %dma_start3A_178 = tpu.memref_squeeze %dma_start3A_177 : memref<1x64x128xf32, #tpu.memory_space<vmem>> -> memref<64x128xf32, #tpu.memory_space<vmem>>
      tpu.enqueue_dma source(%dma_start3A_178 : memref<64x128xf32, #tpu.memory_space<vmem>>) target(%dma_start3A_174 : memref<64x128xf32, #tpu.memory_space<vmem_shared>>) target_semaphore(%run_scoped3A_166 : memref<!tpu.dma_semaphore, #tpu.memory_space<semaphore_mem>>)
      %dma_wait3A_179 = arith.constant 0 : i32
      %dma_wait3A_180 = arith.constant 0 : i32
      %dma_wait3A_181 = tpu.memref_slice %arg11[%run_scoped3A, %dma_wait3A_179, %dma_wait3A_180] : memref<2x64x128xf32, #tpu.memory_space<vmem>> -> memref<1x64x128xf32, #tpu.memory_space<vmem>>
      %dma_wait3A_182 = tpu.memref_squeeze %dma_wait3A_181 : memref<1x64x128xf32, #tpu.memory_space<vmem>> -> memref<64x128xf32, #tpu.memory_space<vmem>>
      %dma_wait3A_183 = arith.constant 0 : i32
      %dma_wait3A_184 = tpu.memref_slice %arg7[%add3A_10, %dma_wait3A_183] : memref<10240x128xf32, #tpu.memory_space<vmem_shared>> -> memref<64x128xf32, #tpu.memory_space<vmem_shared>>
      %dma_wait3A_185 = arith.constant 0 : i32
      %dma_wait3A_186 = tpu.memref_slice %arg7[%add3A_10, %dma_wait3A_185] : memref<10240x128xf32, #tpu.memory_space<vmem_shared>> -> memref<64x128xf32, #tpu.memory_space<vmem_shared>>
      %dma_wait3A_187 = arith.constant 0 : i32
      %dma_wait3A_188 = arith.constant 0 : i32
      %dma_wait3A_189 = tpu.memref_slice %arg11[%run_scoped3A, %dma_wait3A_187, %dma_wait3A_188] : memref<2x64x128xf32, #tpu.memory_space<vmem>> -> memref<1x64x128xf32, #tpu.memory_space<vmem>>
      %dma_wait3A_190 = tpu.memref_squeeze %dma_wait3A_189 : memref<1x64x128xf32, #tpu.memory_space<vmem>> -> memref<64x128xf32, #tpu.memory_space<vmem>>
      tpu.wait_dma2 semaphore(%run_scoped3A_166 : memref<!tpu.dma_semaphore, #tpu.memory_space<semaphore_mem>>) src(%dma_wait3A_190 : memref<64x128xf32, #tpu.memory_space<vmem>>) dst(%dma_wait3A_186 : memref<64x128xf32, #tpu.memory_space<vmem_shared>>)
      tpu.yield
    }) : () -> ()
    %add3A_11 = arith.constant 64 : i32
    %add3A_12 = arith.addi %mul3A_8, %add3A_11 : i32
    %run_scoped3A_13 = arith.constant 0 : i32
    "tpu.region"() ({
      %run_scoped3A_166 = tpu.sem_alloc : memref<!tpu.dma_semaphore, #tpu.memory_space<semaphore_mem>>
      %dma_start3A_167 = arith.constant 0 : i32
      %dma_start3A_168 = arith.constant 0 : i32
      %dma_start3A_169 = tpu.memref_slice %arg11[%run_scoped3A_13, %dma_start3A_167, %dma_start3A_168] : memref<2x64x128xf32, #tpu.memory_space<vmem>> -> memref<1x64x128xf32, #tpu.memory_space<vmem>>
      %dma_start3A_170 = tpu.memref_squeeze %dma_start3A_169 : memref<1x64x128xf32, #tpu.memory_space<vmem>> -> memref<64x128xf32, #tpu.memory_space<vmem>>
      %dma_start3A_171 = arith.constant 0 : i32
      %dma_start3A_172 = tpu.memref_slice %arg7[%add3A_12, %dma_start3A_171] : memref<10240x128xf32, #tpu.memory_space<vmem_shared>> -> memref<64x128xf32, #tpu.memory_space<vmem_shared>>
      %dma_start3A_173 = arith.constant 0 : i32
      %dma_start3A_174 = tpu.memref_slice %arg7[%add3A_12, %dma_start3A_173] : memref<10240x128xf32, #tpu.memory_space<vmem_shared>> -> memref<64x128xf32, #tpu.memory_space<vmem_shared>>
      %dma_start3A_175 = arith.constant 0 : i32
      %dma_start3A_176 = arith.constant 0 : i32
      %dma_start3A_177 = tpu.memref_slice %arg11[%run_scoped3A_13, %dma_start3A_175, %dma_start3A_176] : memref<2x64x128xf32, #tpu.memory_space<vmem>> -> memref<1x64x128xf32, #tpu.memory_space<vmem>>
      %dma_start3A_178 = tpu.memref_squeeze %dma_start3A_177 : memref<1x64x128xf32, #tpu.memory_space<vmem>> -> memref<64x128xf32, #tpu.memory_space<vmem>>
      tpu.enqueue_dma source(%dma_start3A_178 : memref<64x128xf32, #tpu.memory_space<vmem>>) target(%dma_start3A_174 : memref<64x128xf32, #tpu.memory_space<vmem_shared>>) target_semaphore(%run_scoped3A_166 : memref<!tpu.dma_semaphore, #tpu.memory_space<semaphore_mem>>)
      %dma_wait3A_179 = arith.constant 0 : i32
      %dma_wait3A_180 = arith.constant 0 : i32
      %dma_wait3A_181 = tpu.memref_slice %arg11[%run_scoped3A_13, %dma_wait3A_179, %dma_wait3A_180] : memref<2x64x128xf32, #tpu.memory_space<vmem>> -> memref<1x64x128xf32, #tpu.memory_space<vmem>>
      %dma_wait3A_182 = tpu.memref_squeeze %dma_wait3A_181 : memref<1x64x128xf32, #tpu.memory_space<vmem>> -> memref<64x128xf32, #tpu.memory_space<vmem>>
      %dma_wait3A_183 = arith.constant 0 : i32
      %dma_wait3A_184 = tpu.memref_slice %arg7[%add3A_12, %dma_wait3A_183] : memref<10240x128xf32, #tpu.memory_space<vmem_shared>> -> memref<64x128xf32, #tpu.memory_space<vmem_shared>>
      %dma_wait3A_185 = arith.constant 0 : i32
      %dma_wait3A_186 = tpu.memref_slice %arg7[%add3A_12, %dma_wait3A_185] : memref<10240x128xf32, #tpu.memory_space<vmem_shared>> -> memref<64x128xf32, #tpu.memory_space<vmem_shared>>
      %dma_wait3A_187 = arith.constant 0 : i32
      %dma_wait3A_188 = arith.constant 0 : i32
      %dma_wait3A_189 = tpu.memref_slice %arg11[%run_scoped3A_13, %dma_wait3A_187, %dma_wait3A_188] : memref<2x64x128xf32, #tpu.memory_space<vmem>> -> memref<1x64x128xf32, #tpu.memory_space<vmem>>
      %dma_wait3A_190 = tpu.memref_squeeze %dma_wait3A_189 : memref<1x64x128xf32, #tpu.memory_space<vmem>> -> memref<64x128xf32, #tpu.memory_space<vmem>>
      tpu.wait_dma2 semaphore(%run_scoped3A_166 : memref<!tpu.dma_semaphore, #tpu.memory_space<semaphore_mem>>) src(%dma_wait3A_190 : memref<64x128xf32, #tpu.memory_space<vmem>>) dst(%dma_wait3A_186 : memref<64x128xf32, #tpu.memory_space<vmem_shared>>)
      tpu.yield
    }) : () -> ()
    %add3A_14 = arith.constant 128 : i32
    %add3A_15 = arith.addi %mul3A_8, %add3A_14 : i32
    %run_scoped3A_16 = arith.constant 0 : i32
    "tpu.region"() ({
      %run_scoped3A_166 = tpu.sem_alloc : memref<!tpu.dma_semaphore, #tpu.memory_space<semaphore_mem>>
      %dma_start3A_167 = arith.constant 0 : i32
      %dma_start3A_168 = arith.constant 0 : i32
      %dma_start3A_169 = tpu.memref_slice %arg11[%run_scoped3A_16, %dma_start3A_167, %dma_start3A_168] : memref<2x64x128xf32, #tpu.memory_space<vmem>> -> memref<1x64x128xf32, #tpu.memory_space<vmem>>
      %dma_start3A_170 = tpu.memref_squeeze %dma_start3A_169 : memref<1x64x128xf32, #tpu.memory_space<vmem>> -> memref<64x128xf32, #tpu.memory_space<vmem>>
      %dma_start3A_171 = arith.constant 0 : i32
      %dma_start3A_172 = tpu.memref_slice %arg7[%add3A_15, %dma_start3A_171] : memref<10240x128xf32, #tpu.memory_space<vmem_shared>> -> memref<64x128xf32, #tpu.memory_space<vmem_shared>>
      %dma_start3A_173 = arith.constant 0 : i32
      %dma_start3A_174 = tpu.memref_slice %arg7[%add3A_15, %dma_start3A_173] : memref<10240x128xf32, #tpu.memory_space<vmem_shared>> -> memref<64x128xf32, #tpu.memory_space<vmem_shared>>
      %dma_start3A_175 = arith.constant 0 : i32
      %dma_start3A_176 = arith.constant 0 : i32
      %dma_start3A_177 = tpu.memref_slice %arg11[%run_scoped3A_16, %dma_start3A_175, %dma_start3A_176] : memref<2x64x128xf32, #tpu.memory_space<vmem>> -> memref<1x64x128xf32, #tpu.memory_space<vmem>>
      %dma_start3A_178 = tpu.memref_squeeze %dma_start3A_177 : memref<1x64x128xf32, #tpu.memory_space<vmem>> -> memref<64x128xf32, #tpu.memory_space<vmem>>
      tpu.enqueue_dma source(%dma_start3A_178 : memref<64x128xf32, #tpu.memory_space<vmem>>) target(%dma_start3A_174 : memref<64x128xf32, #tpu.memory_space<vmem_shared>>) target_semaphore(%run_scoped3A_166 : memref<!tpu.dma_semaphore, #tpu.memory_space<semaphore_mem>>)
      %dma_wait3A_179 = arith.constant 0 : i32
      %dma_wait3A_180 = arith.constant 0 : i32
      %dma_wait3A_181 = tpu.memref_slice %arg11[%run_scoped3A_16, %dma_wait3A_179, %dma_wait3A_180] : memref<2x64x128xf32, #tpu.memory_space<vmem>> -> memref<1x64x128xf32, #tpu.memory_space<vmem>>
      %dma_wait3A_182 = tpu.memref_squeeze %dma_wait3A_181 : memref<1x64x128xf32, #tpu.memory_space<vmem>> -> memref<64x128xf32, #tpu.memory_space<vmem>>
      %dma_wait3A_183 = arith.constant 0 : i32
      %dma_wait3A_184 = tpu.memref_slice %arg7[%add3A_15, %dma_wait3A_183] : memref<10240x128xf32, #tpu.memory_space<vmem_shared>> -> memref<64x128xf32, #tpu.memory_space<vmem_shared>>
      %dma_wait3A_185 = arith.constant 0 : i32
      %dma_wait3A_186 = tpu.memref_slice %arg7[%add3A_15, %dma_wait3A_185] : memref<10240x128xf32, #tpu.memory_space<vmem_shared>> -> memref<64x128xf32, #tpu.memory_space<vmem_shared>>
      %dma_wait3A_187 = arith.constant 0 : i32
      %dma_wait3A_188 = arith.constant 0 : i32
      %dma_wait3A_189 = tpu.memref_slice %arg11[%run_scoped3A_16, %dma_wait3A_187, %dma_wait3A_188] : memref<2x64x128xf32, #tpu.memory_space<vmem>> -> memref<1x64x128xf32, #tpu.memory_space<vmem>>
      %dma_wait3A_190 = tpu.memref_squeeze %dma_wait3A_189 : memref<1x64x128xf32, #tpu.memory_space<vmem>> -> memref<64x128xf32, #tpu.memory_space<vmem>>
      tpu.wait_dma2 semaphore(%run_scoped3A_166 : memref<!tpu.dma_semaphore, #tpu.memory_space<semaphore_mem>>) src(%dma_wait3A_190 : memref<64x128xf32, #tpu.memory_space<vmem>>) dst(%dma_wait3A_186 : memref<64x128xf32, #tpu.memory_space<vmem_shared>>)
      tpu.yield
    }) : () -> ()
    %add3A_17 = arith.constant 192 : i32
    %add3A_18 = arith.addi %mul3A_8, %add3A_17 : i32
    %run_scoped3A_19 = arith.constant 0 : i32
    "tpu.region"() ({
      %run_scoped3A_166 = tpu.sem_alloc : memref<!tpu.dma_semaphore, #tpu.memory_space<semaphore_mem>>
      %dma_start3A_167 = arith.constant 0 : i32
      %dma_start3A_168 = arith.constant 0 : i32
      %dma_start3A_169 = tpu.memref_slice %arg11[%run_scoped3A_19, %dma_start3A_167, %dma_start3A_168] : memref<2x64x128xf32, #tpu.memory_space<vmem>> -> memref<1x64x128xf32, #tpu.memory_space<vmem>>
      %dma_start3A_170 = tpu.memref_squeeze %dma_start3A_169 : memref<1x64x128xf32, #tpu.memory_space<vmem>> -> memref<64x128xf32, #tpu.memory_space<vmem>>
      %dma_start3A_171 = arith.constant 0 : i32
      %dma_start3A_172 = tpu.memref_slice %arg7[%add3A_18, %dma_start3A_171] : memref<10240x128xf32, #tpu.memory_space<vmem_shared>> -> memref<64x128xf32, #tpu.memory_space<vmem_shared>>
      %dma_start3A_173 = arith.constant 0 : i32
      %dma_start3A_174 = tpu.memref_slice %arg7[%add3A_18, %dma_start3A_173] : memref<10240x128xf32, #tpu.memory_space<vmem_shared>> -> memref<64x128xf32, #tpu.memory_space<vmem_shared>>
      %dma_start3A_175 = arith.constant 0 : i32
      %dma_start3A_176 = arith.constant 0 : i32
      %dma_start3A_177 = tpu.memref_slice %arg11[%run_scoped3A_19, %dma_start3A_175, %dma_start3A_176] : memref<2x64x128xf32, #tpu.memory_space<vmem>> -> memref<1x64x128xf32, #tpu.memory_space<vmem>>
      %dma_start3A_178 = tpu.memref_squeeze %dma_start3A_177 : memref<1x64x128xf32, #tpu.memory_space<vmem>> -> memref<64x128xf32, #tpu.memory_space<vmem>>
      tpu.enqueue_dma source(%dma_start3A_178 : memref<64x128xf32, #tpu.memory_space<vmem>>) target(%dma_start3A_174 : memref<64x128xf32, #tpu.memory_space<vmem_shared>>) target_semaphore(%run_scoped3A_166 : memref<!tpu.dma_semaphore, #tpu.memory_space<semaphore_mem>>)
      %dma_wait3A_179 = arith.constant 0 : i32
      %dma_wait3A_180 = arith.constant 0 : i32
      %dma_wait3A_181 = tpu.memref_slice %arg11[%run_scoped3A_19, %dma_wait3A_179, %dma_wait3A_180] : memref<2x64x128xf32, #tpu.memory_space<vmem>> -> memref<1x64x128xf32, #tpu.memory_space<vmem>>
      %dma_wait3A_182 = tpu.memref_squeeze %dma_wait3A_181 : memref<1x64x128xf32, #tpu.memory_space<vmem>> -> memref<64x128xf32, #tpu.memory_space<vmem>>
      %dma_wait3A_183 = arith.constant 0 : i32
      %dma_wait3A_184 = tpu.memref_slice %arg7[%add3A_18, %dma_wait3A_183] : memref<10240x128xf32, #tpu.memory_space<vmem_shared>> -> memref<64x128xf32, #tpu.memory_space<vmem_shared>>
      %dma_wait3A_185 = arith.constant 0 : i32
      %dma_wait3A_186 = tpu.memref_slice %arg7[%add3A_18, %dma_wait3A_185] : memref<10240x128xf32, #tpu.memory_space<vmem_shared>> -> memref<64x128xf32, #tpu.memory_space<vmem_shared>>
      %dma_wait3A_187 = arith.constant 0 : i32
      %dma_wait3A_188 = arith.constant 0 : i32
      %dma_wait3A_189 = tpu.memref_slice %arg11[%run_scoped3A_19, %dma_wait3A_187, %dma_wait3A_188] : memref<2x64x128xf32, #tpu.memory_space<vmem>> -> memref<1x64x128xf32, #tpu.memory_space<vmem>>
      %dma_wait3A_190 = tpu.memref_squeeze %dma_wait3A_189 : memref<1x64x128xf32, #tpu.memory_space<vmem>> -> memref<64x128xf32, #tpu.memory_space<vmem>>
      tpu.wait_dma2 semaphore(%run_scoped3A_166 : memref<!tpu.dma_semaphore, #tpu.memory_space<semaphore_mem>>) src(%dma_wait3A_190 : memref<64x128xf32, #tpu.memory_space<vmem>>) dst(%dma_wait3A_186 : memref<64x128xf32, #tpu.memory_space<vmem_shared>>)
      tpu.yield
    }) : () -> ()
    %add3A_20 = arith.constant 256 : i32
    %add3A_21 = arith.addi %mul3A_8, %add3A_20 : i32
    %run_scoped3A_22 = arith.constant 0 : i32
    "tpu.region"() ({
      %run_scoped3A_166 = tpu.sem_alloc : memref<!tpu.dma_semaphore, #tpu.memory_space<semaphore_mem>>
      %dma_start3A_167 = arith.constant 0 : i32
      %dma_start3A_168 = arith.constant 0 : i32
      %dma_start3A_169 = tpu.memref_slice %arg11[%run_scoped3A_22, %dma_start3A_167, %dma_start3A_168] : memref<2x64x128xf32, #tpu.memory_space<vmem>> -> memref<1x64x128xf32, #tpu.memory_space<vmem>>
      %dma_start3A_170 = tpu.memref_squeeze %dma_start3A_169 : memref<1x64x128xf32, #tpu.memory_space<vmem>> -> memref<64x128xf32, #tpu.memory_space<vmem>>
      %dma_start3A_171 = arith.constant 0 : i32
      %dma_start3A_172 = tpu.memref_slice %arg7[%add3A_21, %dma_start3A_171] : memref<10240x128xf32, #tpu.memory_space<vmem_shared>> -> memref<64x128xf32, #tpu.memory_space<vmem_shared>>
      %dma_start3A_173 = arith.constant 0 : i32
      %dma_start3A_174 = tpu.memref_slice %arg7[%add3A_21, %dma_start3A_173] : memref<10240x128xf32, #tpu.memory_space<vmem_shared>> -> memref<64x128xf32, #tpu.memory_space<vmem_shared>>
      %dma_start3A_175 = arith.constant 0 : i32
      %dma_start3A_176 = arith.constant 0 : i32
      %dma_start3A_177 = tpu.memref_slice %arg11[%run_scoped3A_22, %dma_start3A_175, %dma_start3A_176] : memref<2x64x128xf32, #tpu.memory_space<vmem>> -> memref<1x64x128xf32, #tpu.memory_space<vmem>>
      %dma_start3A_178 = tpu.memref_squeeze %dma_start3A_177 : memref<1x64x128xf32, #tpu.memory_space<vmem>> -> memref<64x128xf32, #tpu.memory_space<vmem>>
      tpu.enqueue_dma source(%dma_start3A_178 : memref<64x128xf32, #tpu.memory_space<vmem>>) target(%dma_start3A_174 : memref<64x128xf32, #tpu.memory_space<vmem_shared>>) target_semaphore(%run_scoped3A_166 : memref<!tpu.dma_semaphore, #tpu.memory_space<semaphore_mem>>)
      %dma_wait3A_179 = arith.constant 0 : i32
      %dma_wait3A_180 = arith.constant 0 : i32
      %dma_wait3A_181 = tpu.memref_slice %arg11[%run_scoped3A_22, %dma_wait3A_179, %dma_wait3A_180] : memref<2x64x128xf32, #tpu.memory_space<vmem>> -> memref<1x64x128xf32, #tpu.memory_space<vmem>>
      %dma_wait3A_182 = tpu.memref_squeeze %dma_wait3A_181 : memref<1x64x128xf32, #tpu.memory_space<vmem>> -> memref<64x128xf32, #tpu.memory_space<vmem>>
      %dma_wait3A_183 = arith.constant 0 : i32
      %dma_wait3A_184 = tpu.memref_slice %arg7[%add3A_21, %dma_wait3A_183] : memref<10240x128xf32, #tpu.memory_space<vmem_shared>> -> memref<64x128xf32, #tpu.memory_space<vmem_shared>>
      %dma_wait3A_185 = arith.constant 0 : i32
      %dma_wait3A_186 = tpu.memref_slice %arg7[%add3A_21, %dma_wait3A_185] : memref<10240x128xf32, #tpu.memory_space<vmem_shared>> -> memref<64x128xf32, #tpu.memory_space<vmem_shared>>
      %dma_wait3A_187 = arith.constant 0 : i32
      %dma_wait3A_188 = arith.constant 0 : i32
      %dma_wait3A_189 = tpu.memref_slice %arg11[%run_scoped3A_22, %dma_wait3A_187, %dma_wait3A_188] : memref<2x64x128xf32, #tpu.memory_space<vmem>> -> memref<1x64x128xf32, #tpu.memory_space<vmem>>
      %dma_wait3A_190 = tpu.memref_squeeze %dma_wait3A_189 : memref<1x64x128xf32, #tpu.memory_space<vmem>> -> memref<64x128xf32, #tpu.memory_space<vmem>>
      tpu.wait_dma2 semaphore(%run_scoped3A_166 : memref<!tpu.dma_semaphore, #tpu.memory_space<semaphore_mem>>) src(%dma_wait3A_190 : memref<64x128xf32, #tpu.memory_space<vmem>>) dst(%dma_wait3A_186 : memref<64x128xf32, #tpu.memory_space<vmem_shared>>)
      tpu.yield
    }) : () -> ()
    %add3A_23 = arith.constant 320 : i32
    %add3A_24 = arith.addi %mul3A_8, %add3A_23 : i32
    %run_scoped3A_25 = arith.constant 0 : i32
    "tpu.region"() ({
      %run_scoped3A_166 = tpu.sem_alloc : memref<!tpu.dma_semaphore, #tpu.memory_space<semaphore_mem>>
      %dma_start3A_167 = arith.constant 0 : i32
      %dma_start3A_168 = arith.constant 0 : i32
      %dma_start3A_169 = tpu.memref_slice %arg11[%run_scoped3A_25, %dma_start3A_167, %dma_start3A_168] : memref<2x64x128xf32, #tpu.memory_space<vmem>> -> memref<1x64x128xf32, #tpu.memory_space<vmem>>
      %dma_start3A_170 = tpu.memref_squeeze %dma_start3A_169 : memref<1x64x128xf32, #tpu.memory_space<vmem>> -> memref<64x128xf32, #tpu.memory_space<vmem>>
      %dma_start3A_171 = arith.constant 0 : i32
      %dma_start3A_172 = tpu.memref_slice %arg7[%add3A_24, %dma_start3A_171] : memref<10240x128xf32, #tpu.memory_space<vmem_shared>> -> memref<64x128xf32, #tpu.memory_space<vmem_shared>>
      %dma_start3A_173 = arith.constant 0 : i32
      %dma_start3A_174 = tpu.memref_slice %arg7[%add3A_24, %dma_start3A_173] : memref<10240x128xf32, #tpu.memory_space<vmem_shared>> -> memref<64x128xf32, #tpu.memory_space<vmem_shared>>
      %dma_start3A_175 = arith.constant 0 : i32
      %dma_start3A_176 = arith.constant 0 : i32
      %dma_start3A_177 = tpu.memref_slice %arg11[%run_scoped3A_25, %dma_start3A_175, %dma_start3A_176] : memref<2x64x128xf32, #tpu.memory_space<vmem>> -> memref<1x64x128xf32, #tpu.memory_space<vmem>>
      %dma_start3A_178 = tpu.memref_squeeze %dma_start3A_177 : memref<1x64x128xf32, #tpu.memory_space<vmem>> -> memref<64x128xf32, #tpu.memory_space<vmem>>
      tpu.enqueue_dma source(%dma_start3A_178 : memref<64x128xf32, #tpu.memory_space<vmem>>) target(%dma_start3A_174 : memref<64x128xf32, #tpu.memory_space<vmem_shared>>) target_semaphore(%run_scoped3A_166 : memref<!tpu.dma_semaphore, #tpu.memory_space<semaphore_mem>>)
      %dma_wait3A_179 = arith.constant 0 : i32
      %dma_wait3A_180 = arith.constant 0 : i32
      %dma_wait3A_181 = tpu.memref_slice %arg11[%run_scoped3A_25, %dma_wait3A_179, %dma_wait3A_180] : memref<2x64x128xf32, #tpu.memory_space<vmem>> -> memref<1x64x128xf32, #tpu.memory_space<vmem>>
      %dma_wait3A_182 = tpu.memref_squeeze %dma_wait3A_181 : memref<1x64x128xf32, #tpu.memory_space<vmem>> -> memref<64x128xf32, #tpu.memory_space<vmem>>
      %dma_wait3A_183 = arith.constant 0 : i32
      %dma_wait3A_184 = tpu.memref_slice %arg7[%add3A_24, %dma_wait3A_183] : memref<10240x128xf32, #tpu.memory_space<vmem_shared>> -> memref<64x128xf32, #tpu.memory_space<vmem_shared>>
      %dma_wait3A_185 = arith.constant 0 : i32
      %dma_wait3A_186 = tpu.memref_slice %arg7[%add3A_24, %dma_wait3A_185] : memref<10240x128xf32, #tpu.memory_space<vmem_shared>> -> memref<64x128xf32, #tpu.memory_space<vmem_shared>>
      %dma_wait3A_187 = arith.constant 0 : i32
      %dma_wait3A_188 = arith.constant 0 : i32
      %dma_wait3A_189 = tpu.memref_slice %arg11[%run_scoped3A_25, %dma_wait3A_187, %dma_wait3A_188] : memref<2x64x128xf32, #tpu.memory_space<vmem>> -> memref<1x64x128xf32, #tpu.memory_space<vmem>>
      %dma_wait3A_190 = tpu.memref_squeeze %dma_wait3A_189 : memref<1x64x128xf32, #tpu.memory_space<vmem>> -> memref<64x128xf32, #tpu.memory_space<vmem>>
      tpu.wait_dma2 semaphore(%run_scoped3A_166 : memref<!tpu.dma_semaphore, #tpu.memory_space<semaphore_mem>>) src(%dma_wait3A_190 : memref<64x128xf32, #tpu.memory_space<vmem>>) dst(%dma_wait3A_186 : memref<64x128xf32, #tpu.memory_space<vmem_shared>>)
      tpu.yield
    }) : () -> ()
    %add3A_26 = arith.constant 384 : i32
    %add3A_27 = arith.addi %mul3A_8, %add3A_26 : i32
    %run_scoped3A_28 = arith.constant 0 : i32
    "tpu.region"() ({
      %run_scoped3A_166 = tpu.sem_alloc : memref<!tpu.dma_semaphore, #tpu.memory_space<semaphore_mem>>
      %dma_start3A_167 = arith.constant 0 : i32
      %dma_start3A_168 = arith.constant 0 : i32
      %dma_start3A_169 = tpu.memref_slice %arg11[%run_scoped3A_28, %dma_start3A_167, %dma_start3A_168] : memref<2x64x128xf32, #tpu.memory_space<vmem>> -> memref<1x64x128xf32, #tpu.memory_space<vmem>>
      %dma_start3A_170 = tpu.memref_squeeze %dma_start3A_169 : memref<1x64x128xf32, #tpu.memory_space<vmem>> -> memref<64x128xf32, #tpu.memory_space<vmem>>
      %dma_start3A_171 = arith.constant 0 : i32
      %dma_start3A_172 = tpu.memref_slice %arg7[%add3A_27, %dma_start3A_171] : memref<10240x128xf32, #tpu.memory_space<vmem_shared>> -> memref<64x128xf32, #tpu.memory_space<vmem_shared>>
      %dma_start3A_173 = arith.constant 0 : i32
      %dma_start3A_174 = tpu.memref_slice %arg7[%add3A_27, %dma_start3A_173] : memref<10240x128xf32, #tpu.memory_space<vmem_shared>> -> memref<64x128xf32, #tpu.memory_space<vmem_shared>>
      %dma_start3A_175 = arith.constant 0 : i32
      %dma_start3A_176 = arith.constant 0 : i32
      %dma_start3A_177 = tpu.memref_slice %arg11[%run_scoped3A_28, %dma_start3A_175, %dma_start3A_176] : memref<2x64x128xf32, #tpu.memory_space<vmem>> -> memref<1x64x128xf32, #tpu.memory_space<vmem>>
      %dma_start3A_178 = tpu.memref_squeeze %dma_start3A_177 : memref<1x64x128xf32, #tpu.memory_space<vmem>> -> memref<64x128xf32, #tpu.memory_space<vmem>>
      tpu.enqueue_dma source(%dma_start3A_178 : memref<64x128xf32, #tpu.memory_space<vmem>>) target(%dma_start3A_174 : memref<64x128xf32, #tpu.memory_space<vmem_shared>>) target_semaphore(%run_scoped3A_166 : memref<!tpu.dma_semaphore, #tpu.memory_space<semaphore_mem>>)
      %dma_wait3A_179 = arith.constant 0 : i32
      %dma_wait3A_180 = arith.constant 0 : i32
      %dma_wait3A_181 = tpu.memref_slice %arg11[%run_scoped3A_28, %dma_wait3A_179, %dma_wait3A_180] : memref<2x64x128xf32, #tpu.memory_space<vmem>> -> memref<1x64x128xf32, #tpu.memory_space<vmem>>
      %dma_wait3A_182 = tpu.memref_squeeze %dma_wait3A_181 : memref<1x64x128xf32, #tpu.memory_space<vmem>> -> memref<64x128xf32, #tpu.memory_space<vmem>>
      %dma_wait3A_183 = arith.constant 0 : i32
      %dma_wait3A_184 = tpu.memref_slice %arg7[%add3A_27, %dma_wait3A_183] : memref<10240x128xf32, #tpu.memory_space<vmem_shared>> -> memref<64x128xf32, #tpu.memory_space<vmem_shared>>
      %dma_wait3A_185 = arith.constant 0 : i32
      %dma_wait3A_186 = tpu.memref_slice %arg7[%add3A_27, %dma_wait3A_185] : memref<10240x128xf32, #tpu.memory_space<vmem_shared>> -> memref<64x128xf32, #tpu.memory_space<vmem_shared>>
      %dma_wait3A_187 = arith.constant 0 : i32
      %dma_wait3A_188 = arith.constant 0 : i32
      %dma_wait3A_189 = tpu.memref_slice %arg11[%run_scoped3A_28, %dma_wait3A_187, %dma_wait3A_188] : memref<2x64x128xf32, #tpu.memory_space<vmem>> -> memref<1x64x128xf32, #tpu.memory_space<vmem>>
      %dma_wait3A_190 = tpu.memref_squeeze %dma_wait3A_189 : memref<1x64x128xf32, #tpu.memory_space<vmem>> -> memref<64x128xf32, #tpu.memory_space<vmem>>
      tpu.wait_dma2 semaphore(%run_scoped3A_166 : memref<!tpu.dma_semaphore, #tpu.memory_space<semaphore_mem>>) src(%dma_wait3A_190 : memref<64x128xf32, #tpu.memory_space<vmem>>) dst(%dma_wait3A_186 : memref<64x128xf32, #tpu.memory_space<vmem_shared>>)
      tpu.yield
    }) : () -> ()
    %add3A_29 = arith.constant 448 : i32
    %add3A_30 = arith.addi %mul3A_8, %add3A_29 : i32
    %run_scoped3A_31 = arith.constant 0 : i32
    "tpu.region"() ({
      %run_scoped3A_166 = tpu.sem_alloc : memref<!tpu.dma_semaphore, #tpu.memory_space<semaphore_mem>>
      %dma_start3A_167 = arith.constant 0 : i32
      %dma_start3A_168 = arith.constant 0 : i32
      %dma_start3A_169 = tpu.memref_slice %arg11[%run_scoped3A_31, %dma_start3A_167, %dma_start3A_168] : memref<2x64x128xf32, #tpu.memory_space<vmem>> -> memref<1x64x128xf32, #tpu.memory_space<vmem>>
      %dma_start3A_170 = tpu.memref_squeeze %dma_start3A_169 : memref<1x64x128xf32, #tpu.memory_space<vmem>> -> memref<64x128xf32, #tpu.memory_space<vmem>>
      %dma_start3A_171 = arith.constant 0 : i32
      %dma_start3A_172 = tpu.memref_slice %arg7[%add3A_30, %dma_start3A_171] : memref<10240x128xf32, #tpu.memory_space<vmem_shared>> -> memref<64x128xf32, #tpu.memory_space<vmem_shared>>
      %dma_start3A_173 = arith.constant 0 : i32
      %dma_start3A_174 = tpu.memref_slice %arg7[%add3A_30, %dma_start3A_173] : memref<10240x128xf32, #tpu.memory_space<vmem_shared>> -> memref<64x128xf32, #tpu.memory_space<vmem_shared>>
      %dma_start3A_175 = arith.constant 0 : i32
      %dma_start3A_176 = arith.constant 0 : i32
      %dma_start3A_177 = tpu.memref_slice %arg11[%run_scoped3A_31, %dma_start3A_175, %dma_start3A_176] : memref<2x64x128xf32, #tpu.memory_space<vmem>> -> memref<1x64x128xf32, #tpu.memory_space<vmem>>
      %dma_start3A_178 = tpu.memref_squeeze %dma_start3A_177 : memref<1x64x128xf32, #tpu.memory_space<vmem>> -> memref<64x128xf32, #tpu.memory_space<vmem>>
      tpu.enqueue_dma source(%dma_start3A_178 : memref<64x128xf32, #tpu.memory_space<vmem>>) target(%dma_start3A_174 : memref<64x128xf32, #tpu.memory_space<vmem_shared>>) target_semaphore(%run_scoped3A_166 : memref<!tpu.dma_semaphore, #tpu.memory_space<semaphore_mem>>)
      %dma_wait3A_179 = arith.constant 0 : i32
      %dma_wait3A_180 = arith.constant 0 : i32
      %dma_wait3A_181 = tpu.memref_slice %arg11[%run_scoped3A_31, %dma_wait3A_179, %dma_wait3A_180] : memref<2x64x128xf32, #tpu.memory_space<vmem>> -> memref<1x64x128xf32, #tpu.memory_space<vmem>>
      %dma_wait3A_182 = tpu.memref_squeeze %dma_wait3A_181 : memref<1x64x128xf32, #tpu.memory_space<vmem>> -> memref<64x128xf32, #tpu.memory_space<vmem>>
      %dma_wait3A_183 = arith.constant 0 : i32
      %dma_wait3A_184 = tpu.memref_slice %arg7[%add3A_30, %dma_wait3A_183] : memref<10240x128xf32, #tpu.memory_space<vmem_shared>> -> memref<64x128xf32, #tpu.memory_space<vmem_shared>>
      %dma_wait3A_185 = arith.constant 0 : i32
      %dma_wait3A_186 = tpu.memref_slice %arg7[%add3A_30, %dma_wait3A_185] : memref<10240x128xf32, #tpu.memory_space<vmem_shared>> -> memref<64x128xf32, #tpu.memory_space<vmem_shared>>
      %dma_wait3A_187 = arith.constant 0 : i32
      %dma_wait3A_188 = arith.constant 0 : i32
      %dma_wait3A_189 = tpu.memref_slice %arg11[%run_scoped3A_31, %dma_wait3A_187, %dma_wait3A_188] : memref<2x64x128xf32, #tpu.memory_space<vmem>> -> memref<1x64x128xf32, #tpu.memory_space<vmem>>
      %dma_wait3A_190 = tpu.memref_squeeze %dma_wait3A_189 : memref<1x64x128xf32, #tpu.memory_space<vmem>> -> memref<64x128xf32, #tpu.memory_space<vmem>>
      tpu.wait_dma2 semaphore(%run_scoped3A_166 : memref<!tpu.dma_semaphore, #tpu.memory_space<semaphore_mem>>) src(%dma_wait3A_190 : memref<64x128xf32, #tpu.memory_space<vmem>>) dst(%dma_wait3A_186 : memref<64x128xf32, #tpu.memory_space<vmem_shared>>)
      tpu.yield
    }) : () -> ()
    %add3A_32 = arith.constant 512 : i32
    %add3A_33 = arith.addi %mul3A_8, %add3A_32 : i32
    %run_scoped3A_34 = arith.constant 0 : i32
    "tpu.region"() ({
      %run_scoped3A_166 = tpu.sem_alloc : memref<!tpu.dma_semaphore, #tpu.memory_space<semaphore_mem>>
      %dma_start3A_167 = arith.constant 0 : i32
      %dma_start3A_168 = arith.constant 0 : i32
      %dma_start3A_169 = tpu.memref_slice %arg11[%run_scoped3A_34, %dma_start3A_167, %dma_start3A_168] : memref<2x64x128xf32, #tpu.memory_space<vmem>> -> memref<1x64x128xf32, #tpu.memory_space<vmem>>
      %dma_start3A_170 = tpu.memref_squeeze %dma_start3A_169 : memref<1x64x128xf32, #tpu.memory_space<vmem>> -> memref<64x128xf32, #tpu.memory_space<vmem>>
      %dma_start3A_171 = arith.constant 0 : i32
      %dma_start3A_172 = tpu.memref_slice %arg7[%add3A_33, %dma_start3A_171] : memref<10240x128xf32, #tpu.memory_space<vmem_shared>> -> memref<64x128xf32, #tpu.memory_space<vmem_shared>>
      %dma_start3A_173 = arith.constant 0 : i32
      %dma_start3A_174 = tpu.memref_slice %arg7[%add3A_33, %dma_start3A_173] : memref<10240x128xf32, #tpu.memory_space<vmem_shared>> -> memref<64x128xf32, #tpu.memory_space<vmem_shared>>
      %dma_start3A_175 = arith.constant 0 : i32
      %dma_start3A_176 = arith.constant 0 : i32
      %dma_start3A_177 = tpu.memref_slice %arg11[%run_scoped3A_34, %dma_start3A_175, %dma_start3A_176] : memref<2x64x128xf32, #tpu.memory_space<vmem>> -> memref<1x64x128xf32, #tpu.memory_space<vmem>>
      %dma_start3A_178 = tpu.memref_squeeze %dma_start3A_177 : memref<1x64x128xf32, #tpu.memory_space<vmem>> -> memref<64x128xf32, #tpu.memory_space<vmem>>
      tpu.enqueue_dma source(%dma_start3A_178 : memref<64x128xf32, #tpu.memory_space<vmem>>) target(%dma_start3A_174 : memref<64x128xf32, #tpu.memory_space<vmem_shared>>) target_semaphore(%run_scoped3A_166 : memref<!tpu.dma_semaphore, #tpu.memory_space<semaphore_mem>>)
      %dma_wait3A_179 = arith.constant 0 : i32
      %dma_wait3A_180 = arith.constant 0 : i32
      %dma_wait3A_181 = tpu.memref_slice %arg11[%run_scoped3A_34, %dma_wait3A_179, %dma_wait3A_180] : memref<2x64x128xf32, #tpu.memory_space<vmem>> -> memref<1x64x128xf32, #tpu.memory_space<vmem>>
      %dma_wait3A_182 = tpu.memref_squeeze %dma_wait3A_181 : memref<1x64x128xf32, #tpu.memory_space<vmem>> -> memref<64x128xf32, #tpu.memory_space<vmem>>
      %dma_wait3A_183 = arith.constant 0 : i32
      %dma_wait3A_184 = tpu.memref_slice %arg7[%add3A_33, %dma_wait3A_183] : memref<10240x128xf32, #tpu.memory_space<vmem_shared>> -> memref<64x128xf32, #tpu.memory_space<vmem_shared>>
      %dma_wait3A_185 = arith.constant 0 : i32
      %dma_wait3A_186 = tpu.memref_slice %arg7[%add3A_33, %dma_wait3A_185] : memref<10240x128xf32, #tpu.memory_space<vmem_shared>> -> memref<64x128xf32, #tpu.memory_space<vmem_shared>>
      %dma_wait3A_187 = arith.constant 0 : i32
      %dma_wait3A_188 = arith.constant 0 : i32
      %dma_wait3A_189 = tpu.memref_slice %arg11[%run_scoped3A_34, %dma_wait3A_187, %dma_wait3A_188] : memref<2x64x128xf32, #tpu.memory_space<vmem>> -> memref<1x64x128xf32, #tpu.memory_space<vmem>>
      %dma_wait3A_190 = tpu.memref_squeeze %dma_wait3A_189 : memref<1x64x128xf32, #tpu.memory_space<vmem>> -> memref<64x128xf32, #tpu.memory_space<vmem>>
      tpu.wait_dma2 semaphore(%run_scoped3A_166 : memref<!tpu.dma_semaphore, #tpu.memory_space<semaphore_mem>>) src(%dma_wait3A_190 : memref<64x128xf32, #tpu.memory_space<vmem>>) dst(%dma_wait3A_186 : memref<64x128xf32, #tpu.memory_space<vmem_shared>>)
      tpu.yield
    }) : () -> ()
    %add3A_35 = arith.constant 576 : i32
    %add3A_36 = arith.addi %mul3A_8, %add3A_35 : i32
    %run_scoped3A_37 = arith.constant 0 : i32
    "tpu.region"() ({
      %run_scoped3A_166 = tpu.sem_alloc : memref<!tpu.dma_semaphore, #tpu.memory_space<semaphore_mem>>
      %dma_start3A_167 = arith.constant 0 : i32
      %dma_start3A_168 = arith.constant 0 : i32
      %dma_start3A_169 = tpu.memref_slice %arg11[%run_scoped3A_37, %dma_start3A_167, %dma_start3A_168] : memref<2x64x128xf32, #tpu.memory_space<vmem>> -> memref<1x64x128xf32, #tpu.memory_space<vmem>>
      %dma_start3A_170 = tpu.memref_squeeze %dma_start3A_169 : memref<1x64x128xf32, #tpu.memory_space<vmem>> -> memref<64x128xf32, #tpu.memory_space<vmem>>
      %dma_start3A_171 = arith.constant 0 : i32
      %dma_start3A_172 = tpu.memref_slice %arg7[%add3A_36, %dma_start3A_171] : memref<10240x128xf32, #tpu.memory_space<vmem_shared>> -> memref<64x128xf32, #tpu.memory_space<vmem_shared>>
      %dma_start3A_173 = arith.constant 0 : i32
      %dma_start3A_174 = tpu.memref_slice %arg7[%add3A_36, %dma_start3A_173] : memref<10240x128xf32, #tpu.memory_space<vmem_shared>> -> memref<64x128xf32, #tpu.memory_space<vmem_shared>>
      %dma_start3A_175 = arith.constant 0 : i32
      %dma_start3A_176 = arith.constant 0 : i32
      %dma_start3A_177 = tpu.memref_slice %arg11[%run_scoped3A_37, %dma_start3A_175, %dma_start3A_176] : memref<2x64x128xf32, #tpu.memory_space<vmem>> -> memref<1x64x128xf32, #tpu.memory_space<vmem>>
      %dma_start3A_178 = tpu.memref_squeeze %dma_start3A_177 : memref<1x64x128xf32, #tpu.memory_space<vmem>> -> memref<64x128xf32, #tpu.memory_space<vmem>>
      tpu.enqueue_dma source(%dma_start3A_178 : memref<64x128xf32, #tpu.memory_space<vmem>>) target(%dma_start3A_174 : memref<64x128xf32, #tpu.memory_space<vmem_shared>>) target_semaphore(%run_scoped3A_166 : memref<!tpu.dma_semaphore, #tpu.memory_space<semaphore_mem>>)
      %dma_wait3A_179 = arith.constant 0 : i32
      %dma_wait3A_180 = arith.constant 0 : i32
      %dma_wait3A_181 = tpu.memref_slice %arg11[%run_scoped3A_37, %dma_wait3A_179, %dma_wait3A_180] : memref<2x64x128xf32, #tpu.memory_space<vmem>> -> memref<1x64x128xf32, #tpu.memory_space<vmem>>
      %dma_wait3A_182 = tpu.memref_squeeze %dma_wait3A_181 : memref<1x64x128xf32, #tpu.memory_space<vmem>> -> memref<64x128xf32, #tpu.memory_space<vmem>>
      %dma_wait3A_183 = arith.constant 0 : i32
      %dma_wait3A_184 = tpu.memref_slice %arg7[%add3A_36, %dma_wait3A_183] : memref<10240x128xf32, #tpu.memory_space<vmem_shared>> -> memref<64x128xf32, #tpu.memory_space<vmem_shared>>
      %dma_wait3A_185 = arith.constant 0 : i32
      %dma_wait3A_186 = tpu.memref_slice %arg7[%add3A_36, %dma_wait3A_185] : memref<10240x128xf32, #tpu.memory_space<vmem_shared>> -> memref<64x128xf32, #tpu.memory_space<vmem_shared>>
      %dma_wait3A_187 = arith.constant 0 : i32
      %dma_wait3A_188 = arith.constant 0 : i32
      %dma_wait3A_189 = tpu.memref_slice %arg11[%run_scoped3A_37, %dma_wait3A_187, %dma_wait3A_188] : memref<2x64x128xf32, #tpu.memory_space<vmem>> -> memref<1x64x128xf32, #tpu.memory_space<vmem>>
      %dma_wait3A_190 = tpu.memref_squeeze %dma_wait3A_189 : memref<1x64x128xf32, #tpu.memory_space<vmem>> -> memref<64x128xf32, #tpu.memory_space<vmem>>
      tpu.wait_dma2 semaphore(%run_scoped3A_166 : memref<!tpu.dma_semaphore, #tpu.memory_space<semaphore_mem>>) src(%dma_wait3A_190 : memref<64x128xf32, #tpu.memory_space<vmem>>) dst(%dma_wait3A_186 : memref<64x128xf32, #tpu.memory_space<vmem_shared>>)
      tpu.yield
    }) : () -> ()
    %barrier3A = arith.constant 0 : index
    tpu.barrier barrier_id(%barrier3A)
    %mul3A_38 = arith.constant 40 : i32
    %mul3A_39 = arith.muli %add3A, %mul3A_38 : i32
    %add3A_40 = arith.constant 0 : i32
    %add3A_41 = arith.addi %mul3A_39, %add3A_40 : i32
    "tpu.region"() ({
      %run_scoped3A_166 = tpu.sem_alloc : memref<!tpu.dma_semaphore, #tpu.memory_space<semaphore_mem>>
      %dma_start3A_167 = arith.constant 0 : i32
      %dma_start3A_168 = tpu.memref_slice %arg3[%add3A_41, %dma_start3A_167] : memref<1280x128xi32, #tpu.memory_space<hbm>> -> memref<20x128xi32, #tpu.memory_space<hbm>>
      %dma_start3A_169 = arith.constant 0 : i32
      %dma_start3A_170 = tpu.memref_slice %arg3[%add3A_41, %dma_start3A_169] : memref<1280x128xi32, #tpu.memory_space<hbm>> -> memref<20x128xi32, #tpu.memory_space<hbm>>
      tpu.enqueue_dma source(%dma_start3A_170 : memref<20x128xi32, #tpu.memory_space<hbm>>) target(%arg8 : memref<20x128xi32, #tpu.memory_space<vmem>>) target_semaphore(%run_scoped3A_166 : memref<!tpu.dma_semaphore, #tpu.memory_space<semaphore_mem>>)
      %dma_wait3A_171 = arith.constant 0 : i32
      %dma_wait3A_172 = tpu.memref_slice %arg3[%add3A_41, %dma_wait3A_171] : memref<1280x128xi32, #tpu.memory_space<hbm>> -> memref<20x128xi32, #tpu.memory_space<hbm>>
      %dma_wait3A_173 = arith.constant 0 : i32
      %dma_wait3A_174 = tpu.memref_slice %arg3[%add3A_41, %dma_wait3A_173] : memref<1280x128xi32, #tpu.memory_space<hbm>> -> memref<20x128xi32, #tpu.memory_space<hbm>>
      tpu.wait_dma2 semaphore(%run_scoped3A_166 : memref<!tpu.dma_semaphore, #tpu.memory_space<semaphore_mem>>) src(%dma_wait3A_174 : memref<20x128xi32, #tpu.memory_space<hbm>>) dst(%arg8 : memref<20x128xi32, #tpu.memory_space<vmem>>)
      tpu.yield
    }) : () -> ()
    %mul3A_42 = arith.constant 2 : i32
    %mul3A_43 = arith.muli %mul3A_42, %add3A_41 : i32
    "tpu.region"() ({
      %run_scoped3A_166 = tpu.sem_alloc : memref<!tpu.dma_semaphore, #tpu.memory_space<semaphore_mem>>
      %dma_start3A_167 = arith.constant 0 : i32
      %dma_start3A_168 = tpu.memref_slice %arg4[%mul3A_43, %dma_start3A_167] : memref<2560x64xi32, #tpu.memory_space<hbm>> -> memref<40x64xi32, #tpu.memory_space<hbm>>
      %dma_start3A_169 = arith.constant 0 : i32
      %dma_start3A_170 = tpu.memref_slice %arg4[%mul3A_43, %dma_start3A_169] : memref<2560x64xi32, #tpu.memory_space<hbm>> -> memref<40x64xi32, #tpu.memory_space<hbm>>
      tpu.enqueue_dma source(%dma_start3A_170 : memref<40x64xi32, #tpu.memory_space<hbm>>) target(%arg9 : memref<40x64xi32, #tpu.memory_space<vmem>>) target_semaphore(%run_scoped3A_166 : memref<!tpu.dma_semaphore, #tpu.memory_space<semaphore_mem>>)
      %dma_wait3A_171 = arith.constant 0 : i32
      %dma_wait3A_172 = tpu.memref_slice %arg4[%mul3A_43, %dma_wait3A_171] : memref<2560x64xi32, #tpu.memory_space<hbm>> -> memref<40x64xi32, #tpu.memory_space<hbm>>
      %dma_wait3A_173 = arith.constant 0 : i32
      %dma_wait3A_174 = tpu.memref_slice %arg4[%mul3A_43, %dma_wait3A_173] : memref<2560x64xi32, #tpu.memory_space<hbm>> -> memref<40x64xi32, #tpu.memory_space<hbm>>
      tpu.wait_dma2 semaphore(%run_scoped3A_166 : memref<!tpu.dma_semaphore, #tpu.memory_space<semaphore_mem>>) src(%dma_wait3A_174 : memref<40x64xi32, #tpu.memory_space<hbm>>) dst(%arg9 : memref<40x64xi32, #tpu.memory_space<vmem>>)
      tpu.yield
    }) : () -> ()
    %dma_start3A = arith.constant 0 : i32
    %dma_start3A_44 = arith.constant 0 : i32
    %dma_start3A_45 = arith.constant 0 : i32
    %dma_start3A_46 = arith.constant 0 : i32
    %dma_start3A_47 = tpu.memref_slice %arg10[%dma_start3A_44, %dma_start3A_45, %dma_start3A_46] : memref<2x128x64xi32, #tpu.memory_space<vmem>> -> memref<1x128x64xi32, #tpu.memory_space<vmem>>
    %dma_start3A_48 = tpu.memref_squeeze %dma_start3A_47 : memref<1x128x64xi32, #tpu.memory_space<vmem>> -> memref<128x64xi32, #tpu.memory_space<vmem>>
    %dma_start3A_49 = arith.constant 0 : i32
    %dma_start3A_50 = tpu.memref_slice %arg8[%dma_start3A, %dma_start3A_49] : memref<20x128xi32, #tpu.memory_space<vmem>> -> memref<1x128xi32, #tpu.memory_space<vmem>>
    %dma_start3A_51 = tpu.memref_squeeze %dma_start3A_50 : memref<1x128xi32, #tpu.memory_space<vmem>> -> memref<128xi32, #tpu.memory_space<vmem>>
    %dma_start3A_52 = arith.constant 0 : i32
    %dma_start3A_53 = arith.constant 0 : i32
    %dma_start3A_54 = tpu.memref_slice %arg2[%dma_start3A_52, %dma_start3A_53] : memref<40000x64xi32, #tpu.memory_space<hbm>> -> memref<40000x64xi32, #tpu.memory_space<hbm>>
    tpu.enqueue_indirect_dma source(%dma_start3A_54 : memref<40000x64xi32, #tpu.memory_space<hbm>>) target(%dma_start3A_48 : memref<128x64xi32, #tpu.memory_space<vmem>>) offsets(%dma_start3A_51 : memref<128xi32, #tpu.memory_space<vmem>>) semaphore(%arg12 : memref<!tpu.dma_semaphore, #tpu.memory_space<semaphore_mem>>)
    %dma_start3A_55 = arith.constant 1 : i32
    %dma_start3A_56 = arith.constant 1 : i32
    %dma_start3A_57 = arith.constant 0 : i32
    %dma_start3A_58 = arith.constant 0 : i32
    %dma_start3A_59 = tpu.memref_slice %arg10[%dma_start3A_56, %dma_start3A_57, %dma_start3A_58] : memref<2x128x64xi32, #tpu.memory_space<vmem>> -> memref<1x128x64xi32, #tpu.memory_space<vmem>>
    %dma_start3A_60 = tpu.memref_squeeze %dma_start3A_59 : memref<1x128x64xi32, #tpu.memory_space<vmem>> -> memref<128x64xi32, #tpu.memory_space<vmem>>
    %dma_start3A_61 = arith.constant 0 : i32
    %dma_start3A_62 = tpu.memref_slice %arg8[%dma_start3A_55, %dma_start3A_61] : memref<20x128xi32, #tpu.memory_space<vmem>> -> memref<1x128xi32, #tpu.memory_space<vmem>>
    %dma_start3A_63 = tpu.memref_squeeze %dma_start3A_62 : memref<1x128xi32, #tpu.memory_space<vmem>> -> memref<128xi32, #tpu.memory_space<vmem>>
    %dma_start3A_64 = arith.constant 0 : i32
    %dma_start3A_65 = arith.constant 0 : i32
    %dma_start3A_66 = tpu.memref_slice %arg2[%dma_start3A_64, %dma_start3A_65] : memref<40000x64xi32, #tpu.memory_space<hbm>> -> memref<40000x64xi32, #tpu.memory_space<hbm>>
    tpu.enqueue_indirect_dma source(%dma_start3A_66 : memref<40000x64xi32, #tpu.memory_space<hbm>>) target(%dma_start3A_60 : memref<128x64xi32, #tpu.memory_space<vmem>>) offsets(%dma_start3A_63 : memref<128xi32, #tpu.memory_space<vmem>>) semaphore(%arg13 : memref<!tpu.dma_semaphore, #tpu.memory_space<semaphore_mem>>)
    %scan3A_67 = arith.constant 0 : i32
    %scan3A_68 = arith.constant 0 : i32
    %scan3A_69 = arith.constant 10 : i32
    %scan3A_70 = arith.addi %scan3A_68, %scan3A_69 : i32
    %scan3A_71 = arith.constant 1 : i32
    %scan3A_72 = scf.for %scan3A_166 = %scan3A_68 to %scan3A_70 step %scan3A_71 iter_args(%scan3A_167 = %scan3A_67) -> (i32)  : i32 {
      %mul3A_168 = arith.constant 2 : i32
      %mul3A_169 = arith.muli %scan3A_166, %mul3A_168 : i32
      %add3A_170 = arith.constant 0 : i32
      %add3A_171 = arith.addi %mul3A_169, %add3A_170 : i32
      %dma_wait3A_172 = arith.constant 0 : i32
      %dma_wait3A_173 = arith.constant 0 : i32
      %dma_wait3A_174 = arith.constant 0 : i32
      %dma_wait3A_175 = tpu.memref_slice %arg10[%dma_wait3A_172, %dma_wait3A_173, %dma_wait3A_174] : memref<2x128x64xi32, #tpu.memory_space<vmem>> -> memref<1x128x64xi32, #tpu.memory_space<vmem>>
      %dma_wait3A_176 = tpu.memref_squeeze %dma_wait3A_175 : memref<1x128x64xi32, #tpu.memory_space<vmem>> -> memref<128x64xi32, #tpu.memory_space<vmem>>
      %dma_wait3A_177 = arith.constant 0 : i32
      %dma_wait3A_178 = tpu.memref_slice %arg8[%add3A_171, %dma_wait3A_177] : memref<20x128xi32, #tpu.memory_space<vmem>> -> memref<1x128xi32, #tpu.memory_space<vmem>>
      %dma_wait3A_179 = tpu.memref_squeeze %dma_wait3A_178 : memref<1x128xi32, #tpu.memory_space<vmem>> -> memref<128xi32, #tpu.memory_space<vmem>>
      %dma_wait3A_180 = arith.constant 0 : i32
      %dma_wait3A_181 = arith.constant 0 : i32
      %dma_wait3A_182 = tpu.memref_slice %arg2[%dma_wait3A_180, %dma_wait3A_181] : memref<40000x64xi32, #tpu.memory_space<hbm>> -> memref<40000x64xi32, #tpu.memory_space<hbm>>
      tpu.wait_indirect_dma semaphore(%arg12 : memref<!tpu.dma_semaphore, #tpu.memory_space<semaphore_mem>>) src(%dma_wait3A_182 : memref<40000x64xi32, #tpu.memory_space<hbm>>) dst(%dma_wait3A_176 : memref<128x64xi32, #tpu.memory_space<vmem>>)
      %gt3A = arith.constant 0 : i32
      %gt3A_183 = arith.cmpi sgt, %add3A_171, %gt3A : i32
      %convert_element_type3A_184 = arith.extui %gt3A_183 : i1 to i32
      %cond3A_185 = arith.constant 0 : i32
      %cond3A_186 = arith.cmpi ne, %convert_element_type3A_184, %cond3A_185 : i32
      scf.if %cond3A_186 {
        %dma_wait3A_326 = arith.constant 0 : i32
        %dma_wait3A_327 = arith.constant 0 : i32
        %dma_wait3A_328 = arith.constant 0 : i32
        %dma_wait3A_329 = arith.constant 0 : i32
        %dma_wait3A_330 = tpu.memref_slice %arg11[%dma_wait3A_326, %dma_wait3A_328, %dma_wait3A_329] : memref<2x64x128xf32, #tpu.memory_space<vmem>> -> memref<1x64x128xf32, #tpu.memory_space<vmem>>
        %dma_wait3A_331 = tpu.memref_squeeze %dma_wait3A_330 : memref<1x64x128xf32, #tpu.memory_space<vmem>> -> memref<64x128xf32, #tpu.memory_space<vmem>>
        %dma_wait3A_332 = arith.constant 0 : i32
        %dma_wait3A_333 = tpu.memref_slice %arg9[%dma_wait3A_327, %dma_wait3A_332] : memref<40x64xi32, #tpu.memory_space<vmem>> -> memref<1x64xi32, #tpu.memory_space<vmem>>
        %dma_wait3A_334 = tpu.memref_squeeze %dma_wait3A_333 : memref<1x64xi32, #tpu.memory_space<vmem>> -> memref<64xi32, #tpu.memory_space<vmem>>
        %dma_wait3A_335 = arith.constant 0 : i32
        %dma_wait3A_336 = arith.constant 0 : i32
        %dma_wait3A_337 = tpu.memref_slice %arg7[%dma_wait3A_335, %dma_wait3A_336] : memref<10240x128xf32, #tpu.memory_space<vmem_shared>> -> memref<10240x128xf32, #tpu.memory_space<vmem_shared>>
        tpu.wait_indirect_dma semaphore(%arg14 : memref<!tpu.dma_semaphore, #tpu.memory_space<semaphore_mem>>) src(%dma_wait3A_331 : memref<64x128xf32, #tpu.memory_space<vmem>>) dst(%dma_wait3A_337 : memref<10240x128xf32, #tpu.memory_space<vmem_shared>>)
      } else {
      }
      %broadcast_in_dim3A = arith.constant -65536 : i32
      %broadcast_in_dim3A_187 = vector.broadcast %broadcast_in_dim3A : i32 to vector<16xi32>
      %scan3A_188 = arith.constant 0 : i32
      %scan3A_189 = arith.constant 0 : i32
      %scan3A_190 = arith.constant 64 : i32
      %scan3A_191 = arith.addi %scan3A_189, %scan3A_190 : i32
      %scan3A_192 = arith.constant 1 : i32
      %scan3A_193 = scf.for %scan3A_326 = %scan3A_189 to %scan3A_191 step %scan3A_192 iter_args(%scan3A_327 = %scan3A_188) -> (i32)  : i32 {
        %add3A_328 = arith.constant 0 : i32
        %add3A_329 = arith.addi %add3A_328, %scan3A_326 : i32
        %get3A = arith.constant 0 : i32
        %get3A_330 = arith.index_cast %get3A : i32 to index
        %get3A_331 = arith.index_cast %add3A_329 : i32 to index
        %get3A_332 = arith.constant 0 : index
        %get3A_333 = tpu.vector_load %arg10[%get3A_330, %get3A_331, %get3A_332] {strides = array<i32>} : memref<2x128x64xi32, #tpu.memory_space<vmem>>, vector<16xi32>,
        %shift_left3A = arith.constant 16 : i32
        %shift_left3A_334 = vector.broadcast %shift_left3A : i32 to vector<16xi32>
        %shift_left3A_335 = arith.shli %get3A_333, %shift_left3A_334 : vector<16xi32>
        %bitcast3A = vector.bitcast %shift_left3A_335 : vector<16xi32> to vector<16xf32>
        %swap3A = arith.constant 0 : i32
        %swap3A_336 = arith.index_cast %swap3A : i32 to index
        %swap3A_337 = arith.index_cast %scan3A_326 : i32 to index
        %swap3A_338 = arith.constant 0 : index
        %swap3A_339 = tpu.vector_load %arg11[%swap3A_336, %swap3A_337, %swap3A_338] {strides = array<i32>} : memref<2x64x128xf32, #tpu.memory_space<vmem>>, vector<16xf32>,
        tpu.vector_store %arg11[%swap3A_336, %swap3A_337, %swap3A_338], %bitcast3A {strides = array<i32>} : memref<2x64x128xf32, #tpu.memory_space<vmem>>, vector<16xf32>,
        %and3A = arith.andi %get3A_333, %broadcast_in_dim3A_187 : vector<16xi32>
        %bitcast3A_340 = vector.bitcast %and3A : vector<16xi32> to vector<16xf32>
        %swap3A_341 = arith.constant 0 : i32
        %swap3A_342 = arith.index_cast %swap3A_341 : i32 to index
        %swap3A_343 = arith.index_cast %scan3A_326 : i32 to index
        %swap3A_344 = arith.constant 16 : index
        %swap3A_345 = tpu.vector_load %arg11[%swap3A_342, %swap3A_343, %swap3A_344] {strides = array<i32>} : memref<2x64x128xf32, #tpu.memory_space<vmem>>, vector<16xf32>,
        tpu.vector_store %arg11[%swap3A_342, %swap3A_343, %swap3A_344], %bitcast3A_340 {strides = array<i32>} : memref<2x64x128xf32, #tpu.memory_space<vmem>>, vector<16xf32>,
        %get3A_346 = arith.constant 0 : i32
        %get3A_347 = arith.index_cast %get3A_346 : i32 to index
        %get3A_348 = arith.index_cast %add3A_329 : i32 to index
        %get3A_349 = arith.constant 16 : index
        %get3A_350 = tpu.vector_load %arg10[%get3A_347, %get3A_348, %get3A_349] {strides = array<i32>} : memref<2x128x64xi32, #tpu.memory_space<vmem>>, vector<16xi32>,
        %shift_left3A_351 = arith.constant 16 : i32
        %shift_left3A_352 = vector.broadcast %shift_left3A_351 : i32 to vector<16xi32>
        %shift_left3A_353 = arith.shli %get3A_350, %shift_left3A_352 : vector<16xi32>
        %bitcast3A_354 = vector.bitcast %shift_left3A_353 : vector<16xi32> to vector<16xf32>
        %swap3A_355 = arith.constant 0 : i32
        %swap3A_356 = arith.index_cast %swap3A_355 : i32 to index
        %swap3A_357 = arith.index_cast %scan3A_326 : i32 to index
        %swap3A_358 = arith.constant 32 : index
        %swap3A_359 = tpu.vector_load %arg11[%swap3A_356, %swap3A_357, %swap3A_358] {strides = array<i32>} : memref<2x64x128xf32, #tpu.memory_space<vmem>>, vector<16xf32>,
        tpu.vector_store %arg11[%swap3A_356, %swap3A_357, %swap3A_358], %bitcast3A_354 {strides = array<i32>} : memref<2x64x128xf32, #tpu.memory_space<vmem>>, vector<16xf32>,
        %and3A_360 = arith.andi %get3A_350, %broadcast_in_dim3A_187 : vector<16xi32>
        %bitcast3A_361 = vector.bitcast %and3A_360 : vector<16xi32> to vector<16xf32>
        %swap3A_362 = arith.constant 0 : i32
        %swap3A_363 = arith.index_cast %swap3A_362 : i32 to index
        %swap3A_364 = arith.index_cast %scan3A_326 : i32 to index
        %swap3A_365 = arith.constant 48 : index
        %swap3A_366 = tpu.vector_load %arg11[%swap3A_363, %swap3A_364, %swap3A_365] {strides = array<i32>} : memref<2x64x128xf32, #tpu.memory_space<vmem>>, vector<16xf32>,
        tpu.vector_store %arg11[%swap3A_363, %swap3A_364, %swap3A_365], %bitcast3A_361 {strides = array<i32>} : memref<2x64x128xf32, #tpu.memory_space<vmem>>, vector<16xf32>,
        %get3A_367 = arith.constant 0 : i32
        %get3A_368 = arith.index_cast %get3A_367 : i32 to index
        %get3A_369 = arith.index_cast %add3A_329 : i32 to index
        %get3A_370 = arith.constant 32 : index
        %get3A_371 = tpu.vector_load %arg10[%get3A_368, %get3A_369, %get3A_370] {strides = array<i32>} : memref<2x128x64xi32, #tpu.memory_space<vmem>>, vector<16xi32>,
        %shift_left3A_372 = arith.constant 16 : i32
        %shift_left3A_373 = vector.broadcast %shift_left3A_372 : i32 to vector<16xi32>
        %shift_left3A_374 = arith.shli %get3A_371, %shift_left3A_373 : vector<16xi32>
        %bitcast3A_375 = vector.bitcast %shift_left3A_374 : vector<16xi32> to vector<16xf32>
        %swap3A_376 = arith.constant 0 : i32
        %swap3A_377 = arith.index_cast %swap3A_376 : i32 to index
        %swap3A_378 = arith.index_cast %scan3A_326 : i32 to index
        %swap3A_379 = arith.constant 64 : index
        %swap3A_380 = tpu.vector_load %arg11[%swap3A_377, %swap3A_378, %swap3A_379] {strides = array<i32>} : memref<2x64x128xf32, #tpu.memory_space<vmem>>, vector<16xf32>,
        tpu.vector_store %arg11[%swap3A_377, %swap3A_378, %swap3A_379], %bitcast3A_375 {strides = array<i32>} : memref<2x64x128xf32, #tpu.memory_space<vmem>>, vector<16xf32>,
        %and3A_381 = arith.andi %get3A_371, %broadcast_in_dim3A_187 : vector<16xi32>
        %bitcast3A_382 = vector.bitcast %and3A_381 : vector<16xi32> to vector<16xf32>
        %swap3A_383 = arith.constant 0 : i32
        %swap3A_384 = arith.index_cast %swap3A_383 : i32 to index
        %swap3A_385 = arith.index_cast %scan3A_326 : i32 to index
        %swap3A_386 = arith.constant 80 : index
        %swap3A_387 = tpu.vector_load %arg11[%swap3A_384, %swap3A_385, %swap3A_386] {strides = array<i32>} : memref<2x64x128xf32, #tpu.memory_space<vmem>>, vector<16xf32>,
        tpu.vector_store %arg11[%swap3A_384, %swap3A_385, %swap3A_386], %bitcast3A_382 {strides = array<i32>} : memref<2x64x128xf32, #tpu.memory_space<vmem>>, vector<16xf32>,
        %get3A_388 = arith.constant 0 : i32
        %get3A_389 = arith.index_cast %get3A_388 : i32 to index
        %get3A_390 = arith.index_cast %add3A_329 : i32 to index
        %get3A_391 = arith.constant 48 : index
        %get3A_392 = tpu.vector_load %arg10[%get3A_389, %get3A_390, %get3A_391] {strides = array<i32>} : memref<2x128x64xi32, #tpu.memory_space<vmem>>, vector<16xi32>,
        %shift_left3A_393 = arith.constant 16 : i32
        %shift_left3A_394 = vector.broadcast %shift_left3A_393 : i32 to vector<16xi32>
        %shift_left3A_395 = arith.shli %get3A_392, %shift_left3A_394 : vector<16xi32>
        %bitcast3A_396 = vector.bitcast %shift_left3A_395 : vector<16xi32> to vector<16xf32>
        %swap3A_397 = arith.constant 0 : i32
        %swap3A_398 = arith.index_cast %swap3A_397 : i32 to index
        %swap3A_399 = arith.index_cast %scan3A_326 : i32 to index
        %swap3A_400 = arith.constant 96 : index
        %swap3A_401 = tpu.vector_load %arg11[%swap3A_398, %swap3A_399, %swap3A_400] {strides = array<i32>} : memref<2x64x128xf32, #tpu.memory_space<vmem>>, vector<16xf32>,
        tpu.vector_store %arg11[%swap3A_398, %swap3A_399, %swap3A_400], %bitcast3A_396 {strides = array<i32>} : memref<2x64x128xf32, #tpu.memory_space<vmem>>, vector<16xf32>,
        %and3A_402 = arith.andi %get3A_392, %broadcast_in_dim3A_187 : vector<16xi32>
        %bitcast3A_403 = vector.bitcast %and3A_402 : vector<16xi32> to vector<16xf32>
        %swap3A_404 = arith.constant 0 : i32
        %swap3A_405 = arith.index_cast %swap3A_404 : i32 to index
        %swap3A_406 = arith.index_cast %scan3A_326 : i32 to index
        %swap3A_407 = arith.constant 112 : index
        %swap3A_408 = tpu.vector_load %arg11[%swap3A_405, %swap3A_406, %swap3A_407] {strides = array<i32>} : memref<2x64x128xf32, #tpu.memory_space<vmem>>, vector<16xf32>,
        tpu.vector_store %arg11[%swap3A_405, %swap3A_406, %swap3A_407], %bitcast3A_403 {strides = array<i32>} : memref<2x64x128xf32, #tpu.memory_space<vmem>>, vector<16xf32>,
        %scan3A_409 = arith.constant 0 : i32
        scf.yield %scan3A_409 : i32
      }
      %scan3A_194 = arith.constant 64 : i32
      %mul3A_195 = arith.constant 2 : i32
      %mul3A_196 = arith.muli %mul3A_195, %add3A_171 : i32
      %add3A_197 = arith.constant 0 : i32
      %add3A_198 = arith.addi %mul3A_196, %add3A_197 : i32
      %dma_start3A_199 = arith.constant 0 : i32
      %dma_start3A_200 = arith.constant 0 : i32
      %dma_start3A_201 = arith.constant 0 : i32
      %dma_start3A_202 = tpu.memref_slice %arg11[%dma_start3A_199, %dma_start3A_200, %dma_start3A_201] : memref<2x64x128xf32, #tpu.memory_space<vmem>> -> memref<1x64x128xf32, #tpu.memory_space<vmem>>
      %dma_start3A_203 = tpu.memref_squeeze %dma_start3A_202 : memref<1x64x128xf32, #tpu.memory_space<vmem>> -> memref<64x128xf32, #tpu.memory_space<vmem>>
      %dma_start3A_204 = arith.constant 0 : i32
      %dma_start3A_205 = tpu.memref_slice %arg9[%add3A_198, %dma_start3A_204] : memref<40x64xi32, #tpu.memory_space<vmem>> -> memref<1x64xi32, #tpu.memory_space<vmem>>
      %dma_start3A_206 = tpu.memref_squeeze %dma_start3A_205 : memref<1x64xi32, #tpu.memory_space<vmem>> -> memref<64xi32, #tpu.memory_space<vmem>>
      %dma_start3A_207 = arith.constant 0 : i32
      %dma_start3A_208 = arith.constant 0 : i32
      %dma_start3A_209 = tpu.memref_slice %arg7[%dma_start3A_207, %dma_start3A_208] : memref<10240x128xf32, #tpu.memory_space<vmem_shared>> -> memref<10240x128xf32, #tpu.memory_space<vmem_shared>>
      tpu.enqueue_indirect_dma source(%dma_start3A_203 : memref<64x128xf32, #tpu.memory_space<vmem>>) target(%dma_start3A_209 : memref<10240x128xf32, #tpu.memory_space<vmem_shared>>) offsets(%dma_start3A_206 : memref<64xi32, #tpu.memory_space<vmem>>) semaphore(%arg14 : memref<!tpu.dma_semaphore, #tpu.memory_space<semaphore_mem>>) {add = true}
      %gt3A_210 = arith.constant 0 : i32
      %gt3A_211 = arith.cmpi sgt, %add3A_171, %gt3A_210 : i32
      %convert_element_type3A_212 = arith.extui %gt3A_211 : i1 to i32
      %cond3A_213 = arith.constant 0 : i32
      %cond3A_214 = arith.cmpi ne, %convert_element_type3A_212, %cond3A_213 : i32
      scf.if %cond3A_214 {
        %dma_wait3A_326 = arith.constant 1 : i32
        %dma_wait3A_327 = arith.constant 0 : i32
        %dma_wait3A_328 = arith.constant 0 : i32
        %dma_wait3A_329 = arith.constant 0 : i32
        %dma_wait3A_330 = tpu.memref_slice %arg11[%dma_wait3A_326, %dma_wait3A_328, %dma_wait3A_329] : memref<2x64x128xf32, #tpu.memory_space<vmem>> -> memref<1x64x128xf32, #tpu.memory_space<vmem>>
        %dma_wait3A_331 = tpu.memref_squeeze %dma_wait3A_330 : memref<1x64x128xf32, #tpu.memory_space<vmem>> -> memref<64x128xf32, #tpu.memory_space<vmem>>
        %dma_wait3A_332 = arith.constant 0 : i32
        %dma_wait3A_333 = tpu.memref_slice %arg9[%dma_wait3A_327, %dma_wait3A_332] : memref<40x64xi32, #tpu.memory_space<vmem>> -> memref<1x64xi32, #tpu.memory_space<vmem>>
        %dma_wait3A_334 = tpu.memref_squeeze %dma_wait3A_333 : memref<1x64xi32, #tpu.memory_space<vmem>> -> memref<64xi32, #tpu.memory_space<vmem>>
        %dma_wait3A_335 = arith.constant 0 : i32
        %dma_wait3A_336 = arith.constant 0 : i32
        %dma_wait3A_337 = tpu.memref_slice %arg7[%dma_wait3A_335, %dma_wait3A_336] : memref<10240x128xf32, #tpu.memory_space<vmem_shared>> -> memref<10240x128xf32, #tpu.memory_space<vmem_shared>>
        tpu.wait_indirect_dma semaphore(%arg15 : memref<!tpu.dma_semaphore, #tpu.memory_space<semaphore_mem>>) src(%dma_wait3A_331 : memref<64x128xf32, #tpu.memory_space<vmem>>) dst(%dma_wait3A_337 : memref<10240x128xf32, #tpu.memory_space<vmem_shared>>)
      } else {
      }
      %broadcast_in_dim3A_215 = arith.constant -65536 : i32
      %broadcast_in_dim3A_216 = vector.broadcast %broadcast_in_dim3A_215 : i32 to vector<16xi32>
      %scan3A_217 = arith.constant 0 : i32
      %scan3A_218 = arith.constant 0 : i32
      %scan3A_219 = arith.constant 64 : i32
      %scan3A_220 = arith.addi %scan3A_218, %scan3A_219 : i32
      %scan3A_221 = arith.constant 1 : i32
      %scan3A_222 = scf.for %scan3A_326 = %scan3A_218 to %scan3A_220 step %scan3A_221 iter_args(%scan3A_327 = %scan3A_217) -> (i32)  : i32 {
        %add3A_328 = arith.constant 64 : i32
        %add3A_329 = arith.addi %add3A_328, %scan3A_326 : i32
        %get3A = arith.constant 0 : i32
        %get3A_330 = arith.index_cast %get3A : i32 to index
        %get3A_331 = arith.index_cast %add3A_329 : i32 to index
        %get3A_332 = arith.constant 0 : index
        %get3A_333 = tpu.vector_load %arg10[%get3A_330, %get3A_331, %get3A_332] {strides = array<i32>} : memref<2x128x64xi32, #tpu.memory_space<vmem>>, vector<16xi32>,
        %shift_left3A = arith.constant 16 : i32
        %shift_left3A_334 = vector.broadcast %shift_left3A : i32 to vector<16xi32>
        %shift_left3A_335 = arith.shli %get3A_333, %shift_left3A_334 : vector<16xi32>
        %bitcast3A = vector.bitcast %shift_left3A_335 : vector<16xi32> to vector<16xf32>
        %swap3A = arith.constant 1 : i32
        %swap3A_336 = arith.index_cast %swap3A : i32 to index
        %swap3A_337 = arith.index_cast %scan3A_326 : i32 to index
        %swap3A_338 = arith.constant 0 : index
        %swap3A_339 = tpu.vector_load %arg11[%swap3A_336, %swap3A_337, %swap3A_338] {strides = array<i32>} : memref<2x64x128xf32, #tpu.memory_space<vmem>>, vector<16xf32>,
        tpu.vector_store %arg11[%swap3A_336, %swap3A_337, %swap3A_338], %bitcast3A {strides = array<i32>} : memref<2x64x128xf32, #tpu.memory_space<vmem>>, vector<16xf32>,
        %and3A = arith.andi %get3A_333, %broadcast_in_dim3A_216 : vector<16xi32>
        %bitcast3A_340 = vector.bitcast %and3A : vector<16xi32> to vector<16xf32>
        %swap3A_341 = arith.constant 1 : i32
        %swap3A_342 = arith.index_cast %swap3A_341 : i32 to index
        %swap3A_343 = arith.index_cast %scan3A_326 : i32 to index
        %swap3A_344 = arith.constant 16 : index
        %swap3A_345 = tpu.vector_load %arg11[%swap3A_342, %swap3A_343, %swap3A_344] {strides = array<i32>} : memref<2x64x128xf32, #tpu.memory_space<vmem>>, vector<16xf32>,
        tpu.vector_store %arg11[%swap3A_342, %swap3A_343, %swap3A_344], %bitcast3A_340 {strides = array<i32>} : memref<2x64x128xf32, #tpu.memory_space<vmem>>, vector<16xf32>,
        %get3A_346 = arith.constant 0 : i32
        %get3A_347 = arith.index_cast %get3A_346 : i32 to index
        %get3A_348 = arith.index_cast %add3A_329 : i32 to index
        %get3A_349 = arith.constant 16 : index
        %get3A_350 = tpu.vector_load %arg10[%get3A_347, %get3A_348, %get3A_349] {strides = array<i32>} : memref<2x128x64xi32, #tpu.memory_space<vmem>>, vector<16xi32>,
        %shift_left3A_351 = arith.constant 16 : i32
        %shift_left3A_352 = vector.broadcast %shift_left3A_351 : i32 to vector<16xi32>
        %shift_left3A_353 = arith.shli %get3A_350, %shift_left3A_352 : vector<16xi32>
        %bitcast3A_354 = vector.bitcast %shift_left3A_353 : vector<16xi32> to vector<16xf32>
        %swap3A_355 = arith.constant 1 : i32
        %swap3A_356 = arith.index_cast %swap3A_355 : i32 to index
        %swap3A_357 = arith.index_cast %scan3A_326 : i32 to index
        %swap3A_358 = arith.constant 32 : index
        %swap3A_359 = tpu.vector_load %arg11[%swap3A_356, %swap3A_357, %swap3A_358] {strides = array<i32>} : memref<2x64x128xf32, #tpu.memory_space<vmem>>, vector<16xf32>,
        tpu.vector_store %arg11[%swap3A_356, %swap3A_357, %swap3A_358], %bitcast3A_354 {strides = array<i32>} : memref<2x64x128xf32, #tpu.memory_space<vmem>>, vector<16xf32>,
        %and3A_360 = arith.andi %get3A_350, %broadcast_in_dim3A_216 : vector<16xi32>
        %bitcast3A_361 = vector.bitcast %and3A_360 : vector<16xi32> to vector<16xf32>
        %swap3A_362 = arith.constant 1 : i32
        %swap3A_363 = arith.index_cast %swap3A_362 : i32 to index
        %swap3A_364 = arith.index_cast %scan3A_326 : i32 to index
        %swap3A_365 = arith.constant 48 : index
        %swap3A_366 = tpu.vector_load %arg11[%swap3A_363, %swap3A_364, %swap3A_365] {strides = array<i32>} : memref<2x64x128xf32, #tpu.memory_space<vmem>>, vector<16xf32>,
        tpu.vector_store %arg11[%swap3A_363, %swap3A_364, %swap3A_365], %bitcast3A_361 {strides = array<i32>} : memref<2x64x128xf32, #tpu.memory_space<vmem>>, vector<16xf32>,
        %get3A_367 = arith.constant 0 : i32
        %get3A_368 = arith.index_cast %get3A_367 : i32 to index
        %get3A_369 = arith.index_cast %add3A_329 : i32 to index
        %get3A_370 = arith.constant 32 : index
        %get3A_371 = tpu.vector_load %arg10[%get3A_368, %get3A_369, %get3A_370] {strides = array<i32>} : memref<2x128x64xi32, #tpu.memory_space<vmem>>, vector<16xi32>,
        %shift_left3A_372 = arith.constant 16 : i32
        %shift_left3A_373 = vector.broadcast %shift_left3A_372 : i32 to vector<16xi32>
        %shift_left3A_374 = arith.shli %get3A_371, %shift_left3A_373 : vector<16xi32>
        %bitcast3A_375 = vector.bitcast %shift_left3A_374 : vector<16xi32> to vector<16xf32>
        %swap3A_376 = arith.constant 1 : i32
        %swap3A_377 = arith.index_cast %swap3A_376 : i32 to index
        %swap3A_378 = arith.index_cast %scan3A_326 : i32 to index
        %swap3A_379 = arith.constant 64 : index
        %swap3A_380 = tpu.vector_load %arg11[%swap3A_377, %swap3A_378, %swap3A_379] {strides = array<i32>} : memref<2x64x128xf32, #tpu.memory_space<vmem>>, vector<16xf32>,
        tpu.vector_store %arg11[%swap3A_377, %swap3A_378, %swap3A_379], %bitcast3A_375 {strides = array<i32>} : memref<2x64x128xf32, #tpu.memory_space<vmem>>, vector<16xf32>,
        %and3A_381 = arith.andi %get3A_371, %broadcast_in_dim3A_216 : vector<16xi32>
        %bitcast3A_382 = vector.bitcast %and3A_381 : vector<16xi32> to vector<16xf32>
        %swap3A_383 = arith.constant 1 : i32
        %swap3A_384 = arith.index_cast %swap3A_383 : i32 to index
        %swap3A_385 = arith.index_cast %scan3A_326 : i32 to index
        %swap3A_386 = arith.constant 80 : index
        %swap3A_387 = tpu.vector_load %arg11[%swap3A_384, %swap3A_385, %swap3A_386] {strides = array<i32>} : memref<2x64x128xf32, #tpu.memory_space<vmem>>, vector<16xf32>,
        tpu.vector_store %arg11[%swap3A_384, %swap3A_385, %swap3A_386], %bitcast3A_382 {strides = array<i32>} : memref<2x64x128xf32, #tpu.memory_space<vmem>>, vector<16xf32>,
        %get3A_388 = arith.constant 0 : i32
        %get3A_389 = arith.index_cast %get3A_388 : i32 to index
        %get3A_390 = arith.index_cast %add3A_329 : i32 to index
        %get3A_391 = arith.constant 48 : index
        %get3A_392 = tpu.vector_load %arg10[%get3A_389, %get3A_390, %get3A_391] {strides = array<i32>} : memref<2x128x64xi32, #tpu.memory_space<vmem>>, vector<16xi32>,
        %shift_left3A_393 = arith.constant 16 : i32
        %shift_left3A_394 = vector.broadcast %shift_left3A_393 : i32 to vector<16xi32>
        %shift_left3A_395 = arith.shli %get3A_392, %shift_left3A_394 : vector<16xi32>
        %bitcast3A_396 = vector.bitcast %shift_left3A_395 : vector<16xi32> to vector<16xf32>
        %swap3A_397 = arith.constant 1 : i32
        %swap3A_398 = arith.index_cast %swap3A_397 : i32 to index
        %swap3A_399 = arith.index_cast %scan3A_326 : i32 to index
        %swap3A_400 = arith.constant 96 : index
        %swap3A_401 = tpu.vector_load %arg11[%swap3A_398, %swap3A_399, %swap3A_400] {strides = array<i32>} : memref<2x64x128xf32, #tpu.memory_space<vmem>>, vector<16xf32>,
        tpu.vector_store %arg11[%swap3A_398, %swap3A_399, %swap3A_400], %bitcast3A_396 {strides = array<i32>} : memref<2x64x128xf32, #tpu.memory_space<vmem>>, vector<16xf32>,
        %and3A_402 = arith.andi %get3A_392, %broadcast_in_dim3A_216 : vector<16xi32>
        %bitcast3A_403 = vector.bitcast %and3A_402 : vector<16xi32> to vector<16xf32>
        %swap3A_404 = arith.constant 1 : i32
        %swap3A_405 = arith.index_cast %swap3A_404 : i32 to index
        %swap3A_406 = arith.index_cast %scan3A_326 : i32 to index
        %swap3A_407 = arith.constant 112 : index
        %swap3A_408 = tpu.vector_load %arg11[%swap3A_405, %swap3A_406, %swap3A_407] {strides = array<i32>} : memref<2x64x128xf32, #tpu.memory_space<vmem>>, vector<16xf32>,
        tpu.vector_store %arg11[%swap3A_405, %swap3A_406, %swap3A_407], %bitcast3A_403 {strides = array<i32>} : memref<2x64x128xf32, #tpu.memory_space<vmem>>, vector<16xf32>,
        %scan3A_409 = arith.constant 0 : i32
        scf.yield %scan3A_409 : i32
      }
      %scan3A_223 = arith.constant 64 : i32
      %mul3A_224 = arith.constant 2 : i32
      %mul3A_225 = arith.muli %mul3A_224, %add3A_171 : i32
      %add3A_226 = arith.constant 1 : i32
      %add3A_227 = arith.addi %mul3A_225, %add3A_226 : i32
      %dma_start3A_228 = arith.constant 1 : i32
      %dma_start3A_229 = arith.constant 0 : i32
      %dma_start3A_230 = arith.constant 0 : i32
      %dma_start3A_231 = tpu.memref_slice %arg11[%dma_start3A_228, %dma_start3A_229, %dma_start3A_230] : memref<2x64x128xf32, #tpu.memory_space<vmem>> -> memref<1x64x128xf32, #tpu.memory_space<vmem>>
      %dma_start3A_232 = tpu.memref_squeeze %dma_start3A_231 : memref<1x64x128xf32, #tpu.memory_space<vmem>> -> memref<64x128xf32, #tpu.memory_space<vmem>>
      %dma_start3A_233 = arith.constant 0 : i32
      %dma_start3A_234 = tpu.memref_slice %arg9[%add3A_227, %dma_start3A_233] : memref<40x64xi32, #tpu.memory_space<vmem>> -> memref<1x64xi32, #tpu.memory_space<vmem>>
      %dma_start3A_235 = tpu.memref_squeeze %dma_start3A_234 : memref<1x64xi32, #tpu.memory_space<vmem>> -> memref<64xi32, #tpu.memory_space<vmem>>
      %dma_start3A_236 = arith.constant 0 : i32
      %dma_start3A_237 = arith.constant 0 : i32
      %dma_start3A_238 = tpu.memref_slice %arg7[%dma_start3A_236, %dma_start3A_237] : memref<10240x128xf32, #tpu.memory_space<vmem_shared>> -> memref<10240x128xf32, #tpu.memory_space<vmem_shared>>
      tpu.enqueue_indirect_dma source(%dma_start3A_232 : memref<64x128xf32, #tpu.memory_space<vmem>>) target(%dma_start3A_238 : memref<10240x128xf32, #tpu.memory_space<vmem_shared>>) offsets(%dma_start3A_235 : memref<64xi32, #tpu.memory_space<vmem>>) semaphore(%arg15 : memref<!tpu.dma_semaphore, #tpu.memory_space<semaphore_mem>>) {add = true}
      %add3A_239 = arith.constant 2 : i32
      %add3A_240 = arith.addi %add3A_171, %add3A_239 : i32
      %lt3A = arith.constant 20 : i32
      %lt3A_241 = arith.cmpi slt, %add3A_240, %lt3A : i32
      %convert_element_type3A_242 = arith.extui %lt3A_241 : i1 to i32
      %cond3A_243 = arith.constant 0 : i32
      %cond3A_244 = arith.cmpi ne, %convert_element_type3A_242, %cond3A_243 : i32
      scf.if %cond3A_244 {
        %dma_start3A_326 = arith.constant 0 : i32
        %dma_start3A_327 = arith.constant 0 : i32
        %dma_start3A_328 = arith.constant 0 : i32
        %dma_start3A_329 = tpu.memref_slice %arg10[%dma_start3A_326, %dma_start3A_327, %dma_start3A_328] : memref<2x128x64xi32, #tpu.memory_space<vmem>> -> memref<1x128x64xi32, #tpu.memory_space<vmem>>
        %dma_start3A_330 = tpu.memref_squeeze %dma_start3A_329 : memref<1x128x64xi32, #tpu.memory_space<vmem>> -> memref<128x64xi32, #tpu.memory_space<vmem>>
        %dma_start3A_331 = arith.constant 0 : i32
        %dma_start3A_332 = tpu.memref_slice %arg8[%add3A_240, %dma_start3A_331] : memref<20x128xi32, #tpu.memory_space<vmem>> -> memref<1x128xi32, #tpu.memory_space<vmem>>
        %dma_start3A_333 = tpu.memref_squeeze %dma_start3A_332 : memref<1x128xi32, #tpu.memory_space<vmem>> -> memref<128xi32, #tpu.memory_space<vmem>>
        %dma_start3A_334 = arith.constant 0 : i32
        %dma_start3A_335 = arith.constant 0 : i32
        %dma_start3A_336 = tpu.memref_slice %arg2[%dma_start3A_334, %dma_start3A_335] : memref<40000x64xi32, #tpu.memory_space<hbm>> -> memref<40000x64xi32, #tpu.memory_space<hbm>>
        tpu.enqueue_indirect_dma source(%dma_start3A_336 : memref<40000x64xi32, #tpu.memory_space<hbm>>) target(%dma_start3A_330 : memref<128x64xi32, #tpu.memory_space<vmem>>) offsets(%dma_start3A_333 : memref<128xi32, #tpu.memory_space<vmem>>) semaphore(%arg12 : memref<!tpu.dma_semaphore, #tpu.memory_space<semaphore_mem>>)
      } else {
      }
      %mul3A_245 = arith.constant 2 : i32
      %mul3A_246 = arith.muli %scan3A_166, %mul3A_245 : i32
      %add3A_247 = arith.constant 1 : i32
      %add3A_248 = arith.addi %mul3A_246, %add3A_247 : i32
      %dma_wait3A_249 = arith.constant 1 : i32
      %dma_wait3A_250 = arith.constant 0 : i32
      %dma_wait3A_251 = arith.constant 0 : i32
      %dma_wait3A_252 = tpu.memref_slice %arg10[%dma_wait3A_249, %dma_wait3A_250, %dma_wait3A_251] : memref<2x128x64xi32, #tpu.memory_space<vmem>> -> memref<1x128x64xi32, #tpu.memory_space<vmem>>
      %dma_wait3A_253 = tpu.memref_squeeze %dma_wait3A_252 : memref<1x128x64xi32, #tpu.memory_space<vmem>> -> memref<128x64xi32, #tpu.memory_space<vmem>>
      %dma_wait3A_254 = arith.constant 0 : i32
      %dma_wait3A_255 = tpu.memref_slice %arg8[%add3A_248, %dma_wait3A_254] : memref<20x128xi32, #tpu.memory_space<vmem>> -> memref<1x128xi32, #tpu.memory_space<vmem>>
      %dma_wait3A_256 = tpu.memref_squeeze %dma_wait3A_255 : memref<1x128xi32, #tpu.memory_space<vmem>> -> memref<128xi32, #tpu.memory_space<vmem>>
      %dma_wait3A_257 = arith.constant 0 : i32
      %dma_wait3A_258 = arith.constant 0 : i32
      %dma_wait3A_259 = tpu.memref_slice %arg2[%dma_wait3A_257, %dma_wait3A_258] : memref<40000x64xi32, #tpu.memory_space<hbm>> -> memref<40000x64xi32, #tpu.memory_space<hbm>>
      tpu.wait_indirect_dma semaphore(%arg13 : memref<!tpu.dma_semaphore, #tpu.memory_space<semaphore_mem>>) src(%dma_wait3A_259 : memref<40000x64xi32, #tpu.memory_space<hbm>>) dst(%dma_wait3A_253 : memref<128x64xi32, #tpu.memory_space<vmem>>)
      %gt3A_260 = arith.constant 0 : i32
      %gt3A_261 = arith.cmpi sgt, %add3A_248, %gt3A_260 : i32
      %convert_element_type3A_262 = arith.extui %gt3A_261 : i1 to i32
      %cond3A_263 = arith.constant 0 : i32
      %cond3A_264 = arith.cmpi ne, %convert_element_type3A_262, %cond3A_263 : i32
      scf.if %cond3A_264 {
        %dma_wait3A_326 = arith.constant 0 : i32
        %dma_wait3A_327 = arith.constant 0 : i32
        %dma_wait3A_328 = arith.constant 0 : i32
        %dma_wait3A_329 = arith.constant 0 : i32
        %dma_wait3A_330 = tpu.memref_slice %arg11[%dma_wait3A_326, %dma_wait3A_328, %dma_wait3A_329] : memref<2x64x128xf32, #tpu.memory_space<vmem>> -> memref<1x64x128xf32, #tpu.memory_space<vmem>>
        %dma_wait3A_331 = tpu.memref_squeeze %dma_wait3A_330 : memref<1x64x128xf32, #tpu.memory_space<vmem>> -> memref<64x128xf32, #tpu.memory_space<vmem>>
        %dma_wait3A_332 = arith.constant 0 : i32
        %dma_wait3A_333 = tpu.memref_slice %arg9[%dma_wait3A_327, %dma_wait3A_332] : memref<40x64xi32, #tpu.memory_space<vmem>> -> memref<1x64xi32, #tpu.memory_space<vmem>>
        %dma_wait3A_334 = tpu.memref_squeeze %dma_wait3A_333 : memref<1x64xi32, #tpu.memory_space<vmem>> -> memref<64xi32, #tpu.memory_space<vmem>>
        %dma_wait3A_335 = arith.constant 0 : i32
        %dma_wait3A_336 = arith.constant 0 : i32
        %dma_wait3A_337 = tpu.memref_slice %arg7[%dma_wait3A_335, %dma_wait3A_336] : memref<10240x128xf32, #tpu.memory_space<vmem_shared>> -> memref<10240x128xf32, #tpu.memory_space<vmem_shared>>
        tpu.wait_indirect_dma semaphore(%arg14 : memref<!tpu.dma_semaphore, #tpu.memory_space<semaphore_mem>>) src(%dma_wait3A_331 : memref<64x128xf32, #tpu.memory_space<vmem>>) dst(%dma_wait3A_337 : memref<10240x128xf32, #tpu.memory_space<vmem_shared>>)
      } else {
      }
      %broadcast_in_dim3A_265 = arith.constant -65536 : i32
      %broadcast_in_dim3A_266 = vector.broadcast %broadcast_in_dim3A_265 : i32 to vector<16xi32>
      %scan3A_267 = arith.constant 0 : i32
      %scan3A_268 = arith.constant 0 : i32
      %scan3A_269 = arith.constant 64 : i32
      %scan3A_270 = arith.addi %scan3A_268, %scan3A_269 : i32
      %scan3A_271 = arith.constant 1 : i32
      %scan3A_272 = scf.for %scan3A_326 = %scan3A_268 to %scan3A_270 step %scan3A_271 iter_args(%scan3A_327 = %scan3A_267) -> (i32)  : i32 {
        %add3A_328 = arith.constant 0 : i32
        %add3A_329 = arith.addi %add3A_328, %scan3A_326 : i32
        %get3A = arith.constant 1 : i32
        %get3A_330 = arith.index_cast %get3A : i32 to index
        %get3A_331 = arith.index_cast %add3A_329 : i32 to index
        %get3A_332 = arith.constant 0 : index
        %get3A_333 = tpu.vector_load %arg10[%get3A_330, %get3A_331, %get3A_332] {strides = array<i32>} : memref<2x128x64xi32, #tpu.memory_space<vmem>>, vector<16xi32>,
        %shift_left3A = arith.constant 16 : i32
        %shift_left3A_334 = vector.broadcast %shift_left3A : i32 to vector<16xi32>
        %shift_left3A_335 = arith.shli %get3A_333, %shift_left3A_334 : vector<16xi32>
        %bitcast3A = vector.bitcast %shift_left3A_335 : vector<16xi32> to vector<16xf32>
        %swap3A = arith.constant 0 : i32
        %swap3A_336 = arith.index_cast %swap3A : i32 to index
        %swap3A_337 = arith.index_cast %scan3A_326 : i32 to index
        %swap3A_338 = arith.constant 0 : index
        %swap3A_339 = tpu.vector_load %arg11[%swap3A_336, %swap3A_337, %swap3A_338] {strides = array<i32>} : memref<2x64x128xf32, #tpu.memory_space<vmem>>, vector<16xf32>,
        tpu.vector_store %arg11[%swap3A_336, %swap3A_337, %swap3A_338], %bitcast3A {strides = array<i32>} : memref<2x64x128xf32, #tpu.memory_space<vmem>>, vector<16xf32>,
        %and3A = arith.andi %get3A_333, %broadcast_in_dim3A_266 : vector<16xi32>
        %bitcast3A_340 = vector.bitcast %and3A : vector<16xi32> to vector<16xf32>
        %swap3A_341 = arith.constant 0 : i32
        %swap3A_342 = arith.index_cast %swap3A_341 : i32 to index
        %swap3A_343 = arith.index_cast %scan3A_326 : i32 to index
        %swap3A_344 = arith.constant 16 : index
        %swap3A_345 = tpu.vector_load %arg11[%swap3A_342, %swap3A_343, %swap3A_344] {strides = array<i32>} : memref<2x64x128xf32, #tpu.memory_space<vmem>>, vector<16xf32>,
        tpu.vector_store %arg11[%swap3A_342, %swap3A_343, %swap3A_344], %bitcast3A_340 {strides = array<i32>} : memref<2x64x128xf32, #tpu.memory_space<vmem>>, vector<16xf32>,
        %get3A_346 = arith.constant 1 : i32
        %get3A_347 = arith.index_cast %get3A_346 : i32 to index
        %get3A_348 = arith.index_cast %add3A_329 : i32 to index
        %get3A_349 = arith.constant 16 : index
        %get3A_350 = tpu.vector_load %arg10[%get3A_347, %get3A_348, %get3A_349] {strides = array<i32>} : memref<2x128x64xi32, #tpu.memory_space<vmem>>, vector<16xi32>,
        %shift_left3A_351 = arith.constant 16 : i32
        %shift_left3A_352 = vector.broadcast %shift_left3A_351 : i32 to vector<16xi32>
        %shift_left3A_353 = arith.shli %get3A_350, %shift_left3A_352 : vector<16xi32>
        %bitcast3A_354 = vector.bitcast %shift_left3A_353 : vector<16xi32> to vector<16xf32>
        %swap3A_355 = arith.constant 0 : i32
        %swap3A_356 = arith.index_cast %swap3A_355 : i32 to index
        %swap3A_357 = arith.index_cast %scan3A_326 : i32 to index
        %swap3A_358 = arith.constant 32 : index
        %swap3A_359 = tpu.vector_load %arg11[%swap3A_356, %swap3A_357, %swap3A_358] {strides = array<i32>} : memref<2x64x128xf32, #tpu.memory_space<vmem>>, vector<16xf32>,
        tpu.vector_store %arg11[%swap3A_356, %swap3A_357, %swap3A_358], %bitcast3A_354 {strides = array<i32>} : memref<2x64x128xf32, #tpu.memory_space<vmem>>, vector<16xf32>,
        %and3A_360 = arith.andi %get3A_350, %broadcast_in_dim3A_266 : vector<16xi32>
        %bitcast3A_361 = vector.bitcast %and3A_360 : vector<16xi32> to vector<16xf32>
        %swap3A_362 = arith.constant 0 : i32
        %swap3A_363 = arith.index_cast %swap3A_362 : i32 to index
        %swap3A_364 = arith.index_cast %scan3A_326 : i32 to index
        %swap3A_365 = arith.constant 48 : index
        %swap3A_366 = tpu.vector_load %arg11[%swap3A_363, %swap3A_364, %swap3A_365] {strides = array<i32>} : memref<2x64x128xf32, #tpu.memory_space<vmem>>, vector<16xf32>,
        tpu.vector_store %arg11[%swap3A_363, %swap3A_364, %swap3A_365], %bitcast3A_361 {strides = array<i32>} : memref<2x64x128xf32, #tpu.memory_space<vmem>>, vector<16xf32>,
        %get3A_367 = arith.constant 1 : i32
        %get3A_368 = arith.index_cast %get3A_367 : i32 to index
        %get3A_369 = arith.index_cast %add3A_329 : i32 to index
        %get3A_370 = arith.constant 32 : index
        %get3A_371 = tpu.vector_load %arg10[%get3A_368, %get3A_369, %get3A_370] {strides = array<i32>} : memref<2x128x64xi32, #tpu.memory_space<vmem>>, vector<16xi32>,
        %shift_left3A_372 = arith.constant 16 : i32
        %shift_left3A_373 = vector.broadcast %shift_left3A_372 : i32 to vector<16xi32>
        %shift_left3A_374 = arith.shli %get3A_371, %shift_left3A_373 : vector<16xi32>
        %bitcast3A_375 = vector.bitcast %shift_left3A_374 : vector<16xi32> to vector<16xf32>
        %swap3A_376 = arith.constant 0 : i32
        %swap3A_377 = arith.index_cast %swap3A_376 : i32 to index
        %swap3A_378 = arith.index_cast %scan3A_326 : i32 to index
        %swap3A_379 = arith.constant 64 : index
        %swap3A_380 = tpu.vector_load %arg11[%swap3A_377, %swap3A_378, %swap3A_379] {strides = array<i32>} : memref<2x64x128xf32, #tpu.memory_space<vmem>>, vector<16xf32>,
        tpu.vector_store %arg11[%swap3A_377, %swap3A_378, %swap3A_379], %bitcast3A_375 {strides = array<i32>} : memref<2x64x128xf32, #tpu.memory_space<vmem>>, vector<16xf32>,
        %and3A_381 = arith.andi %get3A_371, %broadcast_in_dim3A_266 : vector<16xi32>
        %bitcast3A_382 = vector.bitcast %and3A_381 : vector<16xi32> to vector<16xf32>
        %swap3A_383 = arith.constant 0 : i32
        %swap3A_384 = arith.index_cast %swap3A_383 : i32 to index
        %swap3A_385 = arith.index_cast %scan3A_326 : i32 to index
        %swap3A_386 = arith.constant 80 : index
        %swap3A_387 = tpu.vector_load %arg11[%swap3A_384, %swap3A_385, %swap3A_386] {strides = array<i32>} : memref<2x64x128xf32, #tpu.memory_space<vmem>>, vector<16xf32>,
        tpu.vector_store %arg11[%swap3A_384, %swap3A_385, %swap3A_386], %bitcast3A_382 {strides = array<i32>} : memref<2x64x128xf32, #tpu.memory_space<vmem>>, vector<16xf32>,
        %get3A_388 = arith.constant 1 : i32
        %get3A_389 = arith.index_cast %get3A_388 : i32 to index
        %get3A_390 = arith.index_cast %add3A_329 : i32 to index
        %get3A_391 = arith.constant 48 : index
        %get3A_392 = tpu.vector_load %arg10[%get3A_389, %get3A_390, %get3A_391] {strides = array<i32>} : memref<2x128x64xi32, #tpu.memory_space<vmem>>, vector<16xi32>,
        %shift_left3A_393 = arith.constant 16 : i32
        %shift_left3A_394 = vector.broadcast %shift_left3A_393 : i32 to vector<16xi32>
        %shift_left3A_395 = arith.shli %get3A_392, %shift_left3A_394 : vector<16xi32>
        %bitcast3A_396 = vector.bitcast %shift_left3A_395 : vector<16xi32> to vector<16xf32>
        %swap3A_397 = arith.constant 0 : i32
        %swap3A_398 = arith.index_cast %swap3A_397 : i32 to index
        %swap3A_399 = arith.index_cast %scan3A_326 : i32 to index
        %swap3A_400 = arith.constant 96 : index
        %swap3A_401 = tpu.vector_load %arg11[%swap3A_398, %swap3A_399, %swap3A_400] {strides = array<i32>} : memref<2x64x128xf32, #tpu.memory_space<vmem>>, vector<16xf32>,
        tpu.vector_store %arg11[%swap3A_398, %swap3A_399, %swap3A_400], %bitcast3A_396 {strides = array<i32>} : memref<2x64x128xf32, #tpu.memory_space<vmem>>, vector<16xf32>,
        %and3A_402 = arith.andi %get3A_392, %broadcast_in_dim3A_266 : vector<16xi32>
        %bitcast3A_403 = vector.bitcast %and3A_402 : vector<16xi32> to vector<16xf32>
        %swap3A_404 = arith.constant 0 : i32
        %swap3A_405 = arith.index_cast %swap3A_404 : i32 to index
        %swap3A_406 = arith.index_cast %scan3A_326 : i32 to index
        %swap3A_407 = arith.constant 112 : index
        %swap3A_408 = tpu.vector_load %arg11[%swap3A_405, %swap3A_406, %swap3A_407] {strides = array<i32>} : memref<2x64x128xf32, #tpu.memory_space<vmem>>, vector<16xf32>,
        tpu.vector_store %arg11[%swap3A_405, %swap3A_406, %swap3A_407], %bitcast3A_403 {strides = array<i32>} : memref<2x64x128xf32, #tpu.memory_space<vmem>>, vector<16xf32>,
        %scan3A_409 = arith.constant 0 : i32
        scf.yield %scan3A_409 : i32
      }
      %scan3A_273 = arith.constant 64 : i32
      %mul3A_274 = arith.constant 2 : i32
      %mul3A_275 = arith.muli %mul3A_274, %add3A_248 : i32
      %add3A_276 = arith.constant 0 : i32
      %add3A_277 = arith.addi %mul3A_275, %add3A_276 : i32
      %dma_start3A_278 = arith.constant 0 : i32
      %dma_start3A_279 = arith.constant 0 : i32
      %dma_start3A_280 = arith.constant 0 : i32
      %dma_start3A_281 = tpu.memref_slice %arg11[%dma_start3A_278, %dma_start3A_279, %dma_start3A_280] : memref<2x64x128xf32, #tpu.memory_space<vmem>> -> memref<1x64x128xf32, #tpu.memory_space<vmem>>
      %dma_start3A_282 = tpu.memref_squeeze %dma_start3A_281 : memref<1x64x128xf32, #tpu.memory_space<vmem>> -> memref<64x128xf32, #tpu.memory_space<vmem>>
      %dma_start3A_283 = arith.constant 0 : i32
      %dma_start3A_284 = tpu.memref_slice %arg9[%add3A_277, %dma_start3A_283] : memref<40x64xi32, #tpu.memory_space<vmem>> -> memref<1x64xi32, #tpu.memory_space<vmem>>
      %dma_start3A_285 = tpu.memref_squeeze %dma_start3A_284 : memref<1x64xi32, #tpu.memory_space<vmem>> -> memref<64xi32, #tpu.memory_space<vmem>>
      %dma_start3A_286 = arith.constant 0 : i32
      %dma_start3A_287 = arith.constant 0 : i32
      %dma_start3A_288 = tpu.memref_slice %arg7[%dma_start3A_286, %dma_start3A_287] : memref<10240x128xf32, #tpu.memory_space<vmem_shared>> -> memref<10240x128xf32, #tpu.memory_space<vmem_shared>>
      tpu.enqueue_indirect_dma source(%dma_start3A_282 : memref<64x128xf32, #tpu.memory_space<vmem>>) target(%dma_start3A_288 : memref<10240x128xf32, #tpu.memory_space<vmem_shared>>) offsets(%dma_start3A_285 : memref<64xi32, #tpu.memory_space<vmem>>) semaphore(%arg14 : memref<!tpu.dma_semaphore, #tpu.memory_space<semaphore_mem>>) {add = true}
      %gt3A_289 = arith.constant 0 : i32
      %gt3A_290 = arith.cmpi sgt, %add3A_248, %gt3A_289 : i32
      %convert_element_type3A_291 = arith.extui %gt3A_290 : i1 to i32
      %cond3A_292 = arith.constant 0 : i32
      %cond3A_293 = arith.cmpi ne, %convert_element_type3A_291, %cond3A_292 : i32
      scf.if %cond3A_293 {
        %dma_wait3A_326 = arith.constant 1 : i32
        %dma_wait3A_327 = arith.constant 0 : i32
        %dma_wait3A_328 = arith.constant 0 : i32
        %dma_wait3A_329 = arith.constant 0 : i32
        %dma_wait3A_330 = tpu.memref_slice %arg11[%dma_wait3A_326, %dma_wait3A_328, %dma_wait3A_329] : memref<2x64x128xf32, #tpu.memory_space<vmem>> -> memref<1x64x128xf32, #tpu.memory_space<vmem>>
        %dma_wait3A_331 = tpu.memref_squeeze %dma_wait3A_330 : memref<1x64x128xf32, #tpu.memory_space<vmem>> -> memref<64x128xf32, #tpu.memory_space<vmem>>
        %dma_wait3A_332 = arith.constant 0 : i32
        %dma_wait3A_333 = tpu.memref_slice %arg9[%dma_wait3A_327, %dma_wait3A_332] : memref<40x64xi32, #tpu.memory_space<vmem>> -> memref<1x64xi32, #tpu.memory_space<vmem>>
        %dma_wait3A_334 = tpu.memref_squeeze %dma_wait3A_333 : memref<1x64xi32, #tpu.memory_space<vmem>> -> memref<64xi32, #tpu.memory_space<vmem>>
        %dma_wait3A_335 = arith.constant 0 : i32
        %dma_wait3A_336 = arith.constant 0 : i32
        %dma_wait3A_337 = tpu.memref_slice %arg7[%dma_wait3A_335, %dma_wait3A_336] : memref<10240x128xf32, #tpu.memory_space<vmem_shared>> -> memref<10240x128xf32, #tpu.memory_space<vmem_shared>>
        tpu.wait_indirect_dma semaphore(%arg15 : memref<!tpu.dma_semaphore, #tpu.memory_space<semaphore_mem>>) src(%dma_wait3A_331 : memref<64x128xf32, #tpu.memory_space<vmem>>) dst(%dma_wait3A_337 : memref<10240x128xf32, #tpu.memory_space<vmem_shared>>)
      } else {
      }
      %broadcast_in_dim3A_294 = arith.constant -65536 : i32
      %broadcast_in_dim3A_295 = vector.broadcast %broadcast_in_dim3A_294 : i32 to vector<16xi32>
      %scan3A_296 = arith.constant 0 : i32
      %scan3A_297 = arith.constant 0 : i32
      %scan3A_298 = arith.constant 64 : i32
      %scan3A_299 = arith.addi %scan3A_297, %scan3A_298 : i32
      %scan3A_300 = arith.constant 1 : i32
      %scan3A_301 = scf.for %scan3A_326 = %scan3A_297 to %scan3A_299 step %scan3A_300 iter_args(%scan3A_327 = %scan3A_296) -> (i32)  : i32 {
        %add3A_328 = arith.constant 64 : i32
        %add3A_329 = arith.addi %add3A_328, %scan3A_326 : i32
        %get3A = arith.constant 1 : i32
        %get3A_330 = arith.index_cast %get3A : i32 to index
        %get3A_331 = arith.index_cast %add3A_329 : i32 to index
        %get3A_332 = arith.constant 0 : index
        %get3A_333 = tpu.vector_load %arg10[%get3A_330, %get3A_331, %get3A_332] {strides = array<i32>} : memref<2x128x64xi32, #tpu.memory_space<vmem>>, vector<16xi32>,
        %shift_left3A = arith.constant 16 : i32
        %shift_left3A_334 = vector.broadcast %shift_left3A : i32 to vector<16xi32>
        %shift_left3A_335 = arith.shli %get3A_333, %shift_left3A_334 : vector<16xi32>
        %bitcast3A = vector.bitcast %shift_left3A_335 : vector<16xi32> to vector<16xf32>
        %swap3A = arith.constant 1 : i32
        %swap3A_336 = arith.index_cast %swap3A : i32 to index
        %swap3A_337 = arith.index_cast %scan3A_326 : i32 to index
        %swap3A_338 = arith.constant 0 : index
        %swap3A_339 = tpu.vector_load %arg11[%swap3A_336, %swap3A_337, %swap3A_338] {strides = array<i32>} : memref<2x64x128xf32, #tpu.memory_space<vmem>>, vector<16xf32>,
        tpu.vector_store %arg11[%swap3A_336, %swap3A_337, %swap3A_338], %bitcast3A {strides = array<i32>} : memref<2x64x128xf32, #tpu.memory_space<vmem>>, vector<16xf32>,
        %and3A = arith.andi %get3A_333, %broadcast_in_dim3A_295 : vector<16xi32>
        %bitcast3A_340 = vector.bitcast %and3A : vector<16xi32> to vector<16xf32>
        %swap3A_341 = arith.constant 1 : i32
        %swap3A_342 = arith.index_cast %swap3A_341 : i32 to index
        %swap3A_343 = arith.index_cast %scan3A_326 : i32 to index
        %swap3A_344 = arith.constant 16 : index
        %swap3A_345 = tpu.vector_load %arg11[%swap3A_342, %swap3A_343, %swap3A_344] {strides = array<i32>} : memref<2x64x128xf32, #tpu.memory_space<vmem>>, vector<16xf32>,
        tpu.vector_store %arg11[%swap3A_342, %swap3A_343, %swap3A_344], %bitcast3A_340 {strides = array<i32>} : memref<2x64x128xf32, #tpu.memory_space<vmem>>, vector<16xf32>,
        %get3A_346 = arith.constant 1 : i32
        %get3A_347 = arith.index_cast %get3A_346 : i32 to index
        %get3A_348 = arith.index_cast %add3A_329 : i32 to index
        %get3A_349 = arith.constant 16 : index
        %get3A_350 = tpu.vector_load %arg10[%get3A_347, %get3A_348, %get3A_349] {strides = array<i32>} : memref<2x128x64xi32, #tpu.memory_space<vmem>>, vector<16xi32>,
        %shift_left3A_351 = arith.constant 16 : i32
        %shift_left3A_352 = vector.broadcast %shift_left3A_351 : i32 to vector<16xi32>
        %shift_left3A_353 = arith.shli %get3A_350, %shift_left3A_352 : vector<16xi32>
        %bitcast3A_354 = vector.bitcast %shift_left3A_353 : vector<16xi32> to vector<16xf32>
        %swap3A_355 = arith.constant 1 : i32
        %swap3A_356 = arith.index_cast %swap3A_355 : i32 to index
        %swap3A_357 = arith.index_cast %scan3A_326 : i32 to index
        %swap3A_358 = arith.constant 32 : index
        %swap3A_359 = tpu.vector_load %arg11[%swap3A_356, %swap3A_357, %swap3A_358] {strides = array<i32>} : memref<2x64x128xf32, #tpu.memory_space<vmem>>, vector<16xf32>,
        tpu.vector_store %arg11[%swap3A_356, %swap3A_357, %swap3A_358], %bitcast3A_354 {strides = array<i32>} : memref<2x64x128xf32, #tpu.memory_space<vmem>>, vector<16xf32>,
        %and3A_360 = arith.andi %get3A_350, %broadcast_in_dim3A_295 : vector<16xi32>
        %bitcast3A_361 = vector.bitcast %and3A_360 : vector<16xi32> to vector<16xf32>
        %swap3A_362 = arith.constant 1 : i32
        %swap3A_363 = arith.index_cast %swap3A_362 : i32 to index
        %swap3A_364 = arith.index_cast %scan3A_326 : i32 to index
        %swap3A_365 = arith.constant 48 : index
        %swap3A_366 = tpu.vector_load %arg11[%swap3A_363, %swap3A_364, %swap3A_365] {strides = array<i32>} : memref<2x64x128xf32, #tpu.memory_space<vmem>>, vector<16xf32>,
        tpu.vector_store %arg11[%swap3A_363, %swap3A_364, %swap3A_365], %bitcast3A_361 {strides = array<i32>} : memref<2x64x128xf32, #tpu.memory_space<vmem>>, vector<16xf32>,
        %get3A_367 = arith.constant 1 : i32
        %get3A_368 = arith.index_cast %get3A_367 : i32 to index
        %get3A_369 = arith.index_cast %add3A_329 : i32 to index
        %get3A_370 = arith.constant 32 : index
        %get3A_371 = tpu.vector_load %arg10[%get3A_368, %get3A_369, %get3A_370] {strides = array<i32>} : memref<2x128x64xi32, #tpu.memory_space<vmem>>, vector<16xi32>,
        %shift_left3A_372 = arith.constant 16 : i32
        %shift_left3A_373 = vector.broadcast %shift_left3A_372 : i32 to vector<16xi32>
        %shift_left3A_374 = arith.shli %get3A_371, %shift_left3A_373 : vector<16xi32>
        %bitcast3A_375 = vector.bitcast %shift_left3A_374 : vector<16xi32> to vector<16xf32>
        %swap3A_376 = arith.constant 1 : i32
        %swap3A_377 = arith.index_cast %swap3A_376 : i32 to index
        %swap3A_378 = arith.index_cast %scan3A_326 : i32 to index
        %swap3A_379 = arith.constant 64 : index
        %swap3A_380 = tpu.vector_load %arg11[%swap3A_377, %swap3A_378, %swap3A_379] {strides = array<i32>} : memref<2x64x128xf32, #tpu.memory_space<vmem>>, vector<16xf32>,
        tpu.vector_store %arg11[%swap3A_377, %swap3A_378, %swap3A_379], %bitcast3A_375 {strides = array<i32>} : memref<2x64x128xf32, #tpu.memory_space<vmem>>, vector<16xf32>,
        %and3A_381 = arith.andi %get3A_371, %broadcast_in_dim3A_295 : vector<16xi32>
        %bitcast3A_382 = vector.bitcast %and3A_381 : vector<16xi32> to vector<16xf32>
        %swap3A_383 = arith.constant 1 : i32
        %swap3A_384 = arith.index_cast %swap3A_383 : i32 to index
        %swap3A_385 = arith.index_cast %scan3A_326 : i32 to index
        %swap3A_386 = arith.constant 80 : index
        %swap3A_387 = tpu.vector_load %arg11[%swap3A_384, %swap3A_385, %swap3A_386] {strides = array<i32>} : memref<2x64x128xf32, #tpu.memory_space<vmem>>, vector<16xf32>,
        tpu.vector_store %arg11[%swap3A_384, %swap3A_385, %swap3A_386], %bitcast3A_382 {strides = array<i32>} : memref<2x64x128xf32, #tpu.memory_space<vmem>>, vector<16xf32>,
        %get3A_388 = arith.constant 1 : i32
        %get3A_389 = arith.index_cast %get3A_388 : i32 to index
        %get3A_390 = arith.index_cast %add3A_329 : i32 to index
        %get3A_391 = arith.constant 48 : index
        %get3A_392 = tpu.vector_load %arg10[%get3A_389, %get3A_390, %get3A_391] {strides = array<i32>} : memref<2x128x64xi32, #tpu.memory_space<vmem>>, vector<16xi32>,
        %shift_left3A_393 = arith.constant 16 : i32
        %shift_left3A_394 = vector.broadcast %shift_left3A_393 : i32 to vector<16xi32>
        %shift_left3A_395 = arith.shli %get3A_392, %shift_left3A_394 : vector<16xi32>
        %bitcast3A_396 = vector.bitcast %shift_left3A_395 : vector<16xi32> to vector<16xf32>
        %swap3A_397 = arith.constant 1 : i32
        %swap3A_398 = arith.index_cast %swap3A_397 : i32 to index
        %swap3A_399 = arith.index_cast %scan3A_326 : i32 to index
        %swap3A_400 = arith.constant 96 : index
        %swap3A_401 = tpu.vector_load %arg11[%swap3A_398, %swap3A_399, %swap3A_400] {strides = array<i32>} : memref<2x64x128xf32, #tpu.memory_space<vmem>>, vector<16xf32>,
        tpu.vector_store %arg11[%swap3A_398, %swap3A_399, %swap3A_400], %bitcast3A_396 {strides = array<i32>} : memref<2x64x128xf32, #tpu.memory_space<vmem>>, vector<16xf32>,
        %and3A_402 = arith.andi %get3A_392, %broadcast_in_dim3A_295 : vector<16xi32>
        %bitcast3A_403 = vector.bitcast %and3A_402 : vector<16xi32> to vector<16xf32>
        %swap3A_404 = arith.constant 1 : i32
        %swap3A_405 = arith.index_cast %swap3A_404 : i32 to index
        %swap3A_406 = arith.index_cast %scan3A_326 : i32 to index
        %swap3A_407 = arith.constant 112 : index
        %swap3A_408 = tpu.vector_load %arg11[%swap3A_405, %swap3A_406, %swap3A_407] {strides = array<i32>} : memref<2x64x128xf32, #tpu.memory_space<vmem>>, vector<16xf32>,
        tpu.vector_store %arg11[%swap3A_405, %swap3A_406, %swap3A_407], %bitcast3A_403 {strides = array<i32>} : memref<2x64x128xf32, #tpu.memory_space<vmem>>, vector<16xf32>,
        %scan3A_409 = arith.constant 0 : i32
        scf.yield %scan3A_409 : i32
      }
      %scan3A_302 = arith.constant 64 : i32
      %mul3A_303 = arith.constant 2 : i32
      %mul3A_304 = arith.muli %mul3A_303, %add3A_248 : i32
      %add3A_305 = arith.constant 1 : i32
      %add3A_306 = arith.addi %mul3A_304, %add3A_305 : i32
      %dma_start3A_307 = arith.constant 1 : i32
      %dma_start3A_308 = arith.constant 0 : i32
      %dma_start3A_309 = arith.constant 0 : i32
      %dma_start3A_310 = tpu.memref_slice %arg11[%dma_start3A_307, %dma_start3A_308, %dma_start3A_309] : memref<2x64x128xf32, #tpu.memory_space<vmem>> -> memref<1x64x128xf32, #tpu.memory_space<vmem>>
      %dma_start3A_311 = tpu.memref_squeeze %dma_start3A_310 : memref<1x64x128xf32, #tpu.memory_space<vmem>> -> memref<64x128xf32, #tpu.memory_space<vmem>>
      %dma_start3A_312 = arith.constant 0 : i32
      %dma_start3A_313 = tpu.memref_slice %arg9[%add3A_306, %dma_start3A_312] : memref<40x64xi32, #tpu.memory_space<vmem>> -> memref<1x64xi32, #tpu.memory_space<vmem>>
      %dma_start3A_314 = tpu.memref_squeeze %dma_start3A_313 : memref<1x64xi32, #tpu.memory_space<vmem>> -> memref<64xi32, #tpu.memory_space<vmem>>
      %dma_start3A_315 = arith.constant 0 : i32
      %dma_start3A_316 = arith.constant 0 : i32
      %dma_start3A_317 = tpu.memref_slice %arg7[%dma_start3A_315, %dma_start3A_316] : memref<10240x128xf32, #tpu.memory_space<vmem_shared>> -> memref<10240x128xf32, #tpu.memory_space<vmem_shared>>
      tpu.enqueue_indirect_dma source(%dma_start3A_311 : memref<64x128xf32, #tpu.memory_space<vmem>>) target(%dma_start3A_317 : memref<10240x128xf32, #tpu.memory_space<vmem_shared>>) offsets(%dma_start3A_314 : memref<64xi32, #tpu.memory_space<vmem>>) semaphore(%arg15 : memref<!tpu.dma_semaphore, #tpu.memory_space<semaphore_mem>>) {add = true}
      %add3A_318 = arith.constant 2 : i32
      %add3A_319 = arith.addi %add3A_248, %add3A_318 : i32
      %lt3A_320 = arith.constant 20 : i32
      %lt3A_321 = arith.cmpi slt, %add3A_319, %lt3A_320 : i32
      %convert_element_type3A_322 = arith.extui %lt3A_321 : i1 to i32
      %cond3A_323 = arith.constant 0 : i32
      %cond3A_324 = arith.cmpi ne, %convert_element_type3A_322, %cond3A_323 : i32
      scf.if %cond3A_324 {
        %dma_start3A_326 = arith.constant 1 : i32
        %dma_start3A_327 = arith.constant 0 : i32
        %dma_start3A_328 = arith.constant 0 : i32
        %dma_start3A_329 = tpu.memref_slice %arg10[%dma_start3A_326, %dma_start3A_327, %dma_start3A_328] : memref<2x128x64xi32, #tpu.memory_space<vmem>> -> memref<1x128x64xi32, #tpu.memory_space<vmem>>
        %dma_start3A_330 = tpu.memref_squeeze %dma_start3A_329 : memref<1x128x64xi32, #tpu.memory_space<vmem>> -> memref<128x64xi32, #tpu.memory_space<vmem>>
        %dma_start3A_331 = arith.constant 0 : i32
        %dma_start3A_332 = tpu.memref_slice %arg8[%add3A_319, %dma_start3A_331] : memref<20x128xi32, #tpu.memory_space<vmem>> -> memref<1x128xi32, #tpu.memory_space<vmem>>
        %dma_start3A_333 = tpu.memref_squeeze %dma_start3A_332 : memref<1x128xi32, #tpu.memory_space<vmem>> -> memref<128xi32, #tpu.memory_space<vmem>>
        %dma_start3A_334 = arith.constant 0 : i32
        %dma_start3A_335 = arith.constant 0 : i32
        %dma_start3A_336 = tpu.memref_slice %arg2[%dma_start3A_334, %dma_start3A_335] : memref<40000x64xi32, #tpu.memory_space<hbm>> -> memref<40000x64xi32, #tpu.memory_space<hbm>>
        tpu.enqueue_indirect_dma source(%dma_start3A_336 : memref<40000x64xi32, #tpu.memory_space<hbm>>) target(%dma_start3A_330 : memref<128x64xi32, #tpu.memory_space<vmem>>) offsets(%dma_start3A_333 : memref<128xi32, #tpu.memory_space<vmem>>) semaphore(%arg13 : memref<!tpu.dma_semaphore, #tpu.memory_space<semaphore_mem>>)
      } else {
      }
      %scan3A_325 = arith.constant 0 : i32
      scf.yield %scan3A_325 : i32
    }
    %scan3A_73 = arith.constant 10 : i32
    %dma_wait3A = arith.constant 0 : i32
    %dma_wait3A_74 = arith.constant 0 : i32
    %dma_wait3A_75 = arith.constant 0 : i32
    %dma_wait3A_76 = arith.constant 0 : i32
    %dma_wait3A_77 = tpu.memref_slice %arg11[%dma_wait3A, %dma_wait3A_75, %dma_wait3A_76] : memref<2x64x128xf32, #tpu.memory_space<vmem>> -> memref<1x64x128xf32, #tpu.memory_space<vmem>>
    %dma_wait3A_78 = tpu.memref_squeeze %dma_wait3A_77 : memref<1x64x128xf32, #tpu.memory_space<vmem>> -> memref<64x128xf32, #tpu.memory_space<vmem>>
    %dma_wait3A_79 = arith.constant 0 : i32
    %dma_wait3A_80 = tpu.memref_slice %arg9[%dma_wait3A_74, %dma_wait3A_79] : memref<40x64xi32, #tpu.memory_space<vmem>> -> memref<1x64xi32, #tpu.memory_space<vmem>>
    %dma_wait3A_81 = tpu.memref_squeeze %dma_wait3A_80 : memref<1x64xi32, #tpu.memory_space<vmem>> -> memref<64xi32, #tpu.memory_space<vmem>>
    %dma_wait3A_82 = arith.constant 0 : i32
    %dma_wait3A_83 = arith.constant 0 : i32
    %dma_wait3A_84 = tpu.memref_slice %arg7[%dma_wait3A_82, %dma_wait3A_83] : memref<10240x128xf32, #tpu.memory_space<vmem_shared>> -> memref<10240x128xf32, #tpu.memory_space<vmem_shared>>
    tpu.wait_indirect_dma semaphore(%arg14 : memref<!tpu.dma_semaphore, #tpu.memory_space<semaphore_mem>>) src(%dma_wait3A_78 : memref<64x128xf32, #tpu.memory_space<vmem>>) dst(%dma_wait3A_84 : memref<10240x128xf32, #tpu.memory_space<vmem_shared>>)
    %dma_wait3A_85 = arith.constant 1 : i32
    %dma_wait3A_86 = arith.constant 0 : i32
    %dma_wait3A_87 = arith.constant 0 : i32
    %dma_wait3A_88 = arith.constant 0 : i32
    %dma_wait3A_89 = tpu.memref_slice %arg11[%dma_wait3A_85, %dma_wait3A_87, %dma_wait3A_88] : memref<2x64x128xf32, #tpu.memory_space<vmem>> -> memref<1x64x128xf32, #tpu.memory_space<vmem>>
    %dma_wait3A_90 = tpu.memref_squeeze %dma_wait3A_89 : memref<1x64x128xf32, #tpu.memory_space<vmem>> -> memref<64x128xf32, #tpu.memory_space<vmem>>
    %dma_wait3A_91 = arith.constant 0 : i32
    %dma_wait3A_92 = tpu.memref_slice %arg9[%dma_wait3A_86, %dma_wait3A_91] : memref<40x64xi32, #tpu.memory_space<vmem>> -> memref<1x64xi32, #tpu.memory_space<vmem>>
    %dma_wait3A_93 = tpu.memref_squeeze %dma_wait3A_92 : memref<1x64xi32, #tpu.memory_space<vmem>> -> memref<64xi32, #tpu.memory_space<vmem>>
    %dma_wait3A_94 = arith.constant 0 : i32
    %dma_wait3A_95 = arith.constant 0 : i32
    %dma_wait3A_96 = tpu.memref_slice %arg7[%dma_wait3A_94, %dma_wait3A_95] : memref<10240x128xf32, #tpu.memory_space<vmem_shared>> -> memref<10240x128xf32, #tpu.memory_space<vmem_shared>>
    tpu.wait_indirect_dma semaphore(%arg15 : memref<!tpu.dma_semaphore, #tpu.memory_space<semaphore_mem>>) src(%dma_wait3A_90 : memref<64x128xf32, #tpu.memory_space<vmem>>) dst(%dma_wait3A_96 : memref<10240x128xf32, #tpu.memory_space<vmem_shared>>)
    %mul3A_97 = arith.constant 40 : i32
    %mul3A_98 = arith.muli %add3A, %mul3A_97 : i32
    %add3A_99 = arith.constant 20 : i32
    %add3A_100 = arith.addi %mul3A_98, %add3A_99 : i32
    "tpu.region"() ({
      %run_scoped3A_166 = tpu.sem_alloc : memref<!tpu.dma_semaphore, #tpu.memory_space<semaphore_mem>>
      %dma_start3A_167 = arith.constant 0 : i32
      %dma_start3A_168 = tpu.memref_slice %arg3[%add3A_100, %dma_start3A_167] : memref<1280x128xi32, #tpu.memory_space<hbm>> -> memref<20x128xi32, #tpu.memory_space<hbm>>
      %dma_start3A_169 = arith.constant 0 : i32
      %dma_start3A_170 = tpu.memref_slice %arg3[%add3A_100, %dma_start3A_169] : memref<1280x128xi32, #tpu.memory_space<hbm>> -> memref<20x128xi32, #tpu.memory_space<hbm>>
      tpu.enqueue_dma source(%dma_start3A_170 : memref<20x128xi32, #tpu.memory_space<hbm>>) target(%arg8 : memref<20x128xi32, #tpu.memory_space<vmem>>) target_semaphore(%run_scoped3A_166 : memref<!tpu.dma_semaphore, #tpu.memory_space<semaphore_mem>>)
      %dma_wait3A_171 = arith.constant 0 : i32
      %dma_wait3A_172 = tpu.memref_slice %arg3[%add3A_100, %dma_wait3A_171] : memref<1280x128xi32, #tpu.memory_space<hbm>> -> memref<20x128xi32, #tpu.memory_space<hbm>>
      %dma_wait3A_173 = arith.constant 0 : i32
      %dma_wait3A_174 = tpu.memref_slice %arg3[%add3A_100, %dma_wait3A_173] : memref<1280x128xi32, #tpu.memory_space<hbm>> -> memref<20x128xi32, #tpu.memory_space<hbm>>
      tpu.wait_dma2 semaphore(%run_scoped3A_166 : memref<!tpu.dma_semaphore, #tpu.memory_space<semaphore_mem>>) src(%dma_wait3A_174 : memref<20x128xi32, #tpu.memory_space<hbm>>) dst(%arg8 : memref<20x128xi32, #tpu.memory_space<vmem>>)
      tpu.yield
    }) : () -> ()
    %mul3A_101 = arith.constant 2 : i32
    %mul3A_102 = arith.muli %mul3A_101, %add3A_100 : i32
    "tpu.region"() ({
      %run_scoped3A_166 = tpu.sem_alloc : memref<!tpu.dma_semaphore, #tpu.memory_space<semaphore_mem>>
      %dma_start3A_167 = arith.constant 0 : i32
      %dma_start3A_168 = tpu.memref_slice %arg4[%mul3A_102, %dma_start3A_167] : memref<2560x64xi32, #tpu.memory_space<hbm>> -> memref<40x64xi32, #tpu.memory_space<hbm>>
      %dma_start3A_169 = arith.constant 0 : i32
      %dma_start3A_170 = tpu.memref_slice %arg4[%mul3A_102, %dma_start3A_169] : memref<2560x64xi32, #tpu.memory_space<hbm>> -> memref<40x64xi32, #tpu.memory_space<hbm>>
      tpu.enqueue_dma source(%dma_start3A_170 : memref<40x64xi32, #tpu.memory_space<hbm>>) target(%arg9 : memref<40x64xi32, #tpu.memory_space<vmem>>) target_semaphore(%run_scoped3A_166 : memref<!tpu.dma_semaphore, #tpu.memory_space<semaphore_mem>>)
      %dma_wait3A_171 = arith.constant 0 : i32
      %dma_wait3A_172 = tpu.memref_slice %arg4[%mul3A_102, %dma_wait3A_171] : memref<2560x64xi32, #tpu.memory_space<hbm>> -> memref<40x64xi32, #tpu.memory_space<hbm>>
      %dma_wait3A_173 = arith.constant 0 : i32
      %dma_wait3A_174 = tpu.memref_slice %arg4[%mul3A_102, %dma_wait3A_173] : memref<2560x64xi32, #tpu.memory_space<hbm>> -> memref<40x64xi32, #tpu.memory_space<hbm>>
      tpu.wait_dma2 semaphore(%run_scoped3A_166 : memref<!tpu.dma_semaphore, #tpu.memory_space<semaphore_mem>>) src(%dma_wait3A_174 : memref<40x64xi32, #tpu.memory_space<hbm>>) dst(%arg9 : memref<40x64xi32, #tpu.memory_space<vmem>>)
      tpu.yield
    }) : () -> ()
    %dma_start3A_103 = arith.constant 0 : i32
    %dma_start3A_104 = arith.constant 0 : i32
    %dma_start3A_105 = arith.constant 0 : i32
    %dma_start3A_106 = arith.constant 0 : i32
    %dma_start3A_107 = tpu.memref_slice %arg10[%dma_start3A_104, %dma_start3A_105, %dma_start3A_106] : memref<2x128x64xi32, #tpu.memory_space<vmem>> -> memref<1x128x64xi32, #tpu.memory_space<vmem>>
    %dma_start3A_108 = tpu.memref_squeeze %dma_start3A_107 : memref<1x128x64xi32, #tpu.memory_space<vmem>> -> memref<128x64xi32, #tpu.memory_space<vmem>>
    %dma_start3A_109 = arith.constant 0 : i32
    %dma_start3A_110 = tpu.memref_slice %arg8[%dma_start3A_103, %dma_start3A_109] : memref<20x128xi32, #tpu.memory_space<vmem>> -> memref<1x128xi32, #tpu.memory_space<vmem>>
    %dma_start3A_111 = tpu.memref_squeeze %dma_start3A_110 : memref<1x128xi32, #tpu.memory_space<vmem>> -> memref<128xi32, #tpu.memory_space<vmem>>
    %dma_start3A_112 = arith.constant 0 : i32
    %dma_start3A_113 = arith.constant 0 : i32
    %dma_start3A_114 = tpu.memref_slice %arg2[%dma_start3A_112, %dma_start3A_113] : memref<40000x64xi32, #tpu.memory_space<hbm>> -> memref<40000x64xi32, #tpu.memory_space<hbm>>
    tpu.enqueue_indirect_dma source(%dma_start3A_114 : memref<40000x64xi32, #tpu.memory_space<hbm>>) target(%dma_start3A_108 : memref<128x64xi32, #tpu.memory_space<vmem>>) offsets(%dma_start3A_111 : memref<128xi32, #tpu.memory_space<vmem>>) semaphore(%arg12 : memref<!tpu.dma_semaphore, #tpu.memory_space<semaphore_mem>>)
    %dma_start3A_115 = arith.constant 1 : i32
    %dma_start3A_116 = arith.constant 1 : i32
    %dma_start3A_117 = arith.constant 0 : i32
    %dma_start3A_118 = arith.constant 0 : i32
    %dma_start3A_119 = tpu.memref_slice %arg10[%dma_start3A_116, %dma_start3A_117, %dma_start3A_118] : memref<2x128x64xi32, #tpu.memory_space<vmem>> -> memref<1x128x64xi32, #tpu.memory_space<vmem>>
    %dma_start3A_120 = tpu.memref_squeeze %dma_start3A_119 : memref<1x128x64xi32, #tpu.memory_space<vmem>> -> memref<128x64xi32, #tpu.memory_space<vmem>>
    %dma_start3A_121 = arith.constant 0 : i32
    %dma_start3A_122 = tpu.memref_slice %arg8[%dma_start3A_115, %dma_start3A_121] : memref<20x128xi32, #tpu.memory_space<vmem>> -> memref<1x128xi32, #tpu.memory_space<vmem>>
    %dma_start3A_123 = tpu.memref_squeeze %dma_start3A_122 : memref<1x128xi32, #tpu.memory_space<vmem>> -> memref<128xi32, #tpu.memory_space<vmem>>
    %dma_start3A_124 = arith.constant 0 : i32
    %dma_start3A_125 = arith.constant 0 : i32
    %dma_start3A_126 = tpu.memref_slice %arg2[%dma_start3A_124, %dma_start3A_125] : memref<40000x64xi32, #tpu.memory_space<hbm>> -> memref<40000x64xi32, #tpu.memory_space<hbm>>
    tpu.enqueue_indirect_dma source(%dma_start3A_126 : memref<40000x64xi32, #tpu.memory_space<hbm>>) target(%dma_start3A_120 : memref<128x64xi32, #tpu.memory_space<vmem>>) offsets(%dma_start3A_123 : memref<128xi32, #tpu.memory_space<vmem>>) semaphore(%arg13 : memref<!tpu.dma_semaphore, #tpu.memory_space<semaphore_mem>>)
    %scan3A_127 = arith.constant 0 : i32
    %scan3A_128 = arith.constant 0 : i32
    %scan3A_129 = arith.constant 10 : i32
    %scan3A_130 = arith.addi %scan3A_128, %scan3A_129 : i32
    %scan3A_131 = arith.constant 1 : i32
    %scan3A_132 = scf.for %scan3A_166 = %scan3A_128 to %scan3A_130 step %scan3A_131 iter_args(%scan3A_167 = %scan3A_127) -> (i32)  : i32 {
      %mul3A_168 = arith.constant 2 : i32
      %mul3A_169 = arith.muli %scan3A_166, %mul3A_168 : i32
      %add3A_170 = arith.constant 0 : i32
      %add3A_171 = arith.addi %mul3A_169, %add3A_170 : i32
      %dma_wait3A_172 = arith.constant 0 : i32
      %dma_wait3A_173 = arith.constant 0 : i32
      %dma_wait3A_174 = arith.constant 0 : i32
      %dma_wait3A_175 = tpu.memref_slice %arg10[%dma_wait3A_172, %dma_wait3A_173, %dma_wait3A_174] : memref<2x128x64xi32, #tpu.memory_space<vmem>> -> memref<1x128x64xi32, #tpu.memory_space<vmem>>
      %dma_wait3A_176 = tpu.memref_squeeze %dma_wait3A_175 : memref<1x128x64xi32, #tpu.memory_space<vmem>> -> memref<128x64xi32, #tpu.memory_space<vmem>>
      %dma_wait3A_177 = arith.constant 0 : i32
      %dma_wait3A_178 = tpu.memref_slice %arg8[%add3A_171, %dma_wait3A_177] : memref<20x128xi32, #tpu.memory_space<vmem>> -> memref<1x128xi32, #tpu.memory_space<vmem>>
      %dma_wait3A_179 = tpu.memref_squeeze %dma_wait3A_178 : memref<1x128xi32, #tpu.memory_space<vmem>> -> memref<128xi32, #tpu.memory_space<vmem>>
      %dma_wait3A_180 = arith.constant 0 : i32
      %dma_wait3A_181 = arith.constant 0 : i32
      %dma_wait3A_182 = tpu.memref_slice %arg2[%dma_wait3A_180, %dma_wait3A_181] : memref<40000x64xi32, #tpu.memory_space<hbm>> -> memref<40000x64xi32, #tpu.memory_space<hbm>>
      tpu.wait_indirect_dma semaphore(%arg12 : memref<!tpu.dma_semaphore, #tpu.memory_space<semaphore_mem>>) src(%dma_wait3A_182 : memref<40000x64xi32, #tpu.memory_space<hbm>>) dst(%dma_wait3A_176 : memref<128x64xi32, #tpu.memory_space<vmem>>)
      %gt3A = arith.constant 0 : i32
      %gt3A_183 = arith.cmpi sgt, %add3A_171, %gt3A : i32
      %convert_element_type3A_184 = arith.extui %gt3A_183 : i1 to i32
      %cond3A_185 = arith.constant 0 : i32
      %cond3A_186 = arith.cmpi ne, %convert_element_type3A_184, %cond3A_185 : i32
      scf.if %cond3A_186 {
        %dma_wait3A_326 = arith.constant 0 : i32
        %dma_wait3A_327 = arith.constant 0 : i32
        %dma_wait3A_328 = arith.constant 0 : i32
        %dma_wait3A_329 = arith.constant 0 : i32
        %dma_wait3A_330 = tpu.memref_slice %arg11[%dma_wait3A_326, %dma_wait3A_328, %dma_wait3A_329] : memref<2x64x128xf32, #tpu.memory_space<vmem>> -> memref<1x64x128xf32, #tpu.memory_space<vmem>>
        %dma_wait3A_331 = tpu.memref_squeeze %dma_wait3A_330 : memref<1x64x128xf32, #tpu.memory_space<vmem>> -> memref<64x128xf32, #tpu.memory_space<vmem>>
        %dma_wait3A_332 = arith.constant 0 : i32
        %dma_wait3A_333 = tpu.memref_slice %arg9[%dma_wait3A_327, %dma_wait3A_332] : memref<40x64xi32, #tpu.memory_space<vmem>> -> memref<1x64xi32, #tpu.memory_space<vmem>>
        %dma_wait3A_334 = tpu.memref_squeeze %dma_wait3A_333 : memref<1x64xi32, #tpu.memory_space<vmem>> -> memref<64xi32, #tpu.memory_space<vmem>>
        %dma_wait3A_335 = arith.constant 0 : i32
        %dma_wait3A_336 = arith.constant 0 : i32
        %dma_wait3A_337 = tpu.memref_slice %arg7[%dma_wait3A_335, %dma_wait3A_336] : memref<10240x128xf32, #tpu.memory_space<vmem_shared>> -> memref<10240x128xf32, #tpu.memory_space<vmem_shared>>
        tpu.wait_indirect_dma semaphore(%arg14 : memref<!tpu.dma_semaphore, #tpu.memory_space<semaphore_mem>>) src(%dma_wait3A_331 : memref<64x128xf32, #tpu.memory_space<vmem>>) dst(%dma_wait3A_337 : memref<10240x128xf32, #tpu.memory_space<vmem_shared>>)
      } else {
      }
      %broadcast_in_dim3A = arith.constant -65536 : i32
      %broadcast_in_dim3A_187 = vector.broadcast %broadcast_in_dim3A : i32 to vector<16xi32>
      %scan3A_188 = arith.constant 0 : i32
      %scan3A_189 = arith.constant 0 : i32
      %scan3A_190 = arith.constant 64 : i32
      %scan3A_191 = arith.addi %scan3A_189, %scan3A_190 : i32
      %scan3A_192 = arith.constant 1 : i32
      %scan3A_193 = scf.for %scan3A_326 = %scan3A_189 to %scan3A_191 step %scan3A_192 iter_args(%scan3A_327 = %scan3A_188) -> (i32)  : i32 {
        %add3A_328 = arith.constant 0 : i32
        %add3A_329 = arith.addi %add3A_328, %scan3A_326 : i32
        %get3A = arith.constant 0 : i32
        %get3A_330 = arith.index_cast %get3A : i32 to index
        %get3A_331 = arith.index_cast %add3A_329 : i32 to index
        %get3A_332 = arith.constant 0 : index
        %get3A_333 = tpu.vector_load %arg10[%get3A_330, %get3A_331, %get3A_332] {strides = array<i32>} : memref<2x128x64xi32, #tpu.memory_space<vmem>>, vector<16xi32>,
        %shift_left3A = arith.constant 16 : i32
        %shift_left3A_334 = vector.broadcast %shift_left3A : i32 to vector<16xi32>
        %shift_left3A_335 = arith.shli %get3A_333, %shift_left3A_334 : vector<16xi32>
        %bitcast3A = vector.bitcast %shift_left3A_335 : vector<16xi32> to vector<16xf32>
        %swap3A = arith.constant 0 : i32
        %swap3A_336 = arith.index_cast %swap3A : i32 to index
        %swap3A_337 = arith.index_cast %scan3A_326 : i32 to index
        %swap3A_338 = arith.constant 0 : index
        %swap3A_339 = tpu.vector_load %arg11[%swap3A_336, %swap3A_337, %swap3A_338] {strides = array<i32>} : memref<2x64x128xf32, #tpu.memory_space<vmem>>, vector<16xf32>,
        tpu.vector_store %arg11[%swap3A_336, %swap3A_337, %swap3A_338], %bitcast3A {strides = array<i32>} : memref<2x64x128xf32, #tpu.memory_space<vmem>>, vector<16xf32>,
        %and3A = arith.andi %get3A_333, %broadcast_in_dim3A_187 : vector<16xi32>
        %bitcast3A_340 = vector.bitcast %and3A : vector<16xi32> to vector<16xf32>
        %swap3A_341 = arith.constant 0 : i32
        %swap3A_342 = arith.index_cast %swap3A_341 : i32 to index
        %swap3A_343 = arith.index_cast %scan3A_326 : i32 to index
        %swap3A_344 = arith.constant 16 : index
        %swap3A_345 = tpu.vector_load %arg11[%swap3A_342, %swap3A_343, %swap3A_344] {strides = array<i32>} : memref<2x64x128xf32, #tpu.memory_space<vmem>>, vector<16xf32>,
        tpu.vector_store %arg11[%swap3A_342, %swap3A_343, %swap3A_344], %bitcast3A_340 {strides = array<i32>} : memref<2x64x128xf32, #tpu.memory_space<vmem>>, vector<16xf32>,
        %get3A_346 = arith.constant 0 : i32
        %get3A_347 = arith.index_cast %get3A_346 : i32 to index
        %get3A_348 = arith.index_cast %add3A_329 : i32 to index
        %get3A_349 = arith.constant 16 : index
        %get3A_350 = tpu.vector_load %arg10[%get3A_347, %get3A_348, %get3A_349] {strides = array<i32>} : memref<2x128x64xi32, #tpu.memory_space<vmem>>, vector<16xi32>,
        %shift_left3A_351 = arith.constant 16 : i32
        %shift_left3A_352 = vector.broadcast %shift_left3A_351 : i32 to vector<16xi32>
        %shift_left3A_353 = arith.shli %get3A_350, %shift_left3A_352 : vector<16xi32>
        %bitcast3A_354 = vector.bitcast %shift_left3A_353 : vector<16xi32> to vector<16xf32>
        %swap3A_355 = arith.constant 0 : i32
        %swap3A_356 = arith.index_cast %swap3A_355 : i32 to index
        %swap3A_357 = arith.index_cast %scan3A_326 : i32 to index
        %swap3A_358 = arith.constant 32 : index
        %swap3A_359 = tpu.vector_load %arg11[%swap3A_356, %swap3A_357, %swap3A_358] {strides = array<i32>} : memref<2x64x128xf32, #tpu.memory_space<vmem>>, vector<16xf32>,
        tpu.vector_store %arg11[%swap3A_356, %swap3A_357, %swap3A_358], %bitcast3A_354 {strides = array<i32>} : memref<2x64x128xf32, #tpu.memory_space<vmem>>, vector<16xf32>,
        %and3A_360 = arith.andi %get3A_350, %broadcast_in_dim3A_187 : vector<16xi32>
        %bitcast3A_361 = vector.bitcast %and3A_360 : vector<16xi32> to vector<16xf32>
        %swap3A_362 = arith.constant 0 : i32
        %swap3A_363 = arith.index_cast %swap3A_362 : i32 to index
        %swap3A_364 = arith.index_cast %scan3A_326 : i32 to index
        %swap3A_365 = arith.constant 48 : index
        %swap3A_366 = tpu.vector_load %arg11[%swap3A_363, %swap3A_364, %swap3A_365] {strides = array<i32>} : memref<2x64x128xf32, #tpu.memory_space<vmem>>, vector<16xf32>,
        tpu.vector_store %arg11[%swap3A_363, %swap3A_364, %swap3A_365], %bitcast3A_361 {strides = array<i32>} : memref<2x64x128xf32, #tpu.memory_space<vmem>>, vector<16xf32>,
        %get3A_367 = arith.constant 0 : i32
        %get3A_368 = arith.index_cast %get3A_367 : i32 to index
        %get3A_369 = arith.index_cast %add3A_329 : i32 to index
        %get3A_370 = arith.constant 32 : index
        %get3A_371 = tpu.vector_load %arg10[%get3A_368, %get3A_369, %get3A_370] {strides = array<i32>} : memref<2x128x64xi32, #tpu.memory_space<vmem>>, vector<16xi32>,
        %shift_left3A_372 = arith.constant 16 : i32
        %shift_left3A_373 = vector.broadcast %shift_left3A_372 : i32 to vector<16xi32>
        %shift_left3A_374 = arith.shli %get3A_371, %shift_left3A_373 : vector<16xi32>
        %bitcast3A_375 = vector.bitcast %shift_left3A_374 : vector<16xi32> to vector<16xf32>
        %swap3A_376 = arith.constant 0 : i32
        %swap3A_377 = arith.index_cast %swap3A_376 : i32 to index
        %swap3A_378 = arith.index_cast %scan3A_326 : i32 to index
        %swap3A_379 = arith.constant 64 : index
        %swap3A_380 = tpu.vector_load %arg11[%swap3A_377, %swap3A_378, %swap3A_379] {strides = array<i32>} : memref<2x64x128xf32, #tpu.memory_space<vmem>>, vector<16xf32>,
        tpu.vector_store %arg11[%swap3A_377, %swap3A_378, %swap3A_379], %bitcast3A_375 {strides = array<i32>} : memref<2x64x128xf32, #tpu.memory_space<vmem>>, vector<16xf32>,
        %and3A_381 = arith.andi %get3A_371, %broadcast_in_dim3A_187 : vector<16xi32>
        %bitcast3A_382 = vector.bitcast %and3A_381 : vector<16xi32> to vector<16xf32>
        %swap3A_383 = arith.constant 0 : i32
        %swap3A_384 = arith.index_cast %swap3A_383 : i32 to index
        %swap3A_385 = arith.index_cast %scan3A_326 : i32 to index
        %swap3A_386 = arith.constant 80 : index
        %swap3A_387 = tpu.vector_load %arg11[%swap3A_384, %swap3A_385, %swap3A_386] {strides = array<i32>} : memref<2x64x128xf32, #tpu.memory_space<vmem>>, vector<16xf32>,
        tpu.vector_store %arg11[%swap3A_384, %swap3A_385, %swap3A_386], %bitcast3A_382 {strides = array<i32>} : memref<2x64x128xf32, #tpu.memory_space<vmem>>, vector<16xf32>,
        %get3A_388 = arith.constant 0 : i32
        %get3A_389 = arith.index_cast %get3A_388 : i32 to index
        %get3A_390 = arith.index_cast %add3A_329 : i32 to index
        %get3A_391 = arith.constant 48 : index
        %get3A_392 = tpu.vector_load %arg10[%get3A_389, %get3A_390, %get3A_391] {strides = array<i32>} : memref<2x128x64xi32, #tpu.memory_space<vmem>>, vector<16xi32>,
        %shift_left3A_393 = arith.constant 16 : i32
        %shift_left3A_394 = vector.broadcast %shift_left3A_393 : i32 to vector<16xi32>
        %shift_left3A_395 = arith.shli %get3A_392, %shift_left3A_394 : vector<16xi32>
        %bitcast3A_396 = vector.bitcast %shift_left3A_395 : vector<16xi32> to vector<16xf32>
        %swap3A_397 = arith.constant 0 : i32
        %swap3A_398 = arith.index_cast %swap3A_397 : i32 to index
        %swap3A_399 = arith.index_cast %scan3A_326 : i32 to index
        %swap3A_400 = arith.constant 96 : index
        %swap3A_401 = tpu.vector_load %arg11[%swap3A_398, %swap3A_399, %swap3A_400] {strides = array<i32>} : memref<2x64x128xf32, #tpu.memory_space<vmem>>, vector<16xf32>,
        tpu.vector_store %arg11[%swap3A_398, %swap3A_399, %swap3A_400], %bitcast3A_396 {strides = array<i32>} : memref<2x64x128xf32, #tpu.memory_space<vmem>>, vector<16xf32>,
        %and3A_402 = arith.andi %get3A_392, %broadcast_in_dim3A_187 : vector<16xi32>
        %bitcast3A_403 = vector.bitcast %and3A_402 : vector<16xi32> to vector<16xf32>
        %swap3A_404 = arith.constant 0 : i32
        %swap3A_405 = arith.index_cast %swap3A_404 : i32 to index
        %swap3A_406 = arith.index_cast %scan3A_326 : i32 to index
        %swap3A_407 = arith.constant 112 : index
        %swap3A_408 = tpu.vector_load %arg11[%swap3A_405, %swap3A_406, %swap3A_407] {strides = array<i32>} : memref<2x64x128xf32, #tpu.memory_space<vmem>>, vector<16xf32>,
        tpu.vector_store %arg11[%swap3A_405, %swap3A_406, %swap3A_407], %bitcast3A_403 {strides = array<i32>} : memref<2x64x128xf32, #tpu.memory_space<vmem>>, vector<16xf32>,
        %scan3A_409 = arith.constant 0 : i32
        scf.yield %scan3A_409 : i32
      }
      %scan3A_194 = arith.constant 64 : i32
      %mul3A_195 = arith.constant 2 : i32
      %mul3A_196 = arith.muli %mul3A_195, %add3A_171 : i32
      %add3A_197 = arith.constant 0 : i32
      %add3A_198 = arith.addi %mul3A_196, %add3A_197 : i32
      %dma_start3A_199 = arith.constant 0 : i32
      %dma_start3A_200 = arith.constant 0 : i32
      %dma_start3A_201 = arith.constant 0 : i32
      %dma_start3A_202 = tpu.memref_slice %arg11[%dma_start3A_199, %dma_start3A_200, %dma_start3A_201] : memref<2x64x128xf32, #tpu.memory_space<vmem>> -> memref<1x64x128xf32, #tpu.memory_space<vmem>>
      %dma_start3A_203 = tpu.memref_squeeze %dma_start3A_202 : memref<1x64x128xf32, #tpu.memory_space<vmem>> -> memref<64x128xf32, #tpu.memory_space<vmem>>
      %dma_start3A_204 = arith.constant 0 : i32
      %dma_start3A_205 = tpu.memref_slice %arg9[%add3A_198, %dma_start3A_204] : memref<40x64xi32, #tpu.memory_space<vmem>> -> memref<1x64xi32, #tpu.memory_space<vmem>>
      %dma_start3A_206 = tpu.memref_squeeze %dma_start3A_205 : memref<1x64xi32, #tpu.memory_space<vmem>> -> memref<64xi32, #tpu.memory_space<vmem>>
      %dma_start3A_207 = arith.constant 0 : i32
      %dma_start3A_208 = arith.constant 0 : i32
      %dma_start3A_209 = tpu.memref_slice %arg7[%dma_start3A_207, %dma_start3A_208] : memref<10240x128xf32, #tpu.memory_space<vmem_shared>> -> memref<10240x128xf32, #tpu.memory_space<vmem_shared>>
      tpu.enqueue_indirect_dma source(%dma_start3A_203 : memref<64x128xf32, #tpu.memory_space<vmem>>) target(%dma_start3A_209 : memref<10240x128xf32, #tpu.memory_space<vmem_shared>>) offsets(%dma_start3A_206 : memref<64xi32, #tpu.memory_space<vmem>>) semaphore(%arg14 : memref<!tpu.dma_semaphore, #tpu.memory_space<semaphore_mem>>) {add = true}
      %gt3A_210 = arith.constant 0 : i32
      %gt3A_211 = arith.cmpi sgt, %add3A_171, %gt3A_210 : i32
      %convert_element_type3A_212 = arith.extui %gt3A_211 : i1 to i32
      %cond3A_213 = arith.constant 0 : i32
      %cond3A_214 = arith.cmpi ne, %convert_element_type3A_212, %cond3A_213 : i32
      scf.if %cond3A_214 {
        %dma_wait3A_326 = arith.constant 1 : i32
        %dma_wait3A_327 = arith.constant 0 : i32
        %dma_wait3A_328 = arith.constant 0 : i32
        %dma_wait3A_329 = arith.constant 0 : i32
        %dma_wait3A_330 = tpu.memref_slice %arg11[%dma_wait3A_326, %dma_wait3A_328, %dma_wait3A_329] : memref<2x64x128xf32, #tpu.memory_space<vmem>> -> memref<1x64x128xf32, #tpu.memory_space<vmem>>
        %dma_wait3A_331 = tpu.memref_squeeze %dma_wait3A_330 : memref<1x64x128xf32, #tpu.memory_space<vmem>> -> memref<64x128xf32, #tpu.memory_space<vmem>>
        %dma_wait3A_332 = arith.constant 0 : i32
        %dma_wait3A_333 = tpu.memref_slice %arg9[%dma_wait3A_327, %dma_wait3A_332] : memref<40x64xi32, #tpu.memory_space<vmem>> -> memref<1x64xi32, #tpu.memory_space<vmem>>
        %dma_wait3A_334 = tpu.memref_squeeze %dma_wait3A_333 : memref<1x64xi32, #tpu.memory_space<vmem>> -> memref<64xi32, #tpu.memory_space<vmem>>
        %dma_wait3A_335 = arith.constant 0 : i32
        %dma_wait3A_336 = arith.constant 0 : i32
        %dma_wait3A_337 = tpu.memref_slice %arg7[%dma_wait3A_335, %dma_wait3A_336] : memref<10240x128xf32, #tpu.memory_space<vmem_shared>> -> memref<10240x128xf32, #tpu.memory_space<vmem_shared>>
        tpu.wait_indirect_dma semaphore(%arg15 : memref<!tpu.dma_semaphore, #tpu.memory_space<semaphore_mem>>) src(%dma_wait3A_331 : memref<64x128xf32, #tpu.memory_space<vmem>>) dst(%dma_wait3A_337 : memref<10240x128xf32, #tpu.memory_space<vmem_shared>>)
      } else {
      }
      %broadcast_in_dim3A_215 = arith.constant -65536 : i32
      %broadcast_in_dim3A_216 = vector.broadcast %broadcast_in_dim3A_215 : i32 to vector<16xi32>
      %scan3A_217 = arith.constant 0 : i32
      %scan3A_218 = arith.constant 0 : i32
      %scan3A_219 = arith.constant 64 : i32
      %scan3A_220 = arith.addi %scan3A_218, %scan3A_219 : i32
      %scan3A_221 = arith.constant 1 : i32
      %scan3A_222 = scf.for %scan3A_326 = %scan3A_218 to %scan3A_220 step %scan3A_221 iter_args(%scan3A_327 = %scan3A_217) -> (i32)  : i32 {
        %add3A_328 = arith.constant 64 : i32
        %add3A_329 = arith.addi %add3A_328, %scan3A_326 : i32
        %get3A = arith.constant 0 : i32
        %get3A_330 = arith.index_cast %get3A : i32 to index
        %get3A_331 = arith.index_cast %add3A_329 : i32 to index
        %get3A_332 = arith.constant 0 : index
        %get3A_333 = tpu.vector_load %arg10[%get3A_330, %get3A_331, %get3A_332] {strides = array<i32>} : memref<2x128x64xi32, #tpu.memory_space<vmem>>, vector<16xi32>,
        %shift_left3A = arith.constant 16 : i32
        %shift_left3A_334 = vector.broadcast %shift_left3A : i32 to vector<16xi32>
        %shift_left3A_335 = arith.shli %get3A_333, %shift_left3A_334 : vector<16xi32>
        %bitcast3A = vector.bitcast %shift_left3A_335 : vector<16xi32> to vector<16xf32>
        %swap3A = arith.constant 1 : i32
        %swap3A_336 = arith.index_cast %swap3A : i32 to index
        %swap3A_337 = arith.index_cast %scan3A_326 : i32 to index
        %swap3A_338 = arith.constant 0 : index
        %swap3A_339 = tpu.vector_load %arg11[%swap3A_336, %swap3A_337, %swap3A_338] {strides = array<i32>} : memref<2x64x128xf32, #tpu.memory_space<vmem>>, vector<16xf32>,
        tpu.vector_store %arg11[%swap3A_336, %swap3A_337, %swap3A_338], %bitcast3A {strides = array<i32>} : memref<2x64x128xf32, #tpu.memory_space<vmem>>, vector<16xf32>,
        %and3A = arith.andi %get3A_333, %broadcast_in_dim3A_216 : vector<16xi32>
        %bitcast3A_340 = vector.bitcast %and3A : vector<16xi32> to vector<16xf32>
        %swap3A_341 = arith.constant 1 : i32
        %swap3A_342 = arith.index_cast %swap3A_341 : i32 to index
        %swap3A_343 = arith.index_cast %scan3A_326 : i32 to index
        %swap3A_344 = arith.constant 16 : index
        %swap3A_345 = tpu.vector_load %arg11[%swap3A_342, %swap3A_343, %swap3A_344] {strides = array<i32>} : memref<2x64x128xf32, #tpu.memory_space<vmem>>, vector<16xf32>,
        tpu.vector_store %arg11[%swap3A_342, %swap3A_343, %swap3A_344], %bitcast3A_340 {strides = array<i32>} : memref<2x64x128xf32, #tpu.memory_space<vmem>>, vector<16xf32>,
        %get3A_346 = arith.constant 0 : i32
        %get3A_347 = arith.index_cast %get3A_346 : i32 to index
        %get3A_348 = arith.index_cast %add3A_329 : i32 to index
        %get3A_349 = arith.constant 16 : index
        %get3A_350 = tpu.vector_load %arg10[%get3A_347, %get3A_348, %get3A_349] {strides = array<i32>} : memref<2x128x64xi32, #tpu.memory_space<vmem>>, vector<16xi32>,
        %shift_left3A_351 = arith.constant 16 : i32
        %shift_left3A_352 = vector.broadcast %shift_left3A_351 : i32 to vector<16xi32>
        %shift_left3A_353 = arith.shli %get3A_350, %shift_left3A_352 : vector<16xi32>
        %bitcast3A_354 = vector.bitcast %shift_left3A_353 : vector<16xi32> to vector<16xf32>
        %swap3A_355 = arith.constant 1 : i32
        %swap3A_356 = arith.index_cast %swap3A_355 : i32 to index
        %swap3A_357 = arith.index_cast %scan3A_326 : i32 to index
        %swap3A_358 = arith.constant 32 : index
        %swap3A_359 = tpu.vector_load %arg11[%swap3A_356, %swap3A_357, %swap3A_358] {strides = array<i32>} : memref<2x64x128xf32, #tpu.memory_space<vmem>>, vector<16xf32>,
        tpu.vector_store %arg11[%swap3A_356, %swap3A_357, %swap3A_358], %bitcast3A_354 {strides = array<i32>} : memref<2x64x128xf32, #tpu.memory_space<vmem>>, vector<16xf32>,
        %and3A_360 = arith.andi %get3A_350, %broadcast_in_dim3A_216 : vector<16xi32>
        %bitcast3A_361 = vector.bitcast %and3A_360 : vector<16xi32> to vector<16xf32>
        %swap3A_362 = arith.constant 1 : i32
        %swap3A_363 = arith.index_cast %swap3A_362 : i32 to index
        %swap3A_364 = arith.index_cast %scan3A_326 : i32 to index
        %swap3A_365 = arith.constant 48 : index
        %swap3A_366 = tpu.vector_load %arg11[%swap3A_363, %swap3A_364, %swap3A_365] {strides = array<i32>} : memref<2x64x128xf32, #tpu.memory_space<vmem>>, vector<16xf32>,
        tpu.vector_store %arg11[%swap3A_363, %swap3A_364, %swap3A_365], %bitcast3A_361 {strides = array<i32>} : memref<2x64x128xf32, #tpu.memory_space<vmem>>, vector<16xf32>,
        %get3A_367 = arith.constant 0 : i32
        %get3A_368 = arith.index_cast %get3A_367 : i32 to index
        %get3A_369 = arith.index_cast %add3A_329 : i32 to index
        %get3A_370 = arith.constant 32 : index
        %get3A_371 = tpu.vector_load %arg10[%get3A_368, %get3A_369, %get3A_370] {strides = array<i32>} : memref<2x128x64xi32, #tpu.memory_space<vmem>>, vector<16xi32>,
        %shift_left3A_372 = arith.constant 16 : i32
        %shift_left3A_373 = vector.broadcast %shift_left3A_372 : i32 to vector<16xi32>
        %shift_left3A_374 = arith.shli %get3A_371, %shift_left3A_373 : vector<16xi32>
        %bitcast3A_375 = vector.bitcast %shift_left3A_374 : vector<16xi32> to vector<16xf32>
        %swap3A_376 = arith.constant 1 : i32
        %swap3A_377 = arith.index_cast %swap3A_376 : i32 to index
        %swap3A_378 = arith.index_cast %scan3A_326 : i32 to index
        %swap3A_379 = arith.constant 64 : index
        %swap3A_380 = tpu.vector_load %arg11[%swap3A_377, %swap3A_378, %swap3A_379] {strides = array<i32>} : memref<2x64x128xf32, #tpu.memory_space<vmem>>, vector<16xf32>,
        tpu.vector_store %arg11[%swap3A_377, %swap3A_378, %swap3A_379], %bitcast3A_375 {strides = array<i32>} : memref<2x64x128xf32, #tpu.memory_space<vmem>>, vector<16xf32>,
        %and3A_381 = arith.andi %get3A_371, %broadcast_in_dim3A_216 : vector<16xi32>
        %bitcast3A_382 = vector.bitcast %and3A_381 : vector<16xi32> to vector<16xf32>
        %swap3A_383 = arith.constant 1 : i32
        %swap3A_384 = arith.index_cast %swap3A_383 : i32 to index
        %swap3A_385 = arith.index_cast %scan3A_326 : i32 to index
        %swap3A_386 = arith.constant 80 : index
        %swap3A_387 = tpu.vector_load %arg11[%swap3A_384, %swap3A_385, %swap3A_386] {strides = array<i32>} : memref<2x64x128xf32, #tpu.memory_space<vmem>>, vector<16xf32>,
        tpu.vector_store %arg11[%swap3A_384, %swap3A_385, %swap3A_386], %bitcast3A_382 {strides = array<i32>} : memref<2x64x128xf32, #tpu.memory_space<vmem>>, vector<16xf32>,
        %get3A_388 = arith.constant 0 : i32
        %get3A_389 = arith.index_cast %get3A_388 : i32 to index
        %get3A_390 = arith.index_cast %add3A_329 : i32 to index
        %get3A_391 = arith.constant 48 : index
        %get3A_392 = tpu.vector_load %arg10[%get3A_389, %get3A_390, %get3A_391] {strides = array<i32>} : memref<2x128x64xi32, #tpu.memory_space<vmem>>, vector<16xi32>,
        %shift_left3A_393 = arith.constant 16 : i32
        %shift_left3A_394 = vector.broadcast %shift_left3A_393 : i32 to vector<16xi32>
        %shift_left3A_395 = arith.shli %get3A_392, %shift_left3A_394 : vector<16xi32>
        %bitcast3A_396 = vector.bitcast %shift_left3A_395 : vector<16xi32> to vector<16xf32>
        %swap3A_397 = arith.constant 1 : i32
        %swap3A_398 = arith.index_cast %swap3A_397 : i32 to index
        %swap3A_399 = arith.index_cast %scan3A_326 : i32 to index
        %swap3A_400 = arith.constant 96 : index
        %swap3A_401 = tpu.vector_load %arg11[%swap3A_398, %swap3A_399, %swap3A_400] {strides = array<i32>} : memref<2x64x128xf32, #tpu.memory_space<vmem>>, vector<16xf32>,
        tpu.vector_store %arg11[%swap3A_398, %swap3A_399, %swap3A_400], %bitcast3A_396 {strides = array<i32>} : memref<2x64x128xf32, #tpu.memory_space<vmem>>, vector<16xf32>,
        %and3A_402 = arith.andi %get3A_392, %broadcast_in_dim3A_216 : vector<16xi32>
        %bitcast3A_403 = vector.bitcast %and3A_402 : vector<16xi32> to vector<16xf32>
        %swap3A_404 = arith.constant 1 : i32
        %swap3A_405 = arith.index_cast %swap3A_404 : i32 to index
        %swap3A_406 = arith.index_cast %scan3A_326 : i32 to index
        %swap3A_407 = arith.constant 112 : index
        %swap3A_408 = tpu.vector_load %arg11[%swap3A_405, %swap3A_406, %swap3A_407] {strides = array<i32>} : memref<2x64x128xf32, #tpu.memory_space<vmem>>, vector<16xf32>,
        tpu.vector_store %arg11[%swap3A_405, %swap3A_406, %swap3A_407], %bitcast3A_403 {strides = array<i32>} : memref<2x64x128xf32, #tpu.memory_space<vmem>>, vector<16xf32>,
        %scan3A_409 = arith.constant 0 : i32
        scf.yield %scan3A_409 : i32
      }
      %scan3A_223 = arith.constant 64 : i32
      %mul3A_224 = arith.constant 2 : i32
      %mul3A_225 = arith.muli %mul3A_224, %add3A_171 : i32
      %add3A_226 = arith.constant 1 : i32
      %add3A_227 = arith.addi %mul3A_225, %add3A_226 : i32
      %dma_start3A_228 = arith.constant 1 : i32
      %dma_start3A_229 = arith.constant 0 : i32
      %dma_start3A_230 = arith.constant 0 : i32
      %dma_start3A_231 = tpu.memref_slice %arg11[%dma_start3A_228, %dma_start3A_229, %dma_start3A_230] : memref<2x64x128xf32, #tpu.memory_space<vmem>> -> memref<1x64x128xf32, #tpu.memory_space<vmem>>
      %dma_start3A_232 = tpu.memref_squeeze %dma_start3A_231 : memref<1x64x128xf32, #tpu.memory_space<vmem>> -> memref<64x128xf32, #tpu.memory_space<vmem>>
      %dma_start3A_233 = arith.constant 0 : i32
      %dma_start3A_234 = tpu.memref_slice %arg9[%add3A_227, %dma_start3A_233] : memref<40x64xi32, #tpu.memory_space<vmem>> -> memref<1x64xi32, #tpu.memory_space<vmem>>
      %dma_start3A_235 = tpu.memref_squeeze %dma_start3A_234 : memref<1x64xi32, #tpu.memory_space<vmem>> -> memref<64xi32, #tpu.memory_space<vmem>>
      %dma_start3A_236 = arith.constant 0 : i32
      %dma_start3A_237 = arith.constant 0 : i32
      %dma_start3A_238 = tpu.memref_slice %arg7[%dma_start3A_236, %dma_start3A_237] : memref<10240x128xf32, #tpu.memory_space<vmem_shared>> -> memref<10240x128xf32, #tpu.memory_space<vmem_shared>>
      tpu.enqueue_indirect_dma source(%dma_start3A_232 : memref<64x128xf32, #tpu.memory_space<vmem>>) target(%dma_start3A_238 : memref<10240x128xf32, #tpu.memory_space<vmem_shared>>) offsets(%dma_start3A_235 : memref<64xi32, #tpu.memory_space<vmem>>) semaphore(%arg15 : memref<!tpu.dma_semaphore, #tpu.memory_space<semaphore_mem>>) {add = true}
      %add3A_239 = arith.constant 2 : i32
      %add3A_240 = arith.addi %add3A_171, %add3A_239 : i32
      %lt3A = arith.constant 20 : i32
      %lt3A_241 = arith.cmpi slt, %add3A_240, %lt3A : i32
      %convert_element_type3A_242 = arith.extui %lt3A_241 : i1 to i32
      %cond3A_243 = arith.constant 0 : i32
      %cond3A_244 = arith.cmpi ne, %convert_element_type3A_242, %cond3A_243 : i32
      scf.if %cond3A_244 {
        %dma_start3A_326 = arith.constant 0 : i32
        %dma_start3A_327 = arith.constant 0 : i32
        %dma_start3A_328 = arith.constant 0 : i32
        %dma_start3A_329 = tpu.memref_slice %arg10[%dma_start3A_326, %dma_start3A_327, %dma_start3A_328] : memref<2x128x64xi32, #tpu.memory_space<vmem>> -> memref<1x128x64xi32, #tpu.memory_space<vmem>>
        %dma_start3A_330 = tpu.memref_squeeze %dma_start3A_329 : memref<1x128x64xi32, #tpu.memory_space<vmem>> -> memref<128x64xi32, #tpu.memory_space<vmem>>
        %dma_start3A_331 = arith.constant 0 : i32
        %dma_start3A_332 = tpu.memref_slice %arg8[%add3A_240, %dma_start3A_331] : memref<20x128xi32, #tpu.memory_space<vmem>> -> memref<1x128xi32, #tpu.memory_space<vmem>>
        %dma_start3A_333 = tpu.memref_squeeze %dma_start3A_332 : memref<1x128xi32, #tpu.memory_space<vmem>> -> memref<128xi32, #tpu.memory_space<vmem>>
        %dma_start3A_334 = arith.constant 0 : i32
        %dma_start3A_335 = arith.constant 0 : i32
        %dma_start3A_336 = tpu.memref_slice %arg2[%dma_start3A_334, %dma_start3A_335] : memref<40000x64xi32, #tpu.memory_space<hbm>> -> memref<40000x64xi32, #tpu.memory_space<hbm>>
        tpu.enqueue_indirect_dma source(%dma_start3A_336 : memref<40000x64xi32, #tpu.memory_space<hbm>>) target(%dma_start3A_330 : memref<128x64xi32, #tpu.memory_space<vmem>>) offsets(%dma_start3A_333 : memref<128xi32, #tpu.memory_space<vmem>>) semaphore(%arg12 : memref<!tpu.dma_semaphore, #tpu.memory_space<semaphore_mem>>)
      } else {
      }
      %mul3A_245 = arith.constant 2 : i32
      %mul3A_246 = arith.muli %scan3A_166, %mul3A_245 : i32
      %add3A_247 = arith.constant 1 : i32
      %add3A_248 = arith.addi %mul3A_246, %add3A_247 : i32
      %dma_wait3A_249 = arith.constant 1 : i32
      %dma_wait3A_250 = arith.constant 0 : i32
      %dma_wait3A_251 = arith.constant 0 : i32
      %dma_wait3A_252 = tpu.memref_slice %arg10[%dma_wait3A_249, %dma_wait3A_250, %dma_wait3A_251] : memref<2x128x64xi32, #tpu.memory_space<vmem>> -> memref<1x128x64xi32, #tpu.memory_space<vmem>>
      %dma_wait3A_253 = tpu.memref_squeeze %dma_wait3A_252 : memref<1x128x64xi32, #tpu.memory_space<vmem>> -> memref<128x64xi32, #tpu.memory_space<vmem>>
      %dma_wait3A_254 = arith.constant 0 : i32
      %dma_wait3A_255 = tpu.memref_slice %arg8[%add3A_248, %dma_wait3A_254] : memref<20x128xi32, #tpu.memory_space<vmem>> -> memref<1x128xi32, #tpu.memory_space<vmem>>
      %dma_wait3A_256 = tpu.memref_squeeze %dma_wait3A_255 : memref<1x128xi32, #tpu.memory_space<vmem>> -> memref<128xi32, #tpu.memory_space<vmem>>
      %dma_wait3A_257 = arith.constant 0 : i32
      %dma_wait3A_258 = arith.constant 0 : i32
      %dma_wait3A_259 = tpu.memref_slice %arg2[%dma_wait3A_257, %dma_wait3A_258] : memref<40000x64xi32, #tpu.memory_space<hbm>> -> memref<40000x64xi32, #tpu.memory_space<hbm>>
      tpu.wait_indirect_dma semaphore(%arg13 : memref<!tpu.dma_semaphore, #tpu.memory_space<semaphore_mem>>) src(%dma_wait3A_259 : memref<40000x64xi32, #tpu.memory_space<hbm>>) dst(%dma_wait3A_253 : memref<128x64xi32, #tpu.memory_space<vmem>>)
      %gt3A_260 = arith.constant 0 : i32
      %gt3A_261 = arith.cmpi sgt, %add3A_248, %gt3A_260 : i32
      %convert_element_type3A_262 = arith.extui %gt3A_261 : i1 to i32
      %cond3A_263 = arith.constant 0 : i32
      %cond3A_264 = arith.cmpi ne, %convert_element_type3A_262, %cond3A_263 : i32
      scf.if %cond3A_264 {
        %dma_wait3A_326 = arith.constant 0 : i32
        %dma_wait3A_327 = arith.constant 0 : i32
        %dma_wait3A_328 = arith.constant 0 : i32
        %dma_wait3A_329 = arith.constant 0 : i32
        %dma_wait3A_330 = tpu.memref_slice %arg11[%dma_wait3A_326, %dma_wait3A_328, %dma_wait3A_329] : memref<2x64x128xf32, #tpu.memory_space<vmem>> -> memref<1x64x128xf32, #tpu.memory_space<vmem>>
        %dma_wait3A_331 = tpu.memref_squeeze %dma_wait3A_330 : memref<1x64x128xf32, #tpu.memory_space<vmem>> -> memref<64x128xf32, #tpu.memory_space<vmem>>
        %dma_wait3A_332 = arith.constant 0 : i32
        %dma_wait3A_333 = tpu.memref_slice %arg9[%dma_wait3A_327, %dma_wait3A_332] : memref<40x64xi32, #tpu.memory_space<vmem>> -> memref<1x64xi32, #tpu.memory_space<vmem>>
        %dma_wait3A_334 = tpu.memref_squeeze %dma_wait3A_333 : memref<1x64xi32, #tpu.memory_space<vmem>> -> memref<64xi32, #tpu.memory_space<vmem>>
        %dma_wait3A_335 = arith.constant 0 : i32
        %dma_wait3A_336 = arith.constant 0 : i32
        %dma_wait3A_337 = tpu.memref_slice %arg7[%dma_wait3A_335, %dma_wait3A_336] : memref<10240x128xf32, #tpu.memory_space<vmem_shared>> -> memref<10240x128xf32, #tpu.memory_space<vmem_shared>>
        tpu.wait_indirect_dma semaphore(%arg14 : memref<!tpu.dma_semaphore, #tpu.memory_space<semaphore_mem>>) src(%dma_wait3A_331 : memref<64x128xf32, #tpu.memory_space<vmem>>) dst(%dma_wait3A_337 : memref<10240x128xf32, #tpu.memory_space<vmem_shared>>)
      } else {
      }
      %broadcast_in_dim3A_265 = arith.constant -65536 : i32
      %broadcast_in_dim3A_266 = vector.broadcast %broadcast_in_dim3A_265 : i32 to vector<16xi32>
      %scan3A_267 = arith.constant 0 : i32
      %scan3A_268 = arith.constant 0 : i32
      %scan3A_269 = arith.constant 64 : i32
      %scan3A_270 = arith.addi %scan3A_268, %scan3A_269 : i32
      %scan3A_271 = arith.constant 1 : i32
      %scan3A_272 = scf.for %scan3A_326 = %scan3A_268 to %scan3A_270 step %scan3A_271 iter_args(%scan3A_327 = %scan3A_267) -> (i32)  : i32 {
        %add3A_328 = arith.constant 0 : i32
        %add3A_329 = arith.addi %add3A_328, %scan3A_326 : i32
        %get3A = arith.constant 1 : i32
        %get3A_330 = arith.index_cast %get3A : i32 to index
        %get3A_331 = arith.index_cast %add3A_329 : i32 to index
        %get3A_332 = arith.constant 0 : index
        %get3A_333 = tpu.vector_load %arg10[%get3A_330, %get3A_331, %get3A_332] {strides = array<i32>} : memref<2x128x64xi32, #tpu.memory_space<vmem>>, vector<16xi32>,
        %shift_left3A = arith.constant 16 : i32
        %shift_left3A_334 = vector.broadcast %shift_left3A : i32 to vector<16xi32>
        %shift_left3A_335 = arith.shli %get3A_333, %shift_left3A_334 : vector<16xi32>
        %bitcast3A = vector.bitcast %shift_left3A_335 : vector<16xi32> to vector<16xf32>
        %swap3A = arith.constant 0 : i32
        %swap3A_336 = arith.index_cast %swap3A : i32 to index
        %swap3A_337 = arith.index_cast %scan3A_326 : i32 to index
        %swap3A_338 = arith.constant 0 : index
        %swap3A_339 = tpu.vector_load %arg11[%swap3A_336, %swap3A_337, %swap3A_338] {strides = array<i32>} : memref<2x64x128xf32, #tpu.memory_space<vmem>>, vector<16xf32>,
        tpu.vector_store %arg11[%swap3A_336, %swap3A_337, %swap3A_338], %bitcast3A {strides = array<i32>} : memref<2x64x128xf32, #tpu.memory_space<vmem>>, vector<16xf32>,
        %and3A = arith.andi %get3A_333, %broadcast_in_dim3A_266 : vector<16xi32>
        %bitcast3A_340 = vector.bitcast %and3A : vector<16xi32> to vector<16xf32>
        %swap3A_341 = arith.constant 0 : i32
        %swap3A_342 = arith.index_cast %swap3A_341 : i32 to index
        %swap3A_343 = arith.index_cast %scan3A_326 : i32 to index
        %swap3A_344 = arith.constant 16 : index
        %swap3A_345 = tpu.vector_load %arg11[%swap3A_342, %swap3A_343, %swap3A_344] {strides = array<i32>} : memref<2x64x128xf32, #tpu.memory_space<vmem>>, vector<16xf32>,
        tpu.vector_store %arg11[%swap3A_342, %swap3A_343, %swap3A_344], %bitcast3A_340 {strides = array<i32>} : memref<2x64x128xf32, #tpu.memory_space<vmem>>, vector<16xf32>,
        %get3A_346 = arith.constant 1 : i32
        %get3A_347 = arith.index_cast %get3A_346 : i32 to index
        %get3A_348 = arith.index_cast %add3A_329 : i32 to index
        %get3A_349 = arith.constant 16 : index
        %get3A_350 = tpu.vector_load %arg10[%get3A_347, %get3A_348, %get3A_349] {strides = array<i32>} : memref<2x128x64xi32, #tpu.memory_space<vmem>>, vector<16xi32>,
        %shift_left3A_351 = arith.constant 16 : i32
        %shift_left3A_352 = vector.broadcast %shift_left3A_351 : i32 to vector<16xi32>
        %shift_left3A_353 = arith.shli %get3A_350, %shift_left3A_352 : vector<16xi32>
        %bitcast3A_354 = vector.bitcast %shift_left3A_353 : vector<16xi32> to vector<16xf32>
        %swap3A_355 = arith.constant 0 : i32
        %swap3A_356 = arith.index_cast %swap3A_355 : i32 to index
        %swap3A_357 = arith.index_cast %scan3A_326 : i32 to index
        %swap3A_358 = arith.constant 32 : index
        %swap3A_359 = tpu.vector_load %arg11[%swap3A_356, %swap3A_357, %swap3A_358] {strides = array<i32>} : memref<2x64x128xf32, #tpu.memory_space<vmem>>, vector<16xf32>,
        tpu.vector_store %arg11[%swap3A_356, %swap3A_357, %swap3A_358], %bitcast3A_354 {strides = array<i32>} : memref<2x64x128xf32, #tpu.memory_space<vmem>>, vector<16xf32>,
        %and3A_360 = arith.andi %get3A_350, %broadcast_in_dim3A_266 : vector<16xi32>
        %bitcast3A_361 = vector.bitcast %and3A_360 : vector<16xi32> to vector<16xf32>
        %swap3A_362 = arith.constant 0 : i32
        %swap3A_363 = arith.index_cast %swap3A_362 : i32 to index
        %swap3A_364 = arith.index_cast %scan3A_326 : i32 to index
        %swap3A_365 = arith.constant 48 : index
        %swap3A_366 = tpu.vector_load %arg11[%swap3A_363, %swap3A_364, %swap3A_365] {strides = array<i32>} : memref<2x64x128xf32, #tpu.memory_space<vmem>>, vector<16xf32>,
        tpu.vector_store %arg11[%swap3A_363, %swap3A_364, %swap3A_365], %bitcast3A_361 {strides = array<i32>} : memref<2x64x128xf32, #tpu.memory_space<vmem>>, vector<16xf32>,
        %get3A_367 = arith.constant 1 : i32
        %get3A_368 = arith.index_cast %get3A_367 : i32 to index
        %get3A_369 = arith.index_cast %add3A_329 : i32 to index
        %get3A_370 = arith.constant 32 : index
        %get3A_371 = tpu.vector_load %arg10[%get3A_368, %get3A_369, %get3A_370] {strides = array<i32>} : memref<2x128x64xi32, #tpu.memory_space<vmem>>, vector<16xi32>,
        %shift_left3A_372 = arith.constant 16 : i32
        %shift_left3A_373 = vector.broadcast %shift_left3A_372 : i32 to vector<16xi32>
        %shift_left3A_374 = arith.shli %get3A_371, %shift_left3A_373 : vector<16xi32>
        %bitcast3A_375 = vector.bitcast %shift_left3A_374 : vector<16xi32> to vector<16xf32>
        %swap3A_376 = arith.constant 0 : i32
        %swap3A_377 = arith.index_cast %swap3A_376 : i32 to index
        %swap3A_378 = arith.index_cast %scan3A_326 : i32 to index
        %swap3A_379 = arith.constant 64 : index
        %swap3A_380 = tpu.vector_load %arg11[%swap3A_377, %swap3A_378, %swap3A_379] {strides = array<i32>} : memref<2x64x128xf32, #tpu.memory_space<vmem>>, vector<16xf32>,
        tpu.vector_store %arg11[%swap3A_377, %swap3A_378, %swap3A_379], %bitcast3A_375 {strides = array<i32>} : memref<2x64x128xf32, #tpu.memory_space<vmem>>, vector<16xf32>,
        %and3A_381 = arith.andi %get3A_371, %broadcast_in_dim3A_266 : vector<16xi32>
        %bitcast3A_382 = vector.bitcast %and3A_381 : vector<16xi32> to vector<16xf32>
        %swap3A_383 = arith.constant 0 : i32
        %swap3A_384 = arith.index_cast %swap3A_383 : i32 to index
        %swap3A_385 = arith.index_cast %scan3A_326 : i32 to index
        %swap3A_386 = arith.constant 80 : index
        %swap3A_387 = tpu.vector_load %arg11[%swap3A_384, %swap3A_385, %swap3A_386] {strides = array<i32>} : memref<2x64x128xf32, #tpu.memory_space<vmem>>, vector<16xf32>,
        tpu.vector_store %arg11[%swap3A_384, %swap3A_385, %swap3A_386], %bitcast3A_382 {strides = array<i32>} : memref<2x64x128xf32, #tpu.memory_space<vmem>>, vector<16xf32>,
        %get3A_388 = arith.constant 1 : i32
        %get3A_389 = arith.index_cast %get3A_388 : i32 to index
        %get3A_390 = arith.index_cast %add3A_329 : i32 to index
        %get3A_391 = arith.constant 48 : index
        %get3A_392 = tpu.vector_load %arg10[%get3A_389, %get3A_390, %get3A_391] {strides = array<i32>} : memref<2x128x64xi32, #tpu.memory_space<vmem>>, vector<16xi32>,
        %shift_left3A_393 = arith.constant 16 : i32
        %shift_left3A_394 = vector.broadcast %shift_left3A_393 : i32 to vector<16xi32>
        %shift_left3A_395 = arith.shli %get3A_392, %shift_left3A_394 : vector<16xi32>
        %bitcast3A_396 = vector.bitcast %shift_left3A_395 : vector<16xi32> to vector<16xf32>
        %swap3A_397 = arith.constant 0 : i32
        %swap3A_398 = arith.index_cast %swap3A_397 : i32 to index
        %swap3A_399 = arith.index_cast %scan3A_326 : i32 to index
        %swap3A_400 = arith.constant 96 : index
        %swap3A_401 = tpu.vector_load %arg11[%swap3A_398, %swap3A_399, %swap3A_400] {strides = array<i32>} : memref<2x64x128xf32, #tpu.memory_space<vmem>>, vector<16xf32>,
        tpu.vector_store %arg11[%swap3A_398, %swap3A_399, %swap3A_400], %bitcast3A_396 {strides = array<i32>} : memref<2x64x128xf32, #tpu.memory_space<vmem>>, vector<16xf32>,
        %and3A_402 = arith.andi %get3A_392, %broadcast_in_dim3A_266 : vector<16xi32>
        %bitcast3A_403 = vector.bitcast %and3A_402 : vector<16xi32> to vector<16xf32>
        %swap3A_404 = arith.constant 0 : i32
        %swap3A_405 = arith.index_cast %swap3A_404 : i32 to index
        %swap3A_406 = arith.index_cast %scan3A_326 : i32 to index
        %swap3A_407 = arith.constant 112 : index
        %swap3A_408 = tpu.vector_load %arg11[%swap3A_405, %swap3A_406, %swap3A_407] {strides = array<i32>} : memref<2x64x128xf32, #tpu.memory_space<vmem>>, vector<16xf32>,
        tpu.vector_store %arg11[%swap3A_405, %swap3A_406, %swap3A_407], %bitcast3A_403 {strides = array<i32>} : memref<2x64x128xf32, #tpu.memory_space<vmem>>, vector<16xf32>,
        %scan3A_409 = arith.constant 0 : i32
        scf.yield %scan3A_409 : i32
      }
      %scan3A_273 = arith.constant 64 : i32
      %mul3A_274 = arith.constant 2 : i32
      %mul3A_275 = arith.muli %mul3A_274, %add3A_248 : i32
      %add3A_276 = arith.constant 0 : i32
      %add3A_277 = arith.addi %mul3A_275, %add3A_276 : i32
      %dma_start3A_278 = arith.constant 0 : i32
      %dma_start3A_279 = arith.constant 0 : i32
      %dma_start3A_280 = arith.constant 0 : i32
      %dma_start3A_281 = tpu.memref_slice %arg11[%dma_start3A_278, %dma_start3A_279, %dma_start3A_280] : memref<2x64x128xf32, #tpu.memory_space<vmem>> -> memref<1x64x128xf32, #tpu.memory_space<vmem>>
      %dma_start3A_282 = tpu.memref_squeeze %dma_start3A_281 : memref<1x64x128xf32, #tpu.memory_space<vmem>> -> memref<64x128xf32, #tpu.memory_space<vmem>>
      %dma_start3A_283 = arith.constant 0 : i32
      %dma_start3A_284 = tpu.memref_slice %arg9[%add3A_277, %dma_start3A_283] : memref<40x64xi32, #tpu.memory_space<vmem>> -> memref<1x64xi32, #tpu.memory_space<vmem>>
      %dma_start3A_285 = tpu.memref_squeeze %dma_start3A_284 : memref<1x64xi32, #tpu.memory_space<vmem>> -> memref<64xi32, #tpu.memory_space<vmem>>
      %dma_start3A_286 = arith.constant 0 : i32
      %dma_start3A_287 = arith.constant 0 : i32
      %dma_start3A_288 = tpu.memref_slice %arg7[%dma_start3A_286, %dma_start3A_287] : memref<10240x128xf32, #tpu.memory_space<vmem_shared>> -> memref<10240x128xf32, #tpu.memory_space<vmem_shared>>
      tpu.enqueue_indirect_dma source(%dma_start3A_282 : memref<64x128xf32, #tpu.memory_space<vmem>>) target(%dma_start3A_288 : memref<10240x128xf32, #tpu.memory_space<vmem_shared>>) offsets(%dma_start3A_285 : memref<64xi32, #tpu.memory_space<vmem>>) semaphore(%arg14 : memref<!tpu.dma_semaphore, #tpu.memory_space<semaphore_mem>>) {add = true}
      %gt3A_289 = arith.constant 0 : i32
      %gt3A_290 = arith.cmpi sgt, %add3A_248, %gt3A_289 : i32
      %convert_element_type3A_291 = arith.extui %gt3A_290 : i1 to i32
      %cond3A_292 = arith.constant 0 : i32
      %cond3A_293 = arith.cmpi ne, %convert_element_type3A_291, %cond3A_292 : i32
      scf.if %cond3A_293 {
        %dma_wait3A_326 = arith.constant 1 : i32
        %dma_wait3A_327 = arith.constant 0 : i32
        %dma_wait3A_328 = arith.constant 0 : i32
        %dma_wait3A_329 = arith.constant 0 : i32
        %dma_wait3A_330 = tpu.memref_slice %arg11[%dma_wait3A_326, %dma_wait3A_328, %dma_wait3A_329] : memref<2x64x128xf32, #tpu.memory_space<vmem>> -> memref<1x64x128xf32, #tpu.memory_space<vmem>>
        %dma_wait3A_331 = tpu.memref_squeeze %dma_wait3A_330 : memref<1x64x128xf32, #tpu.memory_space<vmem>> -> memref<64x128xf32, #tpu.memory_space<vmem>>
        %dma_wait3A_332 = arith.constant 0 : i32
        %dma_wait3A_333 = tpu.memref_slice %arg9[%dma_wait3A_327, %dma_wait3A_332] : memref<40x64xi32, #tpu.memory_space<vmem>> -> memref<1x64xi32, #tpu.memory_space<vmem>>
        %dma_wait3A_334 = tpu.memref_squeeze %dma_wait3A_333 : memref<1x64xi32, #tpu.memory_space<vmem>> -> memref<64xi32, #tpu.memory_space<vmem>>
        %dma_wait3A_335 = arith.constant 0 : i32
        %dma_wait3A_336 = arith.constant 0 : i32
        %dma_wait3A_337 = tpu.memref_slice %arg7[%dma_wait3A_335, %dma_wait3A_336] : memref<10240x128xf32, #tpu.memory_space<vmem_shared>> -> memref<10240x128xf32, #tpu.memory_space<vmem_shared>>
        tpu.wait_indirect_dma semaphore(%arg15 : memref<!tpu.dma_semaphore, #tpu.memory_space<semaphore_mem>>) src(%dma_wait3A_331 : memref<64x128xf32, #tpu.memory_space<vmem>>) dst(%dma_wait3A_337 : memref<10240x128xf32, #tpu.memory_space<vmem_shared>>)
      } else {
      }
      %broadcast_in_dim3A_294 = arith.constant -65536 : i32
      %broadcast_in_dim3A_295 = vector.broadcast %broadcast_in_dim3A_294 : i32 to vector<16xi32>
      %scan3A_296 = arith.constant 0 : i32
      %scan3A_297 = arith.constant 0 : i32
      %scan3A_298 = arith.constant 64 : i32
      %scan3A_299 = arith.addi %scan3A_297, %scan3A_298 : i32
      %scan3A_300 = arith.constant 1 : i32
      %scan3A_301 = scf.for %scan3A_326 = %scan3A_297 to %scan3A_299 step %scan3A_300 iter_args(%scan3A_327 = %scan3A_296) -> (i32)  : i32 {
        %add3A_328 = arith.constant 64 : i32
        %add3A_329 = arith.addi %add3A_328, %scan3A_326 : i32
        %get3A = arith.constant 1 : i32
        %get3A_330 = arith.index_cast %get3A : i32 to index
        %get3A_331 = arith.index_cast %add3A_329 : i32 to index
        %get3A_332 = arith.constant 0 : index
        %get3A_333 = tpu.vector_load %arg10[%get3A_330, %get3A_331, %get3A_332] {strides = array<i32>} : memref<2x128x64xi32, #tpu.memory_space<vmem>>, vector<16xi32>,
        %shift_left3A = arith.constant 16 : i32
        %shift_left3A_334 = vector.broadcast %shift_left3A : i32 to vector<16xi32>
        %shift_left3A_335 = arith.shli %get3A_333, %shift_left3A_334 : vector<16xi32>
        %bitcast3A = vector.bitcast %shift_left3A_335 : vector<16xi32> to vector<16xf32>
        %swap3A = arith.constant 1 : i32
        %swap3A_336 = arith.index_cast %swap3A : i32 to index
        %swap3A_337 = arith.index_cast %scan3A_326 : i32 to index
        %swap3A_338 = arith.constant 0 : index
        %swap3A_339 = tpu.vector_load %arg11[%swap3A_336, %swap3A_337, %swap3A_338] {strides = array<i32>} : memref<2x64x128xf32, #tpu.memory_space<vmem>>, vector<16xf32>,
        tpu.vector_store %arg11[%swap3A_336, %swap3A_337, %swap3A_338], %bitcast3A {strides = array<i32>} : memref<2x64x128xf32, #tpu.memory_space<vmem>>, vector<16xf32>,
        %and3A = arith.andi %get3A_333, %broadcast_in_dim3A_295 : vector<16xi32>
        %bitcast3A_340 = vector.bitcast %and3A : vector<16xi32> to vector<16xf32>
        %swap3A_341 = arith.constant 1 : i32
        %swap3A_342 = arith.index_cast %swap3A_341 : i32 to index
        %swap3A_343 = arith.index_cast %scan3A_326 : i32 to index
        %swap3A_344 = arith.constant 16 : index
        %swap3A_345 = tpu.vector_load %arg11[%swap3A_342, %swap3A_343, %swap3A_344] {strides = array<i32>} : memref<2x64x128xf32, #tpu.memory_space<vmem>>, vector<16xf32>,
        tpu.vector_store %arg11[%swap3A_342, %swap3A_343, %swap3A_344], %bitcast3A_340 {strides = array<i32>} : memref<2x64x128xf32, #tpu.memory_space<vmem>>, vector<16xf32>,
        %get3A_346 = arith.constant 1 : i32
        %get3A_347 = arith.index_cast %get3A_346 : i32 to index
        %get3A_348 = arith.index_cast %add3A_329 : i32 to index
        %get3A_349 = arith.constant 16 : index
        %get3A_350 = tpu.vector_load %arg10[%get3A_347, %get3A_348, %get3A_349] {strides = array<i32>} : memref<2x128x64xi32, #tpu.memory_space<vmem>>, vector<16xi32>,
        %shift_left3A_351 = arith.constant 16 : i32
        %shift_left3A_352 = vector.broadcast %shift_left3A_351 : i32 to vector<16xi32>
        %shift_left3A_353 = arith.shli %get3A_350, %shift_left3A_352 : vector<16xi32>
        %bitcast3A_354 = vector.bitcast %shift_left3A_353 : vector<16xi32> to vector<16xf32>
        %swap3A_355 = arith.constant 1 : i32
        %swap3A_356 = arith.index_cast %swap3A_355 : i32 to index
        %swap3A_357 = arith.index_cast %scan3A_326 : i32 to index
        %swap3A_358 = arith.constant 32 : index
        %swap3A_359 = tpu.vector_load %arg11[%swap3A_356, %swap3A_357, %swap3A_358] {strides = array<i32>} : memref<2x64x128xf32, #tpu.memory_space<vmem>>, vector<16xf32>,
        tpu.vector_store %arg11[%swap3A_356, %swap3A_357, %swap3A_358], %bitcast3A_354 {strides = array<i32>} : memref<2x64x128xf32, #tpu.memory_space<vmem>>, vector<16xf32>,
        %and3A_360 = arith.andi %get3A_350, %broadcast_in_dim3A_295 : vector<16xi32>
        %bitcast3A_361 = vector.bitcast %and3A_360 : vector<16xi32> to vector<16xf32>
        %swap3A_362 = arith.constant 1 : i32
        %swap3A_363 = arith.index_cast %swap3A_362 : i32 to index
        %swap3A_364 = arith.index_cast %scan3A_326 : i32 to index
        %swap3A_365 = arith.constant 48 : index
        %swap3A_366 = tpu.vector_load %arg11[%swap3A_363, %swap3A_364, %swap3A_365] {strides = array<i32>} : memref<2x64x128xf32, #tpu.memory_space<vmem>>, vector<16xf32>,
        tpu.vector_store %arg11[%swap3A_363, %swap3A_364, %swap3A_365], %bitcast3A_361 {strides = array<i32>} : memref<2x64x128xf32, #tpu.memory_space<vmem>>, vector<16xf32>,
        %get3A_367 = arith.constant 1 : i32
        %get3A_368 = arith.index_cast %get3A_367 : i32 to index
        %get3A_369 = arith.index_cast %add3A_329 : i32 to index
        %get3A_370 = arith.constant 32 : index
        %get3A_371 = tpu.vector_load %arg10[%get3A_368, %get3A_369, %get3A_370] {strides = array<i32>} : memref<2x128x64xi32, #tpu.memory_space<vmem>>, vector<16xi32>,
        %shift_left3A_372 = arith.constant 16 : i32
        %shift_left3A_373 = vector.broadcast %shift_left3A_372 : i32 to vector<16xi32>
        %shift_left3A_374 = arith.shli %get3A_371, %shift_left3A_373 : vector<16xi32>
        %bitcast3A_375 = vector.bitcast %shift_left3A_374 : vector<16xi32> to vector<16xf32>
        %swap3A_376 = arith.constant 1 : i32
        %swap3A_377 = arith.index_cast %swap3A_376 : i32 to index
        %swap3A_378 = arith.index_cast %scan3A_326 : i32 to index
        %swap3A_379 = arith.constant 64 : index
        %swap3A_380 = tpu.vector_load %arg11[%swap3A_377, %swap3A_378, %swap3A_379] {strides = array<i32>} : memref<2x64x128xf32, #tpu.memory_space<vmem>>, vector<16xf32>,
        tpu.vector_store %arg11[%swap3A_377, %swap3A_378, %swap3A_379], %bitcast3A_375 {strides = array<i32>} : memref<2x64x128xf32, #tpu.memory_space<vmem>>, vector<16xf32>,
        %and3A_381 = arith.andi %get3A_371, %broadcast_in_dim3A_295 : vector<16xi32>
        %bitcast3A_382 = vector.bitcast %and3A_381 : vector<16xi32> to vector<16xf32>
        %swap3A_383 = arith.constant 1 : i32
        %swap3A_384 = arith.index_cast %swap3A_383 : i32 to index
        %swap3A_385 = arith.index_cast %scan3A_326 : i32 to index
        %swap3A_386 = arith.constant 80 : index
        %swap3A_387 = tpu.vector_load %arg11[%swap3A_384, %swap3A_385, %swap3A_386] {strides = array<i32>} : memref<2x64x128xf32, #tpu.memory_space<vmem>>, vector<16xf32>,
        tpu.vector_store %arg11[%swap3A_384, %swap3A_385, %swap3A_386], %bitcast3A_382 {strides = array<i32>} : memref<2x64x128xf32, #tpu.memory_space<vmem>>, vector<16xf32>,
        %get3A_388 = arith.constant 1 : i32
        %get3A_389 = arith.index_cast %get3A_388 : i32 to index
        %get3A_390 = arith.index_cast %add3A_329 : i32 to index
        %get3A_391 = arith.constant 48 : index
        %get3A_392 = tpu.vector_load %arg10[%get3A_389, %get3A_390, %get3A_391] {strides = array<i32>} : memref<2x128x64xi32, #tpu.memory_space<vmem>>, vector<16xi32>,
        %shift_left3A_393 = arith.constant 16 : i32
        %shift_left3A_394 = vector.broadcast %shift_left3A_393 : i32 to vector<16xi32>
        %shift_left3A_395 = arith.shli %get3A_392, %shift_left3A_394 : vector<16xi32>
        %bitcast3A_396 = vector.bitcast %shift_left3A_395 : vector<16xi32> to vector<16xf32>
        %swap3A_397 = arith.constant 1 : i32
        %swap3A_398 = arith.index_cast %swap3A_397 : i32 to index
        %swap3A_399 = arith.index_cast %scan3A_326 : i32 to index
        %swap3A_400 = arith.constant 96 : index
        %swap3A_401 = tpu.vector_load %arg11[%swap3A_398, %swap3A_399, %swap3A_400] {strides = array<i32>} : memref<2x64x128xf32, #tpu.memory_space<vmem>>, vector<16xf32>,
        tpu.vector_store %arg11[%swap3A_398, %swap3A_399, %swap3A_400], %bitcast3A_396 {strides = array<i32>} : memref<2x64x128xf32, #tpu.memory_space<vmem>>, vector<16xf32>,
        %and3A_402 = arith.andi %get3A_392, %broadcast_in_dim3A_295 : vector<16xi32>
        %bitcast3A_403 = vector.bitcast %and3A_402 : vector<16xi32> to vector<16xf32>
        %swap3A_404 = arith.constant 1 : i32
        %swap3A_405 = arith.index_cast %swap3A_404 : i32 to index
        %swap3A_406 = arith.index_cast %scan3A_326 : i32 to index
        %swap3A_407 = arith.constant 112 : index
        %swap3A_408 = tpu.vector_load %arg11[%swap3A_405, %swap3A_406, %swap3A_407] {strides = array<i32>} : memref<2x64x128xf32, #tpu.memory_space<vmem>>, vector<16xf32>,
        tpu.vector_store %arg11[%swap3A_405, %swap3A_406, %swap3A_407], %bitcast3A_403 {strides = array<i32>} : memref<2x64x128xf32, #tpu.memory_space<vmem>>, vector<16xf32>,
        %scan3A_409 = arith.constant 0 : i32
        scf.yield %scan3A_409 : i32
      }
      %scan3A_302 = arith.constant 64 : i32
      %mul3A_303 = arith.constant 2 : i32
      %mul3A_304 = arith.muli %mul3A_303, %add3A_248 : i32
      %add3A_305 = arith.constant 1 : i32
      %add3A_306 = arith.addi %mul3A_304, %add3A_305 : i32
      %dma_start3A_307 = arith.constant 1 : i32
      %dma_start3A_308 = arith.constant 0 : i32
      %dma_start3A_309 = arith.constant 0 : i32
      %dma_start3A_310 = tpu.memref_slice %arg11[%dma_start3A_307, %dma_start3A_308, %dma_start3A_309] : memref<2x64x128xf32, #tpu.memory_space<vmem>> -> memref<1x64x128xf32, #tpu.memory_space<vmem>>
      %dma_start3A_311 = tpu.memref_squeeze %dma_start3A_310 : memref<1x64x128xf32, #tpu.memory_space<vmem>> -> memref<64x128xf32, #tpu.memory_space<vmem>>
      %dma_start3A_312 = arith.constant 0 : i32
      %dma_start3A_313 = tpu.memref_slice %arg9[%add3A_306, %dma_start3A_312] : memref<40x64xi32, #tpu.memory_space<vmem>> -> memref<1x64xi32, #tpu.memory_space<vmem>>
      %dma_start3A_314 = tpu.memref_squeeze %dma_start3A_313 : memref<1x64xi32, #tpu.memory_space<vmem>> -> memref<64xi32, #tpu.memory_space<vmem>>
      %dma_start3A_315 = arith.constant 0 : i32
      %dma_start3A_316 = arith.constant 0 : i32
      %dma_start3A_317 = tpu.memref_slice %arg7[%dma_start3A_315, %dma_start3A_316] : memref<10240x128xf32, #tpu.memory_space<vmem_shared>> -> memref<10240x128xf32, #tpu.memory_space<vmem_shared>>
      tpu.enqueue_indirect_dma source(%dma_start3A_311 : memref<64x128xf32, #tpu.memory_space<vmem>>) target(%dma_start3A_317 : memref<10240x128xf32, #tpu.memory_space<vmem_shared>>) offsets(%dma_start3A_314 : memref<64xi32, #tpu.memory_space<vmem>>) semaphore(%arg15 : memref<!tpu.dma_semaphore, #tpu.memory_space<semaphore_mem>>) {add = true}
      %add3A_318 = arith.constant 2 : i32
      %add3A_319 = arith.addi %add3A_248, %add3A_318 : i32
      %lt3A_320 = arith.constant 20 : i32
      %lt3A_321 = arith.cmpi slt, %add3A_319, %lt3A_320 : i32
      %convert_element_type3A_322 = arith.extui %lt3A_321 : i1 to i32
      %cond3A_323 = arith.constant 0 : i32
      %cond3A_324 = arith.cmpi ne, %convert_element_type3A_322, %cond3A_323 : i32
      scf.if %cond3A_324 {
        %dma_start3A_326 = arith.constant 1 : i32
        %dma_start3A_327 = arith.constant 0 : i32
        %dma_start3A_328 = arith.constant 0 : i32
        %dma_start3A_329 = tpu.memref_slice %arg10[%dma_start3A_326, %dma_start3A_327, %dma_start3A_328] : memref<2x128x64xi32, #tpu.memory_space<vmem>> -> memref<1x128x64xi32, #tpu.memory_space<vmem>>
        %dma_start3A_330 = tpu.memref_squeeze %dma_start3A_329 : memref<1x128x64xi32, #tpu.memory_space<vmem>> -> memref<128x64xi32, #tpu.memory_space<vmem>>
        %dma_start3A_331 = arith.constant 0 : i32
        %dma_start3A_332 = tpu.memref_slice %arg8[%add3A_319, %dma_start3A_331] : memref<20x128xi32, #tpu.memory_space<vmem>> -> memref<1x128xi32, #tpu.memory_space<vmem>>
        %dma_start3A_333 = tpu.memref_squeeze %dma_start3A_332 : memref<1x128xi32, #tpu.memory_space<vmem>> -> memref<128xi32, #tpu.memory_space<vmem>>
        %dma_start3A_334 = arith.constant 0 : i32
        %dma_start3A_335 = arith.constant 0 : i32
        %dma_start3A_336 = tpu.memref_slice %arg2[%dma_start3A_334, %dma_start3A_335] : memref<40000x64xi32, #tpu.memory_space<hbm>> -> memref<40000x64xi32, #tpu.memory_space<hbm>>
        tpu.enqueue_indirect_dma source(%dma_start3A_336 : memref<40000x64xi32, #tpu.memory_space<hbm>>) target(%dma_start3A_330 : memref<128x64xi32, #tpu.memory_space<vmem>>) offsets(%dma_start3A_333 : memref<128xi32, #tpu.memory_space<vmem>>) semaphore(%arg13 : memref<!tpu.dma_semaphore, #tpu.memory_space<semaphore_mem>>)
      } else {
      }
      %scan3A_325 = arith.constant 0 : i32
      scf.yield %scan3A_325 : i32
    }
    %scan3A_133 = arith.constant 10 : i32
    %dma_wait3A_134 = arith.constant 0 : i32
    %dma_wait3A_135 = arith.constant 0 : i32
    %dma_wait3A_136 = arith.constant 0 : i32
    %dma_wait3A_137 = arith.constant 0 : i32
    %dma_wait3A_138 = tpu.memref_slice %arg11[%dma_wait3A_134, %dma_wait3A_136, %dma_wait3A_137] : memref<2x64x128xf32, #tpu.memory_space<vmem>> -> memref<1x64x128xf32, #tpu.memory_space<vmem>>
    %dma_wait3A_139 = tpu.memref_squeeze %dma_wait3A_138 : memref<1x64x128xf32, #tpu.memory_space<vmem>> -> memref<64x128xf32, #tpu.memory_space<vmem>>
    %dma_wait3A_140 = arith.constant 0 : i32
    %dma_wait3A_141 = tpu.memref_slice %arg9[%dma_wait3A_135, %dma_wait3A_140] : memref<40x64xi32, #tpu.memory_space<vmem>> -> memref<1x64xi32, #tpu.memory_space<vmem>>
    %dma_wait3A_142 = tpu.memref_squeeze %dma_wait3A_141 : memref<1x64xi32, #tpu.memory_space<vmem>> -> memref<64xi32, #tpu.memory_space<vmem>>
    %dma_wait3A_143 = arith.constant 0 : i32
    %dma_wait3A_144 = arith.constant 0 : i32
    %dma_wait3A_145 = tpu.memref_slice %arg7[%dma_wait3A_143, %dma_wait3A_144] : memref<10240x128xf32, #tpu.memory_space<vmem_shared>> -> memref<10240x128xf32, #tpu.memory_space<vmem_shared>>
    tpu.wait_indirect_dma semaphore(%arg14 : memref<!tpu.dma_semaphore, #tpu.memory_space<semaphore_mem>>) src(%dma_wait3A_139 : memref<64x128xf32, #tpu.memory_space<vmem>>) dst(%dma_wait3A_145 : memref<10240x128xf32, #tpu.memory_space<vmem_shared>>)
    %dma_wait3A_146 = arith.constant 1 : i32
    %dma_wait3A_147 = arith.constant 0 : i32
    %dma_wait3A_148 = arith.constant 0 : i32
    %dma_wait3A_149 = arith.constant 0 : i32
    %dma_wait3A_150 = tpu.memref_slice %arg11[%dma_wait3A_146, %dma_wait3A_148, %dma_wait3A_149] : memref<2x64x128xf32, #tpu.memory_space<vmem>> -> memref<1x64x128xf32, #tpu.memory_space<vmem>>
    %dma_wait3A_151 = tpu.memref_squeeze %dma_wait3A_150 : memref<1x64x128xf32, #tpu.memory_space<vmem>> -> memref<64x128xf32, #tpu.memory_space<vmem>>
    %dma_wait3A_152 = arith.constant 0 : i32
    %dma_wait3A_153 = tpu.memref_slice %arg9[%dma_wait3A_147, %dma_wait3A_152] : memref<40x64xi32, #tpu.memory_space<vmem>> -> memref<1x64xi32, #tpu.memory_space<vmem>>
    %dma_wait3A_154 = tpu.memref_squeeze %dma_wait3A_153 : memref<1x64xi32, #tpu.memory_space<vmem>> -> memref<64xi32, #tpu.memory_space<vmem>>
    %dma_wait3A_155 = arith.constant 0 : i32
    %dma_wait3A_156 = arith.constant 0 : i32
    %dma_wait3A_157 = tpu.memref_slice %arg7[%dma_wait3A_155, %dma_wait3A_156] : memref<10240x128xf32, #tpu.memory_space<vmem_shared>> -> memref<10240x128xf32, #tpu.memory_space<vmem_shared>>
    tpu.wait_indirect_dma semaphore(%arg15 : memref<!tpu.dma_semaphore, #tpu.memory_space<semaphore_mem>>) src(%dma_wait3A_151 : memref<64x128xf32, #tpu.memory_space<vmem>>) dst(%dma_wait3A_157 : memref<10240x128xf32, #tpu.memory_space<vmem_shared>>)
    %barrier3A_158 = arith.constant 0 : index
    tpu.barrier barrier_id(%barrier3A_158)
    %eq3A = arith.constant 0 : i32
    %eq3A_159 = arith.cmpi eq, %arg0, %eq3A : i32
    %convert_element_type3A = arith.extui %eq3A_159 : i1 to i32
    %cond3A = arith.constant 0 : i32
    %cond3A_160 = arith.cmpi ne, %convert_element_type3A, %cond3A : i32
    scf.if %cond3A_160 {
      %lt3A = arith.constant 15 : i32
      %lt3A_166 = arith.cmpi slt, %arg1, %lt3A : i32
      %convert_element_type3A_167 = arith.extui %lt3A_166 : i1 to i32
      %cond3A_168 = arith.constant 0 : i32
      %cond3A_169 = arith.cmpi ne, %convert_element_type3A_167, %cond3A_168 : i32
      scf.if %cond3A_169 {
        %mul3A_175 = arith.constant 624 : i32
        %mul3A_176 = arith.muli %arg1, %mul3A_175 : i32
        %multiple_of3A = tpu.assume_multiple %mul3A_176, 8 : i32
        "tpu.region"() ({
          %run_scoped3A_177 = tpu.sem_alloc : memref<!tpu.dma_semaphore, #tpu.memory_space<semaphore_mem>>
          %dma_start3A_178 = arith.constant 0 : i32
          %dma_start3A_179 = tpu.memref_slice %arg5[%multiple_of3A, %dma_start3A_178] : memref<10000x128xf32, #tpu.memory_space<hbm>> -> memref<624x128xf32, #tpu.memory_space<hbm>>
          %dma_start3A_180 = arith.constant 0 : i32
          %dma_start3A_181 = tpu.memref_slice %arg7[%multiple_of3A, %dma_start3A_180] : memref<10240x128xf32, #tpu.memory_space<vmem_shared>> -> memref<624x128xf32, #tpu.memory_space<vmem_shared>>
          tpu.enqueue_dma source(%dma_start3A_181 : memref<624x128xf32, #tpu.memory_space<vmem_shared>>) target(%dma_start3A_179 : memref<624x128xf32, #tpu.memory_space<hbm>>) target_semaphore(%run_scoped3A_177 : memref<!tpu.dma_semaphore, #tpu.memory_space<semaphore_mem>>)
          %dma_wait3A_182 = arith.constant 0 : i32
          %dma_wait3A_183 = tpu.memref_slice %arg5[%multiple_of3A, %dma_wait3A_182] : memref<10000x128xf32, #tpu.memory_space<hbm>> -> memref<624x128xf32, #tpu.memory_space<hbm>>
          %dma_wait3A_184 = arith.constant 0 : i32
          %dma_wait3A_185 = tpu.memref_slice %arg7[%multiple_of3A, %dma_wait3A_184] : memref<10240x128xf32, #tpu.memory_space<vmem_shared>> -> memref<624x128xf32, #tpu.memory_space<vmem_shared>>
          tpu.wait_dma2 semaphore(%run_scoped3A_177 : memref<!tpu.dma_semaphore, #tpu.memory_space<semaphore_mem>>) src(%dma_wait3A_185 : memref<624x128xf32, #tpu.memory_space<vmem_shared>>) dst(%dma_wait3A_183 : memref<624x128xf32, #tpu.memory_space<hbm>>)
          tpu.yield
        }) : () -> ()
      } else {
      }
      %eq3A_170 = arith.constant 15 : i32
      %eq3A_171 = arith.cmpi eq, %arg1, %eq3A_170 : i32
      %convert_element_type3A_172 = arith.extui %eq3A_171 : i1 to i32
      %cond3A_173 = arith.constant 0 : i32
      %cond3A_174 = arith.cmpi ne, %convert_element_type3A_172, %cond3A_173 : i32
      scf.if %cond3A_174 {
        "tpu.region"() ({
          %run_scoped3A_175 = tpu.sem_alloc : memref<!tpu.dma_semaphore, #tpu.memory_space<semaphore_mem>>
          %dma_start3A_176 = arith.constant 9360 : i32
          %dma_start3A_177 = arith.constant 0 : i32
          %dma_start3A_178 = tpu.memref_slice %arg5[%dma_start3A_176, %dma_start3A_177] : memref<10000x128xf32, #tpu.memory_space<hbm>> -> memref<640x128xf32, #tpu.memory_space<hbm>>
          %dma_start3A_179 = arith.constant 9360 : i32
          %dma_start3A_180 = arith.constant 0 : i32
          %dma_start3A_181 = tpu.memref_slice %arg7[%dma_start3A_179, %dma_start3A_180] : memref<10240x128xf32, #tpu.memory_space<vmem_shared>> -> memref<640x128xf32, #tpu.memory_space<vmem_shared>>
          tpu.enqueue_dma source(%dma_start3A_181 : memref<640x128xf32, #tpu.memory_space<vmem_shared>>) target(%dma_start3A_178 : memref<640x128xf32, #tpu.memory_space<hbm>>) target_semaphore(%run_scoped3A_175 : memref<!tpu.dma_semaphore, #tpu.memory_space<semaphore_mem>>)
          %dma_wait3A_182 = arith.constant 9360 : i32
          %dma_wait3A_183 = arith.constant 0 : i32
          %dma_wait3A_184 = tpu.memref_slice %arg5[%dma_wait3A_182, %dma_wait3A_183] : memref<10000x128xf32, #tpu.memory_space<hbm>> -> memref<640x128xf32, #tpu.memory_space<hbm>>
          %dma_wait3A_185 = arith.constant 9360 : i32
          %dma_wait3A_186 = arith.constant 0 : i32
          %dma_wait3A_187 = tpu.memref_slice %arg7[%dma_wait3A_185, %dma_wait3A_186] : memref<10240x128xf32, #tpu.memory_space<vmem_shared>> -> memref<640x128xf32, #tpu.memory_space<vmem_shared>>
          tpu.wait_dma2 semaphore(%run_scoped3A_175 : memref<!tpu.dma_semaphore, #tpu.memory_space<semaphore_mem>>) src(%dma_wait3A_187 : memref<640x128xf32, #tpu.memory_space<vmem_shared>>) dst(%dma_wait3A_184 : memref<640x128xf32, #tpu.memory_space<hbm>>)
          tpu.yield
        }) : () -> ()
      } else {
      }
    } else {
    }
    %eq3A_161 = arith.constant 1 : i32
    %eq3A_162 = arith.cmpi eq, %arg0, %eq3A_161 : i32
    %convert_element_type3A_163 = arith.extui %eq3A_162 : i1 to i32
    %cond3A_164 = arith.constant 0 : i32
    %cond3A_165 = arith.cmpi ne, %convert_element_type3A_163, %cond3A_164 : i32
    scf.if %cond3A_165 {
      %lt3A = arith.constant 15 : i32
      %lt3A_166 = arith.cmpi slt, %arg1, %lt3A : i32
      %convert_element_type3A_167 = arith.extui %lt3A_166 : i1 to i32
      %cond3A_168 = arith.constant 0 : i32
      %cond3A_169 = arith.cmpi ne, %convert_element_type3A_167, %cond3A_168 : i32
      scf.if %cond3A_169 {
        %mul3A_175 = arith.constant 624 : i32
        %mul3A_176 = arith.muli %arg1, %mul3A_175 : i32
        %multiple_of3A = tpu.assume_multiple %mul3A_176, 8 : i32
        "tpu.region"() ({
          %run_scoped3A_177 = tpu.sem_alloc : memref<!tpu.dma_semaphore, #tpu.memory_space<semaphore_mem>>
          %dma_start3A_178 = arith.constant 0 : i32
          %dma_start3A_179 = tpu.memref_slice %arg6[%multiple_of3A, %dma_start3A_178] : memref<10000x128xf32, #tpu.memory_space<hbm>> -> memref<624x128xf32, #tpu.memory_space<hbm>>
          %dma_start3A_180 = arith.constant 0 : i32
          %dma_start3A_181 = tpu.memref_slice %arg7[%multiple_of3A, %dma_start3A_180] : memref<10240x128xf32, #tpu.memory_space<vmem_shared>> -> memref<624x128xf32, #tpu.memory_space<vmem_shared>>
          tpu.enqueue_dma source(%dma_start3A_181 : memref<624x128xf32, #tpu.memory_space<vmem_shared>>) target(%dma_start3A_179 : memref<624x128xf32, #tpu.memory_space<hbm>>) target_semaphore(%run_scoped3A_177 : memref<!tpu.dma_semaphore, #tpu.memory_space<semaphore_mem>>)
          %dma_wait3A_182 = arith.constant 0 : i32
          %dma_wait3A_183 = tpu.memref_slice %arg6[%multiple_of3A, %dma_wait3A_182] : memref<10000x128xf32, #tpu.memory_space<hbm>> -> memref<624x128xf32, #tpu.memory_space<hbm>>
          %dma_wait3A_184 = arith.constant 0 : i32
          %dma_wait3A_185 = tpu.memref_slice %arg7[%multiple_of3A, %dma_wait3A_184] : memref<10240x128xf32, #tpu.memory_space<vmem_shared>> -> memref<624x128xf32, #tpu.memory_space<vmem_shared>>
          tpu.wait_dma2 semaphore(%run_scoped3A_177 : memref<!tpu.dma_semaphore, #tpu.memory_space<semaphore_mem>>) src(%dma_wait3A_185 : memref<624x128xf32, #tpu.memory_space<vmem_shared>>) dst(%dma_wait3A_183 : memref<624x128xf32, #tpu.memory_space<hbm>>)
          tpu.yield
        }) : () -> ()
      } else {
      }
      %eq3A_170 = arith.constant 15 : i32
      %eq3A_171 = arith.cmpi eq, %arg1, %eq3A_170 : i32
      %convert_element_type3A_172 = arith.extui %eq3A_171 : i1 to i32
      %cond3A_173 = arith.constant 0 : i32
      %cond3A_174 = arith.cmpi ne, %convert_element_type3A_172, %cond3A_173 : i32
      scf.if %cond3A_174 {
        "tpu.region"() ({
          %run_scoped3A_175 = tpu.sem_alloc : memref<!tpu.dma_semaphore, #tpu.memory_space<semaphore_mem>>
          %dma_start3A_176 = arith.constant 9360 : i32
          %dma_start3A_177 = arith.constant 0 : i32
          %dma_start3A_178 = tpu.memref_slice %arg6[%dma_start3A_176, %dma_start3A_177] : memref<10000x128xf32, #tpu.memory_space<hbm>> -> memref<640x128xf32, #tpu.memory_space<hbm>>
          %dma_start3A_179 = arith.constant 9360 : i32
          %dma_start3A_180 = arith.constant 0 : i32
          %dma_start3A_181 = tpu.memref_slice %arg7[%dma_start3A_179, %dma_start3A_180] : memref<10240x128xf32, #tpu.memory_space<vmem_shared>> -> memref<640x128xf32, #tpu.memory_space<vmem_shared>>
          tpu.enqueue_dma source(%dma_start3A_181 : memref<640x128xf32, #tpu.memory_space<vmem_shared>>) target(%dma_start3A_178 : memref<640x128xf32, #tpu.memory_space<hbm>>) target_semaphore(%run_scoped3A_175 : memref<!tpu.dma_semaphore, #tpu.memory_space<semaphore_mem>>)
          %dma_wait3A_182 = arith.constant 9360 : i32
          %dma_wait3A_183 = arith.constant 0 : i32
          %dma_wait3A_184 = tpu.memref_slice %arg6[%dma_wait3A_182, %dma_wait3A_183] : memref<10000x128xf32, #tpu.memory_space<hbm>> -> memref<640x128xf32, #tpu.memory_space<hbm>>
          %dma_wait3A_185 = arith.constant 9360 : i32
          %dma_wait3A_186 = arith.constant 0 : i32
          %dma_wait3A_187 = tpu.memref_slice %arg7[%dma_wait3A_185, %dma_wait3A_186] : memref<10240x128xf32, #tpu.memory_space<vmem_shared>> -> memref<640x128xf32, #tpu.memory_space<vmem_shared>>
          tpu.wait_dma2 semaphore(%run_scoped3A_175 : memref<!tpu.dma_semaphore, #tpu.memory_space<semaphore_mem>>) src(%dma_wait3A_187 : memref<640x128xf32, #tpu.memory_space<vmem_shared>>) dst(%dma_wait3A_184 : memref<640x128xf32, #tpu.memory_space<hbm>>)
          tpu.yield
        }) : () -> ()
      } else {
      }
    } else {
    }
    return
  }
}

#map = affine_map<(d0, d1) -> (0, 0)>
module attributes {stable_mosaic.version = 14 : i64} {
  func.func @_sc_body(%arg0: i32, %arg1: i32, %arg2: memref<40000x64xi32, #tpu.memory_space<hbm>>, %arg3: memref<1280x128xi32, #tpu.memory_space<hbm>>, %arg4: memref<2560x64xi32, #tpu.memory_space<hbm>>, %arg5: memref<10000x128xf32, #tpu.memory_space<hbm>>, %arg6: memref<10000x128xf32, #tpu.memory_space<hbm>>, %arg7: memref<10240x128xf32, #tpu.memory_space<vmem_shared>>, %arg8: memref<20x128xi32, #tpu.memory_space<vmem>>, %arg9: memref<40x64xi32, #tpu.memory_space<vmem>>, %arg10: memref<2x128x64xi32, #tpu.memory_space<vmem>>, %arg11: memref<2x64x128xf32, #tpu.memory_space<vmem>>, %arg12: memref<!tpu.dma_semaphore, #tpu.memory_space<semaphore_mem>>, %arg13: memref<!tpu.dma_semaphore, #tpu.memory_space<semaphore_mem>>, %arg14: memref<!tpu.dma_semaphore, #tpu.memory_space<semaphore_mem>>, %arg15: memref<!tpu.dma_semaphore, #tpu.memory_space<semaphore_mem>>) attributes {dimension_semantics = [#tpu.dimension_semantics<core_parallel>, #tpu.dimension_semantics<subcore_parallel>], iteration_bounds = array<i64: 2, 16>, scalar_prefetch = 0 : i64, scratch_operands = 9 : i64, tpu.core_type = #tpu.core_type<sc_vector_subcore>, window_params = [{transform_indices = #map}, {transform_indices = #map}, {transform_indices = #map}, {transform_indices = #map}, {transform_indices = #map}]} {
    %mul3A = arith.constant 16 : i32
    %mul3A_0 = arith.muli %arg0, %mul3A : i32
    %add3A = arith.addi %mul3A_0, %arg1 : i32
    %scan3A = arith.constant 0 : i32
    %scan3A_1 = arith.constant 0 : i32
    %scan3A_2 = arith.constant 64 : i32
    %scan3A_3 = arith.addi %scan3A_1, %scan3A_2 : i32
    %scan3A_4 = arith.constant 1 : i32
    %scan3A_5 = scf.for %scan3A_166 = %scan3A_1 to %scan3A_3 step %scan3A_4 iter_args(%scan3A_167 = %scan3A) -> (i32)  : i32 {
      %broadcast_in_dim3A = arith.constant 0.000000e+00 : f32
      %broadcast_in_dim3A_168 = vector.broadcast %broadcast_in_dim3A : f32 to vector<16xf32>
      %swap3A = arith.constant 0 : i32
      %swap3A_169 = arith.index_cast %swap3A : i32 to index
      %swap3A_170 = arith.index_cast %scan3A_166 : i32 to index
      %swap3A_171 = arith.constant 0 : index
      %swap3A_172 = tpu.vector_load %arg11[%swap3A_169, %swap3A_170, %swap3A_171] {strides = array<i32>} : memref<2x64x128xf32, #tpu.memory_space<vmem>>, vector<16xf32>,
      tpu.vector_store %arg11[%swap3A_169, %swap3A_170, %swap3A_171], %broadcast_in_dim3A_168 {strides = array<i32>} : memref<2x64x128xf32, #tpu.memory_space<vmem>>, vector<16xf32>,
      %broadcast_in_dim3A_173 = arith.constant 0.000000e+00 : f32
      %broadcast_in_dim3A_174 = vector.broadcast %broadcast_in_dim3A_173 : f32 to vector<16xf32>
      %swap3A_175 = arith.constant 0 : i32
      %swap3A_176 = arith.index_cast %swap3A_175 : i32 to index
      %swap3A_177 = arith.index_cast %scan3A_166 : i32 to index
      %swap3A_178 = arith.constant 16 : index
      %swap3A_179 = tpu.vector_load %arg11[%swap3A_176, %swap3A_177, %swap3A_178] {strides = array<i32>} : memref<2x64x128xf32, #tpu.memory_space<vmem>>, vector<16xf32>,
      tpu.vector_store %arg11[%swap3A_176, %swap3A_177, %swap3A_178], %broadcast_in_dim3A_174 {strides = array<i32>} : memref<2x64x128xf32, #tpu.memory_space<vmem>>, vector<16xf32>,
      %broadcast_in_dim3A_180 = arith.constant 0.000000e+00 : f32
      %broadcast_in_dim3A_181 = vector.broadcast %broadcast_in_dim3A_180 : f32 to vector<16xf32>
      %swap3A_182 = arith.constant 0 : i32
      %swap3A_183 = arith.index_cast %swap3A_182 : i32 to index
      %swap3A_184 = arith.index_cast %scan3A_166 : i32 to index
      %swap3A_185 = arith.constant 32 : index
      %swap3A_186 = tpu.vector_load %arg11[%swap3A_183, %swap3A_184, %swap3A_185] {strides = array<i32>} : memref<2x64x128xf32, #tpu.memory_space<vmem>>, vector<16xf32>,
      tpu.vector_store %arg11[%swap3A_183, %swap3A_184, %swap3A_185], %broadcast_in_dim3A_181 {strides = array<i32>} : memref<2x64x128xf32, #tpu.memory_space<vmem>>, vector<16xf32>,
      %broadcast_in_dim3A_187 = arith.constant 0.000000e+00 : f32
      %broadcast_in_dim3A_188 = vector.broadcast %broadcast_in_dim3A_187 : f32 to vector<16xf32>
      %swap3A_189 = arith.constant 0 : i32
      %swap3A_190 = arith.index_cast %swap3A_189 : i32 to index
      %swap3A_191 = arith.index_cast %scan3A_166 : i32 to index
      %swap3A_192 = arith.constant 48 : index
      %swap3A_193 = tpu.vector_load %arg11[%swap3A_190, %swap3A_191, %swap3A_192] {strides = array<i32>} : memref<2x64x128xf32, #tpu.memory_space<vmem>>, vector<16xf32>,
      tpu.vector_store %arg11[%swap3A_190, %swap3A_191, %swap3A_192], %broadcast_in_dim3A_188 {strides = array<i32>} : memref<2x64x128xf32, #tpu.memory_space<vmem>>, vector<16xf32>,
      %broadcast_in_dim3A_194 = arith.constant 0.000000e+00 : f32
      %broadcast_in_dim3A_195 = vector.broadcast %broadcast_in_dim3A_194 : f32 to vector<16xf32>
      %swap3A_196 = arith.constant 0 : i32
      %swap3A_197 = arith.index_cast %swap3A_196 : i32 to index
      %swap3A_198 = arith.index_cast %scan3A_166 : i32 to index
      %swap3A_199 = arith.constant 64 : index
      %swap3A_200 = tpu.vector_load %arg11[%swap3A_197, %swap3A_198, %swap3A_199] {strides = array<i32>} : memref<2x64x128xf32, #tpu.memory_space<vmem>>, vector<16xf32>,
      tpu.vector_store %arg11[%swap3A_197, %swap3A_198, %swap3A_199], %broadcast_in_dim3A_195 {strides = array<i32>} : memref<2x64x128xf32, #tpu.memory_space<vmem>>, vector<16xf32>,
      %broadcast_in_dim3A_201 = arith.constant 0.000000e+00 : f32
      %broadcast_in_dim3A_202 = vector.broadcast %broadcast_in_dim3A_201 : f32 to vector<16xf32>
      %swap3A_203 = arith.constant 0 : i32
      %swap3A_204 = arith.index_cast %swap3A_203 : i32 to index
      %swap3A_205 = arith.index_cast %scan3A_166 : i32 to index
      %swap3A_206 = arith.constant 80 : index
      %swap3A_207 = tpu.vector_load %arg11[%swap3A_204, %swap3A_205, %swap3A_206] {strides = array<i32>} : memref<2x64x128xf32, #tpu.memory_space<vmem>>, vector<16xf32>,
      tpu.vector_store %arg11[%swap3A_204, %swap3A_205, %swap3A_206], %broadcast_in_dim3A_202 {strides = array<i32>} : memref<2x64x128xf32, #tpu.memory_space<vmem>>, vector<16xf32>,
      %broadcast_in_dim3A_208 = arith.constant 0.000000e+00 : f32
      %broadcast_in_dim3A_209 = vector.broadcast %broadcast_in_dim3A_208 : f32 to vector<16xf32>
      %swap3A_210 = arith.constant 0 : i32
      %swap3A_211 = arith.index_cast %swap3A_210 : i32 to index
      %swap3A_212 = arith.index_cast %scan3A_166 : i32 to index
      %swap3A_213 = arith.constant 96 : index
      %swap3A_214 = tpu.vector_load %arg11[%swap3A_211, %swap3A_212, %swap3A_213] {strides = array<i32>} : memref<2x64x128xf32, #tpu.memory_space<vmem>>, vector<16xf32>,
      tpu.vector_store %arg11[%swap3A_211, %swap3A_212, %swap3A_213], %broadcast_in_dim3A_209 {strides = array<i32>} : memref<2x64x128xf32, #tpu.memory_space<vmem>>, vector<16xf32>,
      %broadcast_in_dim3A_215 = arith.constant 0.000000e+00 : f32
      %broadcast_in_dim3A_216 = vector.broadcast %broadcast_in_dim3A_215 : f32 to vector<16xf32>
      %swap3A_217 = arith.constant 0 : i32
      %swap3A_218 = arith.index_cast %swap3A_217 : i32 to index
      %swap3A_219 = arith.index_cast %scan3A_166 : i32 to index
      %swap3A_220 = arith.constant 112 : index
      %swap3A_221 = tpu.vector_load %arg11[%swap3A_218, %swap3A_219, %swap3A_220] {strides = array<i32>} : memref<2x64x128xf32, #tpu.memory_space<vmem>>, vector<16xf32>,
      tpu.vector_store %arg11[%swap3A_218, %swap3A_219, %swap3A_220], %broadcast_in_dim3A_216 {strides = array<i32>} : memref<2x64x128xf32, #tpu.memory_space<vmem>>, vector<16xf32>,
      %scan3A_222 = arith.constant 0 : i32
      scf.yield %scan3A_222 : i32
    }
    %scan3A_6 = arith.constant 64 : i32
    %mul3A_7 = arith.constant 640 : i32
    %mul3A_8 = arith.muli %arg1, %mul3A_7 : i32
    %add3A_9 = arith.constant 0 : i32
    %add3A_10 = arith.addi %mul3A_8, %add3A_9 : i32
    %run_scoped3A = arith.constant 0 : i32
    "tpu.region"() ({
      %run_scoped3A_166 = tpu.sem_alloc : memref<!tpu.dma_semaphore, #tpu.memory_space<semaphore_mem>>
      %dma_start3A_167 = arith.constant 0 : i32
      %dma_start3A_168 = arith.constant 0 : i32
      %dma_start3A_169 = tpu.memref_slice %arg11[%run_scoped3A, %dma_start3A_167, %dma_start3A_168] : memref<2x64x128xf32, #tpu.memory_space<vmem>> -> memref<1x64x128xf32, #tpu.memory_space<vmem>>
      %dma_start3A_170 = tpu.memref_squeeze %dma_start3A_169 : memref<1x64x128xf32, #tpu.memory_space<vmem>> -> memref<64x128xf32, #tpu.memory_space<vmem>>
      %dma_start3A_171 = arith.constant 0 : i32
      %dma_start3A_172 = tpu.memref_slice %arg7[%add3A_10, %dma_start3A_171] : memref<10240x128xf32, #tpu.memory_space<vmem_shared>> -> memref<64x128xf32, #tpu.memory_space<vmem_shared>>
      %dma_start3A_173 = arith.constant 0 : i32
      %dma_start3A_174 = tpu.memref_slice %arg7[%add3A_10, %dma_start3A_173] : memref<10240x128xf32, #tpu.memory_space<vmem_shared>> -> memref<64x128xf32, #tpu.memory_space<vmem_shared>>
      %dma_start3A_175 = arith.constant 0 : i32
      %dma_start3A_176 = arith.constant 0 : i32
      %dma_start3A_177 = tpu.memref_slice %arg11[%run_scoped3A, %dma_start3A_175, %dma_start3A_176] : memref<2x64x128xf32, #tpu.memory_space<vmem>> -> memref<1x64x128xf32, #tpu.memory_space<vmem>>
      %dma_start3A_178 = tpu.memref_squeeze %dma_start3A_177 : memref<1x64x128xf32, #tpu.memory_space<vmem>> -> memref<64x128xf32, #tpu.memory_space<vmem>>
      tpu.enqueue_dma source(%dma_start3A_178 : memref<64x128xf32, #tpu.memory_space<vmem>>) target(%dma_start3A_174 : memref<64x128xf32, #tpu.memory_space<vmem_shared>>) target_semaphore(%run_scoped3A_166 : memref<!tpu.dma_semaphore, #tpu.memory_space<semaphore_mem>>)
      %dma_wait3A_179 = arith.constant 0 : i32
      %dma_wait3A_180 = arith.constant 0 : i32
      %dma_wait3A_181 = tpu.memref_slice %arg11[%run_scoped3A, %dma_wait3A_179, %dma_wait3A_180] : memref<2x64x128xf32, #tpu.memory_space<vmem>> -> memref<1x64x128xf32, #tpu.memory_space<vmem>>
      %dma_wait3A_182 = tpu.memref_squeeze %dma_wait3A_181 : memref<1x64x128xf32, #tpu.memory_space<vmem>> -> memref<64x128xf32, #tpu.memory_space<vmem>>
      %dma_wait3A_183 = arith.constant 0 : i32
      %dma_wait3A_184 = tpu.memref_slice %arg7[%add3A_10, %dma_wait3A_183] : memref<10240x128xf32, #tpu.memory_space<vmem_shared>> -> memref<64x128xf32, #tpu.memory_space<vmem_shared>>
      %dma_wait3A_185 = arith.constant 0 : i32
      %dma_wait3A_186 = tpu.memref_slice %arg7[%add3A_10, %dma_wait3A_185] : memref<10240x128xf32, #tpu.memory_space<vmem_shared>> -> memref<64x128xf32, #tpu.memory_space<vmem_shared>>
      %dma_wait3A_187 = arith.constant 0 : i32
      %dma_wait3A_188 = arith.constant 0 : i32
      %dma_wait3A_189 = tpu.memref_slice %arg11[%run_scoped3A, %dma_wait3A_187, %dma_wait3A_188] : memref<2x64x128xf32, #tpu.memory_space<vmem>> -> memref<1x64x128xf32, #tpu.memory_space<vmem>>
      %dma_wait3A_190 = tpu.memref_squeeze %dma_wait3A_189 : memref<1x64x128xf32, #tpu.memory_space<vmem>> -> memref<64x128xf32, #tpu.memory_space<vmem>>
      tpu.wait_dma2 semaphore(%run_scoped3A_166 : memref<!tpu.dma_semaphore, #tpu.memory_space<semaphore_mem>>) src(%dma_wait3A_190 : memref<64x128xf32, #tpu.memory_space<vmem>>) dst(%dma_wait3A_186 : memref<64x128xf32, #tpu.memory_space<vmem_shared>>)
      tpu.yield
    }) : () -> ()
    %add3A_11 = arith.constant 64 : i32
    %add3A_12 = arith.addi %mul3A_8, %add3A_11 : i32
    %run_scoped3A_13 = arith.constant 0 : i32
    "tpu.region"() ({
      %run_scoped3A_166 = tpu.sem_alloc : memref<!tpu.dma_semaphore, #tpu.memory_space<semaphore_mem>>
      %dma_start3A_167 = arith.constant 0 : i32
      %dma_start3A_168 = arith.constant 0 : i32
      %dma_start3A_169 = tpu.memref_slice %arg11[%run_scoped3A_13, %dma_start3A_167, %dma_start3A_168] : memref<2x64x128xf32, #tpu.memory_space<vmem>> -> memref<1x64x128xf32, #tpu.memory_space<vmem>>
      %dma_start3A_170 = tpu.memref_squeeze %dma_start3A_169 : memref<1x64x128xf32, #tpu.memory_space<vmem>> -> memref<64x128xf32, #tpu.memory_space<vmem>>
      %dma_start3A_171 = arith.constant 0 : i32
      %dma_start3A_172 = tpu.memref_slice %arg7[%add3A_12, %dma_start3A_171] : memref<10240x128xf32, #tpu.memory_space<vmem_shared>> -> memref<64x128xf32, #tpu.memory_space<vmem_shared>>
      %dma_start3A_173 = arith.constant 0 : i32
      %dma_start3A_174 = tpu.memref_slice %arg7[%add3A_12, %dma_start3A_173] : memref<10240x128xf32, #tpu.memory_space<vmem_shared>> -> memref<64x128xf32, #tpu.memory_space<vmem_shared>>
      %dma_start3A_175 = arith.constant 0 : i32
      %dma_start3A_176 = arith.constant 0 : i32
      %dma_start3A_177 = tpu.memref_slice %arg11[%run_scoped3A_13, %dma_start3A_175, %dma_start3A_176] : memref<2x64x128xf32, #tpu.memory_space<vmem>> -> memref<1x64x128xf32, #tpu.memory_space<vmem>>
      %dma_start3A_178 = tpu.memref_squeeze %dma_start3A_177 : memref<1x64x128xf32, #tpu.memory_space<vmem>> -> memref<64x128xf32, #tpu.memory_space<vmem>>
      tpu.enqueue_dma source(%dma_start3A_178 : memref<64x128xf32, #tpu.memory_space<vmem>>) target(%dma_start3A_174 : memref<64x128xf32, #tpu.memory_space<vmem_shared>>) target_semaphore(%run_scoped3A_166 : memref<!tpu.dma_semaphore, #tpu.memory_space<semaphore_mem>>)
      %dma_wait3A_179 = arith.constant 0 : i32
      %dma_wait3A_180 = arith.constant 0 : i32
      %dma_wait3A_181 = tpu.memref_slice %arg11[%run_scoped3A_13, %dma_wait3A_179, %dma_wait3A_180] : memref<2x64x128xf32, #tpu.memory_space<vmem>> -> memref<1x64x128xf32, #tpu.memory_space<vmem>>
      %dma_wait3A_182 = tpu.memref_squeeze %dma_wait3A_181 : memref<1x64x128xf32, #tpu.memory_space<vmem>> -> memref<64x128xf32, #tpu.memory_space<vmem>>
      %dma_wait3A_183 = arith.constant 0 : i32
      %dma_wait3A_184 = tpu.memref_slice %arg7[%add3A_12, %dma_wait3A_183] : memref<10240x128xf32, #tpu.memory_space<vmem_shared>> -> memref<64x128xf32, #tpu.memory_space<vmem_shared>>
      %dma_wait3A_185 = arith.constant 0 : i32
      %dma_wait3A_186 = tpu.memref_slice %arg7[%add3A_12, %dma_wait3A_185] : memref<10240x128xf32, #tpu.memory_space<vmem_shared>> -> memref<64x128xf32, #tpu.memory_space<vmem_shared>>
      %dma_wait3A_187 = arith.constant 0 : i32
      %dma_wait3A_188 = arith.constant 0 : i32
      %dma_wait3A_189 = tpu.memref_slice %arg11[%run_scoped3A_13, %dma_wait3A_187, %dma_wait3A_188] : memref<2x64x128xf32, #tpu.memory_space<vmem>> -> memref<1x64x128xf32, #tpu.memory_space<vmem>>
      %dma_wait3A_190 = tpu.memref_squeeze %dma_wait3A_189 : memref<1x64x128xf32, #tpu.memory_space<vmem>> -> memref<64x128xf32, #tpu.memory_space<vmem>>
      tpu.wait_dma2 semaphore(%run_scoped3A_166 : memref<!tpu.dma_semaphore, #tpu.memory_space<semaphore_mem>>) src(%dma_wait3A_190 : memref<64x128xf32, #tpu.memory_space<vmem>>) dst(%dma_wait3A_186 : memref<64x128xf32, #tpu.memory_space<vmem_shared>>)
      tpu.yield
    }) : () -> ()
    %add3A_14 = arith.constant 128 : i32
    %add3A_15 = arith.addi %mul3A_8, %add3A_14 : i32
    %run_scoped3A_16 = arith.constant 0 : i32
    "tpu.region"() ({
      %run_scoped3A_166 = tpu.sem_alloc : memref<!tpu.dma_semaphore, #tpu.memory_space<semaphore_mem>>
      %dma_start3A_167 = arith.constant 0 : i32
      %dma_start3A_168 = arith.constant 0 : i32
      %dma_start3A_169 = tpu.memref_slice %arg11[%run_scoped3A_16, %dma_start3A_167, %dma_start3A_168] : memref<2x64x128xf32, #tpu.memory_space<vmem>> -> memref<1x64x128xf32, #tpu.memory_space<vmem>>
      %dma_start3A_170 = tpu.memref_squeeze %dma_start3A_169 : memref<1x64x128xf32, #tpu.memory_space<vmem>> -> memref<64x128xf32, #tpu.memory_space<vmem>>
      %dma_start3A_171 = arith.constant 0 : i32
      %dma_start3A_172 = tpu.memref_slice %arg7[%add3A_15, %dma_start3A_171] : memref<10240x128xf32, #tpu.memory_space<vmem_shared>> -> memref<64x128xf32, #tpu.memory_space<vmem_shared>>
      %dma_start3A_173 = arith.constant 0 : i32
      %dma_start3A_174 = tpu.memref_slice %arg7[%add3A_15, %dma_start3A_173] : memref<10240x128xf32, #tpu.memory_space<vmem_shared>> -> memref<64x128xf32, #tpu.memory_space<vmem_shared>>
      %dma_start3A_175 = arith.constant 0 : i32
      %dma_start3A_176 = arith.constant 0 : i32
      %dma_start3A_177 = tpu.memref_slice %arg11[%run_scoped3A_16, %dma_start3A_175, %dma_start3A_176] : memref<2x64x128xf32, #tpu.memory_space<vmem>> -> memref<1x64x128xf32, #tpu.memory_space<vmem>>
      %dma_start3A_178 = tpu.memref_squeeze %dma_start3A_177 : memref<1x64x128xf32, #tpu.memory_space<vmem>> -> memref<64x128xf32, #tpu.memory_space<vmem>>
      tpu.enqueue_dma source(%dma_start3A_178 : memref<64x128xf32, #tpu.memory_space<vmem>>) target(%dma_start3A_174 : memref<64x128xf32, #tpu.memory_space<vmem_shared>>) target_semaphore(%run_scoped3A_166 : memref<!tpu.dma_semaphore, #tpu.memory_space<semaphore_mem>>)
      %dma_wait3A_179 = arith.constant 0 : i32
      %dma_wait3A_180 = arith.constant 0 : i32
      %dma_wait3A_181 = tpu.memref_slice %arg11[%run_scoped3A_16, %dma_wait3A_179, %dma_wait3A_180] : memref<2x64x128xf32, #tpu.memory_space<vmem>> -> memref<1x64x128xf32, #tpu.memory_space<vmem>>
      %dma_wait3A_182 = tpu.memref_squeeze %dma_wait3A_181 : memref<1x64x128xf32, #tpu.memory_space<vmem>> -> memref<64x128xf32, #tpu.memory_space<vmem>>
      %dma_wait3A_183 = arith.constant 0 : i32
      %dma_wait3A_184 = tpu.memref_slice %arg7[%add3A_15, %dma_wait3A_183] : memref<10240x128xf32, #tpu.memory_space<vmem_shared>> -> memref<64x128xf32, #tpu.memory_space<vmem_shared>>
      %dma_wait3A_185 = arith.constant 0 : i32
      %dma_wait3A_186 = tpu.memref_slice %arg7[%add3A_15, %dma_wait3A_185] : memref<10240x128xf32, #tpu.memory_space<vmem_shared>> -> memref<64x128xf32, #tpu.memory_space<vmem_shared>>
      %dma_wait3A_187 = arith.constant 0 : i32
      %dma_wait3A_188 = arith.constant 0 : i32
      %dma_wait3A_189 = tpu.memref_slice %arg11[%run_scoped3A_16, %dma_wait3A_187, %dma_wait3A_188] : memref<2x64x128xf32, #tpu.memory_space<vmem>> -> memref<1x64x128xf32, #tpu.memory_space<vmem>>
      %dma_wait3A_190 = tpu.memref_squeeze %dma_wait3A_189 : memref<1x64x128xf32, #tpu.memory_space<vmem>> -> memref<64x128xf32, #tpu.memory_space<vmem>>
      tpu.wait_dma2 semaphore(%run_scoped3A_166 : memref<!tpu.dma_semaphore, #tpu.memory_space<semaphore_mem>>) src(%dma_wait3A_190 : memref<64x128xf32, #tpu.memory_space<vmem>>) dst(%dma_wait3A_186 : memref<64x128xf32, #tpu.memory_space<vmem_shared>>)
      tpu.yield
    }) : () -> ()
    %add3A_17 = arith.constant 192 : i32
    %add3A_18 = arith.addi %mul3A_8, %add3A_17 : i32
    %run_scoped3A_19 = arith.constant 0 : i32
    "tpu.region"() ({
      %run_scoped3A_166 = tpu.sem_alloc : memref<!tpu.dma_semaphore, #tpu.memory_space<semaphore_mem>>
      %dma_start3A_167 = arith.constant 0 : i32
      %dma_start3A_168 = arith.constant 0 : i32
      %dma_start3A_169 = tpu.memref_slice %arg11[%run_scoped3A_19, %dma_start3A_167, %dma_start3A_168] : memref<2x64x128xf32, #tpu.memory_space<vmem>> -> memref<1x64x128xf32, #tpu.memory_space<vmem>>
      %dma_start3A_170 = tpu.memref_squeeze %dma_start3A_169 : memref<1x64x128xf32, #tpu.memory_space<vmem>> -> memref<64x128xf32, #tpu.memory_space<vmem>>
      %dma_start3A_171 = arith.constant 0 : i32
      %dma_start3A_172 = tpu.memref_slice %arg7[%add3A_18, %dma_start3A_171] : memref<10240x128xf32, #tpu.memory_space<vmem_shared>> -> memref<64x128xf32, #tpu.memory_space<vmem_shared>>
      %dma_start3A_173 = arith.constant 0 : i32
      %dma_start3A_174 = tpu.memref_slice %arg7[%add3A_18, %dma_start3A_173] : memref<10240x128xf32, #tpu.memory_space<vmem_shared>> -> memref<64x128xf32, #tpu.memory_space<vmem_shared>>
      %dma_start3A_175 = arith.constant 0 : i32
      %dma_start3A_176 = arith.constant 0 : i32
      %dma_start3A_177 = tpu.memref_slice %arg11[%run_scoped3A_19, %dma_start3A_175, %dma_start3A_176] : memref<2x64x128xf32, #tpu.memory_space<vmem>> -> memref<1x64x128xf32, #tpu.memory_space<vmem>>
      %dma_start3A_178 = tpu.memref_squeeze %dma_start3A_177 : memref<1x64x128xf32, #tpu.memory_space<vmem>> -> memref<64x128xf32, #tpu.memory_space<vmem>>
      tpu.enqueue_dma source(%dma_start3A_178 : memref<64x128xf32, #tpu.memory_space<vmem>>) target(%dma_start3A_174 : memref<64x128xf32, #tpu.memory_space<vmem_shared>>) target_semaphore(%run_scoped3A_166 : memref<!tpu.dma_semaphore, #tpu.memory_space<semaphore_mem>>)
      %dma_wait3A_179 = arith.constant 0 : i32
      %dma_wait3A_180 = arith.constant 0 : i32
      %dma_wait3A_181 = tpu.memref_slice %arg11[%run_scoped3A_19, %dma_wait3A_179, %dma_wait3A_180] : memref<2x64x128xf32, #tpu.memory_space<vmem>> -> memref<1x64x128xf32, #tpu.memory_space<vmem>>
      %dma_wait3A_182 = tpu.memref_squeeze %dma_wait3A_181 : memref<1x64x128xf32, #tpu.memory_space<vmem>> -> memref<64x128xf32, #tpu.memory_space<vmem>>
      %dma_wait3A_183 = arith.constant 0 : i32
      %dma_wait3A_184 = tpu.memref_slice %arg7[%add3A_18, %dma_wait3A_183] : memref<10240x128xf32, #tpu.memory_space<vmem_shared>> -> memref<64x128xf32, #tpu.memory_space<vmem_shared>>
      %dma_wait3A_185 = arith.constant 0 : i32
      %dma_wait3A_186 = tpu.memref_slice %arg7[%add3A_18, %dma_wait3A_185] : memref<10240x128xf32, #tpu.memory_space<vmem_shared>> -> memref<64x128xf32, #tpu.memory_space<vmem_shared>>
      %dma_wait3A_187 = arith.constant 0 : i32
      %dma_wait3A_188 = arith.constant 0 : i32
      %dma_wait3A_189 = tpu.memref_slice %arg11[%run_scoped3A_19, %dma_wait3A_187, %dma_wait3A_188] : memref<2x64x128xf32, #tpu.memory_space<vmem>> -> memref<1x64x128xf32, #tpu.memory_space<vmem>>
      %dma_wait3A_190 = tpu.memref_squeeze %dma_wait3A_189 : memref<1x64x128xf32, #tpu.memory_space<vmem>> -> memref<64x128xf32, #tpu.memory_space<vmem>>
      tpu.wait_dma2 semaphore(%run_scoped3A_166 : memref<!tpu.dma_semaphore, #tpu.memory_space<semaphore_mem>>) src(%dma_wait3A_190 : memref<64x128xf32, #tpu.memory_space<vmem>>) dst(%dma_wait3A_186 : memref<64x128xf32, #tpu.memory_space<vmem_shared>>)
      tpu.yield
    }) : () -> ()
    %add3A_20 = arith.constant 256 : i32
    %add3A_21 = arith.addi %mul3A_8, %add3A_20 : i32
    %run_scoped3A_22 = arith.constant 0 : i32
    "tpu.region"() ({
      %run_scoped3A_166 = tpu.sem_alloc : memref<!tpu.dma_semaphore, #tpu.memory_space<semaphore_mem>>
      %dma_start3A_167 = arith.constant 0 : i32
      %dma_start3A_168 = arith.constant 0 : i32
      %dma_start3A_169 = tpu.memref_slice %arg11[%run_scoped3A_22, %dma_start3A_167, %dma_start3A_168] : memref<2x64x128xf32, #tpu.memory_space<vmem>> -> memref<1x64x128xf32, #tpu.memory_space<vmem>>
      %dma_start3A_170 = tpu.memref_squeeze %dma_start3A_169 : memref<1x64x128xf32, #tpu.memory_space<vmem>> -> memref<64x128xf32, #tpu.memory_space<vmem>>
      %dma_start3A_171 = arith.constant 0 : i32
      %dma_start3A_172 = tpu.memref_slice %arg7[%add3A_21, %dma_start3A_171] : memref<10240x128xf32, #tpu.memory_space<vmem_shared>> -> memref<64x128xf32, #tpu.memory_space<vmem_shared>>
      %dma_start3A_173 = arith.constant 0 : i32
      %dma_start3A_174 = tpu.memref_slice %arg7[%add3A_21, %dma_start3A_173] : memref<10240x128xf32, #tpu.memory_space<vmem_shared>> -> memref<64x128xf32, #tpu.memory_space<vmem_shared>>
      %dma_start3A_175 = arith.constant 0 : i32
      %dma_start3A_176 = arith.constant 0 : i32
      %dma_start3A_177 = tpu.memref_slice %arg11[%run_scoped3A_22, %dma_start3A_175, %dma_start3A_176] : memref<2x64x128xf32, #tpu.memory_space<vmem>> -> memref<1x64x128xf32, #tpu.memory_space<vmem>>
      %dma_start3A_178 = tpu.memref_squeeze %dma_start3A_177 : memref<1x64x128xf32, #tpu.memory_space<vmem>> -> memref<64x128xf32, #tpu.memory_space<vmem>>
      tpu.enqueue_dma source(%dma_start3A_178 : memref<64x128xf32, #tpu.memory_space<vmem>>) target(%dma_start3A_174 : memref<64x128xf32, #tpu.memory_space<vmem_shared>>) target_semaphore(%run_scoped3A_166 : memref<!tpu.dma_semaphore, #tpu.memory_space<semaphore_mem>>)
      %dma_wait3A_179 = arith.constant 0 : i32
      %dma_wait3A_180 = arith.constant 0 : i32
      %dma_wait3A_181 = tpu.memref_slice %arg11[%run_scoped3A_22, %dma_wait3A_179, %dma_wait3A_180] : memref<2x64x128xf32, #tpu.memory_space<vmem>> -> memref<1x64x128xf32, #tpu.memory_space<vmem>>
      %dma_wait3A_182 = tpu.memref_squeeze %dma_wait3A_181 : memref<1x64x128xf32, #tpu.memory_space<vmem>> -> memref<64x128xf32, #tpu.memory_space<vmem>>
      %dma_wait3A_183 = arith.constant 0 : i32
      %dma_wait3A_184 = tpu.memref_slice %arg7[%add3A_21, %dma_wait3A_183] : memref<10240x128xf32, #tpu.memory_space<vmem_shared>> -> memref<64x128xf32, #tpu.memory_space<vmem_shared>>
      %dma_wait3A_185 = arith.constant 0 : i32
      %dma_wait3A_186 = tpu.memref_slice %arg7[%add3A_21, %dma_wait3A_185] : memref<10240x128xf32, #tpu.memory_space<vmem_shared>> -> memref<64x128xf32, #tpu.memory_space<vmem_shared>>
      %dma_wait3A_187 = arith.constant 0 : i32
      %dma_wait3A_188 = arith.constant 0 : i32
      %dma_wait3A_189 = tpu.memref_slice %arg11[%run_scoped3A_22, %dma_wait3A_187, %dma_wait3A_188] : memref<2x64x128xf32, #tpu.memory_space<vmem>> -> memref<1x64x128xf32, #tpu.memory_space<vmem>>
      %dma_wait3A_190 = tpu.memref_squeeze %dma_wait3A_189 : memref<1x64x128xf32, #tpu.memory_space<vmem>> -> memref<64x128xf32, #tpu.memory_space<vmem>>
      tpu.wait_dma2 semaphore(%run_scoped3A_166 : memref<!tpu.dma_semaphore, #tpu.memory_space<semaphore_mem>>) src(%dma_wait3A_190 : memref<64x128xf32, #tpu.memory_space<vmem>>) dst(%dma_wait3A_186 : memref<64x128xf32, #tpu.memory_space<vmem_shared>>)
      tpu.yield
    }) : () -> ()
    %add3A_23 = arith.constant 320 : i32
    %add3A_24 = arith.addi %mul3A_8, %add3A_23 : i32
    %run_scoped3A_25 = arith.constant 0 : i32
    "tpu.region"() ({
      %run_scoped3A_166 = tpu.sem_alloc : memref<!tpu.dma_semaphore, #tpu.memory_space<semaphore_mem>>
      %dma_start3A_167 = arith.constant 0 : i32
      %dma_start3A_168 = arith.constant 0 : i32
      %dma_start3A_169 = tpu.memref_slice %arg11[%run_scoped3A_25, %dma_start3A_167, %dma_start3A_168] : memref<2x64x128xf32, #tpu.memory_space<vmem>> -> memref<1x64x128xf32, #tpu.memory_space<vmem>>
      %dma_start3A_170 = tpu.memref_squeeze %dma_start3A_169 : memref<1x64x128xf32, #tpu.memory_space<vmem>> -> memref<64x128xf32, #tpu.memory_space<vmem>>
      %dma_start3A_171 = arith.constant 0 : i32
      %dma_start3A_172 = tpu.memref_slice %arg7[%add3A_24, %dma_start3A_171] : memref<10240x128xf32, #tpu.memory_space<vmem_shared>> -> memref<64x128xf32, #tpu.memory_space<vmem_shared>>
      %dma_start3A_173 = arith.constant 0 : i32
      %dma_start3A_174 = tpu.memref_slice %arg7[%add3A_24, %dma_start3A_173] : memref<10240x128xf32, #tpu.memory_space<vmem_shared>> -> memref<64x128xf32, #tpu.memory_space<vmem_shared>>
      %dma_start3A_175 = arith.constant 0 : i32
      %dma_start3A_176 = arith.constant 0 : i32
      %dma_start3A_177 = tpu.memref_slice %arg11[%run_scoped3A_25, %dma_start3A_175, %dma_start3A_176] : memref<2x64x128xf32, #tpu.memory_space<vmem>> -> memref<1x64x128xf32, #tpu.memory_space<vmem>>
      %dma_start3A_178 = tpu.memref_squeeze %dma_start3A_177 : memref<1x64x128xf32, #tpu.memory_space<vmem>> -> memref<64x128xf32, #tpu.memory_space<vmem>>
      tpu.enqueue_dma source(%dma_start3A_178 : memref<64x128xf32, #tpu.memory_space<vmem>>) target(%dma_start3A_174 : memref<64x128xf32, #tpu.memory_space<vmem_shared>>) target_semaphore(%run_scoped3A_166 : memref<!tpu.dma_semaphore, #tpu.memory_space<semaphore_mem>>)
      %dma_wait3A_179 = arith.constant 0 : i32
      %dma_wait3A_180 = arith.constant 0 : i32
      %dma_wait3A_181 = tpu.memref_slice %arg11[%run_scoped3A_25, %dma_wait3A_179, %dma_wait3A_180] : memref<2x64x128xf32, #tpu.memory_space<vmem>> -> memref<1x64x128xf32, #tpu.memory_space<vmem>>
      %dma_wait3A_182 = tpu.memref_squeeze %dma_wait3A_181 : memref<1x64x128xf32, #tpu.memory_space<vmem>> -> memref<64x128xf32, #tpu.memory_space<vmem>>
      %dma_wait3A_183 = arith.constant 0 : i32
      %dma_wait3A_184 = tpu.memref_slice %arg7[%add3A_24, %dma_wait3A_183] : memref<10240x128xf32, #tpu.memory_space<vmem_shared>> -> memref<64x128xf32, #tpu.memory_space<vmem_shared>>
      %dma_wait3A_185 = arith.constant 0 : i32
      %dma_wait3A_186 = tpu.memref_slice %arg7[%add3A_24, %dma_wait3A_185] : memref<10240x128xf32, #tpu.memory_space<vmem_shared>> -> memref<64x128xf32, #tpu.memory_space<vmem_shared>>
      %dma_wait3A_187 = arith.constant 0 : i32
      %dma_wait3A_188 = arith.constant 0 : i32
      %dma_wait3A_189 = tpu.memref_slice %arg11[%run_scoped3A_25, %dma_wait3A_187, %dma_wait3A_188] : memref<2x64x128xf32, #tpu.memory_space<vmem>> -> memref<1x64x128xf32, #tpu.memory_space<vmem>>
      %dma_wait3A_190 = tpu.memref_squeeze %dma_wait3A_189 : memref<1x64x128xf32, #tpu.memory_space<vmem>> -> memref<64x128xf32, #tpu.memory_space<vmem>>
      tpu.wait_dma2 semaphore(%run_scoped3A_166 : memref<!tpu.dma_semaphore, #tpu.memory_space<semaphore_mem>>) src(%dma_wait3A_190 : memref<64x128xf32, #tpu.memory_space<vmem>>) dst(%dma_wait3A_186 : memref<64x128xf32, #tpu.memory_space<vmem_shared>>)
      tpu.yield
    }) : () -> ()
    %add3A_26 = arith.constant 384 : i32
    %add3A_27 = arith.addi %mul3A_8, %add3A_26 : i32
    %run_scoped3A_28 = arith.constant 0 : i32
    "tpu.region"() ({
      %run_scoped3A_166 = tpu.sem_alloc : memref<!tpu.dma_semaphore, #tpu.memory_space<semaphore_mem>>
      %dma_start3A_167 = arith.constant 0 : i32
      %dma_start3A_168 = arith.constant 0 : i32
      %dma_start3A_169 = tpu.memref_slice %arg11[%run_scoped3A_28, %dma_start3A_167, %dma_start3A_168] : memref<2x64x128xf32, #tpu.memory_space<vmem>> -> memref<1x64x128xf32, #tpu.memory_space<vmem>>
      %dma_start3A_170 = tpu.memref_squeeze %dma_start3A_169 : memref<1x64x128xf32, #tpu.memory_space<vmem>> -> memref<64x128xf32, #tpu.memory_space<vmem>>
      %dma_start3A_171 = arith.constant 0 : i32
      %dma_start3A_172 = tpu.memref_slice %arg7[%add3A_27, %dma_start3A_171] : memref<10240x128xf32, #tpu.memory_space<vmem_shared>> -> memref<64x128xf32, #tpu.memory_space<vmem_shared>>
      %dma_start3A_173 = arith.constant 0 : i32
      %dma_start3A_174 = tpu.memref_slice %arg7[%add3A_27, %dma_start3A_173] : memref<10240x128xf32, #tpu.memory_space<vmem_shared>> -> memref<64x128xf32, #tpu.memory_space<vmem_shared>>
      %dma_start3A_175 = arith.constant 0 : i32
      %dma_start3A_176 = arith.constant 0 : i32
      %dma_start3A_177 = tpu.memref_slice %arg11[%run_scoped3A_28, %dma_start3A_175, %dma_start3A_176] : memref<2x64x128xf32, #tpu.memory_space<vmem>> -> memref<1x64x128xf32, #tpu.memory_space<vmem>>
      %dma_start3A_178 = tpu.memref_squeeze %dma_start3A_177 : memref<1x64x128xf32, #tpu.memory_space<vmem>> -> memref<64x128xf32, #tpu.memory_space<vmem>>
      tpu.enqueue_dma source(%dma_start3A_178 : memref<64x128xf32, #tpu.memory_space<vmem>>) target(%dma_start3A_174 : memref<64x128xf32, #tpu.memory_space<vmem_shared>>) target_semaphore(%run_scoped3A_166 : memref<!tpu.dma_semaphore, #tpu.memory_space<semaphore_mem>>)
      %dma_wait3A_179 = arith.constant 0 : i32
      %dma_wait3A_180 = arith.constant 0 : i32
      %dma_wait3A_181 = tpu.memref_slice %arg11[%run_scoped3A_28, %dma_wait3A_179, %dma_wait3A_180] : memref<2x64x128xf32, #tpu.memory_space<vmem>> -> memref<1x64x128xf32, #tpu.memory_space<vmem>>
      %dma_wait3A_182 = tpu.memref_squeeze %dma_wait3A_181 : memref<1x64x128xf32, #tpu.memory_space<vmem>> -> memref<64x128xf32, #tpu.memory_space<vmem>>
      %dma_wait3A_183 = arith.constant 0 : i32
      %dma_wait3A_184 = tpu.memref_slice %arg7[%add3A_27, %dma_wait3A_183] : memref<10240x128xf32, #tpu.memory_space<vmem_shared>> -> memref<64x128xf32, #tpu.memory_space<vmem_shared>>
      %dma_wait3A_185 = arith.constant 0 : i32
      %dma_wait3A_186 = tpu.memref_slice %arg7[%add3A_27, %dma_wait3A_185] : memref<10240x128xf32, #tpu.memory_space<vmem_shared>> -> memref<64x128xf32, #tpu.memory_space<vmem_shared>>
      %dma_wait3A_187 = arith.constant 0 : i32
      %dma_wait3A_188 = arith.constant 0 : i32
      %dma_wait3A_189 = tpu.memref_slice %arg11[%run_scoped3A_28, %dma_wait3A_187, %dma_wait3A_188] : memref<2x64x128xf32, #tpu.memory_space<vmem>> -> memref<1x64x128xf32, #tpu.memory_space<vmem>>
      %dma_wait3A_190 = tpu.memref_squeeze %dma_wait3A_189 : memref<1x64x128xf32, #tpu.memory_space<vmem>> -> memref<64x128xf32, #tpu.memory_space<vmem>>
      tpu.wait_dma2 semaphore(%run_scoped3A_166 : memref<!tpu.dma_semaphore, #tpu.memory_space<semaphore_mem>>) src(%dma_wait3A_190 : memref<64x128xf32, #tpu.memory_space<vmem>>) dst(%dma_wait3A_186 : memref<64x128xf32, #tpu.memory_space<vmem_shared>>)
      tpu.yield
    }) : () -> ()
    %add3A_29 = arith.constant 448 : i32
    %add3A_30 = arith.addi %mul3A_8, %add3A_29 : i32
    %run_scoped3A_31 = arith.constant 0 : i32
    "tpu.region"() ({
      %run_scoped3A_166 = tpu.sem_alloc : memref<!tpu.dma_semaphore, #tpu.memory_space<semaphore_mem>>
      %dma_start3A_167 = arith.constant 0 : i32
      %dma_start3A_168 = arith.constant 0 : i32
      %dma_start3A_169 = tpu.memref_slice %arg11[%run_scoped3A_31, %dma_start3A_167, %dma_start3A_168] : memref<2x64x128xf32, #tpu.memory_space<vmem>> -> memref<1x64x128xf32, #tpu.memory_space<vmem>>
      %dma_start3A_170 = tpu.memref_squeeze %dma_start3A_169 : memref<1x64x128xf32, #tpu.memory_space<vmem>> -> memref<64x128xf32, #tpu.memory_space<vmem>>
      %dma_start3A_171 = arith.constant 0 : i32
      %dma_start3A_172 = tpu.memref_slice %arg7[%add3A_30, %dma_start3A_171] : memref<10240x128xf32, #tpu.memory_space<vmem_shared>> -> memref<64x128xf32, #tpu.memory_space<vmem_shared>>
      %dma_start3A_173 = arith.constant 0 : i32
      %dma_start3A_174 = tpu.memref_slice %arg7[%add3A_30, %dma_start3A_173] : memref<10240x128xf32, #tpu.memory_space<vmem_shared>> -> memref<64x128xf32, #tpu.memory_space<vmem_shared>>
      %dma_start3A_175 = arith.constant 0 : i32
      %dma_start3A_176 = arith.constant 0 : i32
      %dma_start3A_177 = tpu.memref_slice %arg11[%run_scoped3A_31, %dma_start3A_175, %dma_start3A_176] : memref<2x64x128xf32, #tpu.memory_space<vmem>> -> memref<1x64x128xf32, #tpu.memory_space<vmem>>
      %dma_start3A_178 = tpu.memref_squeeze %dma_start3A_177 : memref<1x64x128xf32, #tpu.memory_space<vmem>> -> memref<64x128xf32, #tpu.memory_space<vmem>>
      tpu.enqueue_dma source(%dma_start3A_178 : memref<64x128xf32, #tpu.memory_space<vmem>>) target(%dma_start3A_174 : memref<64x128xf32, #tpu.memory_space<vmem_shared>>) target_semaphore(%run_scoped3A_166 : memref<!tpu.dma_semaphore, #tpu.memory_space<semaphore_mem>>)
      %dma_wait3A_179 = arith.constant 0 : i32
      %dma_wait3A_180 = arith.constant 0 : i32
      %dma_wait3A_181 = tpu.memref_slice %arg11[%run_scoped3A_31, %dma_wait3A_179, %dma_wait3A_180] : memref<2x64x128xf32, #tpu.memory_space<vmem>> -> memref<1x64x128xf32, #tpu.memory_space<vmem>>
      %dma_wait3A_182 = tpu.memref_squeeze %dma_wait3A_181 : memref<1x64x128xf32, #tpu.memory_space<vmem>> -> memref<64x128xf32, #tpu.memory_space<vmem>>
      %dma_wait3A_183 = arith.constant 0 : i32
      %dma_wait3A_184 = tpu.memref_slice %arg7[%add3A_30, %dma_wait3A_183] : memref<10240x128xf32, #tpu.memory_space<vmem_shared>> -> memref<64x128xf32, #tpu.memory_space<vmem_shared>>
      %dma_wait3A_185 = arith.constant 0 : i32
      %dma_wait3A_186 = tpu.memref_slice %arg7[%add3A_30, %dma_wait3A_185] : memref<10240x128xf32, #tpu.memory_space<vmem_shared>> -> memref<64x128xf32, #tpu.memory_space<vmem_shared>>
      %dma_wait3A_187 = arith.constant 0 : i32
      %dma_wait3A_188 = arith.constant 0 : i32
      %dma_wait3A_189 = tpu.memref_slice %arg11[%run_scoped3A_31, %dma_wait3A_187, %dma_wait3A_188] : memref<2x64x128xf32, #tpu.memory_space<vmem>> -> memref<1x64x128xf32, #tpu.memory_space<vmem>>
      %dma_wait3A_190 = tpu.memref_squeeze %dma_wait3A_189 : memref<1x64x128xf32, #tpu.memory_space<vmem>> -> memref<64x128xf32, #tpu.memory_space<vmem>>
      tpu.wait_dma2 semaphore(%run_scoped3A_166 : memref<!tpu.dma_semaphore, #tpu.memory_space<semaphore_mem>>) src(%dma_wait3A_190 : memref<64x128xf32, #tpu.memory_space<vmem>>) dst(%dma_wait3A_186 : memref<64x128xf32, #tpu.memory_space<vmem_shared>>)
      tpu.yield
    }) : () -> ()
    %add3A_32 = arith.constant 512 : i32
    %add3A_33 = arith.addi %mul3A_8, %add3A_32 : i32
    %run_scoped3A_34 = arith.constant 0 : i32
    "tpu.region"() ({
      %run_scoped3A_166 = tpu.sem_alloc : memref<!tpu.dma_semaphore, #tpu.memory_space<semaphore_mem>>
      %dma_start3A_167 = arith.constant 0 : i32
      %dma_start3A_168 = arith.constant 0 : i32
      %dma_start3A_169 = tpu.memref_slice %arg11[%run_scoped3A_34, %dma_start3A_167, %dma_start3A_168] : memref<2x64x128xf32, #tpu.memory_space<vmem>> -> memref<1x64x128xf32, #tpu.memory_space<vmem>>
      %dma_start3A_170 = tpu.memref_squeeze %dma_start3A_169 : memref<1x64x128xf32, #tpu.memory_space<vmem>> -> memref<64x128xf32, #tpu.memory_space<vmem>>
      %dma_start3A_171 = arith.constant 0 : i32
      %dma_start3A_172 = tpu.memref_slice %arg7[%add3A_33, %dma_start3A_171] : memref<10240x128xf32, #tpu.memory_space<vmem_shared>> -> memref<64x128xf32, #tpu.memory_space<vmem_shared>>
      %dma_start3A_173 = arith.constant 0 : i32
      %dma_start3A_174 = tpu.memref_slice %arg7[%add3A_33, %dma_start3A_173] : memref<10240x128xf32, #tpu.memory_space<vmem_shared>> -> memref<64x128xf32, #tpu.memory_space<vmem_shared>>
      %dma_start3A_175 = arith.constant 0 : i32
      %dma_start3A_176 = arith.constant 0 : i32
      %dma_start3A_177 = tpu.memref_slice %arg11[%run_scoped3A_34, %dma_start3A_175, %dma_start3A_176] : memref<2x64x128xf32, #tpu.memory_space<vmem>> -> memref<1x64x128xf32, #tpu.memory_space<vmem>>
      %dma_start3A_178 = tpu.memref_squeeze %dma_start3A_177 : memref<1x64x128xf32, #tpu.memory_space<vmem>> -> memref<64x128xf32, #tpu.memory_space<vmem>>
      tpu.enqueue_dma source(%dma_start3A_178 : memref<64x128xf32, #tpu.memory_space<vmem>>) target(%dma_start3A_174 : memref<64x128xf32, #tpu.memory_space<vmem_shared>>) target_semaphore(%run_scoped3A_166 : memref<!tpu.dma_semaphore, #tpu.memory_space<semaphore_mem>>)
      %dma_wait3A_179 = arith.constant 0 : i32
      %dma_wait3A_180 = arith.constant 0 : i32
      %dma_wait3A_181 = tpu.memref_slice %arg11[%run_scoped3A_34, %dma_wait3A_179, %dma_wait3A_180] : memref<2x64x128xf32, #tpu.memory_space<vmem>> -> memref<1x64x128xf32, #tpu.memory_space<vmem>>
      %dma_wait3A_182 = tpu.memref_squeeze %dma_wait3A_181 : memref<1x64x128xf32, #tpu.memory_space<vmem>> -> memref<64x128xf32, #tpu.memory_space<vmem>>
      %dma_wait3A_183 = arith.constant 0 : i32
      %dma_wait3A_184 = tpu.memref_slice %arg7[%add3A_33, %dma_wait3A_183] : memref<10240x128xf32, #tpu.memory_space<vmem_shared>> -> memref<64x128xf32, #tpu.memory_space<vmem_shared>>
      %dma_wait3A_185 = arith.constant 0 : i32
      %dma_wait3A_186 = tpu.memref_slice %arg7[%add3A_33, %dma_wait3A_185] : memref<10240x128xf32, #tpu.memory_space<vmem_shared>> -> memref<64x128xf32, #tpu.memory_space<vmem_shared>>
      %dma_wait3A_187 = arith.constant 0 : i32
      %dma_wait3A_188 = arith.constant 0 : i32
      %dma_wait3A_189 = tpu.memref_slice %arg11[%run_scoped3A_34, %dma_wait3A_187, %dma_wait3A_188] : memref<2x64x128xf32, #tpu.memory_space<vmem>> -> memref<1x64x128xf32, #tpu.memory_space<vmem>>
      %dma_wait3A_190 = tpu.memref_squeeze %dma_wait3A_189 : memref<1x64x128xf32, #tpu.memory_space<vmem>> -> memref<64x128xf32, #tpu.memory_space<vmem>>
      tpu.wait_dma2 semaphore(%run_scoped3A_166 : memref<!tpu.dma_semaphore, #tpu.memory_space<semaphore_mem>>) src(%dma_wait3A_190 : memref<64x128xf32, #tpu.memory_space<vmem>>) dst(%dma_wait3A_186 : memref<64x128xf32, #tpu.memory_space<vmem_shared>>)
      tpu.yield
    }) : () -> ()
    %add3A_35 = arith.constant 576 : i32
    %add3A_36 = arith.addi %mul3A_8, %add3A_35 : i32
    %run_scoped3A_37 = arith.constant 0 : i32
    "tpu.region"() ({
      %run_scoped3A_166 = tpu.sem_alloc : memref<!tpu.dma_semaphore, #tpu.memory_space<semaphore_mem>>
      %dma_start3A_167 = arith.constant 0 : i32
      %dma_start3A_168 = arith.constant 0 : i32
      %dma_start3A_169 = tpu.memref_slice %arg11[%run_scoped3A_37, %dma_start3A_167, %dma_start3A_168] : memref<2x64x128xf32, #tpu.memory_space<vmem>> -> memref<1x64x128xf32, #tpu.memory_space<vmem>>
      %dma_start3A_170 = tpu.memref_squeeze %dma_start3A_169 : memref<1x64x128xf32, #tpu.memory_space<vmem>> -> memref<64x128xf32, #tpu.memory_space<vmem>>
      %dma_start3A_171 = arith.constant 0 : i32
      %dma_start3A_172 = tpu.memref_slice %arg7[%add3A_36, %dma_start3A_171] : memref<10240x128xf32, #tpu.memory_space<vmem_shared>> -> memref<64x128xf32, #tpu.memory_space<vmem_shared>>
      %dma_start3A_173 = arith.constant 0 : i32
      %dma_start3A_174 = tpu.memref_slice %arg7[%add3A_36, %dma_start3A_173] : memref<10240x128xf32, #tpu.memory_space<vmem_shared>> -> memref<64x128xf32, #tpu.memory_space<vmem_shared>>
      %dma_start3A_175 = arith.constant 0 : i32
      %dma_start3A_176 = arith.constant 0 : i32
      %dma_start3A_177 = tpu.memref_slice %arg11[%run_scoped3A_37, %dma_start3A_175, %dma_start3A_176] : memref<2x64x128xf32, #tpu.memory_space<vmem>> -> memref<1x64x128xf32, #tpu.memory_space<vmem>>
      %dma_start3A_178 = tpu.memref_squeeze %dma_start3A_177 : memref<1x64x128xf32, #tpu.memory_space<vmem>> -> memref<64x128xf32, #tpu.memory_space<vmem>>
      tpu.enqueue_dma source(%dma_start3A_178 : memref<64x128xf32, #tpu.memory_space<vmem>>) target(%dma_start3A_174 : memref<64x128xf32, #tpu.memory_space<vmem_shared>>) target_semaphore(%run_scoped3A_166 : memref<!tpu.dma_semaphore, #tpu.memory_space<semaphore_mem>>)
      %dma_wait3A_179 = arith.constant 0 : i32
      %dma_wait3A_180 = arith.constant 0 : i32
      %dma_wait3A_181 = tpu.memref_slice %arg11[%run_scoped3A_37, %dma_wait3A_179, %dma_wait3A_180] : memref<2x64x128xf32, #tpu.memory_space<vmem>> -> memref<1x64x128xf32, #tpu.memory_space<vmem>>
      %dma_wait3A_182 = tpu.memref_squeeze %dma_wait3A_181 : memref<1x64x128xf32, #tpu.memory_space<vmem>> -> memref<64x128xf32, #tpu.memory_space<vmem>>
      %dma_wait3A_183 = arith.constant 0 : i32
      %dma_wait3A_184 = tpu.memref_slice %arg7[%add3A_36, %dma_wait3A_183] : memref<10240x128xf32, #tpu.memory_space<vmem_shared>> -> memref<64x128xf32, #tpu.memory_space<vmem_shared>>
      %dma_wait3A_185 = arith.constant 0 : i32
      %dma_wait3A_186 = tpu.memref_slice %arg7[%add3A_36, %dma_wait3A_185] : memref<10240x128xf32, #tpu.memory_space<vmem_shared>> -> memref<64x128xf32, #tpu.memory_space<vmem_shared>>
      %dma_wait3A_187 = arith.constant 0 : i32
      %dma_wait3A_188 = arith.constant 0 : i32
      %dma_wait3A_189 = tpu.memref_slice %arg11[%run_scoped3A_37, %dma_wait3A_187, %dma_wait3A_188] : memref<2x64x128xf32, #tpu.memory_space<vmem>> -> memref<1x64x128xf32, #tpu.memory_space<vmem>>
      %dma_wait3A_190 = tpu.memref_squeeze %dma_wait3A_189 : memref<1x64x128xf32, #tpu.memory_space<vmem>> -> memref<64x128xf32, #tpu.memory_space<vmem>>
      tpu.wait_dma2 semaphore(%run_scoped3A_166 : memref<!tpu.dma_semaphore, #tpu.memory_space<semaphore_mem>>) src(%dma_wait3A_190 : memref<64x128xf32, #tpu.memory_space<vmem>>) dst(%dma_wait3A_186 : memref<64x128xf32, #tpu.memory_space<vmem_shared>>)
      tpu.yield
    }) : () -> ()
    %barrier3A = arith.constant 0 : index
    tpu.barrier barrier_id(%barrier3A)
    %mul3A_38 = arith.constant 40 : i32
    %mul3A_39 = arith.muli %add3A, %mul3A_38 : i32
    %add3A_40 = arith.constant 0 : i32
    %add3A_41 = arith.addi %mul3A_39, %add3A_40 : i32
    "tpu.region"() ({
      %run_scoped3A_166 = tpu.sem_alloc : memref<!tpu.dma_semaphore, #tpu.memory_space<semaphore_mem>>
      %dma_start3A_167 = arith.constant 0 : i32
      %dma_start3A_168 = tpu.memref_slice %arg3[%add3A_41, %dma_start3A_167] : memref<1280x128xi32, #tpu.memory_space<hbm>> -> memref<20x128xi32, #tpu.memory_space<hbm>>
      %dma_start3A_169 = arith.constant 0 : i32
      %dma_start3A_170 = tpu.memref_slice %arg3[%add3A_41, %dma_start3A_169] : memref<1280x128xi32, #tpu.memory_space<hbm>> -> memref<20x128xi32, #tpu.memory_space<hbm>>
      tpu.enqueue_dma source(%dma_start3A_170 : memref<20x128xi32, #tpu.memory_space<hbm>>) target(%arg8 : memref<20x128xi32, #tpu.memory_space<vmem>>) target_semaphore(%run_scoped3A_166 : memref<!tpu.dma_semaphore, #tpu.memory_space<semaphore_mem>>)
      %dma_wait3A_171 = arith.constant 0 : i32
      %dma_wait3A_172 = tpu.memref_slice %arg3[%add3A_41, %dma_wait3A_171] : memref<1280x128xi32, #tpu.memory_space<hbm>> -> memref<20x128xi32, #tpu.memory_space<hbm>>
      %dma_wait3A_173 = arith.constant 0 : i32
      %dma_wait3A_174 = tpu.memref_slice %arg3[%add3A_41, %dma_wait3A_173] : memref<1280x128xi32, #tpu.memory_space<hbm>> -> memref<20x128xi32, #tpu.memory_space<hbm>>
      tpu.wait_dma2 semaphore(%run_scoped3A_166 : memref<!tpu.dma_semaphore, #tpu.memory_space<semaphore_mem>>) src(%dma_wait3A_174 : memref<20x128xi32, #tpu.memory_space<hbm>>) dst(%arg8 : memref<20x128xi32, #tpu.memory_space<vmem>>)
      tpu.yield
    }) : () -> ()
    %mul3A_42 = arith.constant 2 : i32
    %mul3A_43 = arith.muli %mul3A_42, %add3A_41 : i32
    "tpu.region"() ({
      %run_scoped3A_166 = tpu.sem_alloc : memref<!tpu.dma_semaphore, #tpu.memory_space<semaphore_mem>>
      %dma_start3A_167 = arith.constant 0 : i32
      %dma_start3A_168 = tpu.memref_slice %arg4[%mul3A_43, %dma_start3A_167] : memref<2560x64xi32, #tpu.memory_space<hbm>> -> memref<40x64xi32, #tpu.memory_space<hbm>>
      %dma_start3A_169 = arith.constant 0 : i32
      %dma_start3A_170 = tpu.memref_slice %arg4[%mul3A_43, %dma_start3A_169] : memref<2560x64xi32, #tpu.memory_space<hbm>> -> memref<40x64xi32, #tpu.memory_space<hbm>>
      tpu.enqueue_dma source(%dma_start3A_170 : memref<40x64xi32, #tpu.memory_space<hbm>>) target(%arg9 : memref<40x64xi32, #tpu.memory_space<vmem>>) target_semaphore(%run_scoped3A_166 : memref<!tpu.dma_semaphore, #tpu.memory_space<semaphore_mem>>)
      %dma_wait3A_171 = arith.constant 0 : i32
      %dma_wait3A_172 = tpu.memref_slice %arg4[%mul3A_43, %dma_wait3A_171] : memref<2560x64xi32, #tpu.memory_space<hbm>> -> memref<40x64xi32, #tpu.memory_space<hbm>>
      %dma_wait3A_173 = arith.constant 0 : i32
      %dma_wait3A_174 = tpu.memref_slice %arg4[%mul3A_43, %dma_wait3A_173] : memref<2560x64xi32, #tpu.memory_space<hbm>> -> memref<40x64xi32, #tpu.memory_space<hbm>>
      tpu.wait_dma2 semaphore(%run_scoped3A_166 : memref<!tpu.dma_semaphore, #tpu.memory_space<semaphore_mem>>) src(%dma_wait3A_174 : memref<40x64xi32, #tpu.memory_space<hbm>>) dst(%arg9 : memref<40x64xi32, #tpu.memory_space<vmem>>)
      tpu.yield
    }) : () -> ()
    %dma_start3A = arith.constant 0 : i32
    %dma_start3A_44 = arith.constant 0 : i32
    %dma_start3A_45 = arith.constant 0 : i32
    %dma_start3A_46 = arith.constant 0 : i32
    %dma_start3A_47 = tpu.memref_slice %arg10[%dma_start3A_44, %dma_start3A_45, %dma_start3A_46] : memref<2x128x64xi32, #tpu.memory_space<vmem>> -> memref<1x128x64xi32, #tpu.memory_space<vmem>>
    %dma_start3A_48 = tpu.memref_squeeze %dma_start3A_47 : memref<1x128x64xi32, #tpu.memory_space<vmem>> -> memref<128x64xi32, #tpu.memory_space<vmem>>
    %dma_start3A_49 = arith.constant 0 : i32
    %dma_start3A_50 = tpu.memref_slice %arg8[%dma_start3A, %dma_start3A_49] : memref<20x128xi32, #tpu.memory_space<vmem>> -> memref<1x128xi32, #tpu.memory_space<vmem>>
    %dma_start3A_51 = tpu.memref_squeeze %dma_start3A_50 : memref<1x128xi32, #tpu.memory_space<vmem>> -> memref<128xi32, #tpu.memory_space<vmem>>
    %dma_start3A_52 = arith.constant 0 : i32
    %dma_start3A_53 = arith.constant 0 : i32
    %dma_start3A_54 = tpu.memref_slice %arg2[%dma_start3A_52, %dma_start3A_53] : memref<40000x64xi32, #tpu.memory_space<hbm>> -> memref<40000x64xi32, #tpu.memory_space<hbm>>
    tpu.enqueue_indirect_dma source(%dma_start3A_54 : memref<40000x64xi32, #tpu.memory_space<hbm>>) target(%dma_start3A_48 : memref<128x64xi32, #tpu.memory_space<vmem>>) offsets(%dma_start3A_51 : memref<128xi32, #tpu.memory_space<vmem>>) semaphore(%arg12 : memref<!tpu.dma_semaphore, #tpu.memory_space<semaphore_mem>>)
    %dma_start3A_55 = arith.constant 1 : i32
    %dma_start3A_56 = arith.constant 1 : i32
    %dma_start3A_57 = arith.constant 0 : i32
    %dma_start3A_58 = arith.constant 0 : i32
    %dma_start3A_59 = tpu.memref_slice %arg10[%dma_start3A_56, %dma_start3A_57, %dma_start3A_58] : memref<2x128x64xi32, #tpu.memory_space<vmem>> -> memref<1x128x64xi32, #tpu.memory_space<vmem>>
    %dma_start3A_60 = tpu.memref_squeeze %dma_start3A_59 : memref<1x128x64xi32, #tpu.memory_space<vmem>> -> memref<128x64xi32, #tpu.memory_space<vmem>>
    %dma_start3A_61 = arith.constant 0 : i32
    %dma_start3A_62 = tpu.memref_slice %arg8[%dma_start3A_55, %dma_start3A_61] : memref<20x128xi32, #tpu.memory_space<vmem>> -> memref<1x128xi32, #tpu.memory_space<vmem>>
    %dma_start3A_63 = tpu.memref_squeeze %dma_start3A_62 : memref<1x128xi32, #tpu.memory_space<vmem>> -> memref<128xi32, #tpu.memory_space<vmem>>
    %dma_start3A_64 = arith.constant 0 : i32
    %dma_start3A_65 = arith.constant 0 : i32
    %dma_start3A_66 = tpu.memref_slice %arg2[%dma_start3A_64, %dma_start3A_65] : memref<40000x64xi32, #tpu.memory_space<hbm>> -> memref<40000x64xi32, #tpu.memory_space<hbm>>
    tpu.enqueue_indirect_dma source(%dma_start3A_66 : memref<40000x64xi32, #tpu.memory_space<hbm>>) target(%dma_start3A_60 : memref<128x64xi32, #tpu.memory_space<vmem>>) offsets(%dma_start3A_63 : memref<128xi32, #tpu.memory_space<vmem>>) semaphore(%arg13 : memref<!tpu.dma_semaphore, #tpu.memory_space<semaphore_mem>>)
    %scan3A_67 = arith.constant 0 : i32
    %scan3A_68 = arith.constant 0 : i32
    %scan3A_69 = arith.constant 10 : i32
    %scan3A_70 = arith.addi %scan3A_68, %scan3A_69 : i32
    %scan3A_71 = arith.constant 1 : i32
    %scan3A_72 = scf.for %scan3A_166 = %scan3A_68 to %scan3A_70 step %scan3A_71 iter_args(%scan3A_167 = %scan3A_67) -> (i32)  : i32 {
      %mul3A_168 = arith.constant 2 : i32
      %mul3A_169 = arith.muli %scan3A_166, %mul3A_168 : i32
      %add3A_170 = arith.constant 0 : i32
      %add3A_171 = arith.addi %mul3A_169, %add3A_170 : i32
      %dma_wait3A_172 = arith.constant 0 : i32
      %dma_wait3A_173 = arith.constant 0 : i32
      %dma_wait3A_174 = arith.constant 0 : i32
      %dma_wait3A_175 = tpu.memref_slice %arg10[%dma_wait3A_172, %dma_wait3A_173, %dma_wait3A_174] : memref<2x128x64xi32, #tpu.memory_space<vmem>> -> memref<1x128x64xi32, #tpu.memory_space<vmem>>
      %dma_wait3A_176 = tpu.memref_squeeze %dma_wait3A_175 : memref<1x128x64xi32, #tpu.memory_space<vmem>> -> memref<128x64xi32, #tpu.memory_space<vmem>>
      %dma_wait3A_177 = arith.constant 0 : i32
      %dma_wait3A_178 = tpu.memref_slice %arg8[%add3A_171, %dma_wait3A_177] : memref<20x128xi32, #tpu.memory_space<vmem>> -> memref<1x128xi32, #tpu.memory_space<vmem>>
      %dma_wait3A_179 = tpu.memref_squeeze %dma_wait3A_178 : memref<1x128xi32, #tpu.memory_space<vmem>> -> memref<128xi32, #tpu.memory_space<vmem>>
      %dma_wait3A_180 = arith.constant 0 : i32
      %dma_wait3A_181 = arith.constant 0 : i32
      %dma_wait3A_182 = tpu.memref_slice %arg2[%dma_wait3A_180, %dma_wait3A_181] : memref<40000x64xi32, #tpu.memory_space<hbm>> -> memref<40000x64xi32, #tpu.memory_space<hbm>>
      tpu.wait_indirect_dma semaphore(%arg12 : memref<!tpu.dma_semaphore, #tpu.memory_space<semaphore_mem>>) src(%dma_wait3A_182 : memref<40000x64xi32, #tpu.memory_space<hbm>>) dst(%dma_wait3A_176 : memref<128x64xi32, #tpu.memory_space<vmem>>)
      %gt3A = arith.constant 0 : i32
      %gt3A_183 = arith.cmpi sgt, %add3A_171, %gt3A : i32
      %convert_element_type3A_184 = arith.extui %gt3A_183 : i1 to i32
      %cond3A_185 = arith.constant 0 : i32
      %cond3A_186 = arith.cmpi ne, %convert_element_type3A_184, %cond3A_185 : i32
      scf.if %cond3A_186 {
        %dma_wait3A_326 = arith.constant 0 : i32
        %dma_wait3A_327 = arith.constant 0 : i32
        %dma_wait3A_328 = arith.constant 0 : i32
        %dma_wait3A_329 = arith.constant 0 : i32
        %dma_wait3A_330 = tpu.memref_slice %arg11[%dma_wait3A_326, %dma_wait3A_328, %dma_wait3A_329] : memref<2x64x128xf32, #tpu.memory_space<vmem>> -> memref<1x64x128xf32, #tpu.memory_space<vmem>>
        %dma_wait3A_331 = tpu.memref_squeeze %dma_wait3A_330 : memref<1x64x128xf32, #tpu.memory_space<vmem>> -> memref<64x128xf32, #tpu.memory_space<vmem>>
        %dma_wait3A_332 = arith.constant 0 : i32
        %dma_wait3A_333 = tpu.memref_slice %arg9[%dma_wait3A_327, %dma_wait3A_332] : memref<40x64xi32, #tpu.memory_space<vmem>> -> memref<1x64xi32, #tpu.memory_space<vmem>>
        %dma_wait3A_334 = tpu.memref_squeeze %dma_wait3A_333 : memref<1x64xi32, #tpu.memory_space<vmem>> -> memref<64xi32, #tpu.memory_space<vmem>>
        %dma_wait3A_335 = arith.constant 0 : i32
        %dma_wait3A_336 = arith.constant 0 : i32
        %dma_wait3A_337 = tpu.memref_slice %arg7[%dma_wait3A_335, %dma_wait3A_336] : memref<10240x128xf32, #tpu.memory_space<vmem_shared>> -> memref<10240x128xf32, #tpu.memory_space<vmem_shared>>
        tpu.wait_indirect_dma semaphore(%arg14 : memref<!tpu.dma_semaphore, #tpu.memory_space<semaphore_mem>>) src(%dma_wait3A_331 : memref<64x128xf32, #tpu.memory_space<vmem>>) dst(%dma_wait3A_337 : memref<10240x128xf32, #tpu.memory_space<vmem_shared>>)
      } else {
      }
      %broadcast_in_dim3A = arith.constant -65536 : i32
      %broadcast_in_dim3A_187 = vector.broadcast %broadcast_in_dim3A : i32 to vector<16xi32>
      %scan3A_188 = arith.constant 0 : i32
      %scan3A_189 = arith.constant 0 : i32
      %scan3A_190 = arith.constant 64 : i32
      %scan3A_191 = arith.addi %scan3A_189, %scan3A_190 : i32
      %scan3A_192 = arith.constant 1 : i32
      %scan3A_193 = scf.for %scan3A_326 = %scan3A_189 to %scan3A_191 step %scan3A_192 iter_args(%scan3A_327 = %scan3A_188) -> (i32)  : i32 {
        %add3A_328 = arith.constant 0 : i32
        %add3A_329 = arith.addi %add3A_328, %scan3A_326 : i32
        %get3A = arith.constant 0 : i32
        %get3A_330 = arith.index_cast %get3A : i32 to index
        %get3A_331 = arith.index_cast %add3A_329 : i32 to index
        %get3A_332 = arith.constant 0 : index
        %get3A_333 = tpu.vector_load %arg10[%get3A_330, %get3A_331, %get3A_332] {strides = array<i32>} : memref<2x128x64xi32, #tpu.memory_space<vmem>>, vector<16xi32>,
        %shift_left3A = arith.constant 16 : i32
        %shift_left3A_334 = vector.broadcast %shift_left3A : i32 to vector<16xi32>
        %shift_left3A_335 = arith.shli %get3A_333, %shift_left3A_334 : vector<16xi32>
        %bitcast3A = vector.bitcast %shift_left3A_335 : vector<16xi32> to vector<16xf32>
        %swap3A = arith.constant 0 : i32
        %swap3A_336 = arith.index_cast %swap3A : i32 to index
        %swap3A_337 = arith.index_cast %scan3A_326 : i32 to index
        %swap3A_338 = arith.constant 0 : index
        %swap3A_339 = tpu.vector_load %arg11[%swap3A_336, %swap3A_337, %swap3A_338] {strides = array<i32>} : memref<2x64x128xf32, #tpu.memory_space<vmem>>, vector<16xf32>,
        tpu.vector_store %arg11[%swap3A_336, %swap3A_337, %swap3A_338], %bitcast3A {strides = array<i32>} : memref<2x64x128xf32, #tpu.memory_space<vmem>>, vector<16xf32>,
        %and3A = arith.andi %get3A_333, %broadcast_in_dim3A_187 : vector<16xi32>
        %bitcast3A_340 = vector.bitcast %and3A : vector<16xi32> to vector<16xf32>
        %swap3A_341 = arith.constant 0 : i32
        %swap3A_342 = arith.index_cast %swap3A_341 : i32 to index
        %swap3A_343 = arith.index_cast %scan3A_326 : i32 to index
        %swap3A_344 = arith.constant 16 : index
        %swap3A_345 = tpu.vector_load %arg11[%swap3A_342, %swap3A_343, %swap3A_344] {strides = array<i32>} : memref<2x64x128xf32, #tpu.memory_space<vmem>>, vector<16xf32>,
        tpu.vector_store %arg11[%swap3A_342, %swap3A_343, %swap3A_344], %bitcast3A_340 {strides = array<i32>} : memref<2x64x128xf32, #tpu.memory_space<vmem>>, vector<16xf32>,
        %get3A_346 = arith.constant 0 : i32
        %get3A_347 = arith.index_cast %get3A_346 : i32 to index
        %get3A_348 = arith.index_cast %add3A_329 : i32 to index
        %get3A_349 = arith.constant 16 : index
        %get3A_350 = tpu.vector_load %arg10[%get3A_347, %get3A_348, %get3A_349] {strides = array<i32>} : memref<2x128x64xi32, #tpu.memory_space<vmem>>, vector<16xi32>,
        %shift_left3A_351 = arith.constant 16 : i32
        %shift_left3A_352 = vector.broadcast %shift_left3A_351 : i32 to vector<16xi32>
        %shift_left3A_353 = arith.shli %get3A_350, %shift_left3A_352 : vector<16xi32>
        %bitcast3A_354 = vector.bitcast %shift_left3A_353 : vector<16xi32> to vector<16xf32>
        %swap3A_355 = arith.constant 0 : i32
        %swap3A_356 = arith.index_cast %swap3A_355 : i32 to index
        %swap3A_357 = arith.index_cast %scan3A_326 : i32 to index
        %swap3A_358 = arith.constant 32 : index
        %swap3A_359 = tpu.vector_load %arg11[%swap3A_356, %swap3A_357, %swap3A_358] {strides = array<i32>} : memref<2x64x128xf32, #tpu.memory_space<vmem>>, vector<16xf32>,
        tpu.vector_store %arg11[%swap3A_356, %swap3A_357, %swap3A_358], %bitcast3A_354 {strides = array<i32>} : memref<2x64x128xf32, #tpu.memory_space<vmem>>, vector<16xf32>,
        %and3A_360 = arith.andi %get3A_350, %broadcast_in_dim3A_187 : vector<16xi32>
        %bitcast3A_361 = vector.bitcast %and3A_360 : vector<16xi32> to vector<16xf32>
        %swap3A_362 = arith.constant 0 : i32
        %swap3A_363 = arith.index_cast %swap3A_362 : i32 to index
        %swap3A_364 = arith.index_cast %scan3A_326 : i32 to index
        %swap3A_365 = arith.constant 48 : index
        %swap3A_366 = tpu.vector_load %arg11[%swap3A_363, %swap3A_364, %swap3A_365] {strides = array<i32>} : memref<2x64x128xf32, #tpu.memory_space<vmem>>, vector<16xf32>,
        tpu.vector_store %arg11[%swap3A_363, %swap3A_364, %swap3A_365], %bitcast3A_361 {strides = array<i32>} : memref<2x64x128xf32, #tpu.memory_space<vmem>>, vector<16xf32>,
        %get3A_367 = arith.constant 0 : i32
        %get3A_368 = arith.index_cast %get3A_367 : i32 to index
        %get3A_369 = arith.index_cast %add3A_329 : i32 to index
        %get3A_370 = arith.constant 32 : index
        %get3A_371 = tpu.vector_load %arg10[%get3A_368, %get3A_369, %get3A_370] {strides = array<i32>} : memref<2x128x64xi32, #tpu.memory_space<vmem>>, vector<16xi32>,
        %shift_left3A_372 = arith.constant 16 : i32
        %shift_left3A_373 = vector.broadcast %shift_left3A_372 : i32 to vector<16xi32>
        %shift_left3A_374 = arith.shli %get3A_371, %shift_left3A_373 : vector<16xi32>
        %bitcast3A_375 = vector.bitcast %shift_left3A_374 : vector<16xi32> to vector<16xf32>
        %swap3A_376 = arith.constant 0 : i32
        %swap3A_377 = arith.index_cast %swap3A_376 : i32 to index
        %swap3A_378 = arith.index_cast %scan3A_326 : i32 to index
        %swap3A_379 = arith.constant 64 : index
        %swap3A_380 = tpu.vector_load %arg11[%swap3A_377, %swap3A_378, %swap3A_379] {strides = array<i32>} : memref<2x64x128xf32, #tpu.memory_space<vmem>>, vector<16xf32>,
        tpu.vector_store %arg11[%swap3A_377, %swap3A_378, %swap3A_379], %bitcast3A_375 {strides = array<i32>} : memref<2x64x128xf32, #tpu.memory_space<vmem>>, vector<16xf32>,
        %and3A_381 = arith.andi %get3A_371, %broadcast_in_dim3A_187 : vector<16xi32>
        %bitcast3A_382 = vector.bitcast %and3A_381 : vector<16xi32> to vector<16xf32>
        %swap3A_383 = arith.constant 0 : i32
        %swap3A_384 = arith.index_cast %swap3A_383 : i32 to index
        %swap3A_385 = arith.index_cast %scan3A_326 : i32 to index
        %swap3A_386 = arith.constant 80 : index
        %swap3A_387 = tpu.vector_load %arg11[%swap3A_384, %swap3A_385, %swap3A_386] {strides = array<i32>} : memref<2x64x128xf32, #tpu.memory_space<vmem>>, vector<16xf32>,
        tpu.vector_store %arg11[%swap3A_384, %swap3A_385, %swap3A_386], %bitcast3A_382 {strides = array<i32>} : memref<2x64x128xf32, #tpu.memory_space<vmem>>, vector<16xf32>,
        %get3A_388 = arith.constant 0 : i32
        %get3A_389 = arith.index_cast %get3A_388 : i32 to index
        %get3A_390 = arith.index_cast %add3A_329 : i32 to index
        %get3A_391 = arith.constant 48 : index
        %get3A_392 = tpu.vector_load %arg10[%get3A_389, %get3A_390, %get3A_391] {strides = array<i32>} : memref<2x128x64xi32, #tpu.memory_space<vmem>>, vector<16xi32>,
        %shift_left3A_393 = arith.constant 16 : i32
        %shift_left3A_394 = vector.broadcast %shift_left3A_393 : i32 to vector<16xi32>
        %shift_left3A_395 = arith.shli %get3A_392, %shift_left3A_394 : vector<16xi32>
        %bitcast3A_396 = vector.bitcast %shift_left3A_395 : vector<16xi32> to vector<16xf32>
        %swap3A_397 = arith.constant 0 : i32
        %swap3A_398 = arith.index_cast %swap3A_397 : i32 to index
        %swap3A_399 = arith.index_cast %scan3A_326 : i32 to index
        %swap3A_400 = arith.constant 96 : index
        %swap3A_401 = tpu.vector_load %arg11[%swap3A_398, %swap3A_399, %swap3A_400] {strides = array<i32>} : memref<2x64x128xf32, #tpu.memory_space<vmem>>, vector<16xf32>,
        tpu.vector_store %arg11[%swap3A_398, %swap3A_399, %swap3A_400], %bitcast3A_396 {strides = array<i32>} : memref<2x64x128xf32, #tpu.memory_space<vmem>>, vector<16xf32>,
        %and3A_402 = arith.andi %get3A_392, %broadcast_in_dim3A_187 : vector<16xi32>
        %bitcast3A_403 = vector.bitcast %and3A_402 : vector<16xi32> to vector<16xf32>
        %swap3A_404 = arith.constant 0 : i32
        %swap3A_405 = arith.index_cast %swap3A_404 : i32 to index
        %swap3A_406 = arith.index_cast %scan3A_326 : i32 to index
        %swap3A_407 = arith.constant 112 : index
        %swap3A_408 = tpu.vector_load %arg11[%swap3A_405, %swap3A_406, %swap3A_407] {strides = array<i32>} : memref<2x64x128xf32, #tpu.memory_space<vmem>>, vector<16xf32>,
        tpu.vector_store %arg11[%swap3A_405, %swap3A_406, %swap3A_407], %bitcast3A_403 {strides = array<i32>} : memref<2x64x128xf32, #tpu.memory_space<vmem>>, vector<16xf32>,
        %scan3A_409 = arith.constant 0 : i32
        scf.yield %scan3A_409 : i32
      }
      %scan3A_194 = arith.constant 64 : i32
      %mul3A_195 = arith.constant 2 : i32
      %mul3A_196 = arith.muli %mul3A_195, %add3A_171 : i32
      %add3A_197 = arith.constant 0 : i32
      %add3A_198 = arith.addi %mul3A_196, %add3A_197 : i32
      %dma_start3A_199 = arith.constant 0 : i32
      %dma_start3A_200 = arith.constant 0 : i32
      %dma_start3A_201 = arith.constant 0 : i32
      %dma_start3A_202 = tpu.memref_slice %arg11[%dma_start3A_199, %dma_start3A_200, %dma_start3A_201] : memref<2x64x128xf32, #tpu.memory_space<vmem>> -> memref<1x64x128xf32, #tpu.memory_space<vmem>>
      %dma_start3A_203 = tpu.memref_squeeze %dma_start3A_202 : memref<1x64x128xf32, #tpu.memory_space<vmem>> -> memref<64x128xf32, #tpu.memory_space<vmem>>
      %dma_start3A_204 = arith.constant 0 : i32
      %dma_start3A_205 = tpu.memref_slice %arg9[%add3A_198, %dma_start3A_204] : memref<40x64xi32, #tpu.memory_space<vmem>> -> memref<1x64xi32, #tpu.memory_space<vmem>>
      %dma_start3A_206 = tpu.memref_squeeze %dma_start3A_205 : memref<1x64xi32, #tpu.memory_space<vmem>> -> memref<64xi32, #tpu.memory_space<vmem>>
      %dma_start3A_207 = arith.constant 0 : i32
      %dma_start3A_208 = arith.constant 0 : i32
      %dma_start3A_209 = tpu.memref_slice %arg7[%dma_start3A_207, %dma_start3A_208] : memref<10240x128xf32, #tpu.memory_space<vmem_shared>> -> memref<10240x128xf32, #tpu.memory_space<vmem_shared>>
      tpu.enqueue_indirect_dma source(%dma_start3A_203 : memref<64x128xf32, #tpu.memory_space<vmem>>) target(%dma_start3A_209 : memref<10240x128xf32, #tpu.memory_space<vmem_shared>>) offsets(%dma_start3A_206 : memref<64xi32, #tpu.memory_space<vmem>>) semaphore(%arg14 : memref<!tpu.dma_semaphore, #tpu.memory_space<semaphore_mem>>) {add = true}
      %gt3A_210 = arith.constant 0 : i32
      %gt3A_211 = arith.cmpi sgt, %add3A_171, %gt3A_210 : i32
      %convert_element_type3A_212 = arith.extui %gt3A_211 : i1 to i32
      %cond3A_213 = arith.constant 0 : i32
      %cond3A_214 = arith.cmpi ne, %convert_element_type3A_212, %cond3A_213 : i32
      scf.if %cond3A_214 {
        %dma_wait3A_326 = arith.constant 1 : i32
        %dma_wait3A_327 = arith.constant 0 : i32
        %dma_wait3A_328 = arith.constant 0 : i32
        %dma_wait3A_329 = arith.constant 0 : i32
        %dma_wait3A_330 = tpu.memref_slice %arg11[%dma_wait3A_326, %dma_wait3A_328, %dma_wait3A_329] : memref<2x64x128xf32, #tpu.memory_space<vmem>> -> memref<1x64x128xf32, #tpu.memory_space<vmem>>
        %dma_wait3A_331 = tpu.memref_squeeze %dma_wait3A_330 : memref<1x64x128xf32, #tpu.memory_space<vmem>> -> memref<64x128xf32, #tpu.memory_space<vmem>>
        %dma_wait3A_332 = arith.constant 0 : i32
        %dma_wait3A_333 = tpu.memref_slice %arg9[%dma_wait3A_327, %dma_wait3A_332] : memref<40x64xi32, #tpu.memory_space<vmem>> -> memref<1x64xi32, #tpu.memory_space<vmem>>
        %dma_wait3A_334 = tpu.memref_squeeze %dma_wait3A_333 : memref<1x64xi32, #tpu.memory_space<vmem>> -> memref<64xi32, #tpu.memory_space<vmem>>
        %dma_wait3A_335 = arith.constant 0 : i32
        %dma_wait3A_336 = arith.constant 0 : i32
        %dma_wait3A_337 = tpu.memref_slice %arg7[%dma_wait3A_335, %dma_wait3A_336] : memref<10240x128xf32, #tpu.memory_space<vmem_shared>> -> memref<10240x128xf32, #tpu.memory_space<vmem_shared>>
        tpu.wait_indirect_dma semaphore(%arg15 : memref<!tpu.dma_semaphore, #tpu.memory_space<semaphore_mem>>) src(%dma_wait3A_331 : memref<64x128xf32, #tpu.memory_space<vmem>>) dst(%dma_wait3A_337 : memref<10240x128xf32, #tpu.memory_space<vmem_shared>>)
      } else {
      }
      %broadcast_in_dim3A_215 = arith.constant -65536 : i32
      %broadcast_in_dim3A_216 = vector.broadcast %broadcast_in_dim3A_215 : i32 to vector<16xi32>
      %scan3A_217 = arith.constant 0 : i32
      %scan3A_218 = arith.constant 0 : i32
      %scan3A_219 = arith.constant 64 : i32
      %scan3A_220 = arith.addi %scan3A_218, %scan3A_219 : i32
      %scan3A_221 = arith.constant 1 : i32
      %scan3A_222 = scf.for %scan3A_326 = %scan3A_218 to %scan3A_220 step %scan3A_221 iter_args(%scan3A_327 = %scan3A_217) -> (i32)  : i32 {
        %add3A_328 = arith.constant 64 : i32
        %add3A_329 = arith.addi %add3A_328, %scan3A_326 : i32
        %get3A = arith.constant 0 : i32
        %get3A_330 = arith.index_cast %get3A : i32 to index
        %get3A_331 = arith.index_cast %add3A_329 : i32 to index
        %get3A_332 = arith.constant 0 : index
        %get3A_333 = tpu.vector_load %arg10[%get3A_330, %get3A_331, %get3A_332] {strides = array<i32>} : memref<2x128x64xi32, #tpu.memory_space<vmem>>, vector<16xi32>,
        %shift_left3A = arith.constant 16 : i32
        %shift_left3A_334 = vector.broadcast %shift_left3A : i32 to vector<16xi32>
        %shift_left3A_335 = arith.shli %get3A_333, %shift_left3A_334 : vector<16xi32>
        %bitcast3A = vector.bitcast %shift_left3A_335 : vector<16xi32> to vector<16xf32>
        %swap3A = arith.constant 1 : i32
        %swap3A_336 = arith.index_cast %swap3A : i32 to index
        %swap3A_337 = arith.index_cast %scan3A_326 : i32 to index
        %swap3A_338 = arith.constant 0 : index
        %swap3A_339 = tpu.vector_load %arg11[%swap3A_336, %swap3A_337, %swap3A_338] {strides = array<i32>} : memref<2x64x128xf32, #tpu.memory_space<vmem>>, vector<16xf32>,
        tpu.vector_store %arg11[%swap3A_336, %swap3A_337, %swap3A_338], %bitcast3A {strides = array<i32>} : memref<2x64x128xf32, #tpu.memory_space<vmem>>, vector<16xf32>,
        %and3A = arith.andi %get3A_333, %broadcast_in_dim3A_216 : vector<16xi32>
        %bitcast3A_340 = vector.bitcast %and3A : vector<16xi32> to vector<16xf32>
        %swap3A_341 = arith.constant 1 : i32
        %swap3A_342 = arith.index_cast %swap3A_341 : i32 to index
        %swap3A_343 = arith.index_cast %scan3A_326 : i32 to index
        %swap3A_344 = arith.constant 16 : index
        %swap3A_345 = tpu.vector_load %arg11[%swap3A_342, %swap3A_343, %swap3A_344] {strides = array<i32>} : memref<2x64x128xf32, #tpu.memory_space<vmem>>, vector<16xf32>,
        tpu.vector_store %arg11[%swap3A_342, %swap3A_343, %swap3A_344], %bitcast3A_340 {strides = array<i32>} : memref<2x64x128xf32, #tpu.memory_space<vmem>>, vector<16xf32>,
        %get3A_346 = arith.constant 0 : i32
        %get3A_347 = arith.index_cast %get3A_346 : i32 to index
        %get3A_348 = arith.index_cast %add3A_329 : i32 to index
        %get3A_349 = arith.constant 16 : index
        %get3A_350 = tpu.vector_load %arg10[%get3A_347, %get3A_348, %get3A_349] {strides = array<i32>} : memref<2x128x64xi32, #tpu.memory_space<vmem>>, vector<16xi32>,
        %shift_left3A_351 = arith.constant 16 : i32
        %shift_left3A_352 = vector.broadcast %shift_left3A_351 : i32 to vector<16xi32>
        %shift_left3A_353 = arith.shli %get3A_350, %shift_left3A_352 : vector<16xi32>
        %bitcast3A_354 = vector.bitcast %shift_left3A_353 : vector<16xi32> to vector<16xf32>
        %swap3A_355 = arith.constant 1 : i32
        %swap3A_356 = arith.index_cast %swap3A_355 : i32 to index
        %swap3A_357 = arith.index_cast %scan3A_326 : i32 to index
        %swap3A_358 = arith.constant 32 : index
        %swap3A_359 = tpu.vector_load %arg11[%swap3A_356, %swap3A_357, %swap3A_358] {strides = array<i32>} : memref<2x64x128xf32, #tpu.memory_space<vmem>>, vector<16xf32>,
        tpu.vector_store %arg11[%swap3A_356, %swap3A_357, %swap3A_358], %bitcast3A_354 {strides = array<i32>} : memref<2x64x128xf32, #tpu.memory_space<vmem>>, vector<16xf32>,
        %and3A_360 = arith.andi %get3A_350, %broadcast_in_dim3A_216 : vector<16xi32>
        %bitcast3A_361 = vector.bitcast %and3A_360 : vector<16xi32> to vector<16xf32>
        %swap3A_362 = arith.constant 1 : i32
        %swap3A_363 = arith.index_cast %swap3A_362 : i32 to index
        %swap3A_364 = arith.index_cast %scan3A_326 : i32 to index
        %swap3A_365 = arith.constant 48 : index
        %swap3A_366 = tpu.vector_load %arg11[%swap3A_363, %swap3A_364, %swap3A_365] {strides = array<i32>} : memref<2x64x128xf32, #tpu.memory_space<vmem>>, vector<16xf32>,
        tpu.vector_store %arg11[%swap3A_363, %swap3A_364, %swap3A_365], %bitcast3A_361 {strides = array<i32>} : memref<2x64x128xf32, #tpu.memory_space<vmem>>, vector<16xf32>,
        %get3A_367 = arith.constant 0 : i32
        %get3A_368 = arith.index_cast %get3A_367 : i32 to index
        %get3A_369 = arith.index_cast %add3A_329 : i32 to index
        %get3A_370 = arith.constant 32 : index
        %get3A_371 = tpu.vector_load %arg10[%get3A_368, %get3A_369, %get3A_370] {strides = array<i32>} : memref<2x128x64xi32, #tpu.memory_space<vmem>>, vector<16xi32>,
        %shift_left3A_372 = arith.constant 16 : i32
        %shift_left3A_373 = vector.broadcast %shift_left3A_372 : i32 to vector<16xi32>
        %shift_left3A_374 = arith.shli %get3A_371, %shift_left3A_373 : vector<16xi32>
        %bitcast3A_375 = vector.bitcast %shift_left3A_374 : vector<16xi32> to vector<16xf32>
        %swap3A_376 = arith.constant 1 : i32
        %swap3A_377 = arith.index_cast %swap3A_376 : i32 to index
        %swap3A_378 = arith.index_cast %scan3A_326 : i32 to index
        %swap3A_379 = arith.constant 64 : index
        %swap3A_380 = tpu.vector_load %arg11[%swap3A_377, %swap3A_378, %swap3A_379] {strides = array<i32>} : memref<2x64x128xf32, #tpu.memory_space<vmem>>, vector<16xf32>,
        tpu.vector_store %arg11[%swap3A_377, %swap3A_378, %swap3A_379], %bitcast3A_375 {strides = array<i32>} : memref<2x64x128xf32, #tpu.memory_space<vmem>>, vector<16xf32>,
        %and3A_381 = arith.andi %get3A_371, %broadcast_in_dim3A_216 : vector<16xi32>
        %bitcast3A_382 = vector.bitcast %and3A_381 : vector<16xi32> to vector<16xf32>
        %swap3A_383 = arith.constant 1 : i32
        %swap3A_384 = arith.index_cast %swap3A_383 : i32 to index
        %swap3A_385 = arith.index_cast %scan3A_326 : i32 to index
        %swap3A_386 = arith.constant 80 : index
        %swap3A_387 = tpu.vector_load %arg11[%swap3A_384, %swap3A_385, %swap3A_386] {strides = array<i32>} : memref<2x64x128xf32, #tpu.memory_space<vmem>>, vector<16xf32>,
        tpu.vector_store %arg11[%swap3A_384, %swap3A_385, %swap3A_386], %bitcast3A_382 {strides = array<i32>} : memref<2x64x128xf32, #tpu.memory_space<vmem>>, vector<16xf32>,
        %get3A_388 = arith.constant 0 : i32
        %get3A_389 = arith.index_cast %get3A_388 : i32 to index
        %get3A_390 = arith.index_cast %add3A_329 : i32 to index
        %get3A_391 = arith.constant 48 : index
        %get3A_392 = tpu.vector_load %arg10[%get3A_389, %get3A_390, %get3A_391] {strides = array<i32>} : memref<2x128x64xi32, #tpu.memory_space<vmem>>, vector<16xi32>,
        %shift_left3A_393 = arith.constant 16 : i32
        %shift_left3A_394 = vector.broadcast %shift_left3A_393 : i32 to vector<16xi32>
        %shift_left3A_395 = arith.shli %get3A_392, %shift_left3A_394 : vector<16xi32>
        %bitcast3A_396 = vector.bitcast %shift_left3A_395 : vector<16xi32> to vector<16xf32>
        %swap3A_397 = arith.constant 1 : i32
        %swap3A_398 = arith.index_cast %swap3A_397 : i32 to index
        %swap3A_399 = arith.index_cast %scan3A_326 : i32 to index
        %swap3A_400 = arith.constant 96 : index
        %swap3A_401 = tpu.vector_load %arg11[%swap3A_398, %swap3A_399, %swap3A_400] {strides = array<i32>} : memref<2x64x128xf32, #tpu.memory_space<vmem>>, vector<16xf32>,
        tpu.vector_store %arg11[%swap3A_398, %swap3A_399, %swap3A_400], %bitcast3A_396 {strides = array<i32>} : memref<2x64x128xf32, #tpu.memory_space<vmem>>, vector<16xf32>,
        %and3A_402 = arith.andi %get3A_392, %broadcast_in_dim3A_216 : vector<16xi32>
        %bitcast3A_403 = vector.bitcast %and3A_402 : vector<16xi32> to vector<16xf32>
        %swap3A_404 = arith.constant 1 : i32
        %swap3A_405 = arith.index_cast %swap3A_404 : i32 to index
        %swap3A_406 = arith.index_cast %scan3A_326 : i32 to index
        %swap3A_407 = arith.constant 112 : index
        %swap3A_408 = tpu.vector_load %arg11[%swap3A_405, %swap3A_406, %swap3A_407] {strides = array<i32>} : memref<2x64x128xf32, #tpu.memory_space<vmem>>, vector<16xf32>,
        tpu.vector_store %arg11[%swap3A_405, %swap3A_406, %swap3A_407], %bitcast3A_403 {strides = array<i32>} : memref<2x64x128xf32, #tpu.memory_space<vmem>>, vector<16xf32>,
        %scan3A_409 = arith.constant 0 : i32
        scf.yield %scan3A_409 : i32
      }
      %scan3A_223 = arith.constant 64 : i32
      %mul3A_224 = arith.constant 2 : i32
      %mul3A_225 = arith.muli %mul3A_224, %add3A_171 : i32
      %add3A_226 = arith.constant 1 : i32
      %add3A_227 = arith.addi %mul3A_225, %add3A_226 : i32
      %dma_start3A_228 = arith.constant 1 : i32
      %dma_start3A_229 = arith.constant 0 : i32
      %dma_start3A_230 = arith.constant 0 : i32
      %dma_start3A_231 = tpu.memref_slice %arg11[%dma_start3A_228, %dma_start3A_229, %dma_start3A_230] : memref<2x64x128xf32, #tpu.memory_space<vmem>> -> memref<1x64x128xf32, #tpu.memory_space<vmem>>
      %dma_start3A_232 = tpu.memref_squeeze %dma_start3A_231 : memref<1x64x128xf32, #tpu.memory_space<vmem>> -> memref<64x128xf32, #tpu.memory_space<vmem>>
      %dma_start3A_233 = arith.constant 0 : i32
      %dma_start3A_234 = tpu.memref_slice %arg9[%add3A_227, %dma_start3A_233] : memref<40x64xi32, #tpu.memory_space<vmem>> -> memref<1x64xi32, #tpu.memory_space<vmem>>
      %dma_start3A_235 = tpu.memref_squeeze %dma_start3A_234 : memref<1x64xi32, #tpu.memory_space<vmem>> -> memref<64xi32, #tpu.memory_space<vmem>>
      %dma_start3A_236 = arith.constant 0 : i32
      %dma_start3A_237 = arith.constant 0 : i32
      %dma_start3A_238 = tpu.memref_slice %arg7[%dma_start3A_236, %dma_start3A_237] : memref<10240x128xf32, #tpu.memory_space<vmem_shared>> -> memref<10240x128xf32, #tpu.memory_space<vmem_shared>>
      tpu.enqueue_indirect_dma source(%dma_start3A_232 : memref<64x128xf32, #tpu.memory_space<vmem>>) target(%dma_start3A_238 : memref<10240x128xf32, #tpu.memory_space<vmem_shared>>) offsets(%dma_start3A_235 : memref<64xi32, #tpu.memory_space<vmem>>) semaphore(%arg15 : memref<!tpu.dma_semaphore, #tpu.memory_space<semaphore_mem>>) {add = true}
      %add3A_239 = arith.constant 2 : i32
      %add3A_240 = arith.addi %add3A_171, %add3A_239 : i32
      %lt3A = arith.constant 20 : i32
      %lt3A_241 = arith.cmpi slt, %add3A_240, %lt3A : i32
      %convert_element_type3A_242 = arith.extui %lt3A_241 : i1 to i32
      %cond3A_243 = arith.constant 0 : i32
      %cond3A_244 = arith.cmpi ne, %convert_element_type3A_242, %cond3A_243 : i32
      scf.if %cond3A_244 {
        %dma_start3A_326 = arith.constant 0 : i32
        %dma_start3A_327 = arith.constant 0 : i32
        %dma_start3A_328 = arith.constant 0 : i32
        %dma_start3A_329 = tpu.memref_slice %arg10[%dma_start3A_326, %dma_start3A_327, %dma_start3A_328] : memref<2x128x64xi32, #tpu.memory_space<vmem>> -> memref<1x128x64xi32, #tpu.memory_space<vmem>>
        %dma_start3A_330 = tpu.memref_squeeze %dma_start3A_329 : memref<1x128x64xi32, #tpu.memory_space<vmem>> -> memref<128x64xi32, #tpu.memory_space<vmem>>
        %dma_start3A_331 = arith.constant 0 : i32
        %dma_start3A_332 = tpu.memref_slice %arg8[%add3A_240, %dma_start3A_331] : memref<20x128xi32, #tpu.memory_space<vmem>> -> memref<1x128xi32, #tpu.memory_space<vmem>>
        %dma_start3A_333 = tpu.memref_squeeze %dma_start3A_332 : memref<1x128xi32, #tpu.memory_space<vmem>> -> memref<128xi32, #tpu.memory_space<vmem>>
        %dma_start3A_334 = arith.constant 0 : i32
        %dma_start3A_335 = arith.constant 0 : i32
        %dma_start3A_336 = tpu.memref_slice %arg2[%dma_start3A_334, %dma_start3A_335] : memref<40000x64xi32, #tpu.memory_space<hbm>> -> memref<40000x64xi32, #tpu.memory_space<hbm>>
        tpu.enqueue_indirect_dma source(%dma_start3A_336 : memref<40000x64xi32, #tpu.memory_space<hbm>>) target(%dma_start3A_330 : memref<128x64xi32, #tpu.memory_space<vmem>>) offsets(%dma_start3A_333 : memref<128xi32, #tpu.memory_space<vmem>>) semaphore(%arg12 : memref<!tpu.dma_semaphore, #tpu.memory_space<semaphore_mem>>)
      } else {
      }
      %mul3A_245 = arith.constant 2 : i32
      %mul3A_246 = arith.muli %scan3A_166, %mul3A_245 : i32
      %add3A_247 = arith.constant 1 : i32
      %add3A_248 = arith.addi %mul3A_246, %add3A_247 : i32
      %dma_wait3A_249 = arith.constant 1 : i32
      %dma_wait3A_250 = arith.constant 0 : i32
      %dma_wait3A_251 = arith.constant 0 : i32
      %dma_wait3A_252 = tpu.memref_slice %arg10[%dma_wait3A_249, %dma_wait3A_250, %dma_wait3A_251] : memref<2x128x64xi32, #tpu.memory_space<vmem>> -> memref<1x128x64xi32, #tpu.memory_space<vmem>>
      %dma_wait3A_253 = tpu.memref_squeeze %dma_wait3A_252 : memref<1x128x64xi32, #tpu.memory_space<vmem>> -> memref<128x64xi32, #tpu.memory_space<vmem>>
      %dma_wait3A_254 = arith.constant 0 : i32
      %dma_wait3A_255 = tpu.memref_slice %arg8[%add3A_248, %dma_wait3A_254] : memref<20x128xi32, #tpu.memory_space<vmem>> -> memref<1x128xi32, #tpu.memory_space<vmem>>
      %dma_wait3A_256 = tpu.memref_squeeze %dma_wait3A_255 : memref<1x128xi32, #tpu.memory_space<vmem>> -> memref<128xi32, #tpu.memory_space<vmem>>
      %dma_wait3A_257 = arith.constant 0 : i32
      %dma_wait3A_258 = arith.constant 0 : i32
      %dma_wait3A_259 = tpu.memref_slice %arg2[%dma_wait3A_257, %dma_wait3A_258] : memref<40000x64xi32, #tpu.memory_space<hbm>> -> memref<40000x64xi32, #tpu.memory_space<hbm>>
      tpu.wait_indirect_dma semaphore(%arg13 : memref<!tpu.dma_semaphore, #tpu.memory_space<semaphore_mem>>) src(%dma_wait3A_259 : memref<40000x64xi32, #tpu.memory_space<hbm>>) dst(%dma_wait3A_253 : memref<128x64xi32, #tpu.memory_space<vmem>>)
      %gt3A_260 = arith.constant 0 : i32
      %gt3A_261 = arith.cmpi sgt, %add3A_248, %gt3A_260 : i32
      %convert_element_type3A_262 = arith.extui %gt3A_261 : i1 to i32
      %cond3A_263 = arith.constant 0 : i32
      %cond3A_264 = arith.cmpi ne, %convert_element_type3A_262, %cond3A_263 : i32
      scf.if %cond3A_264 {
        %dma_wait3A_326 = arith.constant 0 : i32
        %dma_wait3A_327 = arith.constant 0 : i32
        %dma_wait3A_328 = arith.constant 0 : i32
        %dma_wait3A_329 = arith.constant 0 : i32
        %dma_wait3A_330 = tpu.memref_slice %arg11[%dma_wait3A_326, %dma_wait3A_328, %dma_wait3A_329] : memref<2x64x128xf32, #tpu.memory_space<vmem>> -> memref<1x64x128xf32, #tpu.memory_space<vmem>>
        %dma_wait3A_331 = tpu.memref_squeeze %dma_wait3A_330 : memref<1x64x128xf32, #tpu.memory_space<vmem>> -> memref<64x128xf32, #tpu.memory_space<vmem>>
        %dma_wait3A_332 = arith.constant 0 : i32
        %dma_wait3A_333 = tpu.memref_slice %arg9[%dma_wait3A_327, %dma_wait3A_332] : memref<40x64xi32, #tpu.memory_space<vmem>> -> memref<1x64xi32, #tpu.memory_space<vmem>>
        %dma_wait3A_334 = tpu.memref_squeeze %dma_wait3A_333 : memref<1x64xi32, #tpu.memory_space<vmem>> -> memref<64xi32, #tpu.memory_space<vmem>>
        %dma_wait3A_335 = arith.constant 0 : i32
        %dma_wait3A_336 = arith.constant 0 : i32
        %dma_wait3A_337 = tpu.memref_slice %arg7[%dma_wait3A_335, %dma_wait3A_336] : memref<10240x128xf32, #tpu.memory_space<vmem_shared>> -> memref<10240x128xf32, #tpu.memory_space<vmem_shared>>
        tpu.wait_indirect_dma semaphore(%arg14 : memref<!tpu.dma_semaphore, #tpu.memory_space<semaphore_mem>>) src(%dma_wait3A_331 : memref<64x128xf32, #tpu.memory_space<vmem>>) dst(%dma_wait3A_337 : memref<10240x128xf32, #tpu.memory_space<vmem_shared>>)
      } else {
      }
      %broadcast_in_dim3A_265 = arith.constant -65536 : i32
      %broadcast_in_dim3A_266 = vector.broadcast %broadcast_in_dim3A_265 : i32 to vector<16xi32>
      %scan3A_267 = arith.constant 0 : i32
      %scan3A_268 = arith.constant 0 : i32
      %scan3A_269 = arith.constant 64 : i32
      %scan3A_270 = arith.addi %scan3A_268, %scan3A_269 : i32
      %scan3A_271 = arith.constant 1 : i32
      %scan3A_272 = scf.for %scan3A_326 = %scan3A_268 to %scan3A_270 step %scan3A_271 iter_args(%scan3A_327 = %scan3A_267) -> (i32)  : i32 {
        %add3A_328 = arith.constant 0 : i32
        %add3A_329 = arith.addi %add3A_328, %scan3A_326 : i32
        %get3A = arith.constant 1 : i32
        %get3A_330 = arith.index_cast %get3A : i32 to index
        %get3A_331 = arith.index_cast %add3A_329 : i32 to index
        %get3A_332 = arith.constant 0 : index
        %get3A_333 = tpu.vector_load %arg10[%get3A_330, %get3A_331, %get3A_332] {strides = array<i32>} : memref<2x128x64xi32, #tpu.memory_space<vmem>>, vector<16xi32>,
        %shift_left3A = arith.constant 16 : i32
        %shift_left3A_334 = vector.broadcast %shift_left3A : i32 to vector<16xi32>
        %shift_left3A_335 = arith.shli %get3A_333, %shift_left3A_334 : vector<16xi32>
        %bitcast3A = vector.bitcast %shift_left3A_335 : vector<16xi32> to vector<16xf32>
        %swap3A = arith.constant 0 : i32
        %swap3A_336 = arith.index_cast %swap3A : i32 to index
        %swap3A_337 = arith.index_cast %scan3A_326 : i32 to index
        %swap3A_338 = arith.constant 0 : index
        %swap3A_339 = tpu.vector_load %arg11[%swap3A_336, %swap3A_337, %swap3A_338] {strides = array<i32>} : memref<2x64x128xf32, #tpu.memory_space<vmem>>, vector<16xf32>,
        tpu.vector_store %arg11[%swap3A_336, %swap3A_337, %swap3A_338], %bitcast3A {strides = array<i32>} : memref<2x64x128xf32, #tpu.memory_space<vmem>>, vector<16xf32>,
        %and3A = arith.andi %get3A_333, %broadcast_in_dim3A_266 : vector<16xi32>
        %bitcast3A_340 = vector.bitcast %and3A : vector<16xi32> to vector<16xf32>
        %swap3A_341 = arith.constant 0 : i32
        %swap3A_342 = arith.index_cast %swap3A_341 : i32 to index
        %swap3A_343 = arith.index_cast %scan3A_326 : i32 to index
        %swap3A_344 = arith.constant 16 : index
        %swap3A_345 = tpu.vector_load %arg11[%swap3A_342, %swap3A_343, %swap3A_344] {strides = array<i32>} : memref<2x64x128xf32, #tpu.memory_space<vmem>>, vector<16xf32>,
        tpu.vector_store %arg11[%swap3A_342, %swap3A_343, %swap3A_344], %bitcast3A_340 {strides = array<i32>} : memref<2x64x128xf32, #tpu.memory_space<vmem>>, vector<16xf32>,
        %get3A_346 = arith.constant 1 : i32
        %get3A_347 = arith.index_cast %get3A_346 : i32 to index
        %get3A_348 = arith.index_cast %add3A_329 : i32 to index
        %get3A_349 = arith.constant 16 : index
        %get3A_350 = tpu.vector_load %arg10[%get3A_347, %get3A_348, %get3A_349] {strides = array<i32>} : memref<2x128x64xi32, #tpu.memory_space<vmem>>, vector<16xi32>,
        %shift_left3A_351 = arith.constant 16 : i32
        %shift_left3A_352 = vector.broadcast %shift_left3A_351 : i32 to vector<16xi32>
        %shift_left3A_353 = arith.shli %get3A_350, %shift_left3A_352 : vector<16xi32>
        %bitcast3A_354 = vector.bitcast %shift_left3A_353 : vector<16xi32> to vector<16xf32>
        %swap3A_355 = arith.constant 0 : i32
        %swap3A_356 = arith.index_cast %swap3A_355 : i32 to index
        %swap3A_357 = arith.index_cast %scan3A_326 : i32 to index
        %swap3A_358 = arith.constant 32 : index
        %swap3A_359 = tpu.vector_load %arg11[%swap3A_356, %swap3A_357, %swap3A_358] {strides = array<i32>} : memref<2x64x128xf32, #tpu.memory_space<vmem>>, vector<16xf32>,
        tpu.vector_store %arg11[%swap3A_356, %swap3A_357, %swap3A_358], %bitcast3A_354 {strides = array<i32>} : memref<2x64x128xf32, #tpu.memory_space<vmem>>, vector<16xf32>,
        %and3A_360 = arith.andi %get3A_350, %broadcast_in_dim3A_266 : vector<16xi32>
        %bitcast3A_361 = vector.bitcast %and3A_360 : vector<16xi32> to vector<16xf32>
        %swap3A_362 = arith.constant 0 : i32
        %swap3A_363 = arith.index_cast %swap3A_362 : i32 to index
        %swap3A_364 = arith.index_cast %scan3A_326 : i32 to index
        %swap3A_365 = arith.constant 48 : index
        %swap3A_366 = tpu.vector_load %arg11[%swap3A_363, %swap3A_364, %swap3A_365] {strides = array<i32>} : memref<2x64x128xf32, #tpu.memory_space<vmem>>, vector<16xf32>,
        tpu.vector_store %arg11[%swap3A_363, %swap3A_364, %swap3A_365], %bitcast3A_361 {strides = array<i32>} : memref<2x64x128xf32, #tpu.memory_space<vmem>>, vector<16xf32>,
        %get3A_367 = arith.constant 1 : i32
        %get3A_368 = arith.index_cast %get3A_367 : i32 to index
        %get3A_369 = arith.index_cast %add3A_329 : i32 to index
        %get3A_370 = arith.constant 32 : index
        %get3A_371 = tpu.vector_load %arg10[%get3A_368, %get3A_369, %get3A_370] {strides = array<i32>} : memref<2x128x64xi32, #tpu.memory_space<vmem>>, vector<16xi32>,
        %shift_left3A_372 = arith.constant 16 : i32
        %shift_left3A_373 = vector.broadcast %shift_left3A_372 : i32 to vector<16xi32>
        %shift_left3A_374 = arith.shli %get3A_371, %shift_left3A_373 : vector<16xi32>
        %bitcast3A_375 = vector.bitcast %shift_left3A_374 : vector<16xi32> to vector<16xf32>
        %swap3A_376 = arith.constant 0 : i32
        %swap3A_377 = arith.index_cast %swap3A_376 : i32 to index
        %swap3A_378 = arith.index_cast %scan3A_326 : i32 to index
        %swap3A_379 = arith.constant 64 : index
        %swap3A_380 = tpu.vector_load %arg11[%swap3A_377, %swap3A_378, %swap3A_379] {strides = array<i32>} : memref<2x64x128xf32, #tpu.memory_space<vmem>>, vector<16xf32>,
        tpu.vector_store %arg11[%swap3A_377, %swap3A_378, %swap3A_379], %bitcast3A_375 {strides = array<i32>} : memref<2x64x128xf32, #tpu.memory_space<vmem>>, vector<16xf32>,
        %and3A_381 = arith.andi %get3A_371, %broadcast_in_dim3A_266 : vector<16xi32>
        %bitcast3A_382 = vector.bitcast %and3A_381 : vector<16xi32> to vector<16xf32>
        %swap3A_383 = arith.constant 0 : i32
        %swap3A_384 = arith.index_cast %swap3A_383 : i32 to index
        %swap3A_385 = arith.index_cast %scan3A_326 : i32 to index
        %swap3A_386 = arith.constant 80 : index
        %swap3A_387 = tpu.vector_load %arg11[%swap3A_384, %swap3A_385, %swap3A_386] {strides = array<i32>} : memref<2x64x128xf32, #tpu.memory_space<vmem>>, vector<16xf32>,
        tpu.vector_store %arg11[%swap3A_384, %swap3A_385, %swap3A_386], %bitcast3A_382 {strides = array<i32>} : memref<2x64x128xf32, #tpu.memory_space<vmem>>, vector<16xf32>,
        %get3A_388 = arith.constant 1 : i32
        %get3A_389 = arith.index_cast %get3A_388 : i32 to index
        %get3A_390 = arith.index_cast %add3A_329 : i32 to index
        %get3A_391 = arith.constant 48 : index
        %get3A_392 = tpu.vector_load %arg10[%get3A_389, %get3A_390, %get3A_391] {strides = array<i32>} : memref<2x128x64xi32, #tpu.memory_space<vmem>>, vector<16xi32>,
        %shift_left3A_393 = arith.constant 16 : i32
        %shift_left3A_394 = vector.broadcast %shift_left3A_393 : i32 to vector<16xi32>
        %shift_left3A_395 = arith.shli %get3A_392, %shift_left3A_394 : vector<16xi32>
        %bitcast3A_396 = vector.bitcast %shift_left3A_395 : vector<16xi32> to vector<16xf32>
        %swap3A_397 = arith.constant 0 : i32
        %swap3A_398 = arith.index_cast %swap3A_397 : i32 to index
        %swap3A_399 = arith.index_cast %scan3A_326 : i32 to index
        %swap3A_400 = arith.constant 96 : index
        %swap3A_401 = tpu.vector_load %arg11[%swap3A_398, %swap3A_399, %swap3A_400] {strides = array<i32>} : memref<2x64x128xf32, #tpu.memory_space<vmem>>, vector<16xf32>,
        tpu.vector_store %arg11[%swap3A_398, %swap3A_399, %swap3A_400], %bitcast3A_396 {strides = array<i32>} : memref<2x64x128xf32, #tpu.memory_space<vmem>>, vector<16xf32>,
        %and3A_402 = arith.andi %get3A_392, %broadcast_in_dim3A_266 : vector<16xi32>
        %bitcast3A_403 = vector.bitcast %and3A_402 : vector<16xi32> to vector<16xf32>
        %swap3A_404 = arith.constant 0 : i32
        %swap3A_405 = arith.index_cast %swap3A_404 : i32 to index
        %swap3A_406 = arith.index_cast %scan3A_326 : i32 to index
        %swap3A_407 = arith.constant 112 : index
        %swap3A_408 = tpu.vector_load %arg11[%swap3A_405, %swap3A_406, %swap3A_407] {strides = array<i32>} : memref<2x64x128xf32, #tpu.memory_space<vmem>>, vector<16xf32>,
        tpu.vector_store %arg11[%swap3A_405, %swap3A_406, %swap3A_407], %bitcast3A_403 {strides = array<i32>} : memref<2x64x128xf32, #tpu.memory_space<vmem>>, vector<16xf32>,
        %scan3A_409 = arith.constant 0 : i32
        scf.yield %scan3A_409 : i32
      }
      %scan3A_273 = arith.constant 64 : i32
      %mul3A_274 = arith.constant 2 : i32
      %mul3A_275 = arith.muli %mul3A_274, %add3A_248 : i32
      %add3A_276 = arith.constant 0 : i32
      %add3A_277 = arith.addi %mul3A_275, %add3A_276 : i32
      %dma_start3A_278 = arith.constant 0 : i32
      %dma_start3A_279 = arith.constant 0 : i32
      %dma_start3A_280 = arith.constant 0 : i32
      %dma_start3A_281 = tpu.memref_slice %arg11[%dma_start3A_278, %dma_start3A_279, %dma_start3A_280] : memref<2x64x128xf32, #tpu.memory_space<vmem>> -> memref<1x64x128xf32, #tpu.memory_space<vmem>>
      %dma_start3A_282 = tpu.memref_squeeze %dma_start3A_281 : memref<1x64x128xf32, #tpu.memory_space<vmem>> -> memref<64x128xf32, #tpu.memory_space<vmem>>
      %dma_start3A_283 = arith.constant 0 : i32
      %dma_start3A_284 = tpu.memref_slice %arg9[%add3A_277, %dma_start3A_283] : memref<40x64xi32, #tpu.memory_space<vmem>> -> memref<1x64xi32, #tpu.memory_space<vmem>>
      %dma_start3A_285 = tpu.memref_squeeze %dma_start3A_284 : memref<1x64xi32, #tpu.memory_space<vmem>> -> memref<64xi32, #tpu.memory_space<vmem>>
      %dma_start3A_286 = arith.constant 0 : i32
      %dma_start3A_287 = arith.constant 0 : i32
      %dma_start3A_288 = tpu.memref_slice %arg7[%dma_start3A_286, %dma_start3A_287] : memref<10240x128xf32, #tpu.memory_space<vmem_shared>> -> memref<10240x128xf32, #tpu.memory_space<vmem_shared>>
      tpu.enqueue_indirect_dma source(%dma_start3A_282 : memref<64x128xf32, #tpu.memory_space<vmem>>) target(%dma_start3A_288 : memref<10240x128xf32, #tpu.memory_space<vmem_shared>>) offsets(%dma_start3A_285 : memref<64xi32, #tpu.memory_space<vmem>>) semaphore(%arg14 : memref<!tpu.dma_semaphore, #tpu.memory_space<semaphore_mem>>) {add = true}
      %gt3A_289 = arith.constant 0 : i32
      %gt3A_290 = arith.cmpi sgt, %add3A_248, %gt3A_289 : i32
      %convert_element_type3A_291 = arith.extui %gt3A_290 : i1 to i32
      %cond3A_292 = arith.constant 0 : i32
      %cond3A_293 = arith.cmpi ne, %convert_element_type3A_291, %cond3A_292 : i32
      scf.if %cond3A_293 {
        %dma_wait3A_326 = arith.constant 1 : i32
        %dma_wait3A_327 = arith.constant 0 : i32
        %dma_wait3A_328 = arith.constant 0 : i32
        %dma_wait3A_329 = arith.constant 0 : i32
        %dma_wait3A_330 = tpu.memref_slice %arg11[%dma_wait3A_326, %dma_wait3A_328, %dma_wait3A_329] : memref<2x64x128xf32, #tpu.memory_space<vmem>> -> memref<1x64x128xf32, #tpu.memory_space<vmem>>
        %dma_wait3A_331 = tpu.memref_squeeze %dma_wait3A_330 : memref<1x64x128xf32, #tpu.memory_space<vmem>> -> memref<64x128xf32, #tpu.memory_space<vmem>>
        %dma_wait3A_332 = arith.constant 0 : i32
        %dma_wait3A_333 = tpu.memref_slice %arg9[%dma_wait3A_327, %dma_wait3A_332] : memref<40x64xi32, #tpu.memory_space<vmem>> -> memref<1x64xi32, #tpu.memory_space<vmem>>
        %dma_wait3A_334 = tpu.memref_squeeze %dma_wait3A_333 : memref<1x64xi32, #tpu.memory_space<vmem>> -> memref<64xi32, #tpu.memory_space<vmem>>
        %dma_wait3A_335 = arith.constant 0 : i32
        %dma_wait3A_336 = arith.constant 0 : i32
        %dma_wait3A_337 = tpu.memref_slice %arg7[%dma_wait3A_335, %dma_wait3A_336] : memref<10240x128xf32, #tpu.memory_space<vmem_shared>> -> memref<10240x128xf32, #tpu.memory_space<vmem_shared>>
        tpu.wait_indirect_dma semaphore(%arg15 : memref<!tpu.dma_semaphore, #tpu.memory_space<semaphore_mem>>) src(%dma_wait3A_331 : memref<64x128xf32, #tpu.memory_space<vmem>>) dst(%dma_wait3A_337 : memref<10240x128xf32, #tpu.memory_space<vmem_shared>>)
      } else {
      }
      %broadcast_in_dim3A_294 = arith.constant -65536 : i32
      %broadcast_in_dim3A_295 = vector.broadcast %broadcast_in_dim3A_294 : i32 to vector<16xi32>
      %scan3A_296 = arith.constant 0 : i32
      %scan3A_297 = arith.constant 0 : i32
      %scan3A_298 = arith.constant 64 : i32
      %scan3A_299 = arith.addi %scan3A_297, %scan3A_298 : i32
      %scan3A_300 = arith.constant 1 : i32
      %scan3A_301 = scf.for %scan3A_326 = %scan3A_297 to %scan3A_299 step %scan3A_300 iter_args(%scan3A_327 = %scan3A_296) -> (i32)  : i32 {
        %add3A_328 = arith.constant 64 : i32
        %add3A_329 = arith.addi %add3A_328, %scan3A_326 : i32
        %get3A = arith.constant 1 : i32
        %get3A_330 = arith.index_cast %get3A : i32 to index
        %get3A_331 = arith.index_cast %add3A_329 : i32 to index
        %get3A_332 = arith.constant 0 : index
        %get3A_333 = tpu.vector_load %arg10[%get3A_330, %get3A_331, %get3A_332] {strides = array<i32>} : memref<2x128x64xi32, #tpu.memory_space<vmem>>, vector<16xi32>,
        %shift_left3A = arith.constant 16 : i32
        %shift_left3A_334 = vector.broadcast %shift_left3A : i32 to vector<16xi32>
        %shift_left3A_335 = arith.shli %get3A_333, %shift_left3A_334 : vector<16xi32>
        %bitcast3A = vector.bitcast %shift_left3A_335 : vector<16xi32> to vector<16xf32>
        %swap3A = arith.constant 1 : i32
        %swap3A_336 = arith.index_cast %swap3A : i32 to index
        %swap3A_337 = arith.index_cast %scan3A_326 : i32 to index
        %swap3A_338 = arith.constant 0 : index
        %swap3A_339 = tpu.vector_load %arg11[%swap3A_336, %swap3A_337, %swap3A_338] {strides = array<i32>} : memref<2x64x128xf32, #tpu.memory_space<vmem>>, vector<16xf32>,
        tpu.vector_store %arg11[%swap3A_336, %swap3A_337, %swap3A_338], %bitcast3A {strides = array<i32>} : memref<2x64x128xf32, #tpu.memory_space<vmem>>, vector<16xf32>,
        %and3A = arith.andi %get3A_333, %broadcast_in_dim3A_295 : vector<16xi32>
        %bitcast3A_340 = vector.bitcast %and3A : vector<16xi32> to vector<16xf32>
        %swap3A_341 = arith.constant 1 : i32
        %swap3A_342 = arith.index_cast %swap3A_341 : i32 to index
        %swap3A_343 = arith.index_cast %scan3A_326 : i32 to index
        %swap3A_344 = arith.constant 16 : index
        %swap3A_345 = tpu.vector_load %arg11[%swap3A_342, %swap3A_343, %swap3A_344] {strides = array<i32>} : memref<2x64x128xf32, #tpu.memory_space<vmem>>, vector<16xf32>,
        tpu.vector_store %arg11[%swap3A_342, %swap3A_343, %swap3A_344], %bitcast3A_340 {strides = array<i32>} : memref<2x64x128xf32, #tpu.memory_space<vmem>>, vector<16xf32>,
        %get3A_346 = arith.constant 1 : i32
        %get3A_347 = arith.index_cast %get3A_346 : i32 to index
        %get3A_348 = arith.index_cast %add3A_329 : i32 to index
        %get3A_349 = arith.constant 16 : index
        %get3A_350 = tpu.vector_load %arg10[%get3A_347, %get3A_348, %get3A_349] {strides = array<i32>} : memref<2x128x64xi32, #tpu.memory_space<vmem>>, vector<16xi32>,
        %shift_left3A_351 = arith.constant 16 : i32
        %shift_left3A_352 = vector.broadcast %shift_left3A_351 : i32 to vector<16xi32>
        %shift_left3A_353 = arith.shli %get3A_350, %shift_left3A_352 : vector<16xi32>
        %bitcast3A_354 = vector.bitcast %shift_left3A_353 : vector<16xi32> to vector<16xf32>
        %swap3A_355 = arith.constant 1 : i32
        %swap3A_356 = arith.index_cast %swap3A_355 : i32 to index
        %swap3A_357 = arith.index_cast %scan3A_326 : i32 to index
        %swap3A_358 = arith.constant 32 : index
        %swap3A_359 = tpu.vector_load %arg11[%swap3A_356, %swap3A_357, %swap3A_358] {strides = array<i32>} : memref<2x64x128xf32, #tpu.memory_space<vmem>>, vector<16xf32>,
        tpu.vector_store %arg11[%swap3A_356, %swap3A_357, %swap3A_358], %bitcast3A_354 {strides = array<i32>} : memref<2x64x128xf32, #tpu.memory_space<vmem>>, vector<16xf32>,
        %and3A_360 = arith.andi %get3A_350, %broadcast_in_dim3A_295 : vector<16xi32>
        %bitcast3A_361 = vector.bitcast %and3A_360 : vector<16xi32> to vector<16xf32>
        %swap3A_362 = arith.constant 1 : i32
        %swap3A_363 = arith.index_cast %swap3A_362 : i32 to index
        %swap3A_364 = arith.index_cast %scan3A_326 : i32 to index
        %swap3A_365 = arith.constant 48 : index
        %swap3A_366 = tpu.vector_load %arg11[%swap3A_363, %swap3A_364, %swap3A_365] {strides = array<i32>} : memref<2x64x128xf32, #tpu.memory_space<vmem>>, vector<16xf32>,
        tpu.vector_store %arg11[%swap3A_363, %swap3A_364, %swap3A_365], %bitcast3A_361 {strides = array<i32>} : memref<2x64x128xf32, #tpu.memory_space<vmem>>, vector<16xf32>,
        %get3A_367 = arith.constant 1 : i32
        %get3A_368 = arith.index_cast %get3A_367 : i32 to index
        %get3A_369 = arith.index_cast %add3A_329 : i32 to index
        %get3A_370 = arith.constant 32 : index
        %get3A_371 = tpu.vector_load %arg10[%get3A_368, %get3A_369, %get3A_370] {strides = array<i32>} : memref<2x128x64xi32, #tpu.memory_space<vmem>>, vector<16xi32>,
        %shift_left3A_372 = arith.constant 16 : i32
        %shift_left3A_373 = vector.broadcast %shift_left3A_372 : i32 to vector<16xi32>
        %shift_left3A_374 = arith.shli %get3A_371, %shift_left3A_373 : vector<16xi32>
        %bitcast3A_375 = vector.bitcast %shift_left3A_374 : vector<16xi32> to vector<16xf32>
        %swap3A_376 = arith.constant 1 : i32
        %swap3A_377 = arith.index_cast %swap3A_376 : i32 to index
        %swap3A_378 = arith.index_cast %scan3A_326 : i32 to index
        %swap3A_379 = arith.constant 64 : index
        %swap3A_380 = tpu.vector_load %arg11[%swap3A_377, %swap3A_378, %swap3A_379] {strides = array<i32>} : memref<2x64x128xf32, #tpu.memory_space<vmem>>, vector<16xf32>,
        tpu.vector_store %arg11[%swap3A_377, %swap3A_378, %swap3A_379], %bitcast3A_375 {strides = array<i32>} : memref<2x64x128xf32, #tpu.memory_space<vmem>>, vector<16xf32>,
        %and3A_381 = arith.andi %get3A_371, %broadcast_in_dim3A_295 : vector<16xi32>
        %bitcast3A_382 = vector.bitcast %and3A_381 : vector<16xi32> to vector<16xf32>
        %swap3A_383 = arith.constant 1 : i32
        %swap3A_384 = arith.index_cast %swap3A_383 : i32 to index
        %swap3A_385 = arith.index_cast %scan3A_326 : i32 to index
        %swap3A_386 = arith.constant 80 : index
        %swap3A_387 = tpu.vector_load %arg11[%swap3A_384, %swap3A_385, %swap3A_386] {strides = array<i32>} : memref<2x64x128xf32, #tpu.memory_space<vmem>>, vector<16xf32>,
        tpu.vector_store %arg11[%swap3A_384, %swap3A_385, %swap3A_386], %bitcast3A_382 {strides = array<i32>} : memref<2x64x128xf32, #tpu.memory_space<vmem>>, vector<16xf32>,
        %get3A_388 = arith.constant 1 : i32
        %get3A_389 = arith.index_cast %get3A_388 : i32 to index
        %get3A_390 = arith.index_cast %add3A_329 : i32 to index
        %get3A_391 = arith.constant 48 : index
        %get3A_392 = tpu.vector_load %arg10[%get3A_389, %get3A_390, %get3A_391] {strides = array<i32>} : memref<2x128x64xi32, #tpu.memory_space<vmem>>, vector<16xi32>,
        %shift_left3A_393 = arith.constant 16 : i32
        %shift_left3A_394 = vector.broadcast %shift_left3A_393 : i32 to vector<16xi32>
        %shift_left3A_395 = arith.shli %get3A_392, %shift_left3A_394 : vector<16xi32>
        %bitcast3A_396 = vector.bitcast %shift_left3A_395 : vector<16xi32> to vector<16xf32>
        %swap3A_397 = arith.constant 1 : i32
        %swap3A_398 = arith.index_cast %swap3A_397 : i32 to index
        %swap3A_399 = arith.index_cast %scan3A_326 : i32 to index
        %swap3A_400 = arith.constant 96 : index
        %swap3A_401 = tpu.vector_load %arg11[%swap3A_398, %swap3A_399, %swap3A_400] {strides = array<i32>} : memref<2x64x128xf32, #tpu.memory_space<vmem>>, vector<16xf32>,
        tpu.vector_store %arg11[%swap3A_398, %swap3A_399, %swap3A_400], %bitcast3A_396 {strides = array<i32>} : memref<2x64x128xf32, #tpu.memory_space<vmem>>, vector<16xf32>,
        %and3A_402 = arith.andi %get3A_392, %broadcast_in_dim3A_295 : vector<16xi32>
        %bitcast3A_403 = vector.bitcast %and3A_402 : vector<16xi32> to vector<16xf32>
        %swap3A_404 = arith.constant 1 : i32
        %swap3A_405 = arith.index_cast %swap3A_404 : i32 to index
        %swap3A_406 = arith.index_cast %scan3A_326 : i32 to index
        %swap3A_407 = arith.constant 112 : index
        %swap3A_408 = tpu.vector_load %arg11[%swap3A_405, %swap3A_406, %swap3A_407] {strides = array<i32>} : memref<2x64x128xf32, #tpu.memory_space<vmem>>, vector<16xf32>,
        tpu.vector_store %arg11[%swap3A_405, %swap3A_406, %swap3A_407], %bitcast3A_403 {strides = array<i32>} : memref<2x64x128xf32, #tpu.memory_space<vmem>>, vector<16xf32>,
        %scan3A_409 = arith.constant 0 : i32
        scf.yield %scan3A_409 : i32
      }
      %scan3A_302 = arith.constant 64 : i32
      %mul3A_303 = arith.constant 2 : i32
      %mul3A_304 = arith.muli %mul3A_303, %add3A_248 : i32
      %add3A_305 = arith.constant 1 : i32
      %add3A_306 = arith.addi %mul3A_304, %add3A_305 : i32
      %dma_start3A_307 = arith.constant 1 : i32
      %dma_start3A_308 = arith.constant 0 : i32
      %dma_start3A_309 = arith.constant 0 : i32
      %dma_start3A_310 = tpu.memref_slice %arg11[%dma_start3A_307, %dma_start3A_308, %dma_start3A_309] : memref<2x64x128xf32, #tpu.memory_space<vmem>> -> memref<1x64x128xf32, #tpu.memory_space<vmem>>
      %dma_start3A_311 = tpu.memref_squeeze %dma_start3A_310 : memref<1x64x128xf32, #tpu.memory_space<vmem>> -> memref<64x128xf32, #tpu.memory_space<vmem>>
      %dma_start3A_312 = arith.constant 0 : i32
      %dma_start3A_313 = tpu.memref_slice %arg9[%add3A_306, %dma_start3A_312] : memref<40x64xi32, #tpu.memory_space<vmem>> -> memref<1x64xi32, #tpu.memory_space<vmem>>
      %dma_start3A_314 = tpu.memref_squeeze %dma_start3A_313 : memref<1x64xi32, #tpu.memory_space<vmem>> -> memref<64xi32, #tpu.memory_space<vmem>>
      %dma_start3A_315 = arith.constant 0 : i32
      %dma_start3A_316 = arith.constant 0 : i32
      %dma_start3A_317 = tpu.memref_slice %arg7[%dma_start3A_315, %dma_start3A_316] : memref<10240x128xf32, #tpu.memory_space<vmem_shared>> -> memref<10240x128xf32, #tpu.memory_space<vmem_shared>>
      tpu.enqueue_indirect_dma source(%dma_start3A_311 : memref<64x128xf32, #tpu.memory_space<vmem>>) target(%dma_start3A_317 : memref<10240x128xf32, #tpu.memory_space<vmem_shared>>) offsets(%dma_start3A_314 : memref<64xi32, #tpu.memory_space<vmem>>) semaphore(%arg15 : memref<!tpu.dma_semaphore, #tpu.memory_space<semaphore_mem>>) {add = true}
      %add3A_318 = arith.constant 2 : i32
      %add3A_319 = arith.addi %add3A_248, %add3A_318 : i32
      %lt3A_320 = arith.constant 20 : i32
      %lt3A_321 = arith.cmpi slt, %add3A_319, %lt3A_320 : i32
      %convert_element_type3A_322 = arith.extui %lt3A_321 : i1 to i32
      %cond3A_323 = arith.constant 0 : i32
      %cond3A_324 = arith.cmpi ne, %convert_element_type3A_322, %cond3A_323 : i32
      scf.if %cond3A_324 {
        %dma_start3A_326 = arith.constant 1 : i32
        %dma_start3A_327 = arith.constant 0 : i32
        %dma_start3A_328 = arith.constant 0 : i32
        %dma_start3A_329 = tpu.memref_slice %arg10[%dma_start3A_326, %dma_start3A_327, %dma_start3A_328] : memref<2x128x64xi32, #tpu.memory_space<vmem>> -> memref<1x128x64xi32, #tpu.memory_space<vmem>>
        %dma_start3A_330 = tpu.memref_squeeze %dma_start3A_329 : memref<1x128x64xi32, #tpu.memory_space<vmem>> -> memref<128x64xi32, #tpu.memory_space<vmem>>
        %dma_start3A_331 = arith.constant 0 : i32
        %dma_start3A_332 = tpu.memref_slice %arg8[%add3A_319, %dma_start3A_331] : memref<20x128xi32, #tpu.memory_space<vmem>> -> memref<1x128xi32, #tpu.memory_space<vmem>>
        %dma_start3A_333 = tpu.memref_squeeze %dma_start3A_332 : memref<1x128xi32, #tpu.memory_space<vmem>> -> memref<128xi32, #tpu.memory_space<vmem>>
        %dma_start3A_334 = arith.constant 0 : i32
        %dma_start3A_335 = arith.constant 0 : i32
        %dma_start3A_336 = tpu.memref_slice %arg2[%dma_start3A_334, %dma_start3A_335] : memref<40000x64xi32, #tpu.memory_space<hbm>> -> memref<40000x64xi32, #tpu.memory_space<hbm>>
        tpu.enqueue_indirect_dma source(%dma_start3A_336 : memref<40000x64xi32, #tpu.memory_space<hbm>>) target(%dma_start3A_330 : memref<128x64xi32, #tpu.memory_space<vmem>>) offsets(%dma_start3A_333 : memref<128xi32, #tpu.memory_space<vmem>>) semaphore(%arg13 : memref<!tpu.dma_semaphore, #tpu.memory_space<semaphore_mem>>)
      } else {
      }
      %scan3A_325 = arith.constant 0 : i32
      scf.yield %scan3A_325 : i32
    }
    %scan3A_73 = arith.constant 10 : i32
    %dma_wait3A = arith.constant 0 : i32
    %dma_wait3A_74 = arith.constant 0 : i32
    %dma_wait3A_75 = arith.constant 0 : i32
    %dma_wait3A_76 = arith.constant 0 : i32
    %dma_wait3A_77 = tpu.memref_slice %arg11[%dma_wait3A, %dma_wait3A_75, %dma_wait3A_76] : memref<2x64x128xf32, #tpu.memory_space<vmem>> -> memref<1x64x128xf32, #tpu.memory_space<vmem>>
    %dma_wait3A_78 = tpu.memref_squeeze %dma_wait3A_77 : memref<1x64x128xf32, #tpu.memory_space<vmem>> -> memref<64x128xf32, #tpu.memory_space<vmem>>
    %dma_wait3A_79 = arith.constant 0 : i32
    %dma_wait3A_80 = tpu.memref_slice %arg9[%dma_wait3A_74, %dma_wait3A_79] : memref<40x64xi32, #tpu.memory_space<vmem>> -> memref<1x64xi32, #tpu.memory_space<vmem>>
    %dma_wait3A_81 = tpu.memref_squeeze %dma_wait3A_80 : memref<1x64xi32, #tpu.memory_space<vmem>> -> memref<64xi32, #tpu.memory_space<vmem>>
    %dma_wait3A_82 = arith.constant 0 : i32
    %dma_wait3A_83 = arith.constant 0 : i32
    %dma_wait3A_84 = tpu.memref_slice %arg7[%dma_wait3A_82, %dma_wait3A_83] : memref<10240x128xf32, #tpu.memory_space<vmem_shared>> -> memref<10240x128xf32, #tpu.memory_space<vmem_shared>>
    tpu.wait_indirect_dma semaphore(%arg14 : memref<!tpu.dma_semaphore, #tpu.memory_space<semaphore_mem>>) src(%dma_wait3A_78 : memref<64x128xf32, #tpu.memory_space<vmem>>) dst(%dma_wait3A_84 : memref<10240x128xf32, #tpu.memory_space<vmem_shared>>)
    %dma_wait3A_85 = arith.constant 1 : i32
    %dma_wait3A_86 = arith.constant 0 : i32
    %dma_wait3A_87 = arith.constant 0 : i32
    %dma_wait3A_88 = arith.constant 0 : i32
    %dma_wait3A_89 = tpu.memref_slice %arg11[%dma_wait3A_85, %dma_wait3A_87, %dma_wait3A_88] : memref<2x64x128xf32, #tpu.memory_space<vmem>> -> memref<1x64x128xf32, #tpu.memory_space<vmem>>
    %dma_wait3A_90 = tpu.memref_squeeze %dma_wait3A_89 : memref<1x64x128xf32, #tpu.memory_space<vmem>> -> memref<64x128xf32, #tpu.memory_space<vmem>>
    %dma_wait3A_91 = arith.constant 0 : i32
    %dma_wait3A_92 = tpu.memref_slice %arg9[%dma_wait3A_86, %dma_wait3A_91] : memref<40x64xi32, #tpu.memory_space<vmem>> -> memref<1x64xi32, #tpu.memory_space<vmem>>
    %dma_wait3A_93 = tpu.memref_squeeze %dma_wait3A_92 : memref<1x64xi32, #tpu.memory_space<vmem>> -> memref<64xi32, #tpu.memory_space<vmem>>
    %dma_wait3A_94 = arith.constant 0 : i32
    %dma_wait3A_95 = arith.constant 0 : i32
    %dma_wait3A_96 = tpu.memref_slice %arg7[%dma_wait3A_94, %dma_wait3A_95] : memref<10240x128xf32, #tpu.memory_space<vmem_shared>> -> memref<10240x128xf32, #tpu.memory_space<vmem_shared>>
    tpu.wait_indirect_dma semaphore(%arg15 : memref<!tpu.dma_semaphore, #tpu.memory_space<semaphore_mem>>) src(%dma_wait3A_90 : memref<64x128xf32, #tpu.memory_space<vmem>>) dst(%dma_wait3A_96 : memref<10240x128xf32, #tpu.memory_space<vmem_shared>>)
    %mul3A_97 = arith.constant 40 : i32
    %mul3A_98 = arith.muli %add3A, %mul3A_97 : i32
    %add3A_99 = arith.constant 20 : i32
    %add3A_100 = arith.addi %mul3A_98, %add3A_99 : i32
    "tpu.region"() ({
      %run_scoped3A_166 = tpu.sem_alloc : memref<!tpu.dma_semaphore, #tpu.memory_space<semaphore_mem>>
      %dma_start3A_167 = arith.constant 0 : i32
      %dma_start3A_168 = tpu.memref_slice %arg3[%add3A_100, %dma_start3A_167] : memref<1280x128xi32, #tpu.memory_space<hbm>> -> memref<20x128xi32, #tpu.memory_space<hbm>>
      %dma_start3A_169 = arith.constant 0 : i32
      %dma_start3A_170 = tpu.memref_slice %arg3[%add3A_100, %dma_start3A_169] : memref<1280x128xi32, #tpu.memory_space<hbm>> -> memref<20x128xi32, #tpu.memory_space<hbm>>
      tpu.enqueue_dma source(%dma_start3A_170 : memref<20x128xi32, #tpu.memory_space<hbm>>) target(%arg8 : memref<20x128xi32, #tpu.memory_space<vmem>>) target_semaphore(%run_scoped3A_166 : memref<!tpu.dma_semaphore, #tpu.memory_space<semaphore_mem>>)
      %dma_wait3A_171 = arith.constant 0 : i32
      %dma_wait3A_172 = tpu.memref_slice %arg3[%add3A_100, %dma_wait3A_171] : memref<1280x128xi32, #tpu.memory_space<hbm>> -> memref<20x128xi32, #tpu.memory_space<hbm>>
      %dma_wait3A_173 = arith.constant 0 : i32
      %dma_wait3A_174 = tpu.memref_slice %arg3[%add3A_100, %dma_wait3A_173] : memref<1280x128xi32, #tpu.memory_space<hbm>> -> memref<20x128xi32, #tpu.memory_space<hbm>>
      tpu.wait_dma2 semaphore(%run_scoped3A_166 : memref<!tpu.dma_semaphore, #tpu.memory_space<semaphore_mem>>) src(%dma_wait3A_174 : memref<20x128xi32, #tpu.memory_space<hbm>>) dst(%arg8 : memref<20x128xi32, #tpu.memory_space<vmem>>)
      tpu.yield
    }) : () -> ()
    %mul3A_101 = arith.constant 2 : i32
    %mul3A_102 = arith.muli %mul3A_101, %add3A_100 : i32
    "tpu.region"() ({
      %run_scoped3A_166 = tpu.sem_alloc : memref<!tpu.dma_semaphore, #tpu.memory_space<semaphore_mem>>
      %dma_start3A_167 = arith.constant 0 : i32
      %dma_start3A_168 = tpu.memref_slice %arg4[%mul3A_102, %dma_start3A_167] : memref<2560x64xi32, #tpu.memory_space<hbm>> -> memref<40x64xi32, #tpu.memory_space<hbm>>
      %dma_start3A_169 = arith.constant 0 : i32
      %dma_start3A_170 = tpu.memref_slice %arg4[%mul3A_102, %dma_start3A_169] : memref<2560x64xi32, #tpu.memory_space<hbm>> -> memref<40x64xi32, #tpu.memory_space<hbm>>
      tpu.enqueue_dma source(%dma_start3A_170 : memref<40x64xi32, #tpu.memory_space<hbm>>) target(%arg9 : memref<40x64xi32, #tpu.memory_space<vmem>>) target_semaphore(%run_scoped3A_166 : memref<!tpu.dma_semaphore, #tpu.memory_space<semaphore_mem>>)
      %dma_wait3A_171 = arith.constant 0 : i32
      %dma_wait3A_172 = tpu.memref_slice %arg4[%mul3A_102, %dma_wait3A_171] : memref<2560x64xi32, #tpu.memory_space<hbm>> -> memref<40x64xi32, #tpu.memory_space<hbm>>
      %dma_wait3A_173 = arith.constant 0 : i32
      %dma_wait3A_174 = tpu.memref_slice %arg4[%mul3A_102, %dma_wait3A_173] : memref<2560x64xi32, #tpu.memory_space<hbm>> -> memref<40x64xi32, #tpu.memory_space<hbm>>
      tpu.wait_dma2 semaphore(%run_scoped3A_166 : memref<!tpu.dma_semaphore, #tpu.memory_space<semaphore_mem>>) src(%dma_wait3A_174 : memref<40x64xi32, #tpu.memory_space<hbm>>) dst(%arg9 : memref<40x64xi32, #tpu.memory_space<vmem>>)
      tpu.yield
    }) : () -> ()
    %dma_start3A_103 = arith.constant 0 : i32
    %dma_start3A_104 = arith.constant 0 : i32
    %dma_start3A_105 = arith.constant 0 : i32
    %dma_start3A_106 = arith.constant 0 : i32
    %dma_start3A_107 = tpu.memref_slice %arg10[%dma_start3A_104, %dma_start3A_105, %dma_start3A_106] : memref<2x128x64xi32, #tpu.memory_space<vmem>> -> memref<1x128x64xi32, #tpu.memory_space<vmem>>
    %dma_start3A_108 = tpu.memref_squeeze %dma_start3A_107 : memref<1x128x64xi32, #tpu.memory_space<vmem>> -> memref<128x64xi32, #tpu.memory_space<vmem>>
    %dma_start3A_109 = arith.constant 0 : i32
    %dma_start3A_110 = tpu.memref_slice %arg8[%dma_start3A_103, %dma_start3A_109] : memref<20x128xi32, #tpu.memory_space<vmem>> -> memref<1x128xi32, #tpu.memory_space<vmem>>
    %dma_start3A_111 = tpu.memref_squeeze %dma_start3A_110 : memref<1x128xi32, #tpu.memory_space<vmem>> -> memref<128xi32, #tpu.memory_space<vmem>>
    %dma_start3A_112 = arith.constant 0 : i32
    %dma_start3A_113 = arith.constant 0 : i32
    %dma_start3A_114 = tpu.memref_slice %arg2[%dma_start3A_112, %dma_start3A_113] : memref<40000x64xi32, #tpu.memory_space<hbm>> -> memref<40000x64xi32, #tpu.memory_space<hbm>>
    tpu.enqueue_indirect_dma source(%dma_start3A_114 : memref<40000x64xi32, #tpu.memory_space<hbm>>) target(%dma_start3A_108 : memref<128x64xi32, #tpu.memory_space<vmem>>) offsets(%dma_start3A_111 : memref<128xi32, #tpu.memory_space<vmem>>) semaphore(%arg12 : memref<!tpu.dma_semaphore, #tpu.memory_space<semaphore_mem>>)
    %dma_start3A_115 = arith.constant 1 : i32
    %dma_start3A_116 = arith.constant 1 : i32
    %dma_start3A_117 = arith.constant 0 : i32
    %dma_start3A_118 = arith.constant 0 : i32
    %dma_start3A_119 = tpu.memref_slice %arg10[%dma_start3A_116, %dma_start3A_117, %dma_start3A_118] : memref<2x128x64xi32, #tpu.memory_space<vmem>> -> memref<1x128x64xi32, #tpu.memory_space<vmem>>
    %dma_start3A_120 = tpu.memref_squeeze %dma_start3A_119 : memref<1x128x64xi32, #tpu.memory_space<vmem>> -> memref<128x64xi32, #tpu.memory_space<vmem>>
    %dma_start3A_121 = arith.constant 0 : i32
    %dma_start3A_122 = tpu.memref_slice %arg8[%dma_start3A_115, %dma_start3A_121] : memref<20x128xi32, #tpu.memory_space<vmem>> -> memref<1x128xi32, #tpu.memory_space<vmem>>
    %dma_start3A_123 = tpu.memref_squeeze %dma_start3A_122 : memref<1x128xi32, #tpu.memory_space<vmem>> -> memref<128xi32, #tpu.memory_space<vmem>>
    %dma_start3A_124 = arith.constant 0 : i32
    %dma_start3A_125 = arith.constant 0 : i32
    %dma_start3A_126 = tpu.memref_slice %arg2[%dma_start3A_124, %dma_start3A_125] : memref<40000x64xi32, #tpu.memory_space<hbm>> -> memref<40000x64xi32, #tpu.memory_space<hbm>>
    tpu.enqueue_indirect_dma source(%dma_start3A_126 : memref<40000x64xi32, #tpu.memory_space<hbm>>) target(%dma_start3A_120 : memref<128x64xi32, #tpu.memory_space<vmem>>) offsets(%dma_start3A_123 : memref<128xi32, #tpu.memory_space<vmem>>) semaphore(%arg13 : memref<!tpu.dma_semaphore, #tpu.memory_space<semaphore_mem>>)
    %scan3A_127 = arith.constant 0 : i32
    %scan3A_128 = arith.constant 0 : i32
    %scan3A_129 = arith.constant 10 : i32
    %scan3A_130 = arith.addi %scan3A_128, %scan3A_129 : i32
    %scan3A_131 = arith.constant 1 : i32
    %scan3A_132 = scf.for %scan3A_166 = %scan3A_128 to %scan3A_130 step %scan3A_131 iter_args(%scan3A_167 = %scan3A_127) -> (i32)  : i32 {
      %mul3A_168 = arith.constant 2 : i32
      %mul3A_169 = arith.muli %scan3A_166, %mul3A_168 : i32
      %add3A_170 = arith.constant 0 : i32
      %add3A_171 = arith.addi %mul3A_169, %add3A_170 : i32
      %dma_wait3A_172 = arith.constant 0 : i32
      %dma_wait3A_173 = arith.constant 0 : i32
      %dma_wait3A_174 = arith.constant 0 : i32
      %dma_wait3A_175 = tpu.memref_slice %arg10[%dma_wait3A_172, %dma_wait3A_173, %dma_wait3A_174] : memref<2x128x64xi32, #tpu.memory_space<vmem>> -> memref<1x128x64xi32, #tpu.memory_space<vmem>>
      %dma_wait3A_176 = tpu.memref_squeeze %dma_wait3A_175 : memref<1x128x64xi32, #tpu.memory_space<vmem>> -> memref<128x64xi32, #tpu.memory_space<vmem>>
      %dma_wait3A_177 = arith.constant 0 : i32
      %dma_wait3A_178 = tpu.memref_slice %arg8[%add3A_171, %dma_wait3A_177] : memref<20x128xi32, #tpu.memory_space<vmem>> -> memref<1x128xi32, #tpu.memory_space<vmem>>
      %dma_wait3A_179 = tpu.memref_squeeze %dma_wait3A_178 : memref<1x128xi32, #tpu.memory_space<vmem>> -> memref<128xi32, #tpu.memory_space<vmem>>
      %dma_wait3A_180 = arith.constant 0 : i32
      %dma_wait3A_181 = arith.constant 0 : i32
      %dma_wait3A_182 = tpu.memref_slice %arg2[%dma_wait3A_180, %dma_wait3A_181] : memref<40000x64xi32, #tpu.memory_space<hbm>> -> memref<40000x64xi32, #tpu.memory_space<hbm>>
      tpu.wait_indirect_dma semaphore(%arg12 : memref<!tpu.dma_semaphore, #tpu.memory_space<semaphore_mem>>) src(%dma_wait3A_182 : memref<40000x64xi32, #tpu.memory_space<hbm>>) dst(%dma_wait3A_176 : memref<128x64xi32, #tpu.memory_space<vmem>>)
      %gt3A = arith.constant 0 : i32
      %gt3A_183 = arith.cmpi sgt, %add3A_171, %gt3A : i32
      %convert_element_type3A_184 = arith.extui %gt3A_183 : i1 to i32
      %cond3A_185 = arith.constant 0 : i32
      %cond3A_186 = arith.cmpi ne, %convert_element_type3A_184, %cond3A_185 : i32
      scf.if %cond3A_186 {
        %dma_wait3A_326 = arith.constant 0 : i32
        %dma_wait3A_327 = arith.constant 0 : i32
        %dma_wait3A_328 = arith.constant 0 : i32
        %dma_wait3A_329 = arith.constant 0 : i32
        %dma_wait3A_330 = tpu.memref_slice %arg11[%dma_wait3A_326, %dma_wait3A_328, %dma_wait3A_329] : memref<2x64x128xf32, #tpu.memory_space<vmem>> -> memref<1x64x128xf32, #tpu.memory_space<vmem>>
        %dma_wait3A_331 = tpu.memref_squeeze %dma_wait3A_330 : memref<1x64x128xf32, #tpu.memory_space<vmem>> -> memref<64x128xf32, #tpu.memory_space<vmem>>
        %dma_wait3A_332 = arith.constant 0 : i32
        %dma_wait3A_333 = tpu.memref_slice %arg9[%dma_wait3A_327, %dma_wait3A_332] : memref<40x64xi32, #tpu.memory_space<vmem>> -> memref<1x64xi32, #tpu.memory_space<vmem>>
        %dma_wait3A_334 = tpu.memref_squeeze %dma_wait3A_333 : memref<1x64xi32, #tpu.memory_space<vmem>> -> memref<64xi32, #tpu.memory_space<vmem>>
        %dma_wait3A_335 = arith.constant 0 : i32
        %dma_wait3A_336 = arith.constant 0 : i32
        %dma_wait3A_337 = tpu.memref_slice %arg7[%dma_wait3A_335, %dma_wait3A_336] : memref<10240x128xf32, #tpu.memory_space<vmem_shared>> -> memref<10240x128xf32, #tpu.memory_space<vmem_shared>>
        tpu.wait_indirect_dma semaphore(%arg14 : memref<!tpu.dma_semaphore, #tpu.memory_space<semaphore_mem>>) src(%dma_wait3A_331 : memref<64x128xf32, #tpu.memory_space<vmem>>) dst(%dma_wait3A_337 : memref<10240x128xf32, #tpu.memory_space<vmem_shared>>)
      } else {
      }
      %broadcast_in_dim3A = arith.constant -65536 : i32
      %broadcast_in_dim3A_187 = vector.broadcast %broadcast_in_dim3A : i32 to vector<16xi32>
      %scan3A_188 = arith.constant 0 : i32
      %scan3A_189 = arith.constant 0 : i32
      %scan3A_190 = arith.constant 64 : i32
      %scan3A_191 = arith.addi %scan3A_189, %scan3A_190 : i32
      %scan3A_192 = arith.constant 1 : i32
      %scan3A_193 = scf.for %scan3A_326 = %scan3A_189 to %scan3A_191 step %scan3A_192 iter_args(%scan3A_327 = %scan3A_188) -> (i32)  : i32 {
        %add3A_328 = arith.constant 0 : i32
        %add3A_329 = arith.addi %add3A_328, %scan3A_326 : i32
        %get3A = arith.constant 0 : i32
        %get3A_330 = arith.index_cast %get3A : i32 to index
        %get3A_331 = arith.index_cast %add3A_329 : i32 to index
        %get3A_332 = arith.constant 0 : index
        %get3A_333 = tpu.vector_load %arg10[%get3A_330, %get3A_331, %get3A_332] {strides = array<i32>} : memref<2x128x64xi32, #tpu.memory_space<vmem>>, vector<16xi32>,
        %shift_left3A = arith.constant 16 : i32
        %shift_left3A_334 = vector.broadcast %shift_left3A : i32 to vector<16xi32>
        %shift_left3A_335 = arith.shli %get3A_333, %shift_left3A_334 : vector<16xi32>
        %bitcast3A = vector.bitcast %shift_left3A_335 : vector<16xi32> to vector<16xf32>
        %swap3A = arith.constant 0 : i32
        %swap3A_336 = arith.index_cast %swap3A : i32 to index
        %swap3A_337 = arith.index_cast %scan3A_326 : i32 to index
        %swap3A_338 = arith.constant 0 : index
        %swap3A_339 = tpu.vector_load %arg11[%swap3A_336, %swap3A_337, %swap3A_338] {strides = array<i32>} : memref<2x64x128xf32, #tpu.memory_space<vmem>>, vector<16xf32>,
        tpu.vector_store %arg11[%swap3A_336, %swap3A_337, %swap3A_338], %bitcast3A {strides = array<i32>} : memref<2x64x128xf32, #tpu.memory_space<vmem>>, vector<16xf32>,
        %and3A = arith.andi %get3A_333, %broadcast_in_dim3A_187 : vector<16xi32>
        %bitcast3A_340 = vector.bitcast %and3A : vector<16xi32> to vector<16xf32>
        %swap3A_341 = arith.constant 0 : i32
        %swap3A_342 = arith.index_cast %swap3A_341 : i32 to index
        %swap3A_343 = arith.index_cast %scan3A_326 : i32 to index
        %swap3A_344 = arith.constant 16 : index
        %swap3A_345 = tpu.vector_load %arg11[%swap3A_342, %swap3A_343, %swap3A_344] {strides = array<i32>} : memref<2x64x128xf32, #tpu.memory_space<vmem>>, vector<16xf32>,
        tpu.vector_store %arg11[%swap3A_342, %swap3A_343, %swap3A_344], %bitcast3A_340 {strides = array<i32>} : memref<2x64x128xf32, #tpu.memory_space<vmem>>, vector<16xf32>,
        %get3A_346 = arith.constant 0 : i32
        %get3A_347 = arith.index_cast %get3A_346 : i32 to index
        %get3A_348 = arith.index_cast %add3A_329 : i32 to index
        %get3A_349 = arith.constant 16 : index
        %get3A_350 = tpu.vector_load %arg10[%get3A_347, %get3A_348, %get3A_349] {strides = array<i32>} : memref<2x128x64xi32, #tpu.memory_space<vmem>>, vector<16xi32>,
        %shift_left3A_351 = arith.constant 16 : i32
        %shift_left3A_352 = vector.broadcast %shift_left3A_351 : i32 to vector<16xi32>
        %shift_left3A_353 = arith.shli %get3A_350, %shift_left3A_352 : vector<16xi32>
        %bitcast3A_354 = vector.bitcast %shift_left3A_353 : vector<16xi32> to vector<16xf32>
        %swap3A_355 = arith.constant 0 : i32
        %swap3A_356 = arith.index_cast %swap3A_355 : i32 to index
        %swap3A_357 = arith.index_cast %scan3A_326 : i32 to index
        %swap3A_358 = arith.constant 32 : index
        %swap3A_359 = tpu.vector_load %arg11[%swap3A_356, %swap3A_357, %swap3A_358] {strides = array<i32>} : memref<2x64x128xf32, #tpu.memory_space<vmem>>, vector<16xf32>,
        tpu.vector_store %arg11[%swap3A_356, %swap3A_357, %swap3A_358], %bitcast3A_354 {strides = array<i32>} : memref<2x64x128xf32, #tpu.memory_space<vmem>>, vector<16xf32>,
        %and3A_360 = arith.andi %get3A_350, %broadcast_in_dim3A_187 : vector<16xi32>
        %bitcast3A_361 = vector.bitcast %and3A_360 : vector<16xi32> to vector<16xf32>
        %swap3A_362 = arith.constant 0 : i32
        %swap3A_363 = arith.index_cast %swap3A_362 : i32 to index
        %swap3A_364 = arith.index_cast %scan3A_326 : i32 to index
        %swap3A_365 = arith.constant 48 : index
        %swap3A_366 = tpu.vector_load %arg11[%swap3A_363, %swap3A_364, %swap3A_365] {strides = array<i32>} : memref<2x64x128xf32, #tpu.memory_space<vmem>>, vector<16xf32>,
        tpu.vector_store %arg11[%swap3A_363, %swap3A_364, %swap3A_365], %bitcast3A_361 {strides = array<i32>} : memref<2x64x128xf32, #tpu.memory_space<vmem>>, vector<16xf32>,
        %get3A_367 = arith.constant 0 : i32
        %get3A_368 = arith.index_cast %get3A_367 : i32 to index
        %get3A_369 = arith.index_cast %add3A_329 : i32 to index
        %get3A_370 = arith.constant 32 : index
        %get3A_371 = tpu.vector_load %arg10[%get3A_368, %get3A_369, %get3A_370] {strides = array<i32>} : memref<2x128x64xi32, #tpu.memory_space<vmem>>, vector<16xi32>,
        %shift_left3A_372 = arith.constant 16 : i32
        %shift_left3A_373 = vector.broadcast %shift_left3A_372 : i32 to vector<16xi32>
        %shift_left3A_374 = arith.shli %get3A_371, %shift_left3A_373 : vector<16xi32>
        %bitcast3A_375 = vector.bitcast %shift_left3A_374 : vector<16xi32> to vector<16xf32>
        %swap3A_376 = arith.constant 0 : i32
        %swap3A_377 = arith.index_cast %swap3A_376 : i32 to index
        %swap3A_378 = arith.index_cast %scan3A_326 : i32 to index
        %swap3A_379 = arith.constant 64 : index
        %swap3A_380 = tpu.vector_load %arg11[%swap3A_377, %swap3A_378, %swap3A_379] {strides = array<i32>} : memref<2x64x128xf32, #tpu.memory_space<vmem>>, vector<16xf32>,
        tpu.vector_store %arg11[%swap3A_377, %swap3A_378, %swap3A_379], %bitcast3A_375 {strides = array<i32>} : memref<2x64x128xf32, #tpu.memory_space<vmem>>, vector<16xf32>,
        %and3A_381 = arith.andi %get3A_371, %broadcast_in_dim3A_187 : vector<16xi32>
        %bitcast3A_382 = vector.bitcast %and3A_381 : vector<16xi32> to vector<16xf32>
        %swap3A_383 = arith.constant 0 : i32
        %swap3A_384 = arith.index_cast %swap3A_383 : i32 to index
        %swap3A_385 = arith.index_cast %scan3A_326 : i32 to index
        %swap3A_386 = arith.constant 80 : index
        %swap3A_387 = tpu.vector_load %arg11[%swap3A_384, %swap3A_385, %swap3A_386] {strides = array<i32>} : memref<2x64x128xf32, #tpu.memory_space<vmem>>, vector<16xf32>,
        tpu.vector_store %arg11[%swap3A_384, %swap3A_385, %swap3A_386], %bitcast3A_382 {strides = array<i32>} : memref<2x64x128xf32, #tpu.memory_space<vmem>>, vector<16xf32>,
        %get3A_388 = arith.constant 0 : i32
        %get3A_389 = arith.index_cast %get3A_388 : i32 to index
        %get3A_390 = arith.index_cast %add3A_329 : i32 to index
        %get3A_391 = arith.constant 48 : index
        %get3A_392 = tpu.vector_load %arg10[%get3A_389, %get3A_390, %get3A_391] {strides = array<i32>} : memref<2x128x64xi32, #tpu.memory_space<vmem>>, vector<16xi32>,
        %shift_left3A_393 = arith.constant 16 : i32
        %shift_left3A_394 = vector.broadcast %shift_left3A_393 : i32 to vector<16xi32>
        %shift_left3A_395 = arith.shli %get3A_392, %shift_left3A_394 : vector<16xi32>
        %bitcast3A_396 = vector.bitcast %shift_left3A_395 : vector<16xi32> to vector<16xf32>
        %swap3A_397 = arith.constant 0 : i32
        %swap3A_398 = arith.index_cast %swap3A_397 : i32 to index
        %swap3A_399 = arith.index_cast %scan3A_326 : i32 to index
        %swap3A_400 = arith.constant 96 : index
        %swap3A_401 = tpu.vector_load %arg11[%swap3A_398, %swap3A_399, %swap3A_400] {strides = array<i32>} : memref<2x64x128xf32, #tpu.memory_space<vmem>>, vector<16xf32>,
        tpu.vector_store %arg11[%swap3A_398, %swap3A_399, %swap3A_400], %bitcast3A_396 {strides = array<i32>} : memref<2x64x128xf32, #tpu.memory_space<vmem>>, vector<16xf32>,
        %and3A_402 = arith.andi %get3A_392, %broadcast_in_dim3A_187 : vector<16xi32>
        %bitcast3A_403 = vector.bitcast %and3A_402 : vector<16xi32> to vector<16xf32>
        %swap3A_404 = arith.constant 0 : i32
        %swap3A_405 = arith.index_cast %swap3A_404 : i32 to index
        %swap3A_406 = arith.index_cast %scan3A_326 : i32 to index
        %swap3A_407 = arith.constant 112 : index
        %swap3A_408 = tpu.vector_load %arg11[%swap3A_405, %swap3A_406, %swap3A_407] {strides = array<i32>} : memref<2x64x128xf32, #tpu.memory_space<vmem>>, vector<16xf32>,
        tpu.vector_store %arg11[%swap3A_405, %swap3A_406, %swap3A_407], %bitcast3A_403 {strides = array<i32>} : memref<2x64x128xf32, #tpu.memory_space<vmem>>, vector<16xf32>,
        %scan3A_409 = arith.constant 0 : i32
        scf.yield %scan3A_409 : i32
      }
      %scan3A_194 = arith.constant 64 : i32
      %mul3A_195 = arith.constant 2 : i32
      %mul3A_196 = arith.muli %mul3A_195, %add3A_171 : i32
      %add3A_197 = arith.constant 0 : i32
      %add3A_198 = arith.addi %mul3A_196, %add3A_197 : i32
      %dma_start3A_199 = arith.constant 0 : i32
      %dma_start3A_200 = arith.constant 0 : i32
      %dma_start3A_201 = arith.constant 0 : i32
      %dma_start3A_202 = tpu.memref_slice %arg11[%dma_start3A_199, %dma_start3A_200, %dma_start3A_201] : memref<2x64x128xf32, #tpu.memory_space<vmem>> -> memref<1x64x128xf32, #tpu.memory_space<vmem>>
      %dma_start3A_203 = tpu.memref_squeeze %dma_start3A_202 : memref<1x64x128xf32, #tpu.memory_space<vmem>> -> memref<64x128xf32, #tpu.memory_space<vmem>>
      %dma_start3A_204 = arith.constant 0 : i32
      %dma_start3A_205 = tpu.memref_slice %arg9[%add3A_198, %dma_start3A_204] : memref<40x64xi32, #tpu.memory_space<vmem>> -> memref<1x64xi32, #tpu.memory_space<vmem>>
      %dma_start3A_206 = tpu.memref_squeeze %dma_start3A_205 : memref<1x64xi32, #tpu.memory_space<vmem>> -> memref<64xi32, #tpu.memory_space<vmem>>
      %dma_start3A_207 = arith.constant 0 : i32
      %dma_start3A_208 = arith.constant 0 : i32
      %dma_start3A_209 = tpu.memref_slice %arg7[%dma_start3A_207, %dma_start3A_208] : memref<10240x128xf32, #tpu.memory_space<vmem_shared>> -> memref<10240x128xf32, #tpu.memory_space<vmem_shared>>
      tpu.enqueue_indirect_dma source(%dma_start3A_203 : memref<64x128xf32, #tpu.memory_space<vmem>>) target(%dma_start3A_209 : memref<10240x128xf32, #tpu.memory_space<vmem_shared>>) offsets(%dma_start3A_206 : memref<64xi32, #tpu.memory_space<vmem>>) semaphore(%arg14 : memref<!tpu.dma_semaphore, #tpu.memory_space<semaphore_mem>>) {add = true}
      %gt3A_210 = arith.constant 0 : i32
      %gt3A_211 = arith.cmpi sgt, %add3A_171, %gt3A_210 : i32
      %convert_element_type3A_212 = arith.extui %gt3A_211 : i1 to i32
      %cond3A_213 = arith.constant 0 : i32
      %cond3A_214 = arith.cmpi ne, %convert_element_type3A_212, %cond3A_213 : i32
      scf.if %cond3A_214 {
        %dma_wait3A_326 = arith.constant 1 : i32
        %dma_wait3A_327 = arith.constant 0 : i32
        %dma_wait3A_328 = arith.constant 0 : i32
        %dma_wait3A_329 = arith.constant 0 : i32
        %dma_wait3A_330 = tpu.memref_slice %arg11[%dma_wait3A_326, %dma_wait3A_328, %dma_wait3A_329] : memref<2x64x128xf32, #tpu.memory_space<vmem>> -> memref<1x64x128xf32, #tpu.memory_space<vmem>>
        %dma_wait3A_331 = tpu.memref_squeeze %dma_wait3A_330 : memref<1x64x128xf32, #tpu.memory_space<vmem>> -> memref<64x128xf32, #tpu.memory_space<vmem>>
        %dma_wait3A_332 = arith.constant 0 : i32
        %dma_wait3A_333 = tpu.memref_slice %arg9[%dma_wait3A_327, %dma_wait3A_332] : memref<40x64xi32, #tpu.memory_space<vmem>> -> memref<1x64xi32, #tpu.memory_space<vmem>>
        %dma_wait3A_334 = tpu.memref_squeeze %dma_wait3A_333 : memref<1x64xi32, #tpu.memory_space<vmem>> -> memref<64xi32, #tpu.memory_space<vmem>>
        %dma_wait3A_335 = arith.constant 0 : i32
        %dma_wait3A_336 = arith.constant 0 : i32
        %dma_wait3A_337 = tpu.memref_slice %arg7[%dma_wait3A_335, %dma_wait3A_336] : memref<10240x128xf32, #tpu.memory_space<vmem_shared>> -> memref<10240x128xf32, #tpu.memory_space<vmem_shared>>
        tpu.wait_indirect_dma semaphore(%arg15 : memref<!tpu.dma_semaphore, #tpu.memory_space<semaphore_mem>>) src(%dma_wait3A_331 : memref<64x128xf32, #tpu.memory_space<vmem>>) dst(%dma_wait3A_337 : memref<10240x128xf32, #tpu.memory_space<vmem_shared>>)
      } else {
      }
      %broadcast_in_dim3A_215 = arith.constant -65536 : i32
      %broadcast_in_dim3A_216 = vector.broadcast %broadcast_in_dim3A_215 : i32 to vector<16xi32>
      %scan3A_217 = arith.constant 0 : i32
      %scan3A_218 = arith.constant 0 : i32
      %scan3A_219 = arith.constant 64 : i32
      %scan3A_220 = arith.addi %scan3A_218, %scan3A_219 : i32
      %scan3A_221 = arith.constant 1 : i32
      %scan3A_222 = scf.for %scan3A_326 = %scan3A_218 to %scan3A_220 step %scan3A_221 iter_args(%scan3A_327 = %scan3A_217) -> (i32)  : i32 {
        %add3A_328 = arith.constant 64 : i32
        %add3A_329 = arith.addi %add3A_328, %scan3A_326 : i32
        %get3A = arith.constant 0 : i32
        %get3A_330 = arith.index_cast %get3A : i32 to index
        %get3A_331 = arith.index_cast %add3A_329 : i32 to index
        %get3A_332 = arith.constant 0 : index
        %get3A_333 = tpu.vector_load %arg10[%get3A_330, %get3A_331, %get3A_332] {strides = array<i32>} : memref<2x128x64xi32, #tpu.memory_space<vmem>>, vector<16xi32>,
        %shift_left3A = arith.constant 16 : i32
        %shift_left3A_334 = vector.broadcast %shift_left3A : i32 to vector<16xi32>
        %shift_left3A_335 = arith.shli %get3A_333, %shift_left3A_334 : vector<16xi32>
        %bitcast3A = vector.bitcast %shift_left3A_335 : vector<16xi32> to vector<16xf32>
        %swap3A = arith.constant 1 : i32
        %swap3A_336 = arith.index_cast %swap3A : i32 to index
        %swap3A_337 = arith.index_cast %scan3A_326 : i32 to index
        %swap3A_338 = arith.constant 0 : index
        %swap3A_339 = tpu.vector_load %arg11[%swap3A_336, %swap3A_337, %swap3A_338] {strides = array<i32>} : memref<2x64x128xf32, #tpu.memory_space<vmem>>, vector<16xf32>,
        tpu.vector_store %arg11[%swap3A_336, %swap3A_337, %swap3A_338], %bitcast3A {strides = array<i32>} : memref<2x64x128xf32, #tpu.memory_space<vmem>>, vector<16xf32>,
        %and3A = arith.andi %get3A_333, %broadcast_in_dim3A_216 : vector<16xi32>
        %bitcast3A_340 = vector.bitcast %and3A : vector<16xi32> to vector<16xf32>
        %swap3A_341 = arith.constant 1 : i32
        %swap3A_342 = arith.index_cast %swap3A_341 : i32 to index
        %swap3A_343 = arith.index_cast %scan3A_326 : i32 to index
        %swap3A_344 = arith.constant 16 : index
        %swap3A_345 = tpu.vector_load %arg11[%swap3A_342, %swap3A_343, %swap3A_344] {strides = array<i32>} : memref<2x64x128xf32, #tpu.memory_space<vmem>>, vector<16xf32>,
        tpu.vector_store %arg11[%swap3A_342, %swap3A_343, %swap3A_344], %bitcast3A_340 {strides = array<i32>} : memref<2x64x128xf32, #tpu.memory_space<vmem>>, vector<16xf32>,
        %get3A_346 = arith.constant 0 : i32
        %get3A_347 = arith.index_cast %get3A_346 : i32 to index
        %get3A_348 = arith.index_cast %add3A_329 : i32 to index
        %get3A_349 = arith.constant 16 : index
        %get3A_350 = tpu.vector_load %arg10[%get3A_347, %get3A_348, %get3A_349] {strides = array<i32>} : memref<2x128x64xi32, #tpu.memory_space<vmem>>, vector<16xi32>,
        %shift_left3A_351 = arith.constant 16 : i32
        %shift_left3A_352 = vector.broadcast %shift_left3A_351 : i32 to vector<16xi32>
        %shift_left3A_353 = arith.shli %get3A_350, %shift_left3A_352 : vector<16xi32>
        %bitcast3A_354 = vector.bitcast %shift_left3A_353 : vector<16xi32> to vector<16xf32>
        %swap3A_355 = arith.constant 1 : i32
        %swap3A_356 = arith.index_cast %swap3A_355 : i32 to index
        %swap3A_357 = arith.index_cast %scan3A_326 : i32 to index
        %swap3A_358 = arith.constant 32 : index
        %swap3A_359 = tpu.vector_load %arg11[%swap3A_356, %swap3A_357, %swap3A_358] {strides = array<i32>} : memref<2x64x128xf32, #tpu.memory_space<vmem>>, vector<16xf32>,
        tpu.vector_store %arg11[%swap3A_356, %swap3A_357, %swap3A_358], %bitcast3A_354 {strides = array<i32>} : memref<2x64x128xf32, #tpu.memory_space<vmem>>, vector<16xf32>,
        %and3A_360 = arith.andi %get3A_350, %broadcast_in_dim3A_216 : vector<16xi32>
        %bitcast3A_361 = vector.bitcast %and3A_360 : vector<16xi32> to vector<16xf32>
        %swap3A_362 = arith.constant 1 : i32
        %swap3A_363 = arith.index_cast %swap3A_362 : i32 to index
        %swap3A_364 = arith.index_cast %scan3A_326 : i32 to index
        %swap3A_365 = arith.constant 48 : index
        %swap3A_366 = tpu.vector_load %arg11[%swap3A_363, %swap3A_364, %swap3A_365] {strides = array<i32>} : memref<2x64x128xf32, #tpu.memory_space<vmem>>, vector<16xf32>,
        tpu.vector_store %arg11[%swap3A_363, %swap3A_364, %swap3A_365], %bitcast3A_361 {strides = array<i32>} : memref<2x64x128xf32, #tpu.memory_space<vmem>>, vector<16xf32>,
        %get3A_367 = arith.constant 0 : i32
        %get3A_368 = arith.index_cast %get3A_367 : i32 to index
        %get3A_369 = arith.index_cast %add3A_329 : i32 to index
        %get3A_370 = arith.constant 32 : index
        %get3A_371 = tpu.vector_load %arg10[%get3A_368, %get3A_369, %get3A_370] {strides = array<i32>} : memref<2x128x64xi32, #tpu.memory_space<vmem>>, vector<16xi32>,
        %shift_left3A_372 = arith.constant 16 : i32
        %shift_left3A_373 = vector.broadcast %shift_left3A_372 : i32 to vector<16xi32>
        %shift_left3A_374 = arith.shli %get3A_371, %shift_left3A_373 : vector<16xi32>
        %bitcast3A_375 = vector.bitcast %shift_left3A_374 : vector<16xi32> to vector<16xf32>
        %swap3A_376 = arith.constant 1 : i32
        %swap3A_377 = arith.index_cast %swap3A_376 : i32 to index
        %swap3A_378 = arith.index_cast %scan3A_326 : i32 to index
        %swap3A_379 = arith.constant 64 : index
        %swap3A_380 = tpu.vector_load %arg11[%swap3A_377, %swap3A_378, %swap3A_379] {strides = array<i32>} : memref<2x64x128xf32, #tpu.memory_space<vmem>>, vector<16xf32>,
        tpu.vector_store %arg11[%swap3A_377, %swap3A_378, %swap3A_379], %bitcast3A_375 {strides = array<i32>} : memref<2x64x128xf32, #tpu.memory_space<vmem>>, vector<16xf32>,
        %and3A_381 = arith.andi %get3A_371, %broadcast_in_dim3A_216 : vector<16xi32>
        %bitcast3A_382 = vector.bitcast %and3A_381 : vector<16xi32> to vector<16xf32>
        %swap3A_383 = arith.constant 1 : i32
        %swap3A_384 = arith.index_cast %swap3A_383 : i32 to index
        %swap3A_385 = arith.index_cast %scan3A_326 : i32 to index
        %swap3A_386 = arith.constant 80 : index
        %swap3A_387 = tpu.vector_load %arg11[%swap3A_384, %swap3A_385, %swap3A_386] {strides = array<i32>} : memref<2x64x128xf32, #tpu.memory_space<vmem>>, vector<16xf32>,
        tpu.vector_store %arg11[%swap3A_384, %swap3A_385, %swap3A_386], %bitcast3A_382 {strides = array<i32>} : memref<2x64x128xf32, #tpu.memory_space<vmem>>, vector<16xf32>,
        %get3A_388 = arith.constant 0 : i32
        %get3A_389 = arith.index_cast %get3A_388 : i32 to index
        %get3A_390 = arith.index_cast %add3A_329 : i32 to index
        %get3A_391 = arith.constant 48 : index
        %get3A_392 = tpu.vector_load %arg10[%get3A_389, %get3A_390, %get3A_391] {strides = array<i32>} : memref<2x128x64xi32, #tpu.memory_space<vmem>>, vector<16xi32>,
        %shift_left3A_393 = arith.constant 16 : i32
        %shift_left3A_394 = vector.broadcast %shift_left3A_393 : i32 to vector<16xi32>
        %shift_left3A_395 = arith.shli %get3A_392, %shift_left3A_394 : vector<16xi32>
        %bitcast3A_396 = vector.bitcast %shift_left3A_395 : vector<16xi32> to vector<16xf32>
        %swap3A_397 = arith.constant 1 : i32
        %swap3A_398 = arith.index_cast %swap3A_397 : i32 to index
        %swap3A_399 = arith.index_cast %scan3A_326 : i32 to index
        %swap3A_400 = arith.constant 96 : index
        %swap3A_401 = tpu.vector_load %arg11[%swap3A_398, %swap3A_399, %swap3A_400] {strides = array<i32>} : memref<2x64x128xf32, #tpu.memory_space<vmem>>, vector<16xf32>,
        tpu.vector_store %arg11[%swap3A_398, %swap3A_399, %swap3A_400], %bitcast3A_396 {strides = array<i32>} : memref<2x64x128xf32, #tpu.memory_space<vmem>>, vector<16xf32>,
        %and3A_402 = arith.andi %get3A_392, %broadcast_in_dim3A_216 : vector<16xi32>
        %bitcast3A_403 = vector.bitcast %and3A_402 : vector<16xi32> to vector<16xf32>
        %swap3A_404 = arith.constant 1 : i32
        %swap3A_405 = arith.index_cast %swap3A_404 : i32 to index
        %swap3A_406 = arith.index_cast %scan3A_326 : i32 to index
        %swap3A_407 = arith.constant 112 : index
        %swap3A_408 = tpu.vector_load %arg11[%swap3A_405, %swap3A_406, %swap3A_407] {strides = array<i32>} : memref<2x64x128xf32, #tpu.memory_space<vmem>>, vector<16xf32>,
        tpu.vector_store %arg11[%swap3A_405, %swap3A_406, %swap3A_407], %bitcast3A_403 {strides = array<i32>} : memref<2x64x128xf32, #tpu.memory_space<vmem>>, vector<16xf32>,
        %scan3A_409 = arith.constant 0 : i32
        scf.yield %scan3A_409 : i32
      }
      %scan3A_223 = arith.constant 64 : i32
      %mul3A_224 = arith.constant 2 : i32
      %mul3A_225 = arith.muli %mul3A_224, %add3A_171 : i32
      %add3A_226 = arith.constant 1 : i32
      %add3A_227 = arith.addi %mul3A_225, %add3A_226 : i32
      %dma_start3A_228 = arith.constant 1 : i32
      %dma_start3A_229 = arith.constant 0 : i32
      %dma_start3A_230 = arith.constant 0 : i32
      %dma_start3A_231 = tpu.memref_slice %arg11[%dma_start3A_228, %dma_start3A_229, %dma_start3A_230] : memref<2x64x128xf32, #tpu.memory_space<vmem>> -> memref<1x64x128xf32, #tpu.memory_space<vmem>>
      %dma_start3A_232 = tpu.memref_squeeze %dma_start3A_231 : memref<1x64x128xf32, #tpu.memory_space<vmem>> -> memref<64x128xf32, #tpu.memory_space<vmem>>
      %dma_start3A_233 = arith.constant 0 : i32
      %dma_start3A_234 = tpu.memref_slice %arg9[%add3A_227, %dma_start3A_233] : memref<40x64xi32, #tpu.memory_space<vmem>> -> memref<1x64xi32, #tpu.memory_space<vmem>>
      %dma_start3A_235 = tpu.memref_squeeze %dma_start3A_234 : memref<1x64xi32, #tpu.memory_space<vmem>> -> memref<64xi32, #tpu.memory_space<vmem>>
      %dma_start3A_236 = arith.constant 0 : i32
      %dma_start3A_237 = arith.constant 0 : i32
      %dma_start3A_238 = tpu.memref_slice %arg7[%dma_start3A_236, %dma_start3A_237] : memref<10240x128xf32, #tpu.memory_space<vmem_shared>> -> memref<10240x128xf32, #tpu.memory_space<vmem_shared>>
      tpu.enqueue_indirect_dma source(%dma_start3A_232 : memref<64x128xf32, #tpu.memory_space<vmem>>) target(%dma_start3A_238 : memref<10240x128xf32, #tpu.memory_space<vmem_shared>>) offsets(%dma_start3A_235 : memref<64xi32, #tpu.memory_space<vmem>>) semaphore(%arg15 : memref<!tpu.dma_semaphore, #tpu.memory_space<semaphore_mem>>) {add = true}
      %add3A_239 = arith.constant 2 : i32
      %add3A_240 = arith.addi %add3A_171, %add3A_239 : i32
      %lt3A = arith.constant 20 : i32
      %lt3A_241 = arith.cmpi slt, %add3A_240, %lt3A : i32
      %convert_element_type3A_242 = arith.extui %lt3A_241 : i1 to i32
      %cond3A_243 = arith.constant 0 : i32
      %cond3A_244 = arith.cmpi ne, %convert_element_type3A_242, %cond3A_243 : i32
      scf.if %cond3A_244 {
        %dma_start3A_326 = arith.constant 0 : i32
        %dma_start3A_327 = arith.constant 0 : i32
        %dma_start3A_328 = arith.constant 0 : i32
        %dma_start3A_329 = tpu.memref_slice %arg10[%dma_start3A_326, %dma_start3A_327, %dma_start3A_328] : memref<2x128x64xi32, #tpu.memory_space<vmem>> -> memref<1x128x64xi32, #tpu.memory_space<vmem>>
        %dma_start3A_330 = tpu.memref_squeeze %dma_start3A_329 : memref<1x128x64xi32, #tpu.memory_space<vmem>> -> memref<128x64xi32, #tpu.memory_space<vmem>>
        %dma_start3A_331 = arith.constant 0 : i32
        %dma_start3A_332 = tpu.memref_slice %arg8[%add3A_240, %dma_start3A_331] : memref<20x128xi32, #tpu.memory_space<vmem>> -> memref<1x128xi32, #tpu.memory_space<vmem>>
        %dma_start3A_333 = tpu.memref_squeeze %dma_start3A_332 : memref<1x128xi32, #tpu.memory_space<vmem>> -> memref<128xi32, #tpu.memory_space<vmem>>
        %dma_start3A_334 = arith.constant 0 : i32
        %dma_start3A_335 = arith.constant 0 : i32
        %dma_start3A_336 = tpu.memref_slice %arg2[%dma_start3A_334, %dma_start3A_335] : memref<40000x64xi32, #tpu.memory_space<hbm>> -> memref<40000x64xi32, #tpu.memory_space<hbm>>
        tpu.enqueue_indirect_dma source(%dma_start3A_336 : memref<40000x64xi32, #tpu.memory_space<hbm>>) target(%dma_start3A_330 : memref<128x64xi32, #tpu.memory_space<vmem>>) offsets(%dma_start3A_333 : memref<128xi32, #tpu.memory_space<vmem>>) semaphore(%arg12 : memref<!tpu.dma_semaphore, #tpu.memory_space<semaphore_mem>>)
      } else {
      }
      %mul3A_245 = arith.constant 2 : i32
      %mul3A_246 = arith.muli %scan3A_166, %mul3A_245 : i32
      %add3A_247 = arith.constant 1 : i32
      %add3A_248 = arith.addi %mul3A_246, %add3A_247 : i32
      %dma_wait3A_249 = arith.constant 1 : i32
      %dma_wait3A_250 = arith.constant 0 : i32
      %dma_wait3A_251 = arith.constant 0 : i32
      %dma_wait3A_252 = tpu.memref_slice %arg10[%dma_wait3A_249, %dma_wait3A_250, %dma_wait3A_251] : memref<2x128x64xi32, #tpu.memory_space<vmem>> -> memref<1x128x64xi32, #tpu.memory_space<vmem>>
      %dma_wait3A_253 = tpu.memref_squeeze %dma_wait3A_252 : memref<1x128x64xi32, #tpu.memory_space<vmem>> -> memref<128x64xi32, #tpu.memory_space<vmem>>
      %dma_wait3A_254 = arith.constant 0 : i32
      %dma_wait3A_255 = tpu.memref_slice %arg8[%add3A_248, %dma_wait3A_254] : memref<20x128xi32, #tpu.memory_space<vmem>> -> memref<1x128xi32, #tpu.memory_space<vmem>>
      %dma_wait3A_256 = tpu.memref_squeeze %dma_wait3A_255 : memref<1x128xi32, #tpu.memory_space<vmem>> -> memref<128xi32, #tpu.memory_space<vmem>>
      %dma_wait3A_257 = arith.constant 0 : i32
      %dma_wait3A_258 = arith.constant 0 : i32
      %dma_wait3A_259 = tpu.memref_slice %arg2[%dma_wait3A_257, %dma_wait3A_258] : memref<40000x64xi32, #tpu.memory_space<hbm>> -> memref<40000x64xi32, #tpu.memory_space<hbm>>
      tpu.wait_indirect_dma semaphore(%arg13 : memref<!tpu.dma_semaphore, #tpu.memory_space<semaphore_mem>>) src(%dma_wait3A_259 : memref<40000x64xi32, #tpu.memory_space<hbm>>) dst(%dma_wait3A_253 : memref<128x64xi32, #tpu.memory_space<vmem>>)
      %gt3A_260 = arith.constant 0 : i32
      %gt3A_261 = arith.cmpi sgt, %add3A_248, %gt3A_260 : i32
      %convert_element_type3A_262 = arith.extui %gt3A_261 : i1 to i32
      %cond3A_263 = arith.constant 0 : i32
      %cond3A_264 = arith.cmpi ne, %convert_element_type3A_262, %cond3A_263 : i32
      scf.if %cond3A_264 {
        %dma_wait3A_326 = arith.constant 0 : i32
        %dma_wait3A_327 = arith.constant 0 : i32
        %dma_wait3A_328 = arith.constant 0 : i32
        %dma_wait3A_329 = arith.constant 0 : i32
        %dma_wait3A_330 = tpu.memref_slice %arg11[%dma_wait3A_326, %dma_wait3A_328, %dma_wait3A_329] : memref<2x64x128xf32, #tpu.memory_space<vmem>> -> memref<1x64x128xf32, #tpu.memory_space<vmem>>
        %dma_wait3A_331 = tpu.memref_squeeze %dma_wait3A_330 : memref<1x64x128xf32, #tpu.memory_space<vmem>> -> memref<64x128xf32, #tpu.memory_space<vmem>>
        %dma_wait3A_332 = arith.constant 0 : i32
        %dma_wait3A_333 = tpu.memref_slice %arg9[%dma_wait3A_327, %dma_wait3A_332] : memref<40x64xi32, #tpu.memory_space<vmem>> -> memref<1x64xi32, #tpu.memory_space<vmem>>
        %dma_wait3A_334 = tpu.memref_squeeze %dma_wait3A_333 : memref<1x64xi32, #tpu.memory_space<vmem>> -> memref<64xi32, #tpu.memory_space<vmem>>
        %dma_wait3A_335 = arith.constant 0 : i32
        %dma_wait3A_336 = arith.constant 0 : i32
        %dma_wait3A_337 = tpu.memref_slice %arg7[%dma_wait3A_335, %dma_wait3A_336] : memref<10240x128xf32, #tpu.memory_space<vmem_shared>> -> memref<10240x128xf32, #tpu.memory_space<vmem_shared>>
        tpu.wait_indirect_dma semaphore(%arg14 : memref<!tpu.dma_semaphore, #tpu.memory_space<semaphore_mem>>) src(%dma_wait3A_331 : memref<64x128xf32, #tpu.memory_space<vmem>>) dst(%dma_wait3A_337 : memref<10240x128xf32, #tpu.memory_space<vmem_shared>>)
      } else {
      }
      %broadcast_in_dim3A_265 = arith.constant -65536 : i32
      %broadcast_in_dim3A_266 = vector.broadcast %broadcast_in_dim3A_265 : i32 to vector<16xi32>
      %scan3A_267 = arith.constant 0 : i32
      %scan3A_268 = arith.constant 0 : i32
      %scan3A_269 = arith.constant 64 : i32
      %scan3A_270 = arith.addi %scan3A_268, %scan3A_269 : i32
      %scan3A_271 = arith.constant 1 : i32
      %scan3A_272 = scf.for %scan3A_326 = %scan3A_268 to %scan3A_270 step %scan3A_271 iter_args(%scan3A_327 = %scan3A_267) -> (i32)  : i32 {
        %add3A_328 = arith.constant 0 : i32
        %add3A_329 = arith.addi %add3A_328, %scan3A_326 : i32
        %get3A = arith.constant 1 : i32
        %get3A_330 = arith.index_cast %get3A : i32 to index
        %get3A_331 = arith.index_cast %add3A_329 : i32 to index
        %get3A_332 = arith.constant 0 : index
        %get3A_333 = tpu.vector_load %arg10[%get3A_330, %get3A_331, %get3A_332] {strides = array<i32>} : memref<2x128x64xi32, #tpu.memory_space<vmem>>, vector<16xi32>,
        %shift_left3A = arith.constant 16 : i32
        %shift_left3A_334 = vector.broadcast %shift_left3A : i32 to vector<16xi32>
        %shift_left3A_335 = arith.shli %get3A_333, %shift_left3A_334 : vector<16xi32>
        %bitcast3A = vector.bitcast %shift_left3A_335 : vector<16xi32> to vector<16xf32>
        %swap3A = arith.constant 0 : i32
        %swap3A_336 = arith.index_cast %swap3A : i32 to index
        %swap3A_337 = arith.index_cast %scan3A_326 : i32 to index
        %swap3A_338 = arith.constant 0 : index
        %swap3A_339 = tpu.vector_load %arg11[%swap3A_336, %swap3A_337, %swap3A_338] {strides = array<i32>} : memref<2x64x128xf32, #tpu.memory_space<vmem>>, vector<16xf32>,
        tpu.vector_store %arg11[%swap3A_336, %swap3A_337, %swap3A_338], %bitcast3A {strides = array<i32>} : memref<2x64x128xf32, #tpu.memory_space<vmem>>, vector<16xf32>,
        %and3A = arith.andi %get3A_333, %broadcast_in_dim3A_266 : vector<16xi32>
        %bitcast3A_340 = vector.bitcast %and3A : vector<16xi32> to vector<16xf32>
        %swap3A_341 = arith.constant 0 : i32
        %swap3A_342 = arith.index_cast %swap3A_341 : i32 to index
        %swap3A_343 = arith.index_cast %scan3A_326 : i32 to index
        %swap3A_344 = arith.constant 16 : index
        %swap3A_345 = tpu.vector_load %arg11[%swap3A_342, %swap3A_343, %swap3A_344] {strides = array<i32>} : memref<2x64x128xf32, #tpu.memory_space<vmem>>, vector<16xf32>,
        tpu.vector_store %arg11[%swap3A_342, %swap3A_343, %swap3A_344], %bitcast3A_340 {strides = array<i32>} : memref<2x64x128xf32, #tpu.memory_space<vmem>>, vector<16xf32>,
        %get3A_346 = arith.constant 1 : i32
        %get3A_347 = arith.index_cast %get3A_346 : i32 to index
        %get3A_348 = arith.index_cast %add3A_329 : i32 to index
        %get3A_349 = arith.constant 16 : index
        %get3A_350 = tpu.vector_load %arg10[%get3A_347, %get3A_348, %get3A_349] {strides = array<i32>} : memref<2x128x64xi32, #tpu.memory_space<vmem>>, vector<16xi32>,
        %shift_left3A_351 = arith.constant 16 : i32
        %shift_left3A_352 = vector.broadcast %shift_left3A_351 : i32 to vector<16xi32>
        %shift_left3A_353 = arith.shli %get3A_350, %shift_left3A_352 : vector<16xi32>
        %bitcast3A_354 = vector.bitcast %shift_left3A_353 : vector<16xi32> to vector<16xf32>
        %swap3A_355 = arith.constant 0 : i32
        %swap3A_356 = arith.index_cast %swap3A_355 : i32 to index
        %swap3A_357 = arith.index_cast %scan3A_326 : i32 to index
        %swap3A_358 = arith.constant 32 : index
        %swap3A_359 = tpu.vector_load %arg11[%swap3A_356, %swap3A_357, %swap3A_358] {strides = array<i32>} : memref<2x64x128xf32, #tpu.memory_space<vmem>>, vector<16xf32>,
        tpu.vector_store %arg11[%swap3A_356, %swap3A_357, %swap3A_358], %bitcast3A_354 {strides = array<i32>} : memref<2x64x128xf32, #tpu.memory_space<vmem>>, vector<16xf32>,
        %and3A_360 = arith.andi %get3A_350, %broadcast_in_dim3A_266 : vector<16xi32>
        %bitcast3A_361 = vector.bitcast %and3A_360 : vector<16xi32> to vector<16xf32>
        %swap3A_362 = arith.constant 0 : i32
        %swap3A_363 = arith.index_cast %swap3A_362 : i32 to index
        %swap3A_364 = arith.index_cast %scan3A_326 : i32 to index
        %swap3A_365 = arith.constant 48 : index
        %swap3A_366 = tpu.vector_load %arg11[%swap3A_363, %swap3A_364, %swap3A_365] {strides = array<i32>} : memref<2x64x128xf32, #tpu.memory_space<vmem>>, vector<16xf32>,
        tpu.vector_store %arg11[%swap3A_363, %swap3A_364, %swap3A_365], %bitcast3A_361 {strides = array<i32>} : memref<2x64x128xf32, #tpu.memory_space<vmem>>, vector<16xf32>,
        %get3A_367 = arith.constant 1 : i32
        %get3A_368 = arith.index_cast %get3A_367 : i32 to index
        %get3A_369 = arith.index_cast %add3A_329 : i32 to index
        %get3A_370 = arith.constant 32 : index
        %get3A_371 = tpu.vector_load %arg10[%get3A_368, %get3A_369, %get3A_370] {strides = array<i32>} : memref<2x128x64xi32, #tpu.memory_space<vmem>>, vector<16xi32>,
        %shift_left3A_372 = arith.constant 16 : i32
        %shift_left3A_373 = vector.broadcast %shift_left3A_372 : i32 to vector<16xi32>
        %shift_left3A_374 = arith.shli %get3A_371, %shift_left3A_373 : vector<16xi32>
        %bitcast3A_375 = vector.bitcast %shift_left3A_374 : vector<16xi32> to vector<16xf32>
        %swap3A_376 = arith.constant 0 : i32
        %swap3A_377 = arith.index_cast %swap3A_376 : i32 to index
        %swap3A_378 = arith.index_cast %scan3A_326 : i32 to index
        %swap3A_379 = arith.constant 64 : index
        %swap3A_380 = tpu.vector_load %arg11[%swap3A_377, %swap3A_378, %swap3A_379] {strides = array<i32>} : memref<2x64x128xf32, #tpu.memory_space<vmem>>, vector<16xf32>,
        tpu.vector_store %arg11[%swap3A_377, %swap3A_378, %swap3A_379], %bitcast3A_375 {strides = array<i32>} : memref<2x64x128xf32, #tpu.memory_space<vmem>>, vector<16xf32>,
        %and3A_381 = arith.andi %get3A_371, %broadcast_in_dim3A_266 : vector<16xi32>
        %bitcast3A_382 = vector.bitcast %and3A_381 : vector<16xi32> to vector<16xf32>
        %swap3A_383 = arith.constant 0 : i32
        %swap3A_384 = arith.index_cast %swap3A_383 : i32 to index
        %swap3A_385 = arith.index_cast %scan3A_326 : i32 to index
        %swap3A_386 = arith.constant 80 : index
        %swap3A_387 = tpu.vector_load %arg11[%swap3A_384, %swap3A_385, %swap3A_386] {strides = array<i32>} : memref<2x64x128xf32, #tpu.memory_space<vmem>>, vector<16xf32>,
        tpu.vector_store %arg11[%swap3A_384, %swap3A_385, %swap3A_386], %bitcast3A_382 {strides = array<i32>} : memref<2x64x128xf32, #tpu.memory_space<vmem>>, vector<16xf32>,
        %get3A_388 = arith.constant 1 : i32
        %get3A_389 = arith.index_cast %get3A_388 : i32 to index
        %get3A_390 = arith.index_cast %add3A_329 : i32 to index
        %get3A_391 = arith.constant 48 : index
        %get3A_392 = tpu.vector_load %arg10[%get3A_389, %get3A_390, %get3A_391] {strides = array<i32>} : memref<2x128x64xi32, #tpu.memory_space<vmem>>, vector<16xi32>,
        %shift_left3A_393 = arith.constant 16 : i32
        %shift_left3A_394 = vector.broadcast %shift_left3A_393 : i32 to vector<16xi32>
        %shift_left3A_395 = arith.shli %get3A_392, %shift_left3A_394 : vector<16xi32>
        %bitcast3A_396 = vector.bitcast %shift_left3A_395 : vector<16xi32> to vector<16xf32>
        %swap3A_397 = arith.constant 0 : i32
        %swap3A_398 = arith.index_cast %swap3A_397 : i32 to index
        %swap3A_399 = arith.index_cast %scan3A_326 : i32 to index
        %swap3A_400 = arith.constant 96 : index
        %swap3A_401 = tpu.vector_load %arg11[%swap3A_398, %swap3A_399, %swap3A_400] {strides = array<i32>} : memref<2x64x128xf32, #tpu.memory_space<vmem>>, vector<16xf32>,
        tpu.vector_store %arg11[%swap3A_398, %swap3A_399, %swap3A_400], %bitcast3A_396 {strides = array<i32>} : memref<2x64x128xf32, #tpu.memory_space<vmem>>, vector<16xf32>,
        %and3A_402 = arith.andi %get3A_392, %broadcast_in_dim3A_266 : vector<16xi32>
        %bitcast3A_403 = vector.bitcast %and3A_402 : vector<16xi32> to vector<16xf32>
        %swap3A_404 = arith.constant 0 : i32
        %swap3A_405 = arith.index_cast %swap3A_404 : i32 to index
        %swap3A_406 = arith.index_cast %scan3A_326 : i32 to index
        %swap3A_407 = arith.constant 112 : index
        %swap3A_408 = tpu.vector_load %arg11[%swap3A_405, %swap3A_406, %swap3A_407] {strides = array<i32>} : memref<2x64x128xf32, #tpu.memory_space<vmem>>, vector<16xf32>,
        tpu.vector_store %arg11[%swap3A_405, %swap3A_406, %swap3A_407], %bitcast3A_403 {strides = array<i32>} : memref<2x64x128xf32, #tpu.memory_space<vmem>>, vector<16xf32>,
        %scan3A_409 = arith.constant 0 : i32
        scf.yield %scan3A_409 : i32
      }
      %scan3A_273 = arith.constant 64 : i32
      %mul3A_274 = arith.constant 2 : i32
      %mul3A_275 = arith.muli %mul3A_274, %add3A_248 : i32
      %add3A_276 = arith.constant 0 : i32
      %add3A_277 = arith.addi %mul3A_275, %add3A_276 : i32
      %dma_start3A_278 = arith.constant 0 : i32
      %dma_start3A_279 = arith.constant 0 : i32
      %dma_start3A_280 = arith.constant 0 : i32
      %dma_start3A_281 = tpu.memref_slice %arg11[%dma_start3A_278, %dma_start3A_279, %dma_start3A_280] : memref<2x64x128xf32, #tpu.memory_space<vmem>> -> memref<1x64x128xf32, #tpu.memory_space<vmem>>
      %dma_start3A_282 = tpu.memref_squeeze %dma_start3A_281 : memref<1x64x128xf32, #tpu.memory_space<vmem>> -> memref<64x128xf32, #tpu.memory_space<vmem>>
      %dma_start3A_283 = arith.constant 0 : i32
      %dma_start3A_284 = tpu.memref_slice %arg9[%add3A_277, %dma_start3A_283] : memref<40x64xi32, #tpu.memory_space<vmem>> -> memref<1x64xi32, #tpu.memory_space<vmem>>
      %dma_start3A_285 = tpu.memref_squeeze %dma_start3A_284 : memref<1x64xi32, #tpu.memory_space<vmem>> -> memref<64xi32, #tpu.memory_space<vmem>>
      %dma_start3A_286 = arith.constant 0 : i32
      %dma_start3A_287 = arith.constant 0 : i32
      %dma_start3A_288 = tpu.memref_slice %arg7[%dma_start3A_286, %dma_start3A_287] : memref<10240x128xf32, #tpu.memory_space<vmem_shared>> -> memref<10240x128xf32, #tpu.memory_space<vmem_shared>>
      tpu.enqueue_indirect_dma source(%dma_start3A_282 : memref<64x128xf32, #tpu.memory_space<vmem>>) target(%dma_start3A_288 : memref<10240x128xf32, #tpu.memory_space<vmem_shared>>) offsets(%dma_start3A_285 : memref<64xi32, #tpu.memory_space<vmem>>) semaphore(%arg14 : memref<!tpu.dma_semaphore, #tpu.memory_space<semaphore_mem>>) {add = true}
      %gt3A_289 = arith.constant 0 : i32
      %gt3A_290 = arith.cmpi sgt, %add3A_248, %gt3A_289 : i32
      %convert_element_type3A_291 = arith.extui %gt3A_290 : i1 to i32
      %cond3A_292 = arith.constant 0 : i32
      %cond3A_293 = arith.cmpi ne, %convert_element_type3A_291, %cond3A_292 : i32
      scf.if %cond3A_293 {
        %dma_wait3A_326 = arith.constant 1 : i32
        %dma_wait3A_327 = arith.constant 0 : i32
        %dma_wait3A_328 = arith.constant 0 : i32
        %dma_wait3A_329 = arith.constant 0 : i32
        %dma_wait3A_330 = tpu.memref_slice %arg11[%dma_wait3A_326, %dma_wait3A_328, %dma_wait3A_329] : memref<2x64x128xf32, #tpu.memory_space<vmem>> -> memref<1x64x128xf32, #tpu.memory_space<vmem>>
        %dma_wait3A_331 = tpu.memref_squeeze %dma_wait3A_330 : memref<1x64x128xf32, #tpu.memory_space<vmem>> -> memref<64x128xf32, #tpu.memory_space<vmem>>
        %dma_wait3A_332 = arith.constant 0 : i32
        %dma_wait3A_333 = tpu.memref_slice %arg9[%dma_wait3A_327, %dma_wait3A_332] : memref<40x64xi32, #tpu.memory_space<vmem>> -> memref<1x64xi32, #tpu.memory_space<vmem>>
        %dma_wait3A_334 = tpu.memref_squeeze %dma_wait3A_333 : memref<1x64xi32, #tpu.memory_space<vmem>> -> memref<64xi32, #tpu.memory_space<vmem>>
        %dma_wait3A_335 = arith.constant 0 : i32
        %dma_wait3A_336 = arith.constant 0 : i32
        %dma_wait3A_337 = tpu.memref_slice %arg7[%dma_wait3A_335, %dma_wait3A_336] : memref<10240x128xf32, #tpu.memory_space<vmem_shared>> -> memref<10240x128xf32, #tpu.memory_space<vmem_shared>>
        tpu.wait_indirect_dma semaphore(%arg15 : memref<!tpu.dma_semaphore, #tpu.memory_space<semaphore_mem>>) src(%dma_wait3A_331 : memref<64x128xf32, #tpu.memory_space<vmem>>) dst(%dma_wait3A_337 : memref<10240x128xf32, #tpu.memory_space<vmem_shared>>)
      } else {
      }
      %broadcast_in_dim3A_294 = arith.constant -65536 : i32
      %broadcast_in_dim3A_295 = vector.broadcast %broadcast_in_dim3A_294 : i32 to vector<16xi32>
      %scan3A_296 = arith.constant 0 : i32
      %scan3A_297 = arith.constant 0 : i32
      %scan3A_298 = arith.constant 64 : i32
      %scan3A_299 = arith.addi %scan3A_297, %scan3A_298 : i32
      %scan3A_300 = arith.constant 1 : i32
      %scan3A_301 = scf.for %scan3A_326 = %scan3A_297 to %scan3A_299 step %scan3A_300 iter_args(%scan3A_327 = %scan3A_296) -> (i32)  : i32 {
        %add3A_328 = arith.constant 64 : i32
        %add3A_329 = arith.addi %add3A_328, %scan3A_326 : i32
        %get3A = arith.constant 1 : i32
        %get3A_330 = arith.index_cast %get3A : i32 to index
        %get3A_331 = arith.index_cast %add3A_329 : i32 to index
        %get3A_332 = arith.constant 0 : index
        %get3A_333 = tpu.vector_load %arg10[%get3A_330, %get3A_331, %get3A_332] {strides = array<i32>} : memref<2x128x64xi32, #tpu.memory_space<vmem>>, vector<16xi32>,
        %shift_left3A = arith.constant 16 : i32
        %shift_left3A_334 = vector.broadcast %shift_left3A : i32 to vector<16xi32>
        %shift_left3A_335 = arith.shli %get3A_333, %shift_left3A_334 : vector<16xi32>
        %bitcast3A = vector.bitcast %shift_left3A_335 : vector<16xi32> to vector<16xf32>
        %swap3A = arith.constant 1 : i32
        %swap3A_336 = arith.index_cast %swap3A : i32 to index
        %swap3A_337 = arith.index_cast %scan3A_326 : i32 to index
        %swap3A_338 = arith.constant 0 : index
        %swap3A_339 = tpu.vector_load %arg11[%swap3A_336, %swap3A_337, %swap3A_338] {strides = array<i32>} : memref<2x64x128xf32, #tpu.memory_space<vmem>>, vector<16xf32>,
        tpu.vector_store %arg11[%swap3A_336, %swap3A_337, %swap3A_338], %bitcast3A {strides = array<i32>} : memref<2x64x128xf32, #tpu.memory_space<vmem>>, vector<16xf32>,
        %and3A = arith.andi %get3A_333, %broadcast_in_dim3A_295 : vector<16xi32>
        %bitcast3A_340 = vector.bitcast %and3A : vector<16xi32> to vector<16xf32>
        %swap3A_341 = arith.constant 1 : i32
        %swap3A_342 = arith.index_cast %swap3A_341 : i32 to index
        %swap3A_343 = arith.index_cast %scan3A_326 : i32 to index
        %swap3A_344 = arith.constant 16 : index
        %swap3A_345 = tpu.vector_load %arg11[%swap3A_342, %swap3A_343, %swap3A_344] {strides = array<i32>} : memref<2x64x128xf32, #tpu.memory_space<vmem>>, vector<16xf32>,
        tpu.vector_store %arg11[%swap3A_342, %swap3A_343, %swap3A_344], %bitcast3A_340 {strides = array<i32>} : memref<2x64x128xf32, #tpu.memory_space<vmem>>, vector<16xf32>,
        %get3A_346 = arith.constant 1 : i32
        %get3A_347 = arith.index_cast %get3A_346 : i32 to index
        %get3A_348 = arith.index_cast %add3A_329 : i32 to index
        %get3A_349 = arith.constant 16 : index
        %get3A_350 = tpu.vector_load %arg10[%get3A_347, %get3A_348, %get3A_349] {strides = array<i32>} : memref<2x128x64xi32, #tpu.memory_space<vmem>>, vector<16xi32>,
        %shift_left3A_351 = arith.constant 16 : i32
        %shift_left3A_352 = vector.broadcast %shift_left3A_351 : i32 to vector<16xi32>
        %shift_left3A_353 = arith.shli %get3A_350, %shift_left3A_352 : vector<16xi32>
        %bitcast3A_354 = vector.bitcast %shift_left3A_353 : vector<16xi32> to vector<16xf32>
        %swap3A_355 = arith.constant 1 : i32
        %swap3A_356 = arith.index_cast %swap3A_355 : i32 to index
        %swap3A_357 = arith.index_cast %scan3A_326 : i32 to index
        %swap3A_358 = arith.constant 32 : index
        %swap3A_359 = tpu.vector_load %arg11[%swap3A_356, %swap3A_357, %swap3A_358] {strides = array<i32>} : memref<2x64x128xf32, #tpu.memory_space<vmem>>, vector<16xf32>,
        tpu.vector_store %arg11[%swap3A_356, %swap3A_357, %swap3A_358], %bitcast3A_354 {strides = array<i32>} : memref<2x64x128xf32, #tpu.memory_space<vmem>>, vector<16xf32>,
        %and3A_360 = arith.andi %get3A_350, %broadcast_in_dim3A_295 : vector<16xi32>
        %bitcast3A_361 = vector.bitcast %and3A_360 : vector<16xi32> to vector<16xf32>
        %swap3A_362 = arith.constant 1 : i32
        %swap3A_363 = arith.index_cast %swap3A_362 : i32 to index
        %swap3A_364 = arith.index_cast %scan3A_326 : i32 to index
        %swap3A_365 = arith.constant 48 : index
        %swap3A_366 = tpu.vector_load %arg11[%swap3A_363, %swap3A_364, %swap3A_365] {strides = array<i32>} : memref<2x64x128xf32, #tpu.memory_space<vmem>>, vector<16xf32>,
        tpu.vector_store %arg11[%swap3A_363, %swap3A_364, %swap3A_365], %bitcast3A_361 {strides = array<i32>} : memref<2x64x128xf32, #tpu.memory_space<vmem>>, vector<16xf32>,
        %get3A_367 = arith.constant 1 : i32
        %get3A_368 = arith.index_cast %get3A_367 : i32 to index
        %get3A_369 = arith.index_cast %add3A_329 : i32 to index
        %get3A_370 = arith.constant 32 : index
        %get3A_371 = tpu.vector_load %arg10[%get3A_368, %get3A_369, %get3A_370] {strides = array<i32>} : memref<2x128x64xi32, #tpu.memory_space<vmem>>, vector<16xi32>,
        %shift_left3A_372 = arith.constant 16 : i32
        %shift_left3A_373 = vector.broadcast %shift_left3A_372 : i32 to vector<16xi32>
        %shift_left3A_374 = arith.shli %get3A_371, %shift_left3A_373 : vector<16xi32>
        %bitcast3A_375 = vector.bitcast %shift_left3A_374 : vector<16xi32> to vector<16xf32>
        %swap3A_376 = arith.constant 1 : i32
        %swap3A_377 = arith.index_cast %swap3A_376 : i32 to index
        %swap3A_378 = arith.index_cast %scan3A_326 : i32 to index
        %swap3A_379 = arith.constant 64 : index
        %swap3A_380 = tpu.vector_load %arg11[%swap3A_377, %swap3A_378, %swap3A_379] {strides = array<i32>} : memref<2x64x128xf32, #tpu.memory_space<vmem>>, vector<16xf32>,
        tpu.vector_store %arg11[%swap3A_377, %swap3A_378, %swap3A_379], %bitcast3A_375 {strides = array<i32>} : memref<2x64x128xf32, #tpu.memory_space<vmem>>, vector<16xf32>,
        %and3A_381 = arith.andi %get3A_371, %broadcast_in_dim3A_295 : vector<16xi32>
        %bitcast3A_382 = vector.bitcast %and3A_381 : vector<16xi32> to vector<16xf32>
        %swap3A_383 = arith.constant 1 : i32
        %swap3A_384 = arith.index_cast %swap3A_383 : i32 to index
        %swap3A_385 = arith.index_cast %scan3A_326 : i32 to index
        %swap3A_386 = arith.constant 80 : index
        %swap3A_387 = tpu.vector_load %arg11[%swap3A_384, %swap3A_385, %swap3A_386] {strides = array<i32>} : memref<2x64x128xf32, #tpu.memory_space<vmem>>, vector<16xf32>,
        tpu.vector_store %arg11[%swap3A_384, %swap3A_385, %swap3A_386], %bitcast3A_382 {strides = array<i32>} : memref<2x64x128xf32, #tpu.memory_space<vmem>>, vector<16xf32>,
        %get3A_388 = arith.constant 1 : i32
        %get3A_389 = arith.index_cast %get3A_388 : i32 to index
        %get3A_390 = arith.index_cast %add3A_329 : i32 to index
        %get3A_391 = arith.constant 48 : index
        %get3A_392 = tpu.vector_load %arg10[%get3A_389, %get3A_390, %get3A_391] {strides = array<i32>} : memref<2x128x64xi32, #tpu.memory_space<vmem>>, vector<16xi32>,
        %shift_left3A_393 = arith.constant 16 : i32
        %shift_left3A_394 = vector.broadcast %shift_left3A_393 : i32 to vector<16xi32>
        %shift_left3A_395 = arith.shli %get3A_392, %shift_left3A_394 : vector<16xi32>
        %bitcast3A_396 = vector.bitcast %shift_left3A_395 : vector<16xi32> to vector<16xf32>
        %swap3A_397 = arith.constant 1 : i32
        %swap3A_398 = arith.index_cast %swap3A_397 : i32 to index
        %swap3A_399 = arith.index_cast %scan3A_326 : i32 to index
        %swap3A_400 = arith.constant 96 : index
        %swap3A_401 = tpu.vector_load %arg11[%swap3A_398, %swap3A_399, %swap3A_400] {strides = array<i32>} : memref<2x64x128xf32, #tpu.memory_space<vmem>>, vector<16xf32>,
        tpu.vector_store %arg11[%swap3A_398, %swap3A_399, %swap3A_400], %bitcast3A_396 {strides = array<i32>} : memref<2x64x128xf32, #tpu.memory_space<vmem>>, vector<16xf32>,
        %and3A_402 = arith.andi %get3A_392, %broadcast_in_dim3A_295 : vector<16xi32>
        %bitcast3A_403 = vector.bitcast %and3A_402 : vector<16xi32> to vector<16xf32>
        %swap3A_404 = arith.constant 1 : i32
        %swap3A_405 = arith.index_cast %swap3A_404 : i32 to index
        %swap3A_406 = arith.index_cast %scan3A_326 : i32 to index
        %swap3A_407 = arith.constant 112 : index
        %swap3A_408 = tpu.vector_load %arg11[%swap3A_405, %swap3A_406, %swap3A_407] {strides = array<i32>} : memref<2x64x128xf32, #tpu.memory_space<vmem>>, vector<16xf32>,
        tpu.vector_store %arg11[%swap3A_405, %swap3A_406, %swap3A_407], %bitcast3A_403 {strides = array<i32>} : memref<2x64x128xf32, #tpu.memory_space<vmem>>, vector<16xf32>,
        %scan3A_409 = arith.constant 0 : i32
        scf.yield %scan3A_409 : i32
      }
      %scan3A_302 = arith.constant 64 : i32
      %mul3A_303 = arith.constant 2 : i32
      %mul3A_304 = arith.muli %mul3A_303, %add3A_248 : i32
      %add3A_305 = arith.constant 1 : i32
      %add3A_306 = arith.addi %mul3A_304, %add3A_305 : i32
      %dma_start3A_307 = arith.constant 1 : i32
      %dma_start3A_308 = arith.constant 0 : i32
      %dma_start3A_309 = arith.constant 0 : i32
      %dma_start3A_310 = tpu.memref_slice %arg11[%dma_start3A_307, %dma_start3A_308, %dma_start3A_309] : memref<2x64x128xf32, #tpu.memory_space<vmem>> -> memref<1x64x128xf32, #tpu.memory_space<vmem>>
      %dma_start3A_311 = tpu.memref_squeeze %dma_start3A_310 : memref<1x64x128xf32, #tpu.memory_space<vmem>> -> memref<64x128xf32, #tpu.memory_space<vmem>>
      %dma_start3A_312 = arith.constant 0 : i32
      %dma_start3A_313 = tpu.memref_slice %arg9[%add3A_306, %dma_start3A_312] : memref<40x64xi32, #tpu.memory_space<vmem>> -> memref<1x64xi32, #tpu.memory_space<vmem>>
      %dma_start3A_314 = tpu.memref_squeeze %dma_start3A_313 : memref<1x64xi32, #tpu.memory_space<vmem>> -> memref<64xi32, #tpu.memory_space<vmem>>
      %dma_start3A_315 = arith.constant 0 : i32
      %dma_start3A_316 = arith.constant 0 : i32
      %dma_start3A_317 = tpu.memref_slice %arg7[%dma_start3A_315, %dma_start3A_316] : memref<10240x128xf32, #tpu.memory_space<vmem_shared>> -> memref<10240x128xf32, #tpu.memory_space<vmem_shared>>
      tpu.enqueue_indirect_dma source(%dma_start3A_311 : memref<64x128xf32, #tpu.memory_space<vmem>>) target(%dma_start3A_317 : memref<10240x128xf32, #tpu.memory_space<vmem_shared>>) offsets(%dma_start3A_314 : memref<64xi32, #tpu.memory_space<vmem>>) semaphore(%arg15 : memref<!tpu.dma_semaphore, #tpu.memory_space<semaphore_mem>>) {add = true}
      %add3A_318 = arith.constant 2 : i32
      %add3A_319 = arith.addi %add3A_248, %add3A_318 : i32
      %lt3A_320 = arith.constant 20 : i32
      %lt3A_321 = arith.cmpi slt, %add3A_319, %lt3A_320 : i32
      %convert_element_type3A_322 = arith.extui %lt3A_321 : i1 to i32
      %cond3A_323 = arith.constant 0 : i32
      %cond3A_324 = arith.cmpi ne, %convert_element_type3A_322, %cond3A_323 : i32
      scf.if %cond3A_324 {
        %dma_start3A_326 = arith.constant 1 : i32
        %dma_start3A_327 = arith.constant 0 : i32
        %dma_start3A_328 = arith.constant 0 : i32
        %dma_start3A_329 = tpu.memref_slice %arg10[%dma_start3A_326, %dma_start3A_327, %dma_start3A_328] : memref<2x128x64xi32, #tpu.memory_space<vmem>> -> memref<1x128x64xi32, #tpu.memory_space<vmem>>
        %dma_start3A_330 = tpu.memref_squeeze %dma_start3A_329 : memref<1x128x64xi32, #tpu.memory_space<vmem>> -> memref<128x64xi32, #tpu.memory_space<vmem>>
        %dma_start3A_331 = arith.constant 0 : i32
        %dma_start3A_332 = tpu.memref_slice %arg8[%add3A_319, %dma_start3A_331] : memref<20x128xi32, #tpu.memory_space<vmem>> -> memref<1x128xi32, #tpu.memory_space<vmem>>
        %dma_start3A_333 = tpu.memref_squeeze %dma_start3A_332 : memref<1x128xi32, #tpu.memory_space<vmem>> -> memref<128xi32, #tpu.memory_space<vmem>>
        %dma_start3A_334 = arith.constant 0 : i32
        %dma_start3A_335 = arith.constant 0 : i32
        %dma_start3A_336 = tpu.memref_slice %arg2[%dma_start3A_334, %dma_start3A_335] : memref<40000x64xi32, #tpu.memory_space<hbm>> -> memref<40000x64xi32, #tpu.memory_space<hbm>>
        tpu.enqueue_indirect_dma source(%dma_start3A_336 : memref<40000x64xi32, #tpu.memory_space<hbm>>) target(%dma_start3A_330 : memref<128x64xi32, #tpu.memory_space<vmem>>) offsets(%dma_start3A_333 : memref<128xi32, #tpu.memory_space<vmem>>) semaphore(%arg13 : memref<!tpu.dma_semaphore, #tpu.memory_space<semaphore_mem>>)
      } else {
      }
      %scan3A_325 = arith.constant 0 : i32
      scf.yield %scan3A_325 : i32
    }
    %scan3A_133 = arith.constant 10 : i32
    %dma_wait3A_134 = arith.constant 0 : i32
    %dma_wait3A_135 = arith.constant 0 : i32
    %dma_wait3A_136 = arith.constant 0 : i32
    %dma_wait3A_137 = arith.constant 0 : i32
    %dma_wait3A_138 = tpu.memref_slice %arg11[%dma_wait3A_134, %dma_wait3A_136, %dma_wait3A_137] : memref<2x64x128xf32, #tpu.memory_space<vmem>> -> memref<1x64x128xf32, #tpu.memory_space<vmem>>
    %dma_wait3A_139 = tpu.memref_squeeze %dma_wait3A_138 : memref<1x64x128xf32, #tpu.memory_space<vmem>> -> memref<64x128xf32, #tpu.memory_space<vmem>>
    %dma_wait3A_140 = arith.constant 0 : i32
    %dma_wait3A_141 = tpu.memref_slice %arg9[%dma_wait3A_135, %dma_wait3A_140] : memref<40x64xi32, #tpu.memory_space<vmem>> -> memref<1x64xi32, #tpu.memory_space<vmem>>
    %dma_wait3A_142 = tpu.memref_squeeze %dma_wait3A_141 : memref<1x64xi32, #tpu.memory_space<vmem>> -> memref<64xi32, #tpu.memory_space<vmem>>
    %dma_wait3A_143 = arith.constant 0 : i32
    %dma_wait3A_144 = arith.constant 0 : i32
    %dma_wait3A_145 = tpu.memref_slice %arg7[%dma_wait3A_143, %dma_wait3A_144] : memref<10240x128xf32, #tpu.memory_space<vmem_shared>> -> memref<10240x128xf32, #tpu.memory_space<vmem_shared>>
    tpu.wait_indirect_dma semaphore(%arg14 : memref<!tpu.dma_semaphore, #tpu.memory_space<semaphore_mem>>) src(%dma_wait3A_139 : memref<64x128xf32, #tpu.memory_space<vmem>>) dst(%dma_wait3A_145 : memref<10240x128xf32, #tpu.memory_space<vmem_shared>>)
    %dma_wait3A_146 = arith.constant 1 : i32
    %dma_wait3A_147 = arith.constant 0 : i32
    %dma_wait3A_148 = arith.constant 0 : i32
    %dma_wait3A_149 = arith.constant 0 : i32
    %dma_wait3A_150 = tpu.memref_slice %arg11[%dma_wait3A_146, %dma_wait3A_148, %dma_wait3A_149] : memref<2x64x128xf32, #tpu.memory_space<vmem>> -> memref<1x64x128xf32, #tpu.memory_space<vmem>>
    %dma_wait3A_151 = tpu.memref_squeeze %dma_wait3A_150 : memref<1x64x128xf32, #tpu.memory_space<vmem>> -> memref<64x128xf32, #tpu.memory_space<vmem>>
    %dma_wait3A_152 = arith.constant 0 : i32
    %dma_wait3A_153 = tpu.memref_slice %arg9[%dma_wait3A_147, %dma_wait3A_152] : memref<40x64xi32, #tpu.memory_space<vmem>> -> memref<1x64xi32, #tpu.memory_space<vmem>>
    %dma_wait3A_154 = tpu.memref_squeeze %dma_wait3A_153 : memref<1x64xi32, #tpu.memory_space<vmem>> -> memref<64xi32, #tpu.memory_space<vmem>>
    %dma_wait3A_155 = arith.constant 0 : i32
    %dma_wait3A_156 = arith.constant 0 : i32
    %dma_wait3A_157 = tpu.memref_slice %arg7[%dma_wait3A_155, %dma_wait3A_156] : memref<10240x128xf32, #tpu.memory_space<vmem_shared>> -> memref<10240x128xf32, #tpu.memory_space<vmem_shared>>
    tpu.wait_indirect_dma semaphore(%arg15 : memref<!tpu.dma_semaphore, #tpu.memory_space<semaphore_mem>>) src(%dma_wait3A_151 : memref<64x128xf32, #tpu.memory_space<vmem>>) dst(%dma_wait3A_157 : memref<10240x128xf32, #tpu.memory_space<vmem_shared>>)
    %barrier3A_158 = arith.constant 0 : index
    tpu.barrier barrier_id(%barrier3A_158)
    %eq3A = arith.constant 0 : i32
    %eq3A_159 = arith.cmpi eq, %arg0, %eq3A : i32
    %convert_element_type3A = arith.extui %eq3A_159 : i1 to i32
    %cond3A = arith.constant 0 : i32
    %cond3A_160 = arith.cmpi ne, %convert_element_type3A, %cond3A : i32
    scf.if %cond3A_160 {
      %lt3A = arith.constant 15 : i32
      %lt3A_166 = arith.cmpi slt, %arg1, %lt3A : i32
      %convert_element_type3A_167 = arith.extui %lt3A_166 : i1 to i32
      %cond3A_168 = arith.constant 0 : i32
      %cond3A_169 = arith.cmpi ne, %convert_element_type3A_167, %cond3A_168 : i32
      scf.if %cond3A_169 {
        %mul3A_175 = arith.constant 624 : i32
        %mul3A_176 = arith.muli %arg1, %mul3A_175 : i32
        %multiple_of3A = tpu.assume_multiple %mul3A_176, 8 : i32
        "tpu.region"() ({
          %run_scoped3A_177 = tpu.sem_alloc : memref<!tpu.dma_semaphore, #tpu.memory_space<semaphore_mem>>
          %dma_start3A_178 = arith.constant 0 : i32
          %dma_start3A_179 = tpu.memref_slice %arg5[%multiple_of3A, %dma_start3A_178] : memref<10000x128xf32, #tpu.memory_space<hbm>> -> memref<624x128xf32, #tpu.memory_space<hbm>>
          %dma_start3A_180 = arith.constant 0 : i32
          %dma_start3A_181 = tpu.memref_slice %arg7[%multiple_of3A, %dma_start3A_180] : memref<10240x128xf32, #tpu.memory_space<vmem_shared>> -> memref<624x128xf32, #tpu.memory_space<vmem_shared>>
          tpu.enqueue_dma source(%dma_start3A_181 : memref<624x128xf32, #tpu.memory_space<vmem_shared>>) target(%dma_start3A_179 : memref<624x128xf32, #tpu.memory_space<hbm>>) target_semaphore(%run_scoped3A_177 : memref<!tpu.dma_semaphore, #tpu.memory_space<semaphore_mem>>)
          %dma_wait3A_182 = arith.constant 0 : i32
          %dma_wait3A_183 = tpu.memref_slice %arg5[%multiple_of3A, %dma_wait3A_182] : memref<10000x128xf32, #tpu.memory_space<hbm>> -> memref<624x128xf32, #tpu.memory_space<hbm>>
          %dma_wait3A_184 = arith.constant 0 : i32
          %dma_wait3A_185 = tpu.memref_slice %arg7[%multiple_of3A, %dma_wait3A_184] : memref<10240x128xf32, #tpu.memory_space<vmem_shared>> -> memref<624x128xf32, #tpu.memory_space<vmem_shared>>
          tpu.wait_dma2 semaphore(%run_scoped3A_177 : memref<!tpu.dma_semaphore, #tpu.memory_space<semaphore_mem>>) src(%dma_wait3A_185 : memref<624x128xf32, #tpu.memory_space<vmem_shared>>) dst(%dma_wait3A_183 : memref<624x128xf32, #tpu.memory_space<hbm>>)
          tpu.yield
        }) : () -> ()
      } else {
      }
      %eq3A_170 = arith.constant 15 : i32
      %eq3A_171 = arith.cmpi eq, %arg1, %eq3A_170 : i32
      %convert_element_type3A_172 = arith.extui %eq3A_171 : i1 to i32
      %cond3A_173 = arith.constant 0 : i32
      %cond3A_174 = arith.cmpi ne, %convert_element_type3A_172, %cond3A_173 : i32
      scf.if %cond3A_174 {
        "tpu.region"() ({
          %run_scoped3A_175 = tpu.sem_alloc : memref<!tpu.dma_semaphore, #tpu.memory_space<semaphore_mem>>
          %dma_start3A_176 = arith.constant 9360 : i32
          %dma_start3A_177 = arith.constant 0 : i32
          %dma_start3A_178 = tpu.memref_slice %arg5[%dma_start3A_176, %dma_start3A_177] : memref<10000x128xf32, #tpu.memory_space<hbm>> -> memref<640x128xf32, #tpu.memory_space<hbm>>
          %dma_start3A_179 = arith.constant 9360 : i32
          %dma_start3A_180 = arith.constant 0 : i32
          %dma_start3A_181 = tpu.memref_slice %arg7[%dma_start3A_179, %dma_start3A_180] : memref<10240x128xf32, #tpu.memory_space<vmem_shared>> -> memref<640x128xf32, #tpu.memory_space<vmem_shared>>
          tpu.enqueue_dma source(%dma_start3A_181 : memref<640x128xf32, #tpu.memory_space<vmem_shared>>) target(%dma_start3A_178 : memref<640x128xf32, #tpu.memory_space<hbm>>) target_semaphore(%run_scoped3A_175 : memref<!tpu.dma_semaphore, #tpu.memory_space<semaphore_mem>>)
          %dma_wait3A_182 = arith.constant 9360 : i32
          %dma_wait3A_183 = arith.constant 0 : i32
          %dma_wait3A_184 = tpu.memref_slice %arg5[%dma_wait3A_182, %dma_wait3A_183] : memref<10000x128xf32, #tpu.memory_space<hbm>> -> memref<640x128xf32, #tpu.memory_space<hbm>>
          %dma_wait3A_185 = arith.constant 9360 : i32
          %dma_wait3A_186 = arith.constant 0 : i32
          %dma_wait3A_187 = tpu.memref_slice %arg7[%dma_wait3A_185, %dma_wait3A_186] : memref<10240x128xf32, #tpu.memory_space<vmem_shared>> -> memref<640x128xf32, #tpu.memory_space<vmem_shared>>
          tpu.wait_dma2 semaphore(%run_scoped3A_175 : memref<!tpu.dma_semaphore, #tpu.memory_space<semaphore_mem>>) src(%dma_wait3A_187 : memref<640x128xf32, #tpu.memory_space<vmem_shared>>) dst(%dma_wait3A_184 : memref<640x128xf32, #tpu.memory_space<hbm>>)
          tpu.yield
        }) : () -> ()
      } else {
      }
    } else {
    }
    %eq3A_161 = arith.constant 1 : i32
    %eq3A_162 = arith.cmpi eq, %arg0, %eq3A_161 : i32
    %convert_element_type3A_163 = arith.extui %eq3A_162 : i1 to i32
    %cond3A_164 = arith.constant 0 : i32
    %cond3A_165 = arith.cmpi ne, %convert_element_type3A_163, %cond3A_164 : i32
    scf.if %cond3A_165 {
      %lt3A = arith.constant 15 : i32
      %lt3A_166 = arith.cmpi slt, %arg1, %lt3A : i32
      %convert_element_type3A_167 = arith.extui %lt3A_166 : i1 to i32
      %cond3A_168 = arith.constant 0 : i32
      %cond3A_169 = arith.cmpi ne, %convert_element_type3A_167, %cond3A_168 : i32
      scf.if %cond3A_169 {
        %mul3A_175 = arith.constant 624 : i32
        %mul3A_176 = arith.muli %arg1, %mul3A_175 : i32
        %multiple_of3A = tpu.assume_multiple %mul3A_176, 8 : i32
        "tpu.region"() ({
          %run_scoped3A_177 = tpu.sem_alloc : memref<!tpu.dma_semaphore, #tpu.memory_space<semaphore_mem>>
          %dma_start3A_178 = arith.constant 0 : i32
          %dma_start3A_179 = tpu.memref_slice %arg6[%multiple_of3A, %dma_start3A_178] : memref<10000x128xf32, #tpu.memory_space<hbm>> -> memref<624x128xf32, #tpu.memory_space<hbm>>
          %dma_start3A_180 = arith.constant 0 : i32
          %dma_start3A_181 = tpu.memref_slice %arg7[%multiple_of3A, %dma_start3A_180] : memref<10240x128xf32, #tpu.memory_space<vmem_shared>> -> memref<624x128xf32, #tpu.memory_space<vmem_shared>>
          tpu.enqueue_dma source(%dma_start3A_181 : memref<624x128xf32, #tpu.memory_space<vmem_shared>>) target(%dma_start3A_179 : memref<624x128xf32, #tpu.memory_space<hbm>>) target_semaphore(%run_scoped3A_177 : memref<!tpu.dma_semaphore, #tpu.memory_space<semaphore_mem>>)
          %dma_wait3A_182 = arith.constant 0 : i32
          %dma_wait3A_183 = tpu.memref_slice %arg6[%multiple_of3A, %dma_wait3A_182] : memref<10000x128xf32, #tpu.memory_space<hbm>> -> memref<624x128xf32, #tpu.memory_space<hbm>>
          %dma_wait3A_184 = arith.constant 0 : i32
          %dma_wait3A_185 = tpu.memref_slice %arg7[%multiple_of3A, %dma_wait3A_184] : memref<10240x128xf32, #tpu.memory_space<vmem_shared>> -> memref<624x128xf32, #tpu.memory_space<vmem_shared>>
          tpu.wait_dma2 semaphore(%run_scoped3A_177 : memref<!tpu.dma_semaphore, #tpu.memory_space<semaphore_mem>>) src(%dma_wait3A_185 : memref<624x128xf32, #tpu.memory_space<vmem_shared>>) dst(%dma_wait3A_183 : memref<624x128xf32, #tpu.memory_space<hbm>>)
          tpu.yield
        }) : () -> ()
      } else {
      }
      %eq3A_170 = arith.constant 15 : i32
      %eq3A_171 = arith.cmpi eq, %arg1, %eq3A_170 : i32
      %convert_element_type3A_172 = arith.extui %eq3A_171 : i1 to i32
      %cond3A_173 = arith.constant 0 : i32
      %cond3A_174 = arith.cmpi ne, %convert_element_type3A_172, %cond3A_173 : i32
      scf.if %cond3A_174 {
        "tpu.region"() ({
          %run_scoped3A_175 = tpu.sem_alloc : memref<!tpu.dma_semaphore, #tpu.memory_space<semaphore_mem>>
          %dma_start3A_176 = arith.constant 9360 : i32
          %dma_start3A_177 = arith.constant 0 : i32
          %dma_start3A_178 = tpu.memref_slice %arg6[%dma_start3A_176, %dma_start3A_177] : memref<10000x128xf32, #tpu.memory_space<hbm>> -> memref<640x128xf32, #tpu.memory_space<hbm>>
          %dma_start3A_179 = arith.constant 9360 : i32
          %dma_start3A_180 = arith.constant 0 : i32
          %dma_start3A_181 = tpu.memref_slice %arg7[%dma_start3A_179, %dma_start3A_180] : memref<10240x128xf32, #tpu.memory_space<vmem_shared>> -> memref<640x128xf32, #tpu.memory_space<vmem_shared>>
          tpu.enqueue_dma source(%dma_start3A_181 : memref<640x128xf32, #tpu.memory_space<vmem_shared>>) target(%dma_start3A_178 : memref<640x128xf32, #tpu.memory_space<hbm>>) target_semaphore(%run_scoped3A_175 : memref<!tpu.dma_semaphore, #tpu.memory_space<semaphore_mem>>)
          %dma_wait3A_182 = arith.constant 9360 : i32
          %dma_wait3A_183 = arith.constant 0 : i32
          %dma_wait3A_184 = tpu.memref_slice %arg6[%dma_wait3A_182, %dma_wait3A_183] : memref<10000x128xf32, #tpu.memory_space<hbm>> -> memref<640x128xf32, #tpu.memory_space<hbm>>
          %dma_wait3A_185 = arith.constant 9360 : i32
          %dma_wait3A_186 = arith.constant 0 : i32
          %dma_wait3A_187 = tpu.memref_slice %arg7[%dma_wait3A_185, %dma_wait3A_186] : memref<10240x128xf32, #tpu.memory_space<vmem_shared>> -> memref<640x128xf32, #tpu.memory_space<vmem_shared>>
          tpu.wait_dma2 semaphore(%run_scoped3A_175 : memref<!tpu.dma_semaphore, #tpu.memory_space<semaphore_mem>>) src(%dma_wait3A_187 : memref<640x128xf32, #tpu.memory_space<vmem_shared>>) dst(%dma_wait3A_184 : memref<640x128xf32, #tpu.memory_space<hbm>>)
          tpu.yield
        }) : () -> ()
      } else {
      }
    } else {
    }
    return
  }
}

module attributes {stable_mosaic.version = 14 : i64} {
  func.func @_msg_body(%arg0: i32, %arg1: i32, %arg2: memref<2000x128xf32, #tpu.memory_space<vmem>>, %arg3: memref<1x128x128xf32, #tpu.memory_space<vmem>>, %arg4: memref<2000x64xi32, #tpu.memory_space<vmem>>) attributes {dimension_semantics = [#tpu.dimension_semantics<arbitrary>, #tpu.dimension_semantics<arbitrary>], iteration_bounds = array<i64: 4, 5>, scalar_prefetch = 0 : i64, scratch_operands = 0 : i64, tpu.core_type = #tpu.core_type<tc>, window_params = [{transform_indices = @transform_0, window_bounds = array<i64: 2000, 128>}, {transform_indices = @transform_1, window_bounds = array<i64: 1, 128, 128>}, {transform_indices = @transform_2, window_bounds = array<i64: 2000, 64>}]} {
    %get3A = arith.constant 0 : index
    %get3A_0 = arith.constant 0 : index
    %get3A_1 = vector.load %arg2[%get3A, %get3A_0] : memref<2000x128xf32, #tpu.memory_space<vmem>>, vector<2000x128xf32>
    %get3A_2 = arith.constant 0 : index
    %get3A_3 = arith.constant 0 : index
    %get3A_4 = arith.constant 0 : index
    %get3A_5 = vector.load %arg3[%get3A_2, %get3A_3, %get3A_4] : memref<1x128x128xf32, #tpu.memory_space<vmem>>, vector<1x128x128xf32>
    %get3A_6 = vector.shape_cast %get3A_5 : vector<1x128x128xf32> to vector<128x128xf32>
    %dot_general3A = arith.constant dense<0.000000e+00> : vector<2000x128xf32>
    %dot_general3A_7 = tpu.matmul %get3A_1, %get3A_6, %dot_general3A {dimension_numbers = #tpu.dot_dimension_numbers<[1], [0], [0], [1], [0, 0, 1, 1], [], []>, transpose_lhs_hint = false} : vector<2000x128xf32>, vector<128x128xf32>, vector<2000x128xf32> -> vector<2000x128xf32>
    %slice3A = vector.extract_strided_slice %dot_general3A_7 {offsets = [0, 0], sizes = [2000, 64], strides = [1, 1]} : vector<2000x128xf32> to vector<2000x64xf32>
    %bitcast_convert_type3A = tpu.bitcast %slice3A : vector<2000x64xf32> -> vector<2000x64xi32>
    %add3A = arith.constant 32767 : i32
    %add3A_8 = vector.broadcast %add3A : i32 to vector<2000x64xi32>
    %add3A_9 = arith.addi %bitcast_convert_type3A, %add3A_8 : vector<2000x64xi32>
    %shift_right_logical3A = arith.constant 16 : i32
    %shift_right_logical3A_10 = vector.broadcast %shift_right_logical3A : i32 to vector<2000x64xi32>
    %shift_right_logical3A_11 = arith.shrui %bitcast_convert_type3A, %shift_right_logical3A_10 : vector<2000x64xi32>
    %and3A = arith.constant 1 : i32
    %and3A_12 = vector.broadcast %and3A : i32 to vector<2000x64xi32>
    %and3A_13 = arith.andi %shift_right_logical3A_11, %and3A_12 : vector<2000x64xi32>
    %add3A_14 = arith.addi %add3A_9, %and3A_13 : vector<2000x64xi32>
    %shift_right_logical3A_15 = arith.constant 16 : i32
    %shift_right_logical3A_16 = vector.broadcast %shift_right_logical3A_15 : i32 to vector<2000x64xi32>
    %shift_right_logical3A_17 = arith.shrui %add3A_14, %shift_right_logical3A_16 : vector<2000x64xi32>
    %slice3A_18 = vector.extract_strided_slice %dot_general3A_7 {offsets = [0, 64], sizes = [2000, 64], strides = [1, 1]} : vector<2000x128xf32> to vector<2000x64xf32>
    %bitcast_convert_type3A_19 = tpu.bitcast %slice3A_18 : vector<2000x64xf32> -> vector<2000x64xi32>
    %add3A_20 = arith.constant 32767 : i32
    %add3A_21 = vector.broadcast %add3A_20 : i32 to vector<2000x64xi32>
    %add3A_22 = arith.addi %bitcast_convert_type3A_19, %add3A_21 : vector<2000x64xi32>
    %shift_right_logical3A_23 = arith.constant 16 : i32
    %shift_right_logical3A_24 = vector.broadcast %shift_right_logical3A_23 : i32 to vector<2000x64xi32>
    %shift_right_logical3A_25 = arith.shrui %bitcast_convert_type3A_19, %shift_right_logical3A_24 : vector<2000x64xi32>
    %and3A_26 = arith.constant 1 : i32
    %and3A_27 = vector.broadcast %and3A_26 : i32 to vector<2000x64xi32>
    %and3A_28 = arith.andi %shift_right_logical3A_25, %and3A_27 : vector<2000x64xi32>
    %add3A_29 = arith.addi %add3A_22, %and3A_28 : vector<2000x64xi32>
    %shift_right_logical3A_30 = arith.constant 16 : i32
    %shift_right_logical3A_31 = vector.broadcast %shift_right_logical3A_30 : i32 to vector<2000x64xi32>
    %shift_right_logical3A_32 = arith.shrui %add3A_29, %shift_right_logical3A_31 : vector<2000x64xi32>
    %shift_left3A = arith.constant 16 : i32
    %shift_left3A_33 = vector.broadcast %shift_left3A : i32 to vector<2000x64xi32>
    %shift_left3A_34 = arith.shli %shift_right_logical3A_32, %shift_left3A_33 : vector<2000x64xi32>
    %or3A = arith.ori %shift_right_logical3A_17, %shift_left3A_34 : vector<2000x64xi32>
    %bitcast_convert_type3A_35 = tpu.bitcast %or3A : vector<2000x64xi32> -> vector<2000x64xi32>
    %swap3A = arith.constant 0 : index
    %swap3A_36 = arith.constant 0 : index
    %swap3A_37 = vector.load %arg4[%swap3A, %swap3A_36] : memref<2000x64xi32, #tpu.memory_space<vmem>>, vector<2000x64xi32>
    tpu.vector_store %arg4[%swap3A, %swap3A_36], %bitcast_convert_type3A_35 {strides = array<i32>} : memref<2000x64xi32, #tpu.memory_space<vmem>>, vector<2000x64xi32>,
    return
  }
  func.func @transform_0(%arg0: i32, %arg1: i32) -> (i32, i32) {
    %c0_i32 = arith.constant 0 : i32
    %c0_i32_0 = arith.constant 0 : i32
    return %arg1, %c0_i32 : i32, i32
  }
  func.func @transform_1(%arg0: i32, %arg1: i32) -> (i32, i32, i32) {
    %c0_i32 = arith.constant 0 : i32
    %c0_i32_0 = arith.constant 0 : i32
    %c0_i32_1 = arith.constant 0 : i32
    return %arg0, %c0_i32, %c0_i32_0 : i32, i32, i32
  }
  func.func @transform_2(%arg0: i32, %arg1: i32) -> (i32, i32) {
    %mul3A = arith.constant 5 : i32
    %mul3A_0 = arith.muli %arg0, %mul3A : i32
    %add3A = arith.addi %mul3A_0, %arg1 : i32
    %c0_i32 = arith.constant 0 : i32
    %c0_i32_1 = arith.constant 0 : i32
    return %add3A, %c0_i32 : i32, i32
  }
}

module attributes {stable_mosaic.version = 14 : i64} {
  func.func @_gidx_body(%arg0: i32, %arg1: memref<160x128xi32, #tpu.memory_space<vmem>>, %arg2: memref<160x128xi32, #tpu.memory_space<vmem>>, %arg3: memref<160x128xi32, #tpu.memory_space<vmem>>) attributes {dimension_semantics = [#tpu.dimension_semantics<arbitrary>], iteration_bounds = array<i64: 8>, scalar_prefetch = 0 : i64, scratch_operands = 0 : i64, tpu.core_type = #tpu.core_type<tc>, window_params = [{transform_indices = @transform_0, window_bounds = array<i64: 160, 128>}, {transform_indices = @transform_1, window_bounds = array<i64: 160, 128>}, {transform_indices = @transform_2, window_bounds = array<i64: 160, 128>}]} {
    %get3A = arith.constant 0 : index
    %get3A_0 = arith.constant 0 : index
    %get3A_1 = vector.load %arg2[%get3A, %get3A_0] : memref<160x128xi32, #tpu.memory_space<vmem>>, vector<160x128xi32>
    %mul3A = arith.constant 10000 : i32
    %mul3A_2 = vector.broadcast %mul3A : i32 to vector<160x128xi32>
    %mul3A_3 = arith.muli %get3A_1, %mul3A_2 : vector<160x128xi32>
    %get3A_4 = arith.constant 0 : index
    %get3A_5 = arith.constant 0 : index
    %get3A_6 = vector.load %arg1[%get3A_4, %get3A_5] : memref<160x128xi32, #tpu.memory_space<vmem>>, vector<160x128xi32>
    %add3A = arith.addi %mul3A_3, %get3A_6 : vector<160x128xi32>
    %swap3A = arith.constant 0 : index
    %swap3A_7 = arith.constant 0 : index
    %swap3A_8 = vector.load %arg3[%swap3A, %swap3A_7] : memref<160x128xi32, #tpu.memory_space<vmem>>, vector<160x128xi32>
    tpu.vector_store %arg3[%swap3A, %swap3A_7], %add3A {strides = array<i32>} : memref<160x128xi32, #tpu.memory_space<vmem>>, vector<160x128xi32>,
    return
  }
  func.func @transform_0(%arg0: i32) -> (i32, i32) {
    %c0_i32 = arith.constant 0 : i32
    %c0_i32_0 = arith.constant 0 : i32
    return %arg0, %c0_i32 : i32, i32
  }
  func.func @transform_1(%arg0: i32) -> (i32, i32) {
    %c0_i32 = arith.constant 0 : i32
    %c0_i32_0 = arith.constant 0 : i32
    return %arg0, %c0_i32 : i32, i32
  }
  func.func @transform_2(%arg0: i32) -> (i32, i32) {
    %c0_i32 = arith.constant 0 : i32
    %c0_i32_0 = arith.constant 0 : i32
    return %arg0, %c0_i32 : i32, i32
  }
}

module attributes {stable_mosaic.version = 14 : i64} {
  func.func @_self_body(%arg0: i32, %arg1: memref<2000x128xf32, #tpu.memory_space<vmem>>, %arg2: memref<128x128xf32, #tpu.memory_space<vmem>>, %arg3: memref<2000x128xf32, #tpu.memory_space<vmem>>) attributes {dimension_semantics = [#tpu.dimension_semantics<arbitrary>], iteration_bounds = array<i64: 5>, scalar_prefetch = 0 : i64, scratch_operands = 0 : i64, tpu.core_type = #tpu.core_type<tc>, window_params = [{transform_indices = @transform_0, window_bounds = array<i64: 2000, 128>}, {pipeline_mode = #tpu.pipeline_mode<synchronous>, transform_indices = @transform_1, window_bounds = array<i64: 128, 128>}, {transform_indices = @transform_2, window_bounds = array<i64: 2000, 128>}]} {
    %get3A = arith.constant 0 : index
    %get3A_0 = arith.constant 0 : index
    %get3A_1 = vector.load %arg1[%get3A, %get3A_0] : memref<2000x128xf32, #tpu.memory_space<vmem>>, vector<2000x128xf32>
    %get3A_2 = arith.constant 0 : index
    %get3A_3 = arith.constant 0 : index
    %get3A_4 = vector.load %arg2[%get3A_2, %get3A_3] : memref<128x128xf32, #tpu.memory_space<vmem>>, vector<128x128xf32>
    %dot_general3A = arith.constant dense<0.000000e+00> : vector<2000x128xf32>
    %dot_general3A_5 = tpu.matmul %get3A_1, %get3A_4, %dot_general3A {dimension_numbers = #tpu.dot_dimension_numbers<[1], [0], [0], [1], [0, 0, 1, 1], [], []>, transpose_lhs_hint = false} : vector<2000x128xf32>, vector<128x128xf32>, vector<2000x128xf32> -> vector<2000x128xf32>
    %swap3A = arith.constant 0 : index
    %swap3A_6 = arith.constant 0 : index
    %swap3A_7 = vector.load %arg3[%swap3A, %swap3A_6] : memref<2000x128xf32, #tpu.memory_space<vmem>>, vector<2000x128xf32>
    tpu.vector_store %arg3[%swap3A, %swap3A_6], %dot_general3A_5 {strides = array<i32>} : memref<2000x128xf32, #tpu.memory_space<vmem>>, vector<2000x128xf32>,
    return
  }
  func.func @transform_0(%arg0: i32) -> (i32, i32) {
    %c0_i32 = arith.constant 0 : i32
    %c0_i32_0 = arith.constant 0 : i32
    return %arg0, %c0_i32 : i32, i32
  }
  func.func @transform_1(%arg0: i32) -> (i32, i32) {
    %c0_i32 = arith.constant 0 : i32
    %c0_i32_0 = arith.constant 0 : i32
    %c0_i32_1 = arith.constant 0 : i32
    return %c0_i32, %c0_i32_0 : i32, i32
  }
  func.func @transform_2(%arg0: i32) -> (i32, i32) {
    %c0_i32 = arith.constant 0 : i32
    %c0_i32_0 = arith.constant 0 : i32
    return %arg0, %c0_i32 : i32, i32
  }
}

module attributes {stable_mosaic.version = 14 : i64} {
  func.func @_combine_body(%arg0: i32, %arg1: memref<2000x128xf32, #tpu.memory_space<vmem>>, %arg2: memref<2000x128xf32, #tpu.memory_space<vmem>>, %arg3: memref<2000x128xf32, #tpu.memory_space<vmem>>, %arg4: memref<2000x128xf32, #tpu.memory_space<vmem>>, %arg5: memref<1x128xf32, #tpu.memory_space<vmem>>, %arg6: memref<2000x128xf32, #tpu.memory_space<vmem>>) attributes {dimension_semantics = [#tpu.dimension_semantics<arbitrary>], iteration_bounds = array<i64: 5>, scalar_prefetch = 0 : i64, scratch_operands = 0 : i64, tpu.core_type = #tpu.core_type<tc>, window_params = [{transform_indices = @transform_0, window_bounds = array<i64: 2000, 128>}, {transform_indices = @transform_1, window_bounds = array<i64: 2000, 128>}, {transform_indices = @transform_2, window_bounds = array<i64: 2000, 128>}, {transform_indices = @transform_3, window_bounds = array<i64: 2000, 128>}, {pipeline_mode = #tpu.pipeline_mode<synchronous>, transform_indices = @transform_4, window_bounds = array<i64: 1, 128>}, {transform_indices = @transform_5, window_bounds = array<i64: 2000, 128>}]} {
    %get3A = arith.constant 0 : index
    %get3A_0 = arith.constant 0 : index
    %get3A_1 = vector.load %arg1[%get3A, %get3A_0] : memref<2000x128xf32, #tpu.memory_space<vmem>>, vector<2000x128xf32>
    %get3A_2 = arith.constant 0 : index
    %get3A_3 = arith.constant 0 : index
    %get3A_4 = vector.load %arg2[%get3A_2, %get3A_3] : memref<2000x128xf32, #tpu.memory_space<vmem>>, vector<2000x128xf32>
    %add3A = arith.addf %get3A_1, %get3A_4 : vector<2000x128xf32>
    %get3A_5 = arith.constant 0 : index
    %get3A_6 = arith.constant 0 : index
    %get3A_7 = vector.load %arg3[%get3A_5, %get3A_6] : memref<2000x128xf32, #tpu.memory_space<vmem>>, vector<2000x128xf32>
    %add3A_8 = arith.addf %add3A, %get3A_7 : vector<2000x128xf32>
    %get3A_9 = arith.constant 0 : index
    %get3A_10 = arith.constant 0 : index
    %get3A_11 = vector.load %arg5[%get3A_9, %get3A_10] : memref<1x128xf32, #tpu.memory_space<vmem>>, vector<1x128xf32>
    %add3A_12 = vector.broadcast %get3A_11 : vector<1x128xf32> to vector<2000x128xf32>
    %add3A_13 = arith.addf %add3A_8, %add3A_12 : vector<2000x128xf32>
    %get3A_14 = arith.constant 0 : index
    %get3A_15 = arith.constant 0 : index
    %get3A_16 = vector.load %arg4[%get3A_14, %get3A_15] : memref<2000x128xf32, #tpu.memory_space<vmem>>, vector<2000x128xf32>
    %add3A_17 = arith.addf %add3A_13, %get3A_16 : vector<2000x128xf32>
    %max3A = arith.constant 0.000000e+00 : f32
    %max3A_18 = vector.broadcast %max3A : f32 to vector<2000x128xf32>
    %max3A_19 = arith.maximumf %add3A_17, %max3A_18 : vector<2000x128xf32>
    %swap3A = arith.constant 0 : index
    %swap3A_20 = arith.constant 0 : index
    %swap3A_21 = vector.load %arg6[%swap3A, %swap3A_20] : memref<2000x128xf32, #tpu.memory_space<vmem>>, vector<2000x128xf32>
    tpu.vector_store %arg6[%swap3A, %swap3A_20], %max3A_19 {strides = array<i32>} : memref<2000x128xf32, #tpu.memory_space<vmem>>, vector<2000x128xf32>,
    return
  }
  func.func @transform_0(%arg0: i32) -> (i32, i32) {
    %c0_i32 = arith.constant 0 : i32
    %c0_i32_0 = arith.constant 0 : i32
    return %arg0, %c0_i32 : i32, i32
  }
  func.func @transform_1(%arg0: i32) -> (i32, i32) {
    %c0_i32 = arith.constant 0 : i32
    %c0_i32_0 = arith.constant 0 : i32
    return %arg0, %c0_i32 : i32, i32
  }
  func.func @transform_2(%arg0: i32) -> (i32, i32) {
    %c0_i32 = arith.constant 0 : i32
    %c0_i32_0 = arith.constant 0 : i32
    return %arg0, %c0_i32 : i32, i32
  }
  func.func @transform_3(%arg0: i32) -> (i32, i32) {
    %c0_i32 = arith.constant 0 : i32
    %c0_i32_0 = arith.constant 0 : i32
    return %arg0, %c0_i32 : i32, i32
  }
  func.func @transform_4(%arg0: i32) -> (i32, i32) {
    %c0_i32 = arith.constant 0 : i32
    %c0_i32_0 = arith.constant 0 : i32
    %c0_i32_1 = arith.constant 0 : i32
    return %c0_i32, %c0_i32_0 : i32, i32
  }
  func.func @transform_5(%arg0: i32) -> (i32, i32) {
    %c0_i32 = arith.constant 0 : i32
    %c0_i32_0 = arith.constant 0 : i32
    return %arg0, %c0_i32 : i32, i32
  }
}

module attributes {stable_mosaic.version = 14 : i64} {
  func.func @_combine_body(%arg0: i32, %arg1: memref<2000x128xf32, #tpu.memory_space<vmem>>, %arg2: memref<2000x128xf32, #tpu.memory_space<vmem>>, %arg3: memref<2000x128xf32, #tpu.memory_space<vmem>>, %arg4: memref<2000x128xf32, #tpu.memory_space<vmem>>, %arg5: memref<1x128xf32, #tpu.memory_space<vmem>>, %arg6: memref<2000x128xf32, #tpu.memory_space<vmem>>) attributes {dimension_semantics = [#tpu.dimension_semantics<arbitrary>], iteration_bounds = array<i64: 5>, scalar_prefetch = 0 : i64, scratch_operands = 0 : i64, tpu.core_type = #tpu.core_type<tc>, window_params = [{transform_indices = @transform_0, window_bounds = array<i64: 2000, 128>}, {transform_indices = @transform_1, window_bounds = array<i64: 2000, 128>}, {transform_indices = @transform_2, window_bounds = array<i64: 2000, 128>}, {transform_indices = @transform_3, window_bounds = array<i64: 2000, 128>}, {pipeline_mode = #tpu.pipeline_mode<synchronous>, transform_indices = @transform_4, window_bounds = array<i64: 1, 128>}, {transform_indices = @transform_5, window_bounds = array<i64: 2000, 128>}]} {
    %get3A = arith.constant 0 : index
    %get3A_0 = arith.constant 0 : index
    %get3A_1 = vector.load %arg1[%get3A, %get3A_0] : memref<2000x128xf32, #tpu.memory_space<vmem>>, vector<2000x128xf32>
    %get3A_2 = arith.constant 0 : index
    %get3A_3 = arith.constant 0 : index
    %get3A_4 = vector.load %arg2[%get3A_2, %get3A_3] : memref<2000x128xf32, #tpu.memory_space<vmem>>, vector<2000x128xf32>
    %add3A = arith.addf %get3A_1, %get3A_4 : vector<2000x128xf32>
    %get3A_5 = arith.constant 0 : index
    %get3A_6 = arith.constant 0 : index
    %get3A_7 = vector.load %arg3[%get3A_5, %get3A_6] : memref<2000x128xf32, #tpu.memory_space<vmem>>, vector<2000x128xf32>
    %add3A_8 = arith.addf %add3A, %get3A_7 : vector<2000x128xf32>
    %get3A_9 = arith.constant 0 : index
    %get3A_10 = arith.constant 0 : index
    %get3A_11 = vector.load %arg5[%get3A_9, %get3A_10] : memref<1x128xf32, #tpu.memory_space<vmem>>, vector<1x128xf32>
    %add3A_12 = vector.broadcast %get3A_11 : vector<1x128xf32> to vector<2000x128xf32>
    %add3A_13 = arith.addf %add3A_8, %add3A_12 : vector<2000x128xf32>
    %max3A = arith.constant 0.000000e+00 : f32
    %max3A_14 = vector.broadcast %max3A : f32 to vector<2000x128xf32>
    %max3A_15 = arith.maximumf %add3A_13, %max3A_14 : vector<2000x128xf32>
    %swap3A = arith.constant 0 : index
    %swap3A_16 = arith.constant 0 : index
    %swap3A_17 = vector.load %arg6[%swap3A, %swap3A_16] : memref<2000x128xf32, #tpu.memory_space<vmem>>, vector<2000x128xf32>
    tpu.vector_store %arg6[%swap3A, %swap3A_16], %max3A_15 {strides = array<i32>} : memref<2000x128xf32, #tpu.memory_space<vmem>>, vector<2000x128xf32>,
    return
  }
  func.func @transform_0(%arg0: i32) -> (i32, i32) {
    %c0_i32 = arith.constant 0 : i32
    %c0_i32_0 = arith.constant 0 : i32
    return %arg0, %c0_i32 : i32, i32
  }
  func.func @transform_1(%arg0: i32) -> (i32, i32) {
    %c0_i32 = arith.constant 0 : i32
    %c0_i32_0 = arith.constant 0 : i32
    return %arg0, %c0_i32 : i32, i32
  }
  func.func @transform_2(%arg0: i32) -> (i32, i32) {
    %c0_i32 = arith.constant 0 : i32
    %c0_i32_0 = arith.constant 0 : i32
    return %arg0, %c0_i32 : i32, i32
  }
  func.func @transform_3(%arg0: i32) -> (i32, i32) {
    %c0_i32 = arith.constant 0 : i32
    %c0_i32_0 = arith.constant 0 : i32
    return %arg0, %c0_i32 : i32, i32
  }
  func.func @transform_4(%arg0: i32) -> (i32, i32) {
    %c0_i32 = arith.constant 0 : i32
    %c0_i32_0 = arith.constant 0 : i32
    %c0_i32_1 = arith.constant 0 : i32
    return %c0_i32, %c0_i32_0 : i32, i32
  }
  func.func @transform_5(%arg0: i32) -> (i32, i32) {
    %c0_i32 = arith.constant 0 : i32
    %c0_i32_0 = arith.constant 0 : i32
    return %arg0, %c0_i32 : i32, i32
  }
}

</mosaic_0001>

<sc_bundles>
// kernel: kernel.11.cloned.1.call-start
scs
__scs_entry_jumppad:
0x0: {  	(pc) =	sbr.rel $0x88, $3  }
0x1: {  	(tag) =	ssettag $0x0;
	lr =	simm.s32 $0x1  }
0x2: {  	[smem:$0x3F98] =	sst lr;
	_ =	strace $0xD0000000  }
0x3: {  	_ = 	snop  }
0x4: {  	_ = 	snop  }
0x5: {  	_ = 	snop  }
0x6: {  	_ = 	snop  }
0x7: {  	_ = 	snop  }
__scs_overlays_trampoline_lowered:
0x8: {  	[smem:$0x3FA7] =	sst s0  }
0x9: {  	[smem:$0x3FA8] =	sst s1  }
0xa: {  	[smem:$0x3FA9] =	sst s2  }
0xb: {  	[smem:$0x3FAA] =	sst s3  }
0xc: {  	[smem:$0x3FAB] =	sst s4  }
0xd: {  	[smem:$0x3FAC] =	sst s5  }
0xe: {  	[smem:$0x3FAD] =	sst s6  }
0xf: {  	[smem:$0x3FAE] =	sst s7  }
0x10: {  	[smem:$0x3FAF] =	sst s8  }
0x11: {  	[smem:$0x3FB0] =	sst s9;
	s0 =	simm.s32 @!p0 $0x0  }
0x12: {  	s1 =	sld [smem:$0x3F96];
	s0 =	simm.s32 @p0 $0x1  }
0x13: {  	[smem:$0x3FB1] =	sst s0;
	s0 =	simm.s32 @!p1 $0x0  }
0x14: {  	s2 =	sld [smem:$0x3F95];
	s0 =	simm.s32 @p1 $0x1  }
0x15: {  	[smem:$0x3FB2] =	sst s0;
	s0 =	simm.s32 @!p2 $0x0  }
0x16: {  	s3 =	sld [smem:$0x3FDB];
	s0 =	simm.s32 @p2 $0x1  }
0x17: {  	s4 =	simm.s32 $0x1BF5;
	[smem:$0x3FB4] =	sst s0  }
0x18: {  	s0 =	sld [smem:$0x3F97];
	_ =	swait.ge [sflag:s4], $0x0  }
0x19: {  	s7 =	sld [smem:$0x3F98]  }
0x1a: {  	s8 =	sadd.s32 $0xFFFFE003, lr  }
0x1b: {  	s9 =	sadd.s32 $0xFFFFFEF7, lr;
	s5 =	simm.s32 $0xFFFFFFFF;
	p2 =	slt.u32 s8, $0xFFFFF086  }
0x1c: {  	p1 =	slt.u32 s9, $0xF7A;
	s5 =	simm.s32 @!p2 $0x0  }
0x1d: {  	s5 =	simm.s32 @p1 $0x1;
	p0 =	seq.s32 s7, s2  }
0x1e: {  	s7 =	smul.u32 @!p0 $0xF7A, s2;
	p2 =	seq.s32 @!p0 s5, $0x0  }
0x1f: {  	s9 =	smul.u32 $0xF7A, s1;
	s8 =	simm.s32 @!p0 $0x1BF5;
	p2 =	por !p2, p0  }
0x20: {  	[sflag:s8] =	ssyncset.s32 @!p0 $0xFFFFF086;
	s6 =	sadd.s32 @!p0 s3, s7;
	s7 =	simm.s32 @!p0 $0x108  }
0x21: {  	s3 =	sadd.s32 s3, s9;
	s6 =	sadd.s32 @!p0 $0x88, s6;
	s7 =	simm.s32 @p2 $0x1082  }
0x22: {  	[simem:s7], [sflag:s8] =	dma.local @!p0 [hbm:s6], $0xF7A  }
0x23: {  	s9 =	sor.u32 $0xD0000000, s2;
	s6 =	simm.s32 $0x108;
	_ =	swait.ge @!p0 [sflag:s8], $0x0  }
0x24: {  	s3 =	sadd.s32 $0x88, s3;
	s6 =	simm.s32 @!p1 $0x1082;
	[sflag:s4] =	ssyncset.s32 $0xFFFFF086  }
0x25: {  	[simem:s6], [sflag:s4] =	dma.local [hbm:s3], $0xF7A  }
0x26: {  	[smem:$0x3F98] =	sst s1;
	(tag) =	ssettag s2;
	_ =	strace s9  }
0x27: {  	s1 =	sld [smem:$0x3FA8]  }
0x28: {  	s2 =	sld [smem:$0x3FA9]  }
0x29: {  	s4 =	sld [smem:$0x3FAB]  }
0x2a: {  	p0 =	seq.s32 s5, $0x0;
	s5 =	sld [smem:$0x3FAC]  }
0x2b: {  	s6 =	sld [smem:$0x3FAD]  }
0x2c: {  	s7 =	sld [smem:$0x3FAE]  }
0x2d: {  	s3 =	simm.s32 $0x108;
	s8 =	sld [smem:$0x3FAF]  }
0x2e: {  	s3 =	simm.s32 @!p0 $0x1082;
	s9 =	sld [smem:$0x3FB0]  }
0x2f: {  	lr =	sadd.s32 s0, s3;
	s0 =	sld [smem:$0x3FA7]  }
0x30: {  	s3 =	sld [smem:$0x3FAA]  }
0x31: {  	[smem:$0x3FB3] =	sst s10  }
0x32: {  	s10 =	sld [smem:$0x3FB1];
	_ =	sdelay $0x3  }
0x33: {  	p0 =	seq.s32 s10, $0x1;
	s10 =	sld [smem:$0x3FB3];
	_ =	sdelay $0x3  }
0x34: {  	[smem:$0x3FB3] =	sst s10  }
0x35: {  	s10 =	sld [smem:$0x3FB2];
	_ =	sdelay $0x3  }
0x36: {  	p1 =	seq.s32 s10, $0x1;
	s10 =	sld [smem:$0x3FB3];
	_ =	sdelay $0x3  }
0x37: {  	[smem:$0x3FB3] =	sst s10  }
0x38: {  	s10 =	sld [smem:$0x3FB4]  }
0x39: {  	_ = 	snop;
	(pc) =	sbr.ind lr, $3  }
0x3a: {  	_ = 	snop  }
0x3b: {  	_ = 	snop  }
0x3c: {  	p2 =	seq.s32 s10, $0x1;
	s10 =	sld [smem:$0x3FB3]  }
0x3d: {  	_ =	shalt  }
0x3e: {  	_ =	shalt  }
0x3f: {  	_ =	shalt  }
0x40: {  	_ =	shalt  }
0x41: {  	_ =	shalt  }
0x42: {  	_ =	shalt  }
0x43: {  	_ =	shalt  }
0x44: {  	_ =	shalt  }
0x45: {  	_ =	shalt  }
0x46: {  	_ =	shalt  }
0x47: {  	_ =	shalt  }
0x48: {  	_ =	shalt  }
0x49: {  	_ =	shalt  }
0x4a: {  	_ =	shalt  }
0x4b: {  	_ =	shalt  }
0x4c: {  	_ =	shalt  }
0x4d: {  	_ =	shalt  }
0x4e: {  	_ =	shalt  }
0x4f: {  	_ =	shalt  }
0x50: {  	_ =	shalt  }
0x51: {  	_ =	shalt  }
0x52: {  	_ =	shalt  }
0x53: {  	_ =	shalt  }
0x54: {  	_ =	shalt  }
0x55: {  	_ =	shalt  }
0x56: {  	_ =	shalt  }
0x57: {  	_ =	shalt  }
0x58: {  	_ =	shalt  }
0x59: {  	_ =	shalt  }
0x5a: {  	_ =	shalt  }
0x5b: {  	_ =	shalt  }
0x5c: {  	_ =	shalt  }
0x5d: {  	_ =	shalt  }
0x5e: {  	_ =	shalt  }
0x5f: {  	_ =	shalt  }
0x60: {  	_ =	shalt  }
0x61: {  	_ =	shalt  }
0x62: {  	_ =	shalt  }
0x63: {  	_ =	shalt  }
0x64: {  	_ =	shalt  }
0x65: {  	_ =	shalt  }
0x66: {  	_ =	shalt  }
0x67: {  	_ =	shalt  }
0x68: {  	_ =	shalt  }
0x69: {  	_ =	shalt  }
0x6a: {  	_ =	shalt  }
0x6b: {  	_ =	shalt  }
0x6c: {  	_ =	shalt  }
0x6d: {  	_ =	shalt  }
0x6e: {  	_ =	shalt  }
0x6f: {  	_ =	shalt  }
0x70: {  	_ =	shalt  }
0x71: {  	_ =	shalt  }
0x72: {  	_ =	shalt  }
0x73: {  	_ =	shalt  }
0x74: {  	_ =	shalt  }
0x75: {  	_ =	shalt  }
0x76: {  	_ =	shalt  }
0x77: {  	_ =	shalt  }
0x78: {  	_ =	shalt  }
0x79: {  	_ =	shalt  }
0x7a: {  	_ =	shalt  }
0x7b: {  	_ =	shalt  }
0x7c: {  	_ =	shalt  }
0x7d: {  	_ =	shalt  }
0x7e: {  	_ =	shalt  }
0x7f: {  	_ =	shalt  }
0x80: {  	_ =	shalt  }
0x81: {  	_ =	shalt  }
0x82: {  	_ =	shalt  }
0x83: {  	_ =	shalt  }
0x84: {  	_ =	shalt  }
0x85: {  	_ =	shalt  }
0x86: {  	_ =	shalt  }
0x87: {  	_ =	shalt  }
.Lfunc_end0:
.L_simem_size_0:
called_computation_lowered:
.L_overlay_start_0:
0x88: {  	s2 =	sld [smem:$0x3FD9]  }
0x89: {  	s3 =	sld [smem:$0x3FFE];
	_ =	sdelay $0x1  }
0x8a: {  	s1 =	srdreg.scid  }
0x8b: {  	s0 =	sand.u32 $0x1, s1  }
0x8c: {  	s17 =	sshll.u32 s0, $0xA;
	s2 =	sadd.s32 s3, s2  }
0x8d: {  	s2 =	sadd.s32 s2, s17  }
0x8e: {  	[smem:$0x3FBF] =	sst s2  }
0x8f: {  	_ = 	snop  }
0x90: {  	s2 =	sld [smem:$0x3FD0];
	(tm) =	ssettm $0x1  }
0x91: {  	s18 =	sld [smem:$0x3FFB];
	_ =	sdelay $0x3  }
0x92: {  	_ =	strace s18  }
0x93: {  	s3 =	sld [smem:$0x3FFC];
	_ =	sdelay $0x3  }
0x94: {  	_ =	strace s3  }
0x95: {  	s3 =	sld [smem:$0x3FFD];
	_ =	sdelay $0x3  }
0x96: {  	_ =	strace s3  }
0x97: {  	_ =	strace $0x8FFFFFFF  }
0x98: {  	s19 =	sld [smem:$0x3FDB];
	_ =	sdelay $0x1  }
0x99: {  	s4 =	simm.s32 $_scs_section_size  }
0x9a: {  	s5 =	simm.s32 $_size__tile_overlayer_lowered;
	s6 =	simm.s32 $_tile_overlayer_lowered  }
0x9b: {  	s22 =	simm.s32 $0x1BFF;
	s21 =	sshll.u32 s6, $0x1;
	s3 =	sadd.s32 s4, s19  }
0x9c: {  	s7 =	simm.s32 $0x0;
	s20 =	sshll.u32 s5, $0x1;
	s5 =	sadd.s32 s21, s3  }
0x9d: {  	[timem:s7], [sflag:s22] =	dma.local [hbm:s5], s20  }
0x9e: {  	_ =	swait.ge [sflag:s22], s20  }
0x9f: {  	s4 =	ssub.s32 $0x0, s20;
	[sflag:s22] =	ssyncset.done $0x0  }
0xa0: {  	[sflag:s22] =	ssyncadd.s32 s4;
	_ =	sdelay $0x1  }
0xa1: {  	s23 =	simm.s32 $0x1B8B  }
0xa2: {  	_ =	swait.ge [sflag:s23], $0x1  }
0xa3: {  	[sflag:s23] =	ssyncset.done $0x0  }
0xa4: {  	s25 =	simm.s32 $0x1B8E;
	s24 =	sld [smem:$0x3FFE];
	[sflag:s23] =	ssyncadd.s32 $0xFFFFFFFF  }
0xa5: {  	s26 =	simm.s32 $execute0_lowered;
	[smem:$0x3FD2] =	sst s25  }
0xa6: {  	s5 =	sshll.u32 s26, $0x1;
	_ =	strace $0x80000046;
	[dreg:$0x1] =	wrdreg $0xFFFFFFFF  }
0xa7: {  	s28 =	simm.s32 $_size_execute0_lowered;
	s3 =	sadd.s32 s3, s5;
	[dreg:$0x0] =	wrdreg $0x0  }
0xa8: {  	s5 =	sshll.u32 s28, $0x1;
	[dreg:$0x2] =	wrdreg s3  }
0xa9: {  	[dreg:$0x3] =	wrdreg s5  }
0xaa: {  	[dreg:$0x4] =	wrdreg $0xC0  }
0xab: {  	_ =	task [dreg:s7], $0x5FFFF  }
0xac: {  	[dreg:$0x1] =	wrdreg $0xFFFFFFFF  }
0xad: {  	[dreg:$0x0] =	wrdreg $0x60  }
0xae: {  	[dreg:$0x2] =	wrdreg s24  }
0xaf: {  	[dreg:$0x3] =	wrdreg s2  }
0xb0: {  	[dreg:$0x4] =	wrdreg $0x0  }
0xb1: {  	[dreg:$0x5] =	wrdreg $0x9  }
0xb2: {  	_ =	task.clear_ibuf [dreg:s7], $0x6FFFF;
	_ =	strace $0x90000046  }
0xb3: {  	s29 =	simm.s32 $0x9;
	_ =	strace $0x80000048  }
0xb4: {  	_ =	swait.ge [sflag:s29], $0x1  }
0xb5: {  	[sflag:s29] =	ssyncadd.s32 $0xFFFFFFFF  }
0xb6: {  	_ =	strace $0x90000048  }
0xb7: {  	_ =	sfence  }
0xb8: {  	s30 =	sld [smem:$0x0];
	_ =	sdelay $0x2  }
0xb9: {  	s31 =	sshll.u32 s1, $0xD;
	s1 =	sshrl.u32 s1, $0x2  }
0xba: {  	s3 =	sand.u32 $0x4000, s31;
	s1 =	sadd.s32 s1, s30  }
0xbb: {  	s0 =	sor.u32 s3, s0;
	s1 =	sshll.u32 s1, $0x11  }
0xbc: {  	s0 =	sor.u32 s1, s0  }
0xbd: {  	s0 =	sadd.s32 $0x8F2B, s0  }
0xbe: {  	[sflag:s0] =	ssyncadd.remote.s32 $0x1  }
0xbf: {  	_ =	sfence.sel $0xFFFF  }
0xc0: {  	[dreg:$0x0] =	wrdreg $0xFFFFFFFF;
	(pc) =	sbr.abs _section_cstart, $3  }
0xc1: {  	[dreg:$0x1] =	wrdreg $0xFFFFFFFF  }
0xc2: {  	_ =	task.clear_ibuf [dreg:s7], $0x2FFFF;
	_ =	strace $0x9FFFFFFF  }
0xc3: {  	(tm) =	ssettm $0x7FFFFFFF  }
tec
execute0_lowered:
.L_overlay_start_1:
0x0: {  	(tag) =	ssettag $0x1  }
0x1: {  	s0 =	rddreg [dreg:$0x0]  }
0x2: {  	s6 =	rddreg [dreg:$0x1]  }
0x3: {  	s2 =	rddreg [dreg:$0x2];
	s3 =	simm.s32 $0x0  }
0x4: {  	s1 =	stileid.u32;
	s5 =	srdreg.scid;
	s28 =	simm.s32 $0x5  }
0x5: {  	s29 =	simm.s32 $0x14000;
	s31 =	simm.s32 $0x80;
	[smem:$0x7FF] =	sst s3  }
0x6: {  	s4 =	sadd.s32 $0x9EE00, s0;
	s7 =	smul.u32 $0x13800, s1;
	s8 =	sadd.s32 $0x2A00, s0  }
0x7: {  	s9 =	smul.u32 $0x50000, s1;
	s10 =	sadd.s32 $0x7A00, s0;
	s12 =	sand.u32 $0x1, s5  }
0x8: {  	_ =	strace $0x80000047;
	s14 =	ssub.s32 $0x2, s12;
	s15 =	sshll.u32 s12, $0x4  }
0x9: {  	p3 =	seq.s32 s12, $0x1;
	s12 =	simm.s32 $0x3;
	s26 =	sshrl.u32 s9, $0x2  }
0xa: {  	s11 =	sshrl.u32 s7, $0x3;
	s30 =	sshrl.u32 s14, $0x1;
	s5 =	sadd.s32 s26, s2  }
0xb: {  	s16 =	sor.u32 s1, s15;
	p1 =	seq.s32 @p3 s1, $0xF;
	s17 =	sadd.s32 $0x2000, s5  }
0xc: {  	p4 =	seq.s32 @!p3 s1, $0xF;
	s18 =	sadd.s32 $0x4000, s5;
	[dreg:$0x4] =	wrdreg s17  }
0xd: {  	s13 =	sadd.s32 s11, s0;
	s19 =	sadd.s32 $0x6000, s5;
	[dreg:$0x5] =	wrdreg s18  }
0xe: {  	s9 =	ssub.s32 s14, s30;
	s20 =	sadd.s32 $0x8000, s5;
	[dreg:$0x6] =	wrdreg s19  }
0xf: {  	s14 =	smul.u32 $0x280, s16;
	s21 =	sadd.s32 $0xA000, s5;
	[dreg:$0x7] =	wrdreg s20  }
0x10: {  	p0 =	por !p1, !p3;
	s22 =	sadd.s32 $0xC000, s5;
	[dreg:$0x8] =	wrdreg s21  }
0x11: {  	p1 =	por p1, !p3;
	s23 =	sadd.s32 $0xE000, s5;
	[dreg:$0x9] =	wrdreg s22  }
0x12: {  	p2 =	por !p4, p3;
	s24 =	sadd.s32 $0x10000, s5;
	[dreg:$0xa] =	wrdreg s23  }
0x13: {  	p3 =	por p4, p3;
	s30 =	sadd.s32 $0x12000, s5;
	[dreg:$0xb] =	wrdreg s24  }
0x14: {  	s25 =	sadd.s32 $0x140, s14;
	s16 =	sadd.s32 s8, s14;
	s14 =	sadd.s32 s10, s14  }
0x15: {  	[dreg:$0x10] =	wrdreg s30;
	s19 =	sadd.s32 s6, s11;
	s20 =	sadd.s32 s7, s2  }
0x16: {  	s21 =	sadd.s32 $0x24900, s6;
	s22 =	sadd.s32 $0x124800, s2;
	s23 =	sadd.s32 $0xCA00, s13  }
0x17: {  	s24 =	sadd.s32 $0x31300, s0;
	s0 =	simm.s32 $0x15400;
	s6 =	simm.s32 $0x14080  }
.Ltmp0:
0x18: {  	s7 =	simm.s32 $0x17400;
	[dreg:$0xc] =	wrdreg s16;
	(pc) =	sbr.rel .LBB2_1-.Ltmp0, $4  }
0x19: {  	s11 =	simm.s32 $0x2;
	s13 =	simm.s32 $0x4;
	[dreg:$0xd] =	wrdreg s14  }
0x1a: {  	s8 =	sadd.s32 s8, s25;
	s26 =	sadd.s32 s10, s25;
	s25 =	smax.u32 s9, $0x1  }
0x1b: {  	s9 =	simm.s32 $0x40;
	s10 =	simm.s32 $0x1B400;
	[dreg:$0xe] =	wrdreg s8  }
0x1c: {  	v0 =	vimm.f32 $0.0e+00;
	[dreg:$0xf] =	wrdreg s26;
	s26 =	simm.s32 $0x19400;
	s8 =	simm.s32 $0x1  }
.LBB2_25:
0x1d: {  	_ =	swait.ge [sflag:s12], $0x2000  }
0x1e: {  	[sflag:s12] =	ssyncset.done $0x0  }
0x1f: {  	[sflag:s12] =	ssyncadd.s32 $0xFFFFE000  }
0x20: {  	_ =	swait.ge [sflag:s13], $0x2000  }
0x21: {  	[sflag:s13] =	ssyncset.done $0x0  }
0x22: {  	[sflag:s13] =	ssyncadd.s32 $0xFFFFE000  }
0x23: {  	s14 =	sshrl.u32 @!p0 s22, $0x3;
	s15 =	simm.s32 @!p0 $0x1FC5;
	[bflag:$0x0] =	sbarrier.arrive $0xFFFF  }
0x24: {  	[hbm:s24], [sflag:s15] =	dma.local @!p0 [spmem:s14], $0x2800  }
0x25: {  	s14 =	simm.s32 @!p0 $0x5  }
0x26: {  	_ =	swait.ge @!p0 [sflag:s14], $0x2800  }
0x27: {  	s15 =	sshll.u32 @!p1 s1, $0x6;
	[sflag:s14] =	ssyncset.done @!p0 $0x0  }
0x28: {  	[sflag:s14] =	ssyncadd.s32 @!p0 $0xFFFFD800;
	s14 =	sor.u32 @!p1 $0x1C05, s15;
	s15 =	sshrl.u32 @!p1 s20, $0x3  }
0x29: {  	[hbm:s23], [sflag:s14] =	dma.local @!p1 [spmem:s15], $0x2700  }
0x2a: {  	s14 =	simm.s32 @!p1 $0x5  }
0x2b: {  	_ =	swait.ge @!p1 [sflag:s14], $0x2700  }
0x2c: {  	[sflag:s14] =	ssyncset.done @!p1 $0x0  }
0x2d: {  	s15 =	simm.s32 @!p2 $0x1FC5;
	[sflag:s14] =	ssyncadd.s32 @!p1 $0xFFFFD900;
	s14 =	sshrl.u32 @!p2 s22, $0x3  }
0x2e: {  	[hbm:s21], [sflag:s15] =	dma.local @!p2 [spmem:s14], $0x2800  }
0x2f: {  	s14 =	simm.s32 @!p2 $0x5  }
0x30: {  	s3 =	sadd.s32 $0x1, s3;
	_ =	swait.ge @!p2 [sflag:s14], $0x2800  }
0x31: {  	p4 =	sne.s32 s3, s25;
	s15 =	sshll.u32 @!p3 s1, $0x6;
	[sflag:s14] =	ssyncset.done @!p2 $0x0  }
0x32: {  	[sflag:s14] =	ssyncadd.s32 @!p2 $0xFFFFD800;
	s14 =	sor.u32 @!p3 $0x1C05, s15;
	s15 =	sshrl.u32 @!p3 s20, $0x3  }
0x33: {  	[hbm:s19], [sflag:s14] =	dma.local @!p3 [spmem:s15], $0x2700  }
.Ltmp1:
0x34: {  	_ = 	snop;
	(pc) =	sbr.rel @!p4 .LBB2_26-.Ltmp1, $4  }
0x35: {  	s14 =	simm.s32 @!p3 $0x5  }
0x36: {  	_ =	swait.ge @!p3 [sflag:s14], $0x2700  }
0x37: {  	[sflag:s14] =	ssyncset.done @!p3 $0x0  }
0x38: {  	[sflag:s14] =	ssyncadd.s32 @!p3 $0xFFFFD900  }
.LBB2_1:
0x39: {  	s14 =	simm.s32 $0x0;
	s15 =	simm.s32 $0x200  }
.LBB2_2:
0x3a: {  	p4 =	sne.s32 s15, $0x7E00;
	[tilespmem:s14+$0x19470] =	vst v0  }
0x3b: {  	[tilespmem:s14+$0x19400] =	vst v0  }
0x3c: {  	[tilespmem:s14+$0x19410] =	vst v0  }
.Ltmp2:
0x3d: {  	[tilespmem:s14+$0x19420] =	vst v0;
	(pc) =	sbr.rel @p4 .LBB2_2-.Ltmp2, $4  }
0x3e: {  	[tilespmem:s14+$0x19430] =	vst v0  }
0x3f: {  	[tilespmem:s14+$0x19440] =	vst v0  }
0x40: {  	[tilespmem:s14+$0x19450] =	vst v0  }
0x41: {  	[tilespmem:s14+$0x19460] =	vst v0;
	s14 =	sshra.s32 s15, $0x2;
	s15 =	sadd.s32 $0x200, s15  }
0x42: {  	[tilespmem:s14+$0x19470] =	vst v0  }
0x43: {  	[tilespmem:s14+$0x19400] =	vst v0  }
0x44: {  	[tilespmem:s14+$0x19410] =	vst v0  }
0x45: {  	[tilespmem:s14+$0x19420] =	vst v0  }
0x46: {  	[tilespmem:s14+$0x19430] =	vst v0  }
0x47: {  	[tilespmem:s14+$0x19440] =	vst v0  }
0x48: {  	[tilespmem:s14+$0x19450] =	vst v0  }
0x49: {  	[tilespmem:s14+$0x19460] =	vst v0  }
0x4a: {  	[spmem:s5] =	stream.linear.scatter [tilespmem:s26], [sflag:$0x5], $0x2000, $0x38;
	[tilespmem:$0x1D400] =	vst v63  }
0x4b: {  	_ =	swait.ge [sflag:s28], $0x2000  }
0x4c: {  	[sflag:s28] =	ssyncset.done $0x0  }
0x4d: {  	s15 =	rddreg [dreg:$0x4];
	[sflag:s28] =	ssyncadd.s32 $0xFFFFE000  }
0x4e: {  	[spmem:s15] =	stream.linear.scatter [tilespmem:s26], [sflag:$0x5], $0x2000, $0x38;
	[tilespmem:$0x1D400] =	vst v63  }
0x4f: {  	_ =	swait.ge [sflag:s28], $0x2000  }
0x50: {  	[sflag:s28] =	ssyncset.done $0x0  }
0x51: {  	s16 =	rddreg [dreg:$0x5];
	[sflag:s28] =	ssyncadd.s32 $0xFFFFE000  }
0x52: {  	[spmem:s16] =	stream.linear.scatter [tilespmem:s26], [sflag:$0x5], $0x2000, $0x38;
	[tilespmem:$0x1D400] =	vst v63  }
0x53: {  	_ =	swait.ge [sflag:s28], $0x2000  }
0x54: {  	[sflag:s28] =	ssyncset.done $0x0  }
0x55: {  	s17 =	rddreg [dreg:$0x6];
	[sflag:s28] =	ssyncadd.s32 $0xFFFFE000  }
0x56: {  	[spmem:s17] =	stream.linear.scatter [tilespmem:s26], [sflag:$0x5], $0x2000, $0x38;
	[tilespmem:$0x1D400] =	vst v63  }
0x57: {  	_ =	swait.ge [sflag:s28], $0x2000  }
0x58: {  	[sflag:s28] =	ssyncset.done $0x0  }
0x59: {  	s18 =	rddreg [dreg:$0x7];
	[sflag:s28] =	ssyncadd.s32 $0xFFFFE000  }
0x5a: {  	[spmem:s18] =	stream.linear.scatter [tilespmem:s26], [sflag:$0x5], $0x2000, $0x38;
	[tilespmem:$0x1D400] =	vst v63  }
0x5b: {  	_ =	swait.ge [sflag:s28], $0x2000  }
0x5c: {  	[sflag:s28] =	ssyncset.done $0x0  }
0x5d: {  	s30 =	rddreg [dreg:$0x8];
	[sflag:s28] =	ssyncadd.s32 $0xFFFFE000  }
0x5e: {  	[spmem:s30] =	stream.linear.scatter [tilespmem:s26], [sflag:$0x5], $0x2000, $0x38;
	[tilespmem:$0x1D400] =	vst v63  }
0x5f: {  	_ =	swait.ge [sflag:s28], $0x2000  }
0x60: {  	[sflag:s28] =	ssyncset.done $0x0  }
0x61: {  	s15 =	rddreg [dreg:$0x9];
	[sflag:s28] =	ssyncadd.s32 $0xFFFFE000  }
0x62: {  	[spmem:s15] =	stream.linear.scatter [tilespmem:s26], [sflag:$0x5], $0x2000, $0x38;
	[tilespmem:$0x1D400] =	vst v63  }
0x63: {  	_ =	swait.ge [sflag:s28], $0x2000  }
0x64: {  	[sflag:s28] =	ssyncset.done $0x0  }
0x65: {  	s16 =	rddreg [dreg:$0xa];
	[sflag:s28] =	ssyncadd.s32 $0xFFFFE000  }
0x66: {  	[spmem:s16] =	stream.linear.scatter [tilespmem:s26], [sflag:$0x5], $0x2000, $0x38;
	[tilespmem:$0x1D400] =	vst v63  }
0x67: {  	_ =	swait.ge [sflag:s28], $0x2000  }
0x68: {  	[sflag:s28] =	ssyncset.done $0x0  }
0x69: {  	s17 =	rddreg [dreg:$0xb];
	[sflag:s28] =	ssyncadd.s32 $0xFFFFE000  }
0x6a: {  	[spmem:s17] =	stream.linear.scatter [tilespmem:s26], [sflag:$0x5], $0x2000, $0x38;
	[tilespmem:$0x1D400] =	vst v63  }
0x6b: {  	_ =	swait.ge [sflag:s28], $0x2000  }
0x6c: {  	[sflag:s28] =	ssyncset.done $0x0  }
0x6d: {  	s18 =	rddreg [dreg:$0x10];
	[sflag:s28] =	ssyncadd.s32 $0xFFFFE000  }
0x6e: {  	[spmem:s18] =	stream.linear.scatter [tilespmem:s26], [sflag:$0x5], $0x2000, $0x38;
	[tilespmem:$0x1D400] =	vst v63  }
0x6f: {  	_ =	swait.ge [sflag:s28], $0x2000  }
0x70: {  	[sflag:s28] =	ssyncset.done $0x0  }
0x71: {  	[sflag:s28] =	ssyncadd.s32 $0xFFFFE000  }
0x72: {  	[bflag:$0x0] =	sbarrier.arrive $0xFFFF  }
0x73: {  	s14 =	simm.s32 $0x0;
	s15 =	rddreg [dreg:$0xc]  }
0x74: {  	[tilespmem:s29], [sflag:$0x5] =	stream.linear.gather [hbm4b:s15+s14], $0xA00, $0x38;
	[tilespmem:$0x1D400] =	vst v63  }
0x75: {  	_ =	swait.ge [sflag:s28], $0xA00  }
0x76: {  	[sflag:s28] =	ssyncset.done $0x0  }
0x77: {  	s16 =	simm.s32 $0x14A00;
	s30 =	rddreg [dreg:$0xd];
	[sflag:s28] =	ssyncadd.s32 $0xFFFFF600  }
0x78: {  	[tilespmem:s16], [sflag:$0x5] =	stream.linear.gather [hbm4b:s30+s14], $0xA00, $0x38;
	[tilespmem:$0x1D400] =	vst v63  }
0x79: {  	_ =	swait.ge [sflag:s28], $0xA00  }
0x7a: {  	[sflag:s28] =	ssyncset.done $0x0  }
0x7b: {  	[sflag:s28] =	ssyncadd.s32 $0xFFFFF600  }
0x7c: {  	[tilespmem:s0], [sflag:$0x1] =	stream.indirect.gather [hbm4b:s4+s31], $0x40, s29, s31, $0xb8;
	[tilespmem:$0x1D400] =	vst v63  }
0x7d: {  	_ = 	snop  }
0x7e: {  	[tilespmem:s7], [sflag:$0x2] =	stream.indirect.gather [hbm4b:s4+s31], $0x40, s6, s31, $0xb8;
	[tilespmem:$0x1D400] =	vst v63  }
.LBB2_4:
0x7f: {  	_ =	swait.ge [sflag:s8], $0x2000  }
0x80: {  	p4 =	seq.s32 s14, $0x0;
	[sflag:s8] =	ssyncset.done $0x0  }
0x81: {  	s15 =	simm.s32 @!p4 $0x3;
	[sflag:s8] =	ssyncadd.s32 $0xFFFFE000  }
0x82: {  	_ =	swait.ge @!p4 [sflag:s15], $0x2000  }
0x83: {  	[sflag:s15] =	ssyncset.done @!p4 $0x0  }
0x84: {  	s16 =	simm.s32 $0x0;
	[sflag:s15] =	ssyncadd.s32 @!p4 $0xFFFFE000  }
0x85: {  	v1 =	vld [tilespmem:s16+$0x15400];
	_ =	sdelay $0x4  }
0x86: {  	s15 =	simm.s32 $0x19440;
	v2 =	vshll.u32 v1, $0x10  }
0x87: {  	v1 =	vand.u32 $0xFFFF0000, v1;
	[tilespmem:s15+$0xFFFFFFC0] =	vst v2  }
0x88: {  	[tilespmem:s15+$0xFFFFFFD0] =	vst v1  }
0x89: {  	v1 =	vld [tilespmem:s16+$0x15410];
	_ =	sdelay $0x4  }
0x8a: {  	v2 =	vshll.u32 v1, $0x10  }
0x8b: {  	v1 =	vand.u32 $0xFFFF0000, v1;
	[tilespmem:s15+$0xFFFFFFE0] =	vst v2  }
0x8c: {  	[tilespmem:s15+$0xFFFFFFF0] =	vst v1  }
0x8d: {  	v1 =	vld [tilespmem:s16+$0x15420];
	_ =	sdelay $0x4  }
0x8e: {  	v2 =	vand.u32 $0xFFFF0000, v1  }
0x8f: {  	v1 =	vshll.u32 v1, $0x10;
	[tilespmem:s15+$0x10] =	vst v2  }
0x90: {  	[tilespmem:s15+$0x0] =	vst v1  }
0x91: {  	v1 =	vld [tilespmem:s16+$0x15430];
	_ =	sdelay $0x4  }
0x92: {  	v2 =	vshll.u32 v1, $0x10  }
0x93: {  	v1 =	vand.u32 $0xFFFF0000, v1;
	[tilespmem:s15+$0x20] =	vst v2  }
0x94: {  	s17 =	simm.s32 $0x40;
	[tilespmem:s15+$0x30] =	vst v1  }
0x95: {  	v1 =	vld [tilespmem:s17+$0x15400]  }
0x96: {  	s18 =	simm.s32 $0x200;
	s16 =	sshll.u32 s14, $0xA  }
.LBB2_5:
0x97: {  	p5 =	sne.s32 s18, $0x3F00;
	_ =	sdelay $0x2  }
0x98: {  	s15 =	sadd.s32 $0x80, s15;
	v2 =	vshll.u32 v1, $0x10  }
0x99: {  	v1 =	vand.u32 $0xFFFF0000, v1;
	[tilespmem:s15+$0xFFFFFFC0] =	vst v2  }
0x9a: {  	[tilespmem:s15+$0xFFFFFFD0] =	vst v1  }
0x9b: {  	v1 =	vld [tilespmem:s17+$0x15410];
	_ =	sdelay $0x4  }
0x9c: {  	v2 =	vshll.u32 v1, $0x10  }
0x9d: {  	v1 =	vand.u32 $0xFFFF0000, v1;
	[tilespmem:s15+$0xFFFFFFE0] =	vst v2  }
0x9e: {  	[tilespmem:s15+$0xFFFFFFF0] =	vst v1  }
0x9f: {  	v1 =	vld [tilespmem:s17+$0x15420];
	_ =	sdelay $0x4  }
0xa0: {  	v2 =	vshll.u32 v1, $0x10;
	v1 =	vand.u32 $0xFFFF0000, v1  }
0xa1: {  	[tilespmem:s15+$0x10] =	vst v1  }
0xa2: {  	[tilespmem:s15+$0x0] =	vst v2  }
0xa3: {  	v1 =	vld [tilespmem:s17+$0x15430];
	_ =	sdelay $0x4  }
.Ltmp3:
0xa4: {  	v2 =	vshll.u32 v1, $0x10;
	v1 =	vand.u32 $0xFFFF0000, v1;
	(pc) =	sbr.rel @p5 .LBB2_5-.Ltmp3, $4  }
0xa5: {  	[tilespmem:s15+$0x20] =	vst v2  }
0xa6: {  	s17 =	sshra.s32 s18, $0x2;
	[tilespmem:s15+$0x30] =	vst v1  }
0xa7: {  	v1 =	vld [tilespmem:s17+$0x15400]  }
0xa8: {  	s18 =	sadd.s32 $0x100, s18  }
0xa9: {  	_ =	sdelay $0x2  }
0xaa: {  	s18 =	sadd.s32 $0x80, s15;
	v2 =	vshll.u32 v1, $0x10  }
0xab: {  	v1 =	vand.u32 $0xFFFF0000, v1;
	[tilespmem:s18+$0xFFFFFFC0] =	vst v2  }
0xac: {  	[tilespmem:s18+$0xFFFFFFD0] =	vst v1  }
0xad: {  	v1 =	vld [tilespmem:s17+$0x15410];
	_ =	sdelay $0x4  }
0xae: {  	v2 =	vshll.u32 v1, $0x10  }
0xaf: {  	v1 =	vand.u32 $0xFFFF0000, v1;
	[tilespmem:s18+$0xFFFFFFE0] =	vst v2  }
0xb0: {  	[tilespmem:s18+$0xFFFFFFF0] =	vst v1  }
0xb1: {  	v1 =	vld [tilespmem:s17+$0x15420];
	_ =	sdelay $0x4  }
0xb2: {  	v2 =	vand.u32 $0xFFFF0000, v1  }
0xb3: {  	v1 =	vshll.u32 v1, $0x10;
	[tilespmem:s18+$0x10] =	vst v2  }
0xb4: {  	[tilespmem:s18+$0x0] =	vst v1  }
0xb5: {  	v1 =	vld [tilespmem:s17+$0x15430];
	_ =	sdelay $0x4  }
0xb6: {  	v2 =	vshll.u32 v1, $0x10  }
0xb7: {  	s15 =	sshrl.u32 s16, $0x2;
	v1 =	vand.u32 $0xFFFF0000, v1;
	[tilespmem:s18+$0x20] =	vst v2  }
0xb8: {  	s17 =	simm.s32 @!p4 $0x4;
	[tilespmem:s18+$0x30] =	vst v1;
	s18 =	sadd.s32 $0x14A00, s15  }
0xb9: {  	[spmem:s2] =	stream.indirect.scatter.add.f32 [tilespmem:s26], [sflag:$0x3], $0x80, s18, s9, $0xb8;
	[tilespmem:$0x1D400] =	vst v63  }
0xba: {  	_ =	swait.ge @!p4 [sflag:s17], $0x2000  }
0xbb: {  	[sflag:s17] =	ssyncset.done @!p4 $0x0  }
0xbc: {  	s18 =	simm.s32 $0x0;
	[sflag:s17] =	ssyncadd.s32 @!p4 $0xFFFFE000  }
0xbd: {  	v1 =	vld [tilespmem:s18+$0x16400];
	_ =	sdelay $0x4  }
0xbe: {  	s17 =	simm.s32 $0x1B470;
	v2 =	vshll.u32 v1, $0x10  }
0xbf: {  	v1 =	vand.u32 $0xFFFF0000, v1;
	[tilespmem:s17+$0xFFFFFF90] =	vst v2  }
0xc0: {  	[tilespmem:s17+$0xFFFFFFA0] =	vst v1  }
0xc1: {  	v1 =	vld [tilespmem:s18+$0x16410];
	_ =	sdelay $0x4  }
0xc2: {  	v2 =	vshll.u32 v1, $0x10  }
0xc3: {  	v1 =	vand.u32 $0xFFFF0000, v1;
	[tilespmem:s17+$0xFFFFFFB0] =	vst v2  }
0xc4: {  	[tilespmem:s17+$0xFFFFFFC0] =	vst v1  }
0xc5: {  	v1 =	vld [tilespmem:s18+$0x16420];
	_ =	sdelay $0x4  }
0xc6: {  	v2 =	vand.u32 $0xFFFF0000, v1  }
0xc7: {  	v1 =	vshll.u32 v1, $0x10;
	[tilespmem:s17+$0xFFFFFFE0] =	vst v2  }
0xc8: {  	[tilespmem:s17+$0xFFFFFFD0] =	vst v1  }
0xc9: {  	v1 =	vld [tilespmem:s18+$0x16430];
	_ =	sdelay $0x4  }
0xca: {  	v2 =	vshll.u32 v1, $0x10  }
0xcb: {  	v1 =	vand.u32 $0xFFFF0000, v1;
	[tilespmem:s17+$0xFFFFFFF0] =	vst v2  }
0xcc: {  	s18 =	simm.s32 $0x40;
	[tilespmem:s17+$0x0] =	vst v1  }
0xcd: {  	v1 =	vld [tilespmem:s18+$0x16400]  }
0xce: {  	s30 =	simm.s32 $0x200  }
.LBB2_7:
0xcf: {  	p4 =	sne.s32 s30, $0x3F00;
	_ =	sdelay $0x2  }
0xd0: {  	s17 =	sadd.s32 $0x80, s17;
	v2 =	vshll.u32 v1, $0x10  }
0xd1: {  	v1 =	vand.u32 $0xFFFF0000, v1;
	[tilespmem:s17+$0xFFFFFF90] =	vst v2  }
0xd2: {  	[tilespmem:s17+$0xFFFFFFA0] =	vst v1  }
0xd3: {  	v1 =	vld [tilespmem:s18+$0x16410];
	_ =	sdelay $0x4  }
0xd4: {  	v2 =	vshll.u32 v1, $0x10  }
0xd5: {  	v1 =	vand.u32 $0xFFFF0000, v1;
	[tilespmem:s17+$0xFFFFFFB0] =	vst v2  }
0xd6: {  	[tilespmem:s17+$0xFFFFFFC0] =	vst v1  }
0xd7: {  	v1 =	vld [tilespmem:s18+$0x16420];
	_ =	sdelay $0x4  }
0xd8: {  	v2 =	vshll.u32 v1, $0x10;
	v1 =	vand.u32 $0xFFFF0000, v1  }
0xd9: {  	[tilespmem:s17+$0xFFFFFFE0] =	vst v1  }
0xda: {  	[tilespmem:s17+$0xFFFFFFD0] =	vst v2  }
0xdb: {  	v1 =	vld [tilespmem:s18+$0x16430];
	_ =	sdelay $0x4  }
.Ltmp4:
0xdc: {  	v2 =	vshll.u32 v1, $0x10;
	v1 =	vand.u32 $0xFFFF0000, v1;
	(pc) =	sbr.rel @p4 .LBB2_7-.Ltmp4, $4  }
0xdd: {  	[tilespmem:s17+$0xFFFFFFF0] =	vst v2  }
0xde: {  	s18 =	sshra.s32 s30, $0x2;
	[tilespmem:s17+$0x0] =	vst v1  }
0xdf: {  	v1 =	vld [tilespmem:s18+$0x16400]  }
0xe0: {  	s30 =	sadd.s32 $0x100, s30  }
0xe1: {  	_ =	sdelay $0x2  }
0xe2: {  	s17 =	sadd.s32 $0x80, s17;
	v2 =	vshll.u32 v1, $0x10  }
0xe3: {  	v1 =	vand.u32 $0xFFFF0000, v1;
	[tilespmem:s17+$0xFFFFFF90] =	vst v2  }
0xe4: {  	[tilespmem:s17+$0xFFFFFFA0] =	vst v1  }
0xe5: {  	v1 =	vld [tilespmem:s18+$0x16410];
	_ =	sdelay $0x4  }
0xe6: {  	v2 =	vshll.u32 v1, $0x10  }
0xe7: {  	v1 =	vand.u32 $0xFFFF0000, v1;
	[tilespmem:s17+$0xFFFFFFB0] =	vst v2  }
0xe8: {  	[tilespmem:s17+$0xFFFFFFC0] =	vst v1  }
0xe9: {  	v1 =	vld [tilespmem:s18+$0x16420];
	_ =	sdelay $0x4  }
0xea: {  	v2 =	vand.u32 $0xFFFF0000, v1  }
0xeb: {  	v1 =	vshll.u32 v1, $0x10;
	[tilespmem:s17+$0xFFFFFFE0] =	vst v2  }
0xec: {  	[tilespmem:s17+$0xFFFFFFD0] =	vst v1  }
0xed: {  	v1 =	vld [tilespmem:s18+$0x16430];
	_ =	sdelay $0x4  }
0xee: {  	v2 =	vshll.u32 v1, $0x10  }
0xef: {  	p4 =	seq.s32 s14, $0x9;
	v1 =	vand.u32 $0xFFFF0000, v1;
	[tilespmem:s17+$0xFFFFFFF0] =	vst v2  }
0xf0: {  	s16 =	sshrl.u32 @!p4 s16, $0x2;
	s18 =	sadd.s32 $0x14A40, s15;
	[tilespmem:s17+$0x0] =	vst v1  }
0xf1: {  	[spmem:s2] =	stream.indirect.scatter.add.f32 [tilespmem:s10], [sflag:$0x4], $0x80, s18, s9, $0xb8;
	[tilespmem:$0x1D400] =	vst v63  }
0xf2: {  	s16 =	sadd.s32 @!p4 $0x14100, s16;
	s17 =	simm.s32 @!p4 $0x80;
	s18 =	simm.s32 @!p4 $0x15400  }
0xf3: {  	[tilespmem:s18], [sflag:$0x1] =	stream.indirect.gather @!p4 [hbm4b:s4+s17], $0x40, s16, s17, $0xb8;
	[tilespmem:$0x1D400] =	vst v63  }
0xf4: {  	_ =	swait.ge [sflag:s11], $0x2000  }
0xf5: {  	[sflag:s11] =	ssyncset.done $0x0  }
0xf6: {  	[sflag:s11] =	ssyncadd.s32 $0xFFFFE000  }
0xf7: {  	_ =	swait.ge [sflag:s12], $0x2000  }
0xf8: {  	[sflag:s12] =	ssyncset.done $0x0  }
0xf9: {  	s30 =	simm.s32 $0x0;
	[sflag:s12] =	ssyncadd.s32 $0xFFFFE000  }
0xfa: {  	v1 =	vld [tilespmem:s30+$0x17400];
	_ =	sdelay $0x4  }
0xfb: {  	s16 =	simm.s32 $0x19440;
	v2 =	vshll.u32 v1, $0x10  }
0xfc: {  	v1 =	vand.u32 $0xFFFF0000, v1;
	[tilespmem:s16+$0xFFFFFFC0] =	vst v2  }
0xfd: {  	[tilespmem:s16+$0xFFFFFFD0] =	vst v1  }
0xfe: {  	v1 =	vld [tilespmem:s30+$0x17410];
	_ =	sdelay $0x4  }
0xff: {  	v2 =	vshll.u32 v1, $0x10  }
0x100: {  	v1 =	vand.u32 $0xFFFF0000, v1;
	[tilespmem:s16+$0xFFFFFFE0] =	vst v2  }
0x101: {  	[tilespmem:s16+$0xFFFFFFF0] =	vst v1  }
0x102: {  	v1 =	vld [tilespmem:s30+$0x17420];
	_ =	sdelay $0x4  }
0x103: {  	v2 =	vand.u32 $0xFFFF0000, v1  }
0x104: {  	v1 =	vshll.u32 v1, $0x10;
	[tilespmem:s16+$0x10] =	vst v2  }
0x105: {  	[tilespmem:s16+$0x0] =	vst v1  }
0x106: {  	v1 =	vld [tilespmem:s30+$0x17430];
	_ =	sdelay $0x4  }
0x107: {  	v2 =	vshll.u32 v1, $0x10  }
0x108: {  	v1 =	vand.u32 $0xFFFF0000, v1;
	[tilespmem:s16+$0x20] =	vst v2  }
0x109: {  	s17 =	simm.s32 $0x40;
	[tilespmem:s16+$0x30] =	vst v1  }
0x10a: {  	v1 =	vld [tilespmem:s17+$0x17400]  }
0x10b: {  	s18 =	simm.s32 $0x200  }
.LBB2_9:
0x10c: {  	p5 =	sne.s32 s18, $0x3F00;
	_ =	sdelay $0x2  }
0x10d: {  	s16 =	sadd.s32 $0x80, s16;
	v2 =	vshll.u32 v1, $0x10  }
0x10e: {  	v1 =	vand.u32 $0xFFFF0000, v1;
	[tilespmem:s16+$0xFFFFFFC0] =	vst v2  }
0x10f: {  	[tilespmem:s16+$0xFFFFFFD0] =	vst v1  }
0x110: {  	v1 =	vld [tilespmem:s17+$0x17410];
	_ =	sdelay $0x4  }
0x111: {  	v2 =	vshll.u32 v1, $0x10  }
0x112: {  	v1 =	vand.u32 $0xFFFF0000, v1;
	[tilespmem:s16+$0xFFFFFFE0] =	vst v2  }
0x113: {  	[tilespmem:s16+$0xFFFFFFF0] =	vst v1  }
0x114: {  	v1 =	vld [tilespmem:s17+$0x17420];
	_ =	sdelay $0x4  }
0x115: {  	v2 =	vshll.u32 v1, $0x10;
	v1 =	vand.u32 $0xFFFF0000, v1  }
0x116: {  	[tilespmem:s16+$0x10] =	vst v1  }
0x117: {  	[tilespmem:s16+$0x0] =	vst v2  }
0x118: {  	v1 =	vld [tilespmem:s17+$0x17430];
	_ =	sdelay $0x4  }
.Ltmp5:
0x119: {  	v2 =	vshll.u32 v1, $0x10;
	v1 =	vand.u32 $0xFFFF0000, v1;
	(pc) =	sbr.rel @p5 .LBB2_9-.Ltmp5, $4  }
0x11a: {  	[tilespmem:s16+$0x20] =	vst v2  }
0x11b: {  	s17 =	sshra.s32 s18, $0x2;
	[tilespmem:s16+$0x30] =	vst v1  }
0x11c: {  	v1 =	vld [tilespmem:s17+$0x17400]  }
0x11d: {  	s18 =	sadd.s32 $0x100, s18  }
0x11e: {  	_ =	sdelay $0x2  }
0x11f: {  	s16 =	sadd.s32 $0x80, s16;
	v2 =	vshll.u32 v1, $0x10  }
0x120: {  	v1 =	vand.u32 $0xFFFF0000, v1;
	[tilespmem:s16+$0xFFFFFFC0] =	vst v2  }
0x121: {  	[tilespmem:s16+$0xFFFFFFD0] =	vst v1  }
0x122: {  	v1 =	vld [tilespmem:s17+$0x17410];
	_ =	sdelay $0x4  }
0x123: {  	v2 =	vshll.u32 v1, $0x10  }
0x124: {  	v1 =	vand.u32 $0xFFFF0000, v1;
	[tilespmem:s16+$0xFFFFFFE0] =	vst v2  }
0x125: {  	[tilespmem:s16+$0xFFFFFFF0] =	vst v1  }
0x126: {  	v1 =	vld [tilespmem:s17+$0x17420];
	_ =	sdelay $0x4  }
0x127: {  	v2 =	vand.u32 $0xFFFF0000, v1  }
0x128: {  	v1 =	vshll.u32 v1, $0x10;
	[tilespmem:s16+$0x10] =	vst v2  }
0x129: {  	[tilespmem:s16+$0x0] =	vst v1  }
0x12a: {  	v1 =	vld [tilespmem:s17+$0x17430];
	_ =	sdelay $0x4  }
0x12b: {  	v2 =	vshll.u32 v1, $0x10  }
0x12c: {  	v1 =	vand.u32 $0xFFFF0000, v1;
	[tilespmem:s16+$0x20] =	vst v2  }
0x12d: {  	s18 =	sadd.s32 $0x14A80, s15;
	[tilespmem:s16+$0x30] =	vst v1  }
0x12e: {  	[spmem:s2] =	stream.indirect.scatter.add.f32 [tilespmem:s26], [sflag:$0x3], $0x80, s18, s9, $0xb8;
	[tilespmem:$0x1D400] =	vst v63  }
0x12f: {  	_ =	swait.ge [sflag:s13], $0x2000  }
0x130: {  	[sflag:s13] =	ssyncset.done $0x0  }
0x131: {  	s30 =	simm.s32 $0x0;
	[sflag:s13] =	ssyncadd.s32 $0xFFFFE000  }
0x132: {  	v1 =	vld [tilespmem:s30+$0x18400];
	_ =	sdelay $0x4  }
0x133: {  	s16 =	simm.s32 $0x1B470;
	v2 =	vshll.u32 v1, $0x10  }
0x134: {  	v1 =	vand.u32 $0xFFFF0000, v1;
	[tilespmem:s16+$0xFFFFFF90] =	vst v2  }
0x135: {  	[tilespmem:s16+$0xFFFFFFA0] =	vst v1  }
0x136: {  	v1 =	vld [tilespmem:s30+$0x18410];
	_ =	sdelay $0x4  }
0x137: {  	v2 =	vshll.u32 v1, $0x10  }
0x138: {  	v1 =	vand.u32 $0xFFFF0000, v1;
	[tilespmem:s16+$0xFFFFFFB0] =	vst v2  }
0x139: {  	[tilespmem:s16+$0xFFFFFFC0] =	vst v1  }
0x13a: {  	v1 =	vld [tilespmem:s30+$0x18420];
	_ =	sdelay $0x4  }
0x13b: {  	v2 =	vand.u32 $0xFFFF0000, v1  }
0x13c: {  	v1 =	vshll.u32 v1, $0x10;
	[tilespmem:s16+$0xFFFFFFE0] =	vst v2  }
0x13d: {  	[tilespmem:s16+$0xFFFFFFD0] =	vst v1  }
0x13e: {  	v1 =	vld [tilespmem:s30+$0x18430];
	_ =	sdelay $0x4  }
0x13f: {  	v2 =	vshll.u32 v1, $0x10  }
0x140: {  	v1 =	vand.u32 $0xFFFF0000, v1;
	[tilespmem:s16+$0xFFFFFFF0] =	vst v2  }
0x141: {  	s17 =	simm.s32 $0x40;
	[tilespmem:s16+$0x0] =	vst v1  }
0x142: {  	v1 =	vld [tilespmem:s17+$0x18400]  }
0x143: {  	s18 =	simm.s32 $0x200  }
.LBB2_11:
0x144: {  	p5 =	sne.s32 s18, $0x3F00;
	_ =	sdelay $0x2  }
0x145: {  	s16 =	sadd.s32 $0x80, s16;
	v2 =	vshll.u32 v1, $0x10  }
0x146: {  	v1 =	vand.u32 $0xFFFF0000, v1;
	[tilespmem:s16+$0xFFFFFF90] =	vst v2  }
0x147: {  	[tilespmem:s16+$0xFFFFFFA0] =	vst v1  }
0x148: {  	v1 =	vld [tilespmem:s17+$0x18410];
	_ =	sdelay $0x4  }
0x149: {  	v2 =	vshll.u32 v1, $0x10  }
0x14a: {  	v1 =	vand.u32 $0xFFFF0000, v1;
	[tilespmem:s16+$0xFFFFFFB0] =	vst v2  }
0x14b: {  	[tilespmem:s16+$0xFFFFFFC0] =	vst v1  }
0x14c: {  	v1 =	vld [tilespmem:s17+$0x18420];
	_ =	sdelay $0x4  }
0x14d: {  	v2 =	vshll.u32 v1, $0x10;
	v1 =	vand.u32 $0xFFFF0000, v1  }
0x14e: {  	[tilespmem:s16+$0xFFFFFFE0] =	vst v1  }
0x14f: {  	[tilespmem:s16+$0xFFFFFFD0] =	vst v2  }
0x150: {  	v1 =	vld [tilespmem:s17+$0x18430];
	_ =	sdelay $0x4  }
.Ltmp6:
0x151: {  	v2 =	vshll.u32 v1, $0x10;
	v1 =	vand.u32 $0xFFFF0000, v1;
	(pc) =	sbr.rel @p5 .LBB2_11-.Ltmp6, $4  }
0x152: {  	[tilespmem:s16+$0xFFFFFFF0] =	vst v2  }
0x153: {  	s17 =	sshra.s32 s18, $0x2;
	[tilespmem:s16+$0x0] =	vst v1  }
0x154: {  	v1 =	vld [tilespmem:s17+$0x18400]  }
0x155: {  	s18 =	sadd.s32 $0x100, s18  }
0x156: {  	_ =	sdelay $0x2  }
0x157: {  	s16 =	sadd.s32 $0x80, s16;
	v2 =	vshll.u32 v1, $0x10  }
0x158: {  	v1 =	vand.u32 $0xFFFF0000, v1;
	[tilespmem:s16+$0xFFFFFF90] =	vst v2  }
0x159: {  	[tilespmem:s16+$0xFFFFFFA0] =	vst v1  }
0x15a: {  	v1 =	vld [tilespmem:s17+$0x18410];
	_ =	sdelay $0x4  }
0x15b: {  	v2 =	vshll.u32 v1, $0x10  }
0x15c: {  	v1 =	vand.u32 $0xFFFF0000, v1;
	[tilespmem:s16+$0xFFFFFFB0] =	vst v2  }
0x15d: {  	[tilespmem:s16+$0xFFFFFFC0] =	vst v1  }
0x15e: {  	v1 =	vld [tilespmem:s17+$0x18420];
	_ =	sdelay $0x4  }
0x15f: {  	v2 =	vand.u32 $0xFFFF0000, v1  }
0x160: {  	v1 =	vshll.u32 v1, $0x10;
	[tilespmem:s16+$0xFFFFFFE0] =	vst v2  }
0x161: {  	[tilespmem:s16+$0xFFFFFFD0] =	vst v1  }
0x162: {  	v1 =	vld [tilespmem:s17+$0x18430];
	_ =	sdelay $0x3  }
.Ltmp7:
0x163: {  	_ = 	snop;
	(pc) =	sbr.rel @p4 .LBB2_14-.Ltmp7, $4  }
0x164: {  	v2 =	vshll.u32 v1, $0x10  }
0x165: {  	v1 =	vand.u32 $0xFFFF0000, v1;
	[tilespmem:s16+$0xFFFFFFF0] =	vst v2  }
0x166: {  	s30 =	sadd.s32 $0x14AC0, s15;
	[tilespmem:s16+$0x0] =	vst v1  }
0x167: {  	[spmem:s2] =	stream.indirect.scatter.add.f32 [tilespmem:s10], [sflag:$0x4], $0x80, s30, s9, $0xb8;
	[tilespmem:$0x1D400] =	vst v63  }
.Ltmp8:
0x168: {  	(pc) =	sbr.rel .LBB2_4-.Ltmp8, $3  }
0x169: {  	_ =	sdelay $0x1  }
0x16a: {  	s15 =	sadd.s32 $0x14180, s15;
	s14 =	sadd.s32 $0x1, s14  }
0x16b: {  	[tilespmem:s7], [sflag:$0x2] =	stream.indirect.gather [hbm4b:s4+s31], $0x40, s15, s31, $0xb8;
	[tilespmem:$0x1D400] =	vst v63  }
.LBB2_14:
0x16c: {  	_ =	swait.ge [sflag:s12], $0x2000  }
0x16d: {  	[sflag:s12] =	ssyncset.done $0x0  }
0x16e: {  	[sflag:s12] =	ssyncadd.s32 $0xFFFFE000  }
0x16f: {  	_ =	swait.ge [sflag:s13], $0x2000  }
0x170: {  	[sflag:s13] =	ssyncset.done $0x0  }
0x171: {  	s14 =	simm.s32 $0x0;
	s15 =	rddreg [dreg:$0xe];
	[sflag:s13] =	ssyncadd.s32 $0xFFFFE000  }
0x172: {  	[tilespmem:s29], [sflag:$0x5] =	stream.linear.gather [hbm4b:s15+s14], $0xA00, $0x38;
	[tilespmem:$0x1D400] =	vst v63  }
0x173: {  	_ =	swait.ge [sflag:s28], $0xA00  }
0x174: {  	[sflag:s28] =	ssyncset.done $0x0  }
0x175: {  	s16 =	simm.s32 $0x14A00;
	s30 =	rddreg [dreg:$0xf];
	[sflag:s28] =	ssyncadd.s32 $0xFFFFF600  }
0x176: {  	[tilespmem:s16], [sflag:$0x5] =	stream.linear.gather [hbm4b:s30+s14], $0xA00, $0x38;
	[tilespmem:$0x1D400] =	vst v63  }
0x177: {  	_ =	swait.ge [sflag:s28], $0xA00  }
0x178: {  	[sflag:s28] =	ssyncset.done $0x0  }
0x179: {  	[sflag:s28] =	ssyncadd.s32 $0xFFFFF600  }
0x17a: {  	[tilespmem:s0], [sflag:$0x1] =	stream.indirect.gather [hbm4b:s4+s31], $0x40, s29, s31, $0xb8;
	[tilespmem:$0x1D400] =	vst v63  }
0x17b: {  	_ = 	snop  }
0x17c: {  	[tilespmem:s7], [sflag:$0x2] =	stream.indirect.gather [hbm4b:s4+s31], $0x40, s6, s31, $0xb8;
	[tilespmem:$0x1D400] =	vst v63  }
.LBB2_15:
0x17d: {  	_ =	swait.ge [sflag:s8], $0x2000  }
0x17e: {  	p4 =	seq.s32 s14, $0x0;
	[sflag:s8] =	ssyncset.done $0x0  }
0x17f: {  	s15 =	simm.s32 @!p4 $0x3;
	[sflag:s8] =	ssyncadd.s32 $0xFFFFE000  }
0x180: {  	_ =	swait.ge @!p4 [sflag:s15], $0x2000  }
0x181: {  	[sflag:s15] =	ssyncset.done @!p4 $0x0  }
0x182: {  	s16 =	simm.s32 $0x0;
	[sflag:s15] =	ssyncadd.s32 @!p4 $0xFFFFE000  }
0x183: {  	v1 =	vld [tilespmem:s16+$0x15400];
	_ =	sdelay $0x4  }
0x184: {  	s15 =	simm.s32 $0x19440;
	v2 =	vshll.u32 v1, $0x10  }
0x185: {  	v1 =	vand.u32 $0xFFFF0000, v1;
	[tilespmem:s15+$0xFFFFFFC0] =	vst v2  }
0x186: {  	[tilespmem:s15+$0xFFFFFFD0] =	vst v1  }
0x187: {  	v1 =	vld [tilespmem:s16+$0x15410];
	_ =	sdelay $0x4  }
0x188: {  	v2 =	vshll.u32 v1, $0x10  }
0x189: {  	v1 =	vand.u32 $0xFFFF0000, v1;
	[tilespmem:s15+$0xFFFFFFE0] =	vst v2  }
0x18a: {  	[tilespmem:s15+$0xFFFFFFF0] =	vst v1  }
0x18b: {  	v1 =	vld [tilespmem:s16+$0x15420];
	_ =	sdelay $0x4  }
0x18c: {  	v2 =	vand.u32 $0xFFFF0000, v1  }
0x18d: {  	v1 =	vshll.u32 v1, $0x10;
	[tilespmem:s15+$0x10] =	vst v2  }
0x18e: {  	[tilespmem:s15+$0x0] =	vst v1  }
0x18f: {  	v1 =	vld [tilespmem:s16+$0x15430];
	_ =	sdelay $0x4  }
0x190: {  	v2 =	vshll.u32 v1, $0x10  }
0x191: {  	v1 =	vand.u32 $0xFFFF0000, v1;
	[tilespmem:s15+$0x20] =	vst v2  }
0x192: {  	s17 =	simm.s32 $0x40;
	[tilespmem:s15+$0x30] =	vst v1  }
0x193: {  	v1 =	vld [tilespmem:s17+$0x15400]  }
0x194: {  	s18 =	simm.s32 $0x200;
	s16 =	sshll.u32 s14, $0xA  }
.LBB2_16:
0x195: {  	p5 =	sne.s32 s18, $0x3F00;
	_ =	sdelay $0x2  }
0x196: {  	s15 =	sadd.s32 $0x80, s15;
	v2 =	vshll.u32 v1, $0x10  }
0x197: {  	v1 =	vand.u32 $0xFFFF0000, v1;
	[tilespmem:s15+$0xFFFFFFC0] =	vst v2  }
0x198: {  	[tilespmem:s15+$0xFFFFFFD0] =	vst v1  }
0x199: {  	v1 =	vld [tilespmem:s17+$0x15410];
	_ =	sdelay $0x4  }
0x19a: {  	v2 =	vshll.u32 v1, $0x10  }
0x19b: {  	v1 =	vand.u32 $0xFFFF0000, v1;
	[tilespmem:s15+$0xFFFFFFE0] =	vst v2  }
0x19c: {  	[tilespmem:s15+$0xFFFFFFF0] =	vst v1  }
0x19d: {  	v1 =	vld [tilespmem:s17+$0x15420];
	_ =	sdelay $0x4  }
0x19e: {  	v2 =	vshll.u32 v1, $0x10;
	v1 =	vand.u32 $0xFFFF0000, v1  }
0x19f: {  	[tilespmem:s15+$0x10] =	vst v1  }
0x1a0: {  	[tilespmem:s15+$0x0] =	vst v2  }
0x1a1: {  	v1 =	vld [tilespmem:s17+$0x15430];
	_ =	sdelay $0x4  }
.Ltmp9:
0x1a2: {  	v2 =	vshll.u32 v1, $0x10;
	v1 =	vand.u32 $0xFFFF0000, v1;
	(pc) =	sbr.rel @p5 .LBB2_16-.Ltmp9, $4  }
0x1a3: {  	[tilespmem:s15+$0x20] =	vst v2  }
0x1a4: {  	s17 =	sshra.s32 s18, $0x2;
	[tilespmem:s15+$0x30] =	vst v1  }
0x1a5: {  	v1 =	vld [tilespmem:s17+$0x15400]  }
0x1a6: {  	s18 =	sadd.s32 $0x100, s18  }
0x1a7: {  	_ =	sdelay $0x2  }
0x1a8: {  	s18 =	sadd.s32 $0x80, s15;
	v2 =	vshll.u32 v1, $0x10  }
0x1a9: {  	v1 =	vand.u32 $0xFFFF0000, v1;
	[tilespmem:s18+$0xFFFFFFC0] =	vst v2  }
0x1aa: {  	[tilespmem:s18+$0xFFFFFFD0] =	vst v1  }
0x1ab: {  	v1 =	vld [tilespmem:s17+$0x15410];
	_ =	sdelay $0x4  }
0x1ac: {  	v2 =	vshll.u32 v1, $0x10  }
0x1ad: {  	v1 =	vand.u32 $0xFFFF0000, v1;
	[tilespmem:s18+$0xFFFFFFE0] =	vst v2  }
0x1ae: {  	[tilespmem:s18+$0xFFFFFFF0] =	vst v1  }
0x1af: {  	v1 =	vld [tilespmem:s17+$0x15420];
	_ =	sdelay $0x4  }
0x1b0: {  	v2 =	vand.u32 $0xFFFF0000, v1  }
0x1b1: {  	v1 =	vshll.u32 v1, $0x10;
	[tilespmem:s18+$0x10] =	vst v2  }
0x1b2: {  	[tilespmem:s18+$0x0] =	vst v1  }
0x1b3: {  	v1 =	vld [tilespmem:s17+$0x15430];
	_ =	sdelay $0x4  }
0x1b4: {  	v2 =	vshll.u32 v1, $0x10  }
0x1b5: {  	s15 =	sshrl.u32 s16, $0x2;
	v1 =	vand.u32 $0xFFFF0000, v1;
	[tilespmem:s18+$0x20] =	vst v2  }
0x1b6: {  	s17 =	simm.s32 @!p4 $0x4;
	[tilespmem:s18+$0x30] =	vst v1;
	s18 =	sadd.s32 $0x14A00, s15  }
0x1b7: {  	[spmem:s2] =	stream.indirect.scatter.add.f32 [tilespmem:s26], [sflag:$0x3], $0x80, s18, s9, $0xb8;
	[tilespmem:$0x1D400] =	vst v63  }
0x1b8: {  	_ =	swait.ge @!p4 [sflag:s17], $0x2000  }
0x1b9: {  	[sflag:s17] =	ssyncset.done @!p4 $0x0  }
0x1ba: {  	s18 =	simm.s32 $0x0;
	[sflag:s17] =	ssyncadd.s32 @!p4 $0xFFFFE000  }
0x1bb: {  	v1 =	vld [tilespmem:s18+$0x16400];
	_ =	sdelay $0x4  }
0x1bc: {  	s17 =	simm.s32 $0x1B470;
	v2 =	vshll.u32 v1, $0x10  }
0x1bd: {  	v1 =	vand.u32 $0xFFFF0000, v1;
	[tilespmem:s17+$0xFFFFFF90] =	vst v2  }
0x1be: {  	[tilespmem:s17+$0xFFFFFFA0] =	vst v1  }
0x1bf: {  	v1 =	vld [tilespmem:s18+$0x16410];
	_ =	sdelay $0x4  }
0x1c0: {  	v2 =	vshll.u32 v1, $0x10  }
0x1c1: {  	v1 =	vand.u32 $0xFFFF0000, v1;
	[tilespmem:s17+$0xFFFFFFB0] =	vst v2  }
0x1c2: {  	[tilespmem:s17+$0xFFFFFFC0] =	vst v1  }
0x1c3: {  	v1 =	vld [tilespmem:s18+$0x16420];
	_ =	sdelay $0x4  }
0x1c4: {  	v2 =	vand.u32 $0xFFFF0000, v1  }
0x1c5: {  	v1 =	vshll.u32 v1, $0x10;
	[tilespmem:s17+$0xFFFFFFE0] =	vst v2  }
0x1c6: {  	[tilespmem:s17+$0xFFFFFFD0] =	vst v1  }
0x1c7: {  	v1 =	vld [tilespmem:s18+$0x16430];
	_ =	sdelay $0x4  }
0x1c8: {  	v2 =	vshll.u32 v1, $0x10  }
0x1c9: {  	v1 =	vand.u32 $0xFFFF0000, v1;
	[tilespmem:s17+$0xFFFFFFF0] =	vst v2  }
0x1ca: {  	s18 =	simm.s32 $0x40;
	[tilespmem:s17+$0x0] =	vst v1  }
0x1cb: {  	v1 =	vld [tilespmem:s18+$0x16400]  }
0x1cc: {  	s30 =	simm.s32 $0x200  }
.LBB2_18:
0x1cd: {  	p4 =	sne.s32 s30, $0x3F00;
	_ =	sdelay $0x2  }
0x1ce: {  	s17 =	sadd.s32 $0x80, s17;
	v2 =	vshll.u32 v1, $0x10  }
0x1cf: {  	v1 =	vand.u32 $0xFFFF0000, v1;
	[tilespmem:s17+$0xFFFFFF90] =	vst v2  }
0x1d0: {  	[tilespmem:s17+$0xFFFFFFA0] =	vst v1  }
0x1d1: {  	v1 =	vld [tilespmem:s18+$0x16410];
	_ =	sdelay $0x4  }
0x1d2: {  	v2 =	vshll.u32 v1, $0x10  }
0x1d3: {  	v1 =	vand.u32 $0xFFFF0000, v1;
	[tilespmem:s17+$0xFFFFFFB0] =	vst v2  }
0x1d4: {  	[tilespmem:s17+$0xFFFFFFC0] =	vst v1  }
0x1d5: {  	v1 =	vld [tilespmem:s18+$0x16420];
	_ =	sdelay $0x4  }
0x1d6: {  	v2 =	vshll.u32 v1, $0x10;
	v1 =	vand.u32 $0xFFFF0000, v1  }
0x1d7: {  	[tilespmem:s17+$0xFFFFFFE0] =	vst v1  }
0x1d8: {  	[tilespmem:s17+$0xFFFFFFD0] =	vst v2  }
0x1d9: {  	v1 =	vld [tilespmem:s18+$0x16430];
	_ =	sdelay $0x4  }
.Ltmp10:
0x1da: {  	v2 =	vshll.u32 v1, $0x10;
	v1 =	vand.u32 $0xFFFF0000, v1;
	(pc) =	sbr.rel @p4 .LBB2_18-.Ltmp10, $4  }
0x1db: {  	[tilespmem:s17+$0xFFFFFFF0] =	vst v2  }
0x1dc: {  	s18 =	sshra.s32 s30, $0x2;
	[tilespmem:s17+$0x0] =	vst v1  }
0x1dd: {  	v1 =	vld [tilespmem:s18+$0x16400]  }
0x1de: {  	s30 =	sadd.s32 $0x100, s30  }
0x1df: {  	_ =	sdelay $0x2  }
0x1e0: {  	s17 =	sadd.s32 $0x80, s17;
	v2 =	vshll.u32 v1, $0x10  }
0x1e1: {  	v1 =	vand.u32 $0xFFFF0000, v1;
	[tilespmem:s17+$0xFFFFFF90] =	vst v2  }
0x1e2: {  	[tilespmem:s17+$0xFFFFFFA0] =	vst v1  }
0x1e3: {  	v1 =	vld [tilespmem:s18+$0x16410];
	_ =	sdelay $0x4  }
0x1e4: {  	v2 =	vshll.u32 v1, $0x10  }
0x1e5: {  	v1 =	vand.u32 $0xFFFF0000, v1;
	[tilespmem:s17+$0xFFFFFFB0] =	vst v2  }
0x1e6: {  	[tilespmem:s17+$0xFFFFFFC0] =	vst v1  }
0x1e7: {  	v1 =	vld [tilespmem:s18+$0x16420];
	_ =	sdelay $0x4  }
0x1e8: {  	v2 =	vand.u32 $0xFFFF0000, v1  }
0x1e9: {  	v1 =	vshll.u32 v1, $0x10;
	[tilespmem:s17+$0xFFFFFFE0] =	vst v2  }
0x1ea: {  	[tilespmem:s17+$0xFFFFFFD0] =	vst v1  }
0x1eb: {  	v1 =	vld [tilespmem:s18+$0x16430];
	_ =	sdelay $0x4  }
0x1ec: {  	v2 =	vshll.u32 v1, $0x10  }
0x1ed: {  	p4 =	seq.s32 s14, $0x9;
	v1 =	vand.u32 $0xFFFF0000, v1;
	[tilespmem:s17+$0xFFFFFFF0] =	vst v2  }
0x1ee: {  	s16 =	sshrl.u32 @!p4 s16, $0x2;
	s18 =	sadd.s32 $0x14A40, s15;
	[tilespmem:s17+$0x0] =	vst v1  }
0x1ef: {  	[spmem:s2] =	stream.indirect.scatter.add.f32 [tilespmem:s10], [sflag:$0x4], $0x80, s18, s9, $0xb8;
	[tilespmem:$0x1D400] =	vst v63  }
0x1f0: {  	s16 =	sadd.s32 @!p4 $0x14100, s16;
	s17 =	simm.s32 @!p4 $0x80;
	s18 =	simm.s32 @!p4 $0x15400  }
0x1f1: {  	[tilespmem:s18], [sflag:$0x1] =	stream.indirect.gather @!p4 [hbm4b:s4+s17], $0x40, s16, s17, $0xb8;
	[tilespmem:$0x1D400] =	vst v63  }
0x1f2: {  	_ =	swait.ge [sflag:s11], $0x2000  }
0x1f3: {  	[sflag:s11] =	ssyncset.done $0x0  }
0x1f4: {  	[sflag:s11] =	ssyncadd.s32 $0xFFFFE000  }
0x1f5: {  	_ =	swait.ge [sflag:s12], $0x2000  }
0x1f6: {  	[sflag:s12] =	ssyncset.done $0x0  }
0x1f7: {  	s30 =	simm.s32 $0x0;
	[sflag:s12] =	ssyncadd.s32 $0xFFFFE000  }
0x1f8: {  	v1 =	vld [tilespmem:s30+$0x17400];
	_ =	sdelay $0x4  }
0x1f9: {  	s16 =	simm.s32 $0x19440;
	v2 =	vshll.u32 v1, $0x10  }
0x1fa: {  	v1 =	vand.u32 $0xFFFF0000, v1;
	[tilespmem:s16+$0xFFFFFFC0] =	vst v2  }
0x1fb: {  	[tilespmem:s16+$0xFFFFFFD0] =	vst v1  }
0x1fc: {  	v1 =	vld [tilespmem:s30+$0x17410];
	_ =	sdelay $0x4  }
0x1fd: {  	v2 =	vshll.u32 v1, $0x10  }
0x1fe: {  	v1 =	vand.u32 $0xFFFF0000, v1;
	[tilespmem:s16+$0xFFFFFFE0] =	vst v2  }
0x1ff: {  	[tilespmem:s16+$0xFFFFFFF0] =	vst v1  }
0x200: {  	v1 =	vld [tilespmem:s30+$0x17420];
	_ =	sdelay $0x4  }
0x201: {  	v2 =	vand.u32 $0xFFFF0000, v1  }
0x202: {  	v1 =	vshll.u32 v1, $0x10;
	[tilespmem:s16+$0x10] =	vst v2  }
0x203: {  	[tilespmem:s16+$0x0] =	vst v1  }
0x204: {  	v1 =	vld [tilespmem:s30+$0x17430];
	_ =	sdelay $0x4  }
0x205: {  	v2 =	vshll.u32 v1, $0x10  }
0x206: {  	v1 =	vand.u32 $0xFFFF0000, v1;
	[tilespmem:s16+$0x20] =	vst v2  }
0x207: {  	s17 =	simm.s32 $0x40;
	[tilespmem:s16+$0x30] =	vst v1  }
0x208: {  	v1 =	vld [tilespmem:s17+$0x17400]  }
0x209: {  	s18 =	simm.s32 $0x200  }
.LBB2_20:
0x20a: {  	p5 =	sne.s32 s18, $0x3F00;
	_ =	sdelay $0x2  }
0x20b: {  	s16 =	sadd.s32 $0x80, s16;
	v2 =	vshll.u32 v1, $0x10  }
0x20c: {  	v1 =	vand.u32 $0xFFFF0000, v1;
	[tilespmem:s16+$0xFFFFFFC0] =	vst v2  }
0x20d: {  	[tilespmem:s16+$0xFFFFFFD0] =	vst v1  }
0x20e: {  	v1 =	vld [tilespmem:s17+$0x17410];
	_ =	sdelay $0x4  }
0x20f: {  	v2 =	vshll.u32 v1, $0x10  }
0x210: {  	v1 =	vand.u32 $0xFFFF0000, v1;
	[tilespmem:s16+$0xFFFFFFE0] =	vst v2  }
0x211: {  	[tilespmem:s16+$0xFFFFFFF0] =	vst v1  }
0x212: {  	v1 =	vld [tilespmem:s17+$0x17420];
	_ =	sdelay $0x4  }
0x213: {  	v2 =	vshll.u32 v1, $0x10;
	v1 =	vand.u32 $0xFFFF0000, v1  }
0x214: {  	[tilespmem:s16+$0x10] =	vst v1  }
0x215: {  	[tilespmem:s16+$0x0] =	vst v2  }
0x216: {  	v1 =	vld [tilespmem:s17+$0x17430];
	_ =	sdelay $0x4  }
.Ltmp11:
0x217: {  	v2 =	vshll.u32 v1, $0x10;
	v1 =	vand.u32 $0xFFFF0000, v1;
	(pc) =	sbr.rel @p5 .LBB2_20-.Ltmp11, $4  }
0x218: {  	[tilespmem:s16+$0x20] =	vst v2  }
0x219: {  	s17 =	sshra.s32 s18, $0x2;
	[tilespmem:s16+$0x30] =	vst v1  }
0x21a: {  	v1 =	vld [tilespmem:s17+$0x17400]  }
0x21b: {  	s18 =	sadd.s32 $0x100, s18  }
0x21c: {  	_ =	sdelay $0x2  }
0x21d: {  	s16 =	sadd.s32 $0x80, s16;
	v2 =	vshll.u32 v1, $0x10  }
0x21e: {  	v1 =	vand.u32 $0xFFFF0000, v1;
	[tilespmem:s16+$0xFFFFFFC0] =	vst v2  }
0x21f: {  	[tilespmem:s16+$0xFFFFFFD0] =	vst v1  }
0x220: {  	v1 =	vld [tilespmem:s17+$0x17410];
	_ =	sdelay $0x4  }
0x221: {  	v2 =	vshll.u32 v1, $0x10  }
0x222: {  	v1 =	vand.u32 $0xFFFF0000, v1;
	[tilespmem:s16+$0xFFFFFFE0] =	vst v2  }
0x223: {  	[tilespmem:s16+$0xFFFFFFF0] =	vst v1  }
0x224: {  	v1 =	vld [tilespmem:s17+$0x17420];
	_ =	sdelay $0x4  }
0x225: {  	v2 =	vand.u32 $0xFFFF0000, v1  }
0x226: {  	v1 =	vshll.u32 v1, $0x10;
	[tilespmem:s16+$0x10] =	vst v2  }
0x227: {  	[tilespmem:s16+$0x0] =	vst v1  }
0x228: {  	v1 =	vld [tilespmem:s17+$0x17430];
	_ =	sdelay $0x4  }
0x229: {  	v2 =	vshll.u32 v1, $0x10  }
0x22a: {  	v1 =	vand.u32 $0xFFFF0000, v1;
	[tilespmem:s16+$0x20] =	vst v2  }
0x22b: {  	s18 =	sadd.s32 $0x14A80, s15;
	[tilespmem:s16+$0x30] =	vst v1  }
0x22c: {  	[spmem:s2] =	stream.indirect.scatter.add.f32 [tilespmem:s26], [sflag:$0x3], $0x80, s18, s9, $0xb8;
	[tilespmem:$0x1D400] =	vst v63  }
0x22d: {  	_ =	swait.ge [sflag:s13], $0x2000  }
0x22e: {  	[sflag:s13] =	ssyncset.done $0x0  }
0x22f: {  	s30 =	simm.s32 $0x0;
	[sflag:s13] =	ssyncadd.s32 $0xFFFFE000  }
0x230: {  	v1 =	vld [tilespmem:s30+$0x18400];
	_ =	sdelay $0x4  }
0x231: {  	s16 =	simm.s32 $0x1B470;
	v2 =	vshll.u32 v1, $0x10  }
0x232: {  	v1 =	vand.u32 $0xFFFF0000, v1;
	[tilespmem:s16+$0xFFFFFF90] =	vst v2  }
0x233: {  	[tilespmem:s16+$0xFFFFFFA0] =	vst v1  }
0x234: {  	v1 =	vld [tilespmem:s30+$0x18410];
	_ =	sdelay $0x4  }
0x235: {  	v2 =	vshll.u32 v1, $0x10  }
0x236: {  	v1 =	vand.u32 $0xFFFF0000, v1;
	[tilespmem:s16+$0xFFFFFFB0] =	vst v2  }
0x237: {  	[tilespmem:s16+$0xFFFFFFC0] =	vst v1  }
0x238: {  	v1 =	vld [tilespmem:s30+$0x18420];
	_ =	sdelay $0x4  }
0x239: {  	v2 =	vand.u32 $0xFFFF0000, v1  }
0x23a: {  	v1 =	vshll.u32 v1, $0x10;
	[tilespmem:s16+$0xFFFFFFE0] =	vst v2  }
0x23b: {  	[tilespmem:s16+$0xFFFFFFD0] =	vst v1  }
0x23c: {  	v1 =	vld [tilespmem:s30+$0x18430];
	_ =	sdelay $0x4  }
0x23d: {  	v2 =	vshll.u32 v1, $0x10  }
0x23e: {  	v1 =	vand.u32 $0xFFFF0000, v1;
	[tilespmem:s16+$0xFFFFFFF0] =	vst v2  }
0x23f: {  	s17 =	simm.s32 $0x40;
	[tilespmem:s16+$0x0] =	vst v1  }
0x240: {  	v1 =	vld [tilespmem:s17+$0x18400]  }
0x241: {  	s18 =	simm.s32 $0x200  }
.LBB2_22:
0x242: {  	p5 =	sne.s32 s18, $0x3F00;
	_ =	sdelay $0x2  }
0x243: {  	s16 =	sadd.s32 $0x80, s16;
	v2 =	vshll.u32 v1, $0x10  }
0x244: {  	v1 =	vand.u32 $0xFFFF0000, v1;
	[tilespmem:s16+$0xFFFFFF90] =	vst v2  }
0x245: {  	[tilespmem:s16+$0xFFFFFFA0] =	vst v1  }
0x246: {  	v1 =	vld [tilespmem:s17+$0x18410];
	_ =	sdelay $0x4  }
0x247: {  	v2 =	vshll.u32 v1, $0x10  }
0x248: {  	v1 =	vand.u32 $0xFFFF0000, v1;
	[tilespmem:s16+$0xFFFFFFB0] =	vst v2  }
0x249: {  	[tilespmem:s16+$0xFFFFFFC0] =	vst v1  }
0x24a: {  	v1 =	vld [tilespmem:s17+$0x18420];
	_ =	sdelay $0x4  }
0x24b: {  	v2 =	vshll.u32 v1, $0x10;
	v1 =	vand.u32 $0xFFFF0000, v1  }
0x24c: {  	[tilespmem:s16+$0xFFFFFFE0] =	vst v1  }
0x24d: {  	[tilespmem:s16+$0xFFFFFFD0] =	vst v2  }
0x24e: {  	v1 =	vld [tilespmem:s17+$0x18430];
	_ =	sdelay $0x4  }
.Ltmp12:
0x24f: {  	v2 =	vshll.u32 v1, $0x10;
	v1 =	vand.u32 $0xFFFF0000, v1;
	(pc) =	sbr.rel @p5 .LBB2_22-.Ltmp12, $4  }
0x250: {  	[tilespmem:s16+$0xFFFFFFF0] =	vst v2  }
0x251: {  	s17 =	sshra.s32 s18, $0x2;
	[tilespmem:s16+$0x0] =	vst v1  }
0x252: {  	v1 =	vld [tilespmem:s17+$0x18400]  }
0x253: {  	s18 =	sadd.s32 $0x100, s18  }
0x254: {  	_ =	sdelay $0x2  }
0x255: {  	s16 =	sadd.s32 $0x80, s16;
	v2 =	vshll.u32 v1, $0x10  }
0x256: {  	v1 =	vand.u32 $0xFFFF0000, v1;
	[tilespmem:s16+$0xFFFFFF90] =	vst v2  }
0x257: {  	[tilespmem:s16+$0xFFFFFFA0] =	vst v1  }
0x258: {  	v1 =	vld [tilespmem:s17+$0x18410];
	_ =	sdelay $0x4  }
0x259: {  	v2 =	vshll.u32 v1, $0x10  }
0x25a: {  	v1 =	vand.u32 $0xFFFF0000, v1;
	[tilespmem:s16+$0xFFFFFFB0] =	vst v2  }
0x25b: {  	[tilespmem:s16+$0xFFFFFFC0] =	vst v1  }
0x25c: {  	v1 =	vld [tilespmem:s17+$0x18420];
	_ =	sdelay $0x4  }
0x25d: {  	v2 =	vand.u32 $0xFFFF0000, v1  }
0x25e: {  	v1 =	vshll.u32 v1, $0x10;
	[tilespmem:s16+$0xFFFFFFE0] =	vst v2  }
0x25f: {  	[tilespmem:s16+$0xFFFFFFD0] =	vst v1  }
0x260: {  	v1 =	vld [tilespmem:s17+$0x18430];
	_ =	sdelay $0x3  }
.Ltmp13:
0x261: {  	_ = 	snop;
	(pc) =	sbr.rel @p4 .LBB2_25-.Ltmp13, $4  }
0x262: {  	v2 =	vshll.u32 v1, $0x10  }
0x263: {  	v1 =	vand.u32 $0xFFFF0000, v1;
	[tilespmem:s16+$0xFFFFFFF0] =	vst v2  }
0x264: {  	s30 =	sadd.s32 $0x14AC0, s15;
	[tilespmem:s16+$0x0] =	vst v1  }
0x265: {  	[spmem:s2] =	stream.indirect.scatter.add.f32 [tilespmem:s10], [sflag:$0x4], $0x80, s30, s9, $0xb8;
	[tilespmem:$0x1D400] =	vst v63  }
.Ltmp14:
0x266: {  	(pc) =	sbr.rel .LBB2_15-.Ltmp14, $3  }
0x267: {  	_ =	sdelay $0x1  }
0x268: {  	s15 =	sadd.s32 $0x14180, s15;
	s14 =	sadd.s32 $0x1, s14  }
0x269: {  	[tilespmem:s7], [sflag:$0x2] =	stream.indirect.gather [hbm4b:s4+s31], $0x40, s15, s31, $0xb8;
	[tilespmem:$0x1D400] =	vst v63  }
.LBB2_26:
0x26a: {  	_ =	sfence.sel $0x180000  }
0x26b: {  	[bflag:$0x0] =	sbarrier.arrive $0xFFFF  }
0x26c: {  	_ =	strace $0x90000047  }
0x26d: {  	[bflag:$0x2] =	sbarrier.arrive $0xFFFF  }
0x26e: {  	p0 =	sne.s32 s1, $0x0;
	s0 =	rddreg [dreg:$0x3]  }
0x26f: {  	s0 =	sadd.s32 @!p0 $0x100000, s0  }
0x270: {  	[sflag:s0] =	ssyncadd.tile.s32 @!p0 $0x1;
	_ =	shalt  }
.Lfunc_end2:
_tile_overlayer_lowered:
.L_overlay_start_2:
0x271: {  	(tag) =	ssettag $0x2  }
0x272: {  	s0 =	rddreg [dreg:$0x0];
	s2 =	stileid.u32  }
0x273: {  	s1 =	rddreg [dreg:$0x1];
	p0 =	sne.s32 s2, $0x0  }
0x274: {  	s3 =	rddreg [dreg:$0x2];
	[bflag:$0x3] =	sbarrier.arrive $0xFFFF;
	s2 =	simm.s32 @!p0 $0x1C05  }
0x275: {  	[timem:s3], [sflag:s2] =	dma.local @!p0 [hbm:s0], s1  }
0x276: {  	s0 =	simm.s32 @!p0 $0x5  }
0x277: {  	_ =	swait.ge @!p0 [sflag:s0], s1  }
0x278: {  	s1 =	ssub.s32 @!p0 $0x0, s1;
	[sflag:s0] =	ssyncset.done @!p0 $0x0  }
0x279: {  	[sflag:s0] =	ssyncadd.s32 @!p0 s1  }
0x27a: {  	[bflag:$0x3] =	sbarrier.arrive $0xFFFF  }
0x27b: {  	_ =	shalt  }

// kernel: kernel.14.cloned.1.call-start
scs
__scs_entry_jumppad:
0x0: {  	(pc) =	sbr.rel $0x88, $3  }
0x1: {  	(tag) =	ssettag $0x0;
	lr =	simm.s32 $0x1  }
0x2: {  	[smem:$0x3F98] =	sst lr;
	_ =	strace $0xD0000000  }
0x3: {  	_ = 	snop  }
0x4: {  	_ = 	snop  }
0x5: {  	_ = 	snop  }
0x6: {  	_ = 	snop  }
0x7: {  	_ = 	snop  }
__scs_overlays_trampoline_lowered:
0x8: {  	[smem:$0x3FA7] =	sst s0  }
0x9: {  	[smem:$0x3FA8] =	sst s1  }
0xa: {  	[smem:$0x3FA9] =	sst s2  }
0xb: {  	[smem:$0x3FAA] =	sst s3  }
0xc: {  	[smem:$0x3FAB] =	sst s4  }
0xd: {  	[smem:$0x3FAC] =	sst s5  }
0xe: {  	[smem:$0x3FAD] =	sst s6  }
0xf: {  	[smem:$0x3FAE] =	sst s7  }
0x10: {  	[smem:$0x3FAF] =	sst s8  }
0x11: {  	[smem:$0x3FB0] =	sst s9;
	s0 =	simm.s32 @!p0 $0x0  }
0x12: {  	s1 =	sld [smem:$0x3F96];
	s0 =	simm.s32 @p0 $0x1  }
0x13: {  	[smem:$0x3FB1] =	sst s0;
	s0 =	simm.s32 @!p1 $0x0  }
0x14: {  	s2 =	sld [smem:$0x3F95];
	s0 =	simm.s32 @p1 $0x1  }
0x15: {  	[smem:$0x3FB2] =	sst s0;
	s0 =	simm.s32 @!p2 $0x0  }
0x16: {  	s3 =	sld [smem:$0x3FDB];
	s0 =	simm.s32 @p2 $0x1  }
0x17: {  	s4 =	simm.s32 $0x1BF5;
	[smem:$0x3FB4] =	sst s0  }
0x18: {  	s0 =	sld [smem:$0x3F97];
	_ =	swait.ge [sflag:s4], $0x0  }
0x19: {  	s7 =	sld [smem:$0x3F98]  }
0x1a: {  	s8 =	sadd.s32 $0xFFFFE003, lr  }
0x1b: {  	s9 =	sadd.s32 $0xFFFFFEF7, lr;
	s5 =	simm.s32 $0xFFFFFFFF;
	p2 =	slt.u32 s8, $0xFFFFF086  }
0x1c: {  	p1 =	slt.u32 s9, $0xF7A;
	s5 =	simm.s32 @!p2 $0x0  }
0x1d: {  	s5 =	simm.s32 @p1 $0x1;
	p0 =	seq.s32 s7, s2  }
0x1e: {  	s7 =	smul.u32 @!p0 $0xF7A, s2;
	p2 =	seq.s32 @!p0 s5, $0x0  }
0x1f: {  	s9 =	smul.u32 $0xF7A, s1;
	s8 =	simm.s32 @!p0 $0x1BF5;
	p2 =	por !p2, p0  }
0x20: {  	[sflag:s8] =	ssyncset.s32 @!p0 $0xFFFFF086;
	s6 =	sadd.s32 @!p0 s3, s7;
	s7 =	simm.s32 @!p0 $0x108  }
0x21: {  	s3 =	sadd.s32 s3, s9;
	s6 =	sadd.s32 @!p0 $0x88, s6;
	s7 =	simm.s32 @p2 $0x1082  }
0x22: {  	[simem:s7], [sflag:s8] =	dma.local @!p0 [hbm:s6], $0xF7A  }
0x23: {  	s9 =	sor.u32 $0xD0000000, s2;
	s6 =	simm.s32 $0x108;
	_ =	swait.ge @!p0 [sflag:s8], $0x0  }
0x24: {  	s3 =	sadd.s32 $0x88, s3;
	s6 =	simm.s32 @!p1 $0x1082;
	[sflag:s4] =	ssyncset.s32 $0xFFFFF086  }
0x25: {  	[simem:s6], [sflag:s4] =	dma.local [hbm:s3], $0xF7A  }
0x26: {  	[smem:$0x3F98] =	sst s1;
	(tag) =	ssettag s2;
	_ =	strace s9  }
0x27: {  	s1 =	sld [smem:$0x3FA8]  }
0x28: {  	s2 =	sld [smem:$0x3FA9]  }
0x29: {  	s4 =	sld [smem:$0x3FAB]  }
0x2a: {  	p0 =	seq.s32 s5, $0x0;
	s5 =	sld [smem:$0x3FAC]  }
0x2b: {  	s6 =	sld [smem:$0x3FAD]  }
0x2c: {  	s7 =	sld [smem:$0x3FAE]  }
0x2d: {  	s3 =	simm.s32 $0x108;
	s8 =	sld [smem:$0x3FAF]  }
0x2e: {  	s3 =	simm.s32 @!p0 $0x1082;
	s9 =	sld [smem:$0x3FB0]  }
0x2f: {  	lr =	sadd.s32 s0, s3;
	s0 =	sld [smem:$0x3FA7]  }
0x30: {  	s3 =	sld [smem:$0x3FAA]  }
0x31: {  	[smem:$0x3FB3] =	sst s10  }
0x32: {  	s10 =	sld [smem:$0x3FB1];
	_ =	sdelay $0x3  }
0x33: {  	p0 =	seq.s32 s10, $0x1;
	s10 =	sld [smem:$0x3FB3];
	_ =	sdelay $0x3  }
0x34: {  	[smem:$0x3FB3] =	sst s10  }
0x35: {  	s10 =	sld [smem:$0x3FB2];
	_ =	sdelay $0x3  }
0x36: {  	p1 =	seq.s32 s10, $0x1;
	s10 =	sld [smem:$0x3FB3];
	_ =	sdelay $0x3  }
0x37: {  	[smem:$0x3FB3] =	sst s10  }
0x38: {  	s10 =	sld [smem:$0x3FB4]  }
0x39: {  	_ = 	snop;
	(pc) =	sbr.ind lr, $3  }
0x3a: {  	_ = 	snop  }
0x3b: {  	_ = 	snop  }
0x3c: {  	p2 =	seq.s32 s10, $0x1;
	s10 =	sld [smem:$0x3FB3]  }
0x3d: {  	_ =	shalt  }
0x3e: {  	_ =	shalt  }
0x3f: {  	_ =	shalt  }
0x40: {  	_ =	shalt  }
0x41: {  	_ =	shalt  }
0x42: {  	_ =	shalt  }
0x43: {  	_ =	shalt  }
0x44: {  	_ =	shalt  }
0x45: {  	_ =	shalt  }
0x46: {  	_ =	shalt  }
0x47: {  	_ =	shalt  }
0x48: {  	_ =	shalt  }
0x49: {  	_ =	shalt  }
0x4a: {  	_ =	shalt  }
0x4b: {  	_ =	shalt  }
0x4c: {  	_ =	shalt  }
0x4d: {  	_ =	shalt  }
0x4e: {  	_ =	shalt  }
0x4f: {  	_ =	shalt  }
0x50: {  	_ =	shalt  }
0x51: {  	_ =	shalt  }
0x52: {  	_ =	shalt  }
0x53: {  	_ =	shalt  }
0x54: {  	_ =	shalt  }
0x55: {  	_ =	shalt  }
0x56: {  	_ =	shalt  }
0x57: {  	_ =	shalt  }
0x58: {  	_ =	shalt  }
0x59: {  	_ =	shalt  }
0x5a: {  	_ =	shalt  }
0x5b: {  	_ =	shalt  }
0x5c: {  	_ =	shalt  }
0x5d: {  	_ =	shalt  }
0x5e: {  	_ =	shalt  }
0x5f: {  	_ =	shalt  }
0x60: {  	_ =	shalt  }
0x61: {  	_ =	shalt  }
0x62: {  	_ =	shalt  }
0x63: {  	_ =	shalt  }
0x64: {  	_ =	shalt  }
0x65: {  	_ =	shalt  }
0x66: {  	_ =	shalt  }
0x67: {  	_ =	shalt  }
0x68: {  	_ =	shalt  }
0x69: {  	_ =	shalt  }
0x6a: {  	_ =	shalt  }
0x6b: {  	_ =	shalt  }
0x6c: {  	_ =	shalt  }
0x6d: {  	_ =	shalt  }
0x6e: {  	_ =	shalt  }
0x6f: {  	_ =	shalt  }
0x70: {  	_ =	shalt  }
0x71: {  	_ =	shalt  }
0x72: {  	_ =	shalt  }
0x73: {  	_ =	shalt  }
0x74: {  	_ =	shalt  }
0x75: {  	_ =	shalt  }
0x76: {  	_ =	shalt  }
0x77: {  	_ =	shalt  }
0x78: {  	_ =	shalt  }
0x79: {  	_ =	shalt  }
0x7a: {  	_ =	shalt  }
0x7b: {  	_ =	shalt  }
0x7c: {  	_ =	shalt  }
0x7d: {  	_ =	shalt  }
0x7e: {  	_ =	shalt  }
0x7f: {  	_ =	shalt  }
0x80: {  	_ =	shalt  }
0x81: {  	_ =	shalt  }
0x82: {  	_ =	shalt  }
0x83: {  	_ =	shalt  }
0x84: {  	_ =	shalt  }
0x85: {  	_ =	shalt  }
0x86: {  	_ =	shalt  }
0x87: {  	_ =	shalt  }
.Lfunc_end0:
.L_simem_size_0:
called_computation.1_lowered:
.L_overlay_start_0:
0x88: {  	s2 =	sld [smem:$0x3FD9]  }
0x89: {  	s3 =	sld [smem:$0x3FFE];
	_ =	sdelay $0x1  }
0x8a: {  	s1 =	srdreg.scid  }
0x8b: {  	s0 =	sand.u32 $0x1, s1  }
0x8c: {  	s17 =	sshll.u32 s0, $0xA;
	s2 =	sadd.s32 s3, s2  }
0x8d: {  	s2 =	sadd.s32 s2, s17  }
0x8e: {  	[smem:$0x3FBF] =	sst s2  }
0x8f: {  	_ = 	snop  }
0x90: {  	s2 =	sld [smem:$0x3FD0];
	(tm) =	ssettm $0x1  }
0x91: {  	s18 =	sld [smem:$0x3FFB];
	_ =	sdelay $0x3  }
0x92: {  	_ =	strace s18  }
0x93: {  	s3 =	sld [smem:$0x3FFC];
	_ =	sdelay $0x3  }
0x94: {  	_ =	strace s3  }
0x95: {  	s3 =	sld [smem:$0x3FFD];
	_ =	sdelay $0x3  }
0x96: {  	_ =	strace s3  }
0x97: {  	_ =	strace $0x8FFFFFFF  }
0x98: {  	s19 =	sld [smem:$0x3FDB];
	_ =	sdelay $0x1  }
0x99: {  	s4 =	simm.s32 $_scs_section_size  }
0x9a: {  	s5 =	simm.s32 $_size__tile_overlayer_lowered;
	s6 =	simm.s32 $_tile_overlayer_lowered  }
0x9b: {  	s22 =	simm.s32 $0x1BFF;
	s21 =	sshll.u32 s6, $0x1;
	s3 =	sadd.s32 s4, s19  }
0x9c: {  	s7 =	simm.s32 $0x0;
	s20 =	sshll.u32 s5, $0x1;
	s5 =	sadd.s32 s21, s3  }
0x9d: {  	[timem:s7], [sflag:s22] =	dma.local [hbm:s5], s20  }
0x9e: {  	_ =	swait.ge [sflag:s22], s20  }
0x9f: {  	s4 =	ssub.s32 $0x0, s20;
	[sflag:s22] =	ssyncset.done $0x0  }
0xa0: {  	[sflag:s22] =	ssyncadd.s32 s4;
	_ =	sdelay $0x1  }
0xa1: {  	s23 =	simm.s32 $0x1B8B  }
0xa2: {  	_ =	swait.ge [sflag:s23], $0x1  }
0xa3: {  	[sflag:s23] =	ssyncset.done $0x0  }
0xa4: {  	s25 =	simm.s32 $0x1B8E;
	s24 =	sld [smem:$0x3FFE];
	[sflag:s23] =	ssyncadd.s32 $0xFFFFFFFF  }
0xa5: {  	s26 =	simm.s32 $execute0_lowered;
	[smem:$0x3FD2] =	sst s25  }
0xa6: {  	s5 =	sshll.u32 s26, $0x1;
	_ =	strace $0x80000049;
	[dreg:$0x1] =	wrdreg $0xFFFFFFFF  }
0xa7: {  	s28 =	simm.s32 $_size_execute0_lowered;
	s3 =	sadd.s32 s3, s5;
	[dreg:$0x0] =	wrdreg $0x0  }
0xa8: {  	s5 =	sshll.u32 s28, $0x1;
	[dreg:$0x2] =	wrdreg s3  }
0xa9: {  	[dreg:$0x3] =	wrdreg s5  }
0xaa: {  	[dreg:$0x4] =	wrdreg $0xC0  }
0xab: {  	_ =	task [dreg:s7], $0x5FFFF  }
0xac: {  	[dreg:$0x1] =	wrdreg $0xFFFFFFFF  }
0xad: {  	[dreg:$0x0] =	wrdreg $0x60  }
0xae: {  	[dreg:$0x2] =	wrdreg s24  }
0xaf: {  	[dreg:$0x3] =	wrdreg s2  }
0xb0: {  	[dreg:$0x4] =	wrdreg $0x0  }
0xb1: {  	[dreg:$0x5] =	wrdreg $0x9  }
0xb2: {  	_ =	task.clear_ibuf [dreg:s7], $0x6FFFF;
	_ =	strace $0x90000049  }
0xb3: {  	s29 =	simm.s32 $0x9;
	_ =	strace $0x8000004B  }
0xb4: {  	_ =	swait.ge [sflag:s29], $0x1  }
0xb5: {  	[sflag:s29] =	ssyncadd.s32 $0xFFFFFFFF  }
0xb6: {  	_ =	strace $0x9000004B  }
0xb7: {  	_ =	sfence  }
0xb8: {  	s30 =	sld [smem:$0x0];
	_ =	sdelay $0x2  }
0xb9: {  	s31 =	sshll.u32 s1, $0xD;
	s1 =	sshrl.u32 s1, $0x2  }
0xba: {  	s3 =	sand.u32 $0x4000, s31;
	s1 =	sadd.s32 s1, s30  }
0xbb: {  	s0 =	sor.u32 s3, s0;
	s1 =	sshll.u32 s1, $0x11  }
0xbc: {  	s0 =	sor.u32 s1, s0  }
0xbd: {  	s0 =	sadd.s32 $0x8F2B, s0  }
0xbe: {  	[sflag:s0] =	ssyncadd.remote.s32 $0x1  }
0xbf: {  	_ =	sfence.sel $0xFFFF  }
0xc0: {  	[dreg:$0x0] =	wrdreg $0xFFFFFFFF;
	(pc) =	sbr.abs _section_cstart, $3  }
0xc1: {  	[dreg:$0x1] =	wrdreg $0xFFFFFFFF  }
0xc2: {  	_ =	task.clear_ibuf [dreg:s7], $0x2FFFF;
	_ =	strace $0x9FFFFFFF  }
0xc3: {  	(tm) =	ssettm $0x7FFFFFFF  }
tec
execute0_lowered:
.L_overlay_start_1:
0x0: {  	(tag) =	ssettag $0x1  }
0x1: {  	s0 =	rddreg [dreg:$0x0]  }
0x2: {  	s6 =	rddreg [dreg:$0x1]  }
0x3: {  	s2 =	rddreg [dreg:$0x2];
	s3 =	simm.s32 $0x0  }
0x4: {  	s1 =	stileid.u32;
	s5 =	srdreg.scid;
	s28 =	simm.s32 $0x5  }
0x5: {  	s29 =	simm.s32 $0x14000;
	s31 =	simm.s32 $0x80;
	[smem:$0x7FF] =	sst s3  }
0x6: {  	s4 =	sadd.s32 $0xA8E00, s0;
	s7 =	smul.u32 $0x13800, s1;
	s8 =	sadd.s32 $0x2A00, s0  }
0x7: {  	s9 =	smul.u32 $0x50000, s1;
	s10 =	sadd.s32 $0x7A00, s0;
	s12 =	sand.u32 $0x1, s5  }
0x8: {  	_ =	strace $0x8000004A;
	s14 =	ssub.s32 $0x2, s12;
	s15 =	sshll.u32 s12, $0x4  }
0x9: {  	p3 =	seq.s32 s12, $0x1;
	s12 =	simm.s32 $0x3;
	s26 =	sshrl.u32 s9, $0x2  }
0xa: {  	s11 =	sshrl.u32 s7, $0x3;
	s30 =	sshrl.u32 s14, $0x1;
	s5 =	sadd.s32 s26, s2  }
0xb: {  	s16 =	sor.u32 s1, s15;
	p1 =	seq.s32 @p3 s1, $0xF;
	s17 =	sadd.s32 $0x2000, s5  }
0xc: {  	p4 =	seq.s32 @!p3 s1, $0xF;
	s18 =	sadd.s32 $0x4000, s5;
	[dreg:$0x4] =	wrdreg s17  }
0xd: {  	s13 =	sadd.s32 s11, s0;
	s19 =	sadd.s32 $0x6000, s5;
	[dreg:$0x5] =	wrdreg s18  }
0xe: {  	s9 =	ssub.s32 s14, s30;
	s20 =	sadd.s32 $0x8000, s5;
	[dreg:$0x6] =	wrdreg s19  }
0xf: {  	s14 =	smul.u32 $0x280, s16;
	s21 =	sadd.s32 $0xA000, s5;
	[dreg:$0x7] =	wrdreg s20  }
0x10: {  	p0 =	por !p1, !p3;
	s22 =	sadd.s32 $0xC000, s5;
	[dreg:$0x8] =	wrdreg s21  }
0x11: {  	p1 =	por p1, !p3;
	s23 =	sadd.s32 $0xE000, s5;
	[dreg:$0x9] =	wrdreg s22  }
0x12: {  	p2 =	por !p4, p3;
	s24 =	sadd.s32 $0x10000, s5;
	[dreg:$0xa] =	wrdreg s23  }
0x13: {  	p3 =	por p4, p3;
	s30 =	sadd.s32 $0x12000, s5;
	[dreg:$0xb] =	wrdreg s24  }
0x14: {  	s25 =	sadd.s32 $0x140, s14;
	s16 =	sadd.s32 s8, s14;
	s14 =	sadd.s32 s10, s14  }
0x15: {  	[dreg:$0x10] =	wrdreg s30;
	s19 =	sadd.s32 s6, s11;
	s20 =	sadd.s32 s7, s2  }
0x16: {  	s21 =	sadd.s32 $0x24900, s6;
	s22 =	sadd.s32 $0x124800, s2;
	s23 =	sadd.s32 $0xCA00, s13  }
0x17: {  	s24 =	sadd.s32 $0x31300, s0;
	s0 =	simm.s32 $0x15400;
	s6 =	simm.s32 $0x14080  }
.Ltmp0:
0x18: {  	s7 =	simm.s32 $0x17400;
	[dreg:$0xc] =	wrdreg s16;
	(pc) =	sbr.rel .LBB2_1-.Ltmp0, $4  }
0x19: {  	s11 =	simm.s32 $0x2;
	s13 =	simm.s32 $0x4;
	[dreg:$0xd] =	wrdreg s14  }
0x1a: {  	s8 =	sadd.s32 s8, s25;
	s26 =	sadd.s32 s10, s25;
	s25 =	smax.u32 s9, $0x1  }
0x1b: {  	s9 =	simm.s32 $0x40;
	s10 =	simm.s32 $0x1B400;
	[dreg:$0xe] =	wrdreg s8  }
0x1c: {  	v0 =	vimm.f32 $0.0e+00;
	[dreg:$0xf] =	wrdreg s26;
	s26 =	simm.s32 $0x19400;
	s8 =	simm.s32 $0x1  }
.LBB2_25:
0x1d: {  	_ =	swait.ge [sflag:s12], $0x2000  }
0x1e: {  	[sflag:s12] =	ssyncset.done $0x0  }
0x1f: {  	[sflag:s12] =	ssyncadd.s32 $0xFFFFE000  }
0x20: {  	_ =	swait.ge [sflag:s13], $0x2000  }
0x21: {  	[sflag:s13] =	ssyncset.done $0x0  }
0x22: {  	[sflag:s13] =	ssyncadd.s32 $0xFFFFE000  }
0x23: {  	s14 =	sshrl.u32 @!p0 s22, $0x3;
	s15 =	simm.s32 @!p0 $0x1FC5;
	[bflag:$0x0] =	sbarrier.arrive $0xFFFF  }
0x24: {  	[hbm:s24], [sflag:s15] =	dma.local @!p0 [spmem:s14], $0x2800  }
0x25: {  	s14 =	simm.s32 @!p0 $0x5  }
0x26: {  	_ =	swait.ge @!p0 [sflag:s14], $0x2800  }
0x27: {  	s15 =	sshll.u32 @!p1 s1, $0x6;
	[sflag:s14] =	ssyncset.done @!p0 $0x0  }
0x28: {  	[sflag:s14] =	ssyncadd.s32 @!p0 $0xFFFFD800;
	s14 =	sor.u32 @!p1 $0x1C05, s15;
	s15 =	sshrl.u32 @!p1 s20, $0x3  }
0x29: {  	[hbm:s23], [sflag:s14] =	dma.local @!p1 [spmem:s15], $0x2700  }
0x2a: {  	s14 =	simm.s32 @!p1 $0x5  }
0x2b: {  	_ =	swait.ge @!p1 [sflag:s14], $0x2700  }
0x2c: {  	[sflag:s14] =	ssyncset.done @!p1 $0x0  }
0x2d: {  	s15 =	simm.s32 @!p2 $0x1FC5;
	[sflag:s14] =	ssyncadd.s32 @!p1 $0xFFFFD900;
	s14 =	sshrl.u32 @!p2 s22, $0x3  }
0x2e: {  	[hbm:s21], [sflag:s15] =	dma.local @!p2 [spmem:s14], $0x2800  }
0x2f: {  	s14 =	simm.s32 @!p2 $0x5  }
0x30: {  	s3 =	sadd.s32 $0x1, s3;
	_ =	swait.ge @!p2 [sflag:s14], $0x2800  }
0x31: {  	p4 =	sne.s32 s3, s25;
	s15 =	sshll.u32 @!p3 s1, $0x6;
	[sflag:s14] =	ssyncset.done @!p2 $0x0  }
0x32: {  	[sflag:s14] =	ssyncadd.s32 @!p2 $0xFFFFD800;
	s14 =	sor.u32 @!p3 $0x1C05, s15;
	s15 =	sshrl.u32 @!p3 s20, $0x3  }
0x33: {  	[hbm:s19], [sflag:s14] =	dma.local @!p3 [spmem:s15], $0x2700  }
.Ltmp1:
0x34: {  	_ = 	snop;
	(pc) =	sbr.rel @!p4 .LBB2_26-.Ltmp1, $4  }
0x35: {  	s14 =	simm.s32 @!p3 $0x5  }
0x36: {  	_ =	swait.ge @!p3 [sflag:s14], $0x2700  }
0x37: {  	[sflag:s14] =	ssyncset.done @!p3 $0x0  }
0x38: {  	[sflag:s14] =	ssyncadd.s32 @!p3 $0xFFFFD900  }
.LBB2_1:
0x39: {  	s14 =	simm.s32 $0x0;
	s15 =	simm.s32 $0x200  }
.LBB2_2:
0x3a: {  	p4 =	sne.s32 s15, $0x7E00;
	[tilespmem:s14+$0x19470] =	vst v0  }
0x3b: {  	[tilespmem:s14+$0x19400] =	vst v0  }
0x3c: {  	[tilespmem:s14+$0x19410] =	vst v0  }
.Ltmp2:
0x3d: {  	[tilespmem:s14+$0x19420] =	vst v0;
	(pc) =	sbr.rel @p4 .LBB2_2-.Ltmp2, $4  }
0x3e: {  	[tilespmem:s14+$0x19430] =	vst v0  }
0x3f: {  	[tilespmem:s14+$0x19440] =	vst v0  }
0x40: {  	[tilespmem:s14+$0x19450] =	vst v0  }
0x41: {  	[tilespmem:s14+$0x19460] =	vst v0;
	s14 =	sshra.s32 s15, $0x2;
	s15 =	sadd.s32 $0x200, s15  }
0x42: {  	[tilespmem:s14+$0x19470] =	vst v0  }
0x43: {  	[tilespmem:s14+$0x19400] =	vst v0  }
0x44: {  	[tilespmem:s14+$0x19410] =	vst v0  }
0x45: {  	[tilespmem:s14+$0x19420] =	vst v0  }
0x46: {  	[tilespmem:s14+$0x19430] =	vst v0  }
0x47: {  	[tilespmem:s14+$0x19440] =	vst v0  }
0x48: {  	[tilespmem:s14+$0x19450] =	vst v0  }
0x49: {  	[tilespmem:s14+$0x19460] =	vst v0  }
0x4a: {  	[spmem:s5] =	stream.linear.scatter [tilespmem:s26], [sflag:$0x5], $0x2000, $0x38;
	[tilespmem:$0x1D400] =	vst v63  }
0x4b: {  	_ =	swait.ge [sflag:s28], $0x2000  }
0x4c: {  	[sflag:s28] =	ssyncset.done $0x0  }
0x4d: {  	s15 =	rddreg [dreg:$0x4];
	[sflag:s28] =	ssyncadd.s32 $0xFFFFE000  }
0x4e: {  	[spmem:s15] =	stream.linear.scatter [tilespmem:s26], [sflag:$0x5], $0x2000, $0x38;
	[tilespmem:$0x1D400] =	vst v63  }
0x4f: {  	_ =	swait.ge [sflag:s28], $0x2000  }
0x50: {  	[sflag:s28] =	ssyncset.done $0x0  }
0x51: {  	s16 =	rddreg [dreg:$0x5];
	[sflag:s28] =	ssyncadd.s32 $0xFFFFE000  }
0x52: {  	[spmem:s16] =	stream.linear.scatter [tilespmem:s26], [sflag:$0x5], $0x2000, $0x38;
	[tilespmem:$0x1D400] =	vst v63  }
0x53: {  	_ =	swait.ge [sflag:s28], $0x2000  }
0x54: {  	[sflag:s28] =	ssyncset.done $0x0  }
0x55: {  	s17 =	rddreg [dreg:$0x6];
	[sflag:s28] =	ssyncadd.s32 $0xFFFFE000  }
0x56: {  	[spmem:s17] =	stream.linear.scatter [tilespmem:s26], [sflag:$0x5], $0x2000, $0x38;
	[tilespmem:$0x1D400] =	vst v63  }
0x57: {  	_ =	swait.ge [sflag:s28], $0x2000  }
0x58: {  	[sflag:s28] =	ssyncset.done $0x0  }
0x59: {  	s18 =	rddreg [dreg:$0x7];
	[sflag:s28] =	ssyncadd.s32 $0xFFFFE000  }
0x5a: {  	[spmem:s18] =	stream.linear.scatter [tilespmem:s26], [sflag:$0x5], $0x2000, $0x38;
	[tilespmem:$0x1D400] =	vst v63  }
0x5b: {  	_ =	swait.ge [sflag:s28], $0x2000  }
0x5c: {  	[sflag:s28] =	ssyncset.done $0x0  }
0x5d: {  	s30 =	rddreg [dreg:$0x8];
	[sflag:s28] =	ssyncadd.s32 $0xFFFFE000  }
0x5e: {  	[spmem:s30] =	stream.linear.scatter [tilespmem:s26], [sflag:$0x5], $0x2000, $0x38;
	[tilespmem:$0x1D400] =	vst v63  }
0x5f: {  	_ =	swait.ge [sflag:s28], $0x2000  }
0x60: {  	[sflag:s28] =	ssyncset.done $0x0  }
0x61: {  	s15 =	rddreg [dreg:$0x9];
	[sflag:s28] =	ssyncadd.s32 $0xFFFFE000  }
0x62: {  	[spmem:s15] =	stream.linear.scatter [tilespmem:s26], [sflag:$0x5], $0x2000, $0x38;
	[tilespmem:$0x1D400] =	vst v63  }
0x63: {  	_ =	swait.ge [sflag:s28], $0x2000  }
0x64: {  	[sflag:s28] =	ssyncset.done $0x0  }
0x65: {  	s16 =	rddreg [dreg:$0xa];
	[sflag:s28] =	ssyncadd.s32 $0xFFFFE000  }
0x66: {  	[spmem:s16] =	stream.linear.scatter [tilespmem:s26], [sflag:$0x5], $0x2000, $0x38;
	[tilespmem:$0x1D400] =	vst v63  }
0x67: {  	_ =	swait.ge [sflag:s28], $0x2000  }
0x68: {  	[sflag:s28] =	ssyncset.done $0x0  }
0x69: {  	s17 =	rddreg [dreg:$0xb];
	[sflag:s28] =	ssyncadd.s32 $0xFFFFE000  }
0x6a: {  	[spmem:s17] =	stream.linear.scatter [tilespmem:s26], [sflag:$0x5], $0x2000, $0x38;
	[tilespmem:$0x1D400] =	vst v63  }
0x6b: {  	_ =	swait.ge [sflag:s28], $0x2000  }
0x6c: {  	[sflag:s28] =	ssyncset.done $0x0  }
0x6d: {  	s18 =	rddreg [dreg:$0x10];
	[sflag:s28] =	ssyncadd.s32 $0xFFFFE000  }
0x6e: {  	[spmem:s18] =	stream.linear.scatter [tilespmem:s26], [sflag:$0x5], $0x2000, $0x38;
	[tilespmem:$0x1D400] =	vst v63  }
0x6f: {  	_ =	swait.ge [sflag:s28], $0x2000  }
0x70: {  	[sflag:s28] =	ssyncset.done $0x0  }
0x71: {  	[sflag:s28] =	ssyncadd.s32 $0xFFFFE000  }
0x72: {  	[bflag:$0x0] =	sbarrier.arrive $0xFFFF  }
0x73: {  	s14 =	simm.s32 $0x0;
	s15 =	rddreg [dreg:$0xc]  }
0x74: {  	[tilespmem:s29], [sflag:$0x5] =	stream.linear.gather [hbm4b:s15+s14], $0xA00, $0x38;
	[tilespmem:$0x1D400] =	vst v63  }
0x75: {  	_ =	swait.ge [sflag:s28], $0xA00  }
0x76: {  	[sflag:s28] =	ssyncset.done $0x0  }
0x77: {  	s16 =	simm.s32 $0x14A00;
	s30 =	rddreg [dreg:$0xd];
	[sflag:s28] =	ssyncadd.s32 $0xFFFFF600  }
0x78: {  	[tilespmem:s16], [sflag:$0x5] =	stream.linear.gather [hbm4b:s30+s14], $0xA00, $0x38;
	[tilespmem:$0x1D400] =	vst v63  }
0x79: {  	_ =	swait.ge [sflag:s28], $0xA00  }
0x7a: {  	[sflag:s28] =	ssyncset.done $0x0  }
0x7b: {  	[sflag:s28] =	ssyncadd.s32 $0xFFFFF600  }
0x7c: {  	[tilespmem:s0], [sflag:$0x1] =	stream.indirect.gather [hbm4b:s4+s31], $0x40, s29, s31, $0xb8;
	[tilespmem:$0x1D400] =	vst v63  }
0x7d: {  	_ = 	snop  }
0x7e: {  	[tilespmem:s7], [sflag:$0x2] =	stream.indirect.gather [hbm4b:s4+s31], $0x40, s6, s31, $0xb8;
	[tilespmem:$0x1D400] =	vst v63  }
.LBB2_4:
0x7f: {  	_ =	swait.ge [sflag:s8], $0x2000  }
0x80: {  	p4 =	seq.s32 s14, $0x0;
	[sflag:s8] =	ssyncset.done $0x0  }
0x81: {  	s15 =	simm.s32 @!p4 $0x3;
	[sflag:s8] =	ssyncadd.s32 $0xFFFFE000  }
0x82: {  	_ =	swait.ge @!p4 [sflag:s15], $0x2000  }
0x83: {  	[sflag:s15] =	ssyncset.done @!p4 $0x0  }
0x84: {  	s16 =	simm.s32 $0x0;
	[sflag:s15] =	ssyncadd.s32 @!p4 $0xFFFFE000  }
0x85: {  	v1 =	vld [tilespmem:s16+$0x15400];
	_ =	sdelay $0x4  }
0x86: {  	s15 =	simm.s32 $0x19440;
	v2 =	vshll.u32 v1, $0x10  }
0x87: {  	v1 =	vand.u32 $0xFFFF0000, v1;
	[tilespmem:s15+$0xFFFFFFC0] =	vst v2  }
0x88: {  	[tilespmem:s15+$0xFFFFFFD0] =	vst v1  }
0x89: {  	v1 =	vld [tilespmem:s16+$0x15410];
	_ =	sdelay $0x4  }
0x8a: {  	v2 =	vshll.u32 v1, $0x10  }
0x8b: {  	v1 =	vand.u32 $0xFFFF0000, v1;
	[tilespmem:s15+$0xFFFFFFE0] =	vst v2  }
0x8c: {  	[tilespmem:s15+$0xFFFFFFF0] =	vst v1  }
0x8d: {  	v1 =	vld [tilespmem:s16+$0x15420];
	_ =	sdelay $0x4  }
0x8e: {  	v2 =	vand.u32 $0xFFFF0000, v1  }
0x8f: {  	v1 =	vshll.u32 v1, $0x10;
	[tilespmem:s15+$0x10] =	vst v2  }
0x90: {  	[tilespmem:s15+$0x0] =	vst v1  }
0x91: {  	v1 =	vld [tilespmem:s16+$0x15430];
	_ =	sdelay $0x4  }
0x92: {  	v2 =	vshll.u32 v1, $0x10  }
0x93: {  	v1 =	vand.u32 $0xFFFF0000, v1;
	[tilespmem:s15+$0x20] =	vst v2  }
0x94: {  	s17 =	simm.s32 $0x40;
	[tilespmem:s15+$0x30] =	vst v1  }
0x95: {  	v1 =	vld [tilespmem:s17+$0x15400]  }
0x96: {  	s18 =	simm.s32 $0x200;
	s16 =	sshll.u32 s14, $0xA  }
.LBB2_5:
0x97: {  	p5 =	sne.s32 s18, $0x3F00;
	_ =	sdelay $0x2  }
0x98: {  	s15 =	sadd.s32 $0x80, s15;
	v2 =	vshll.u32 v1, $0x10  }
0x99: {  	v1 =	vand.u32 $0xFFFF0000, v1;
	[tilespmem:s15+$0xFFFFFFC0] =	vst v2  }
0x9a: {  	[tilespmem:s15+$0xFFFFFFD0] =	vst v1  }
0x9b: {  	v1 =	vld [tilespmem:s17+$0x15410];
	_ =	sdelay $0x4  }
0x9c: {  	v2 =	vshll.u32 v1, $0x10  }
0x9d: {  	v1 =	vand.u32 $0xFFFF0000, v1;
	[tilespmem:s15+$0xFFFFFFE0] =	vst v2  }
0x9e: {  	[tilespmem:s15+$0xFFFFFFF0] =	vst v1  }
0x9f: {  	v1 =	vld [tilespmem:s17+$0x15420];
	_ =	sdelay $0x4  }
0xa0: {  	v2 =	vshll.u32 v1, $0x10;
	v1 =	vand.u32 $0xFFFF0000, v1  }
0xa1: {  	[tilespmem:s15+$0x10] =	vst v1  }
0xa2: {  	[tilespmem:s15+$0x0] =	vst v2  }
0xa3: {  	v1 =	vld [tilespmem:s17+$0x15430];
	_ =	sdelay $0x4  }
.Ltmp3:
0xa4: {  	v2 =	vshll.u32 v1, $0x10;
	v1 =	vand.u32 $0xFFFF0000, v1;
	(pc) =	sbr.rel @p5 .LBB2_5-.Ltmp3, $4  }
0xa5: {  	[tilespmem:s15+$0x20] =	vst v2  }
0xa6: {  	s17 =	sshra.s32 s18, $0x2;
	[tilespmem:s15+$0x30] =	vst v1  }
0xa7: {  	v1 =	vld [tilespmem:s17+$0x15400]  }
0xa8: {  	s18 =	sadd.s32 $0x100, s18  }
0xa9: {  	_ =	sdelay $0x2  }
0xaa: {  	s18 =	sadd.s32 $0x80, s15;
	v2 =	vshll.u32 v1, $0x10  }
0xab: {  	v1 =	vand.u32 $0xFFFF0000, v1;
	[tilespmem:s18+$0xFFFFFFC0] =	vst v2  }
0xac: {  	[tilespmem:s18+$0xFFFFFFD0] =	vst v1  }
0xad: {  	v1 =	vld [tilespmem:s17+$0x15410];
	_ =	sdelay $0x4  }
0xae: {  	v2 =	vshll.u32 v1, $0x10  }
0xaf: {  	v1 =	vand.u32 $0xFFFF0000, v1;
	[tilespmem:s18+$0xFFFFFFE0] =	vst v2  }
0xb0: {  	[tilespmem:s18+$0xFFFFFFF0] =	vst v1  }
0xb1: {  	v1 =	vld [tilespmem:s17+$0x15420];
	_ =	sdelay $0x4  }
0xb2: {  	v2 =	vand.u32 $0xFFFF0000, v1  }
0xb3: {  	v1 =	vshll.u32 v1, $0x10;
	[tilespmem:s18+$0x10] =	vst v2  }
0xb4: {  	[tilespmem:s18+$0x0] =	vst v1  }
0xb5: {  	v1 =	vld [tilespmem:s17+$0x15430];
	_ =	sdelay $0x4  }
0xb6: {  	v2 =	vshll.u32 v1, $0x10  }
0xb7: {  	s15 =	sshrl.u32 s16, $0x2;
	v1 =	vand.u32 $0xFFFF0000, v1;
	[tilespmem:s18+$0x20] =	vst v2  }
0xb8: {  	s17 =	simm.s32 @!p4 $0x4;
	[tilespmem:s18+$0x30] =	vst v1;
	s18 =	sadd.s32 $0x14A00, s15  }
0xb9: {  	[spmem:s2] =	stream.indirect.scatter.add.f32 [tilespmem:s26], [sflag:$0x3], $0x80, s18, s9, $0xb8;
	[tilespmem:$0x1D400] =	vst v63  }
0xba: {  	_ =	swait.ge @!p4 [sflag:s17], $0x2000  }
0xbb: {  	[sflag:s17] =	ssyncset.done @!p4 $0x0  }
0xbc: {  	s18 =	simm.s32 $0x0;
	[sflag:s17] =	ssyncadd.s32 @!p4 $0xFFFFE000  }
0xbd: {  	v1 =	vld [tilespmem:s18+$0x16400];
	_ =	sdelay $0x4  }
0xbe: {  	s17 =	simm.s32 $0x1B470;
	v2 =	vshll.u32 v1, $0x10  }
0xbf: {  	v1 =	vand.u32 $0xFFFF0000, v1;
	[tilespmem:s17+$0xFFFFFF90] =	vst v2  }
0xc0: {  	[tilespmem:s17+$0xFFFFFFA0] =	vst v1  }
0xc1: {  	v1 =	vld [tilespmem:s18+$0x16410];
	_ =	sdelay $0x4  }
0xc2: {  	v2 =	vshll.u32 v1, $0x10  }
0xc3: {  	v1 =	vand.u32 $0xFFFF0000, v1;
	[tilespmem:s17+$0xFFFFFFB0] =	vst v2  }
0xc4: {  	[tilespmem:s17+$0xFFFFFFC0] =	vst v1  }
0xc5: {  	v1 =	vld [tilespmem:s18+$0x16420];
	_ =	sdelay $0x4  }
0xc6: {  	v2 =	vand.u32 $0xFFFF0000, v1  }
0xc7: {  	v1 =	vshll.u32 v1, $0x10;
	[tilespmem:s17+$0xFFFFFFE0] =	vst v2  }
0xc8: {  	[tilespmem:s17+$0xFFFFFFD0] =	vst v1  }
0xc9: {  	v1 =	vld [tilespmem:s18+$0x16430];
	_ =	sdelay $0x4  }
0xca: {  	v2 =	vshll.u32 v1, $0x10  }
0xcb: {  	v1 =	vand.u32 $0xFFFF0000, v1;
	[tilespmem:s17+$0xFFFFFFF0] =	vst v2  }
0xcc: {  	s18 =	simm.s32 $0x40;
	[tilespmem:s17+$0x0] =	vst v1  }
0xcd: {  	v1 =	vld [tilespmem:s18+$0x16400]  }
0xce: {  	s30 =	simm.s32 $0x200  }
.LBB2_7:
0xcf: {  	p4 =	sne.s32 s30, $0x3F00;
	_ =	sdelay $0x2  }
0xd0: {  	s17 =	sadd.s32 $0x80, s17;
	v2 =	vshll.u32 v1, $0x10  }
0xd1: {  	v1 =	vand.u32 $0xFFFF0000, v1;
	[tilespmem:s17+$0xFFFFFF90] =	vst v2  }
0xd2: {  	[tilespmem:s17+$0xFFFFFFA0] =	vst v1  }
0xd3: {  	v1 =	vld [tilespmem:s18+$0x16410];
	_ =	sdelay $0x4  }
0xd4: {  	v2 =	vshll.u32 v1, $0x10  }
0xd5: {  	v1 =	vand.u32 $0xFFFF0000, v1;
	[tilespmem:s17+$0xFFFFFFB0] =	vst v2  }
0xd6: {  	[tilespmem:s17+$0xFFFFFFC0] =	vst v1  }
0xd7: {  	v1 =	vld [tilespmem:s18+$0x16420];
	_ =	sdelay $0x4  }
0xd8: {  	v2 =	vshll.u32 v1, $0x10;
	v1 =	vand.u32 $0xFFFF0000, v1  }
0xd9: {  	[tilespmem:s17+$0xFFFFFFE0] =	vst v1  }
0xda: {  	[tilespmem:s17+$0xFFFFFFD0] =	vst v2  }
0xdb: {  	v1 =	vld [tilespmem:s18+$0x16430];
	_ =	sdelay $0x4  }
.Ltmp4:
0xdc: {  	v2 =	vshll.u32 v1, $0x10;
	v1 =	vand.u32 $0xFFFF0000, v1;
	(pc) =	sbr.rel @p4 .LBB2_7-.Ltmp4, $4  }
0xdd: {  	[tilespmem:s17+$0xFFFFFFF0] =	vst v2  }
0xde: {  	s18 =	sshra.s32 s30, $0x2;
	[tilespmem:s17+$0x0] =	vst v1  }
0xdf: {  	v1 =	vld [tilespmem:s18+$0x16400]  }
0xe0: {  	s30 =	sadd.s32 $0x100, s30  }
0xe1: {  	_ =	sdelay $0x2  }
0xe2: {  	s17 =	sadd.s32 $0x80, s17;
	v2 =	vshll.u32 v1, $0x10  }
0xe3: {  	v1 =	vand.u32 $0xFFFF0000, v1;
	[tilespmem:s17+$0xFFFFFF90] =	vst v2  }
0xe4: {  	[tilespmem:s17+$0xFFFFFFA0] =	vst v1  }
0xe5: {  	v1 =	vld [tilespmem:s18+$0x16410];
	_ =	sdelay $0x4  }
0xe6: {  	v2 =	vshll.u32 v1, $0x10  }
0xe7: {  	v1 =	vand.u32 $0xFFFF0000, v1;
	[tilespmem:s17+$0xFFFFFFB0] =	vst v2  }
0xe8: {  	[tilespmem:s17+$0xFFFFFFC0] =	vst v1  }
0xe9: {  	v1 =	vld [tilespmem:s18+$0x16420];
	_ =	sdelay $0x4  }
0xea: {  	v2 =	vand.u32 $0xFFFF0000, v1  }
0xeb: {  	v1 =	vshll.u32 v1, $0x10;
	[tilespmem:s17+$0xFFFFFFE0] =	vst v2  }
0xec: {  	[tilespmem:s17+$0xFFFFFFD0] =	vst v1  }
0xed: {  	v1 =	vld [tilespmem:s18+$0x16430];
	_ =	sdelay $0x4  }
0xee: {  	v2 =	vshll.u32 v1, $0x10  }
0xef: {  	p4 =	seq.s32 s14, $0x9;
	v1 =	vand.u32 $0xFFFF0000, v1;
	[tilespmem:s17+$0xFFFFFFF0] =	vst v2  }
0xf0: {  	s16 =	sshrl.u32 @!p4 s16, $0x2;
	s18 =	sadd.s32 $0x14A40, s15;
	[tilespmem:s17+$0x0] =	vst v1  }
0xf1: {  	[spmem:s2] =	stream.indirect.scatter.add.f32 [tilespmem:s10], [sflag:$0x4], $0x80, s18, s9, $0xb8;
	[tilespmem:$0x1D400] =	vst v63  }
0xf2: {  	s16 =	sadd.s32 @!p4 $0x14100, s16;
	s17 =	simm.s32 @!p4 $0x80;
	s18 =	simm.s32 @!p4 $0x15400  }
0xf3: {  	[tilespmem:s18], [sflag:$0x1] =	stream.indirect.gather @!p4 [hbm4b:s4+s17], $0x40, s16, s17, $0xb8;
	[tilespmem:$0x1D400] =	vst v63  }
0xf4: {  	_ =	swait.ge [sflag:s11], $0x2000  }
0xf5: {  	[sflag:s11] =	ssyncset.done $0x0  }
0xf6: {  	[sflag:s11] =	ssyncadd.s32 $0xFFFFE000  }
0xf7: {  	_ =	swait.ge [sflag:s12], $0x2000  }
0xf8: {  	[sflag:s12] =	ssyncset.done $0x0  }
0xf9: {  	s30 =	simm.s32 $0x0;
	[sflag:s12] =	ssyncadd.s32 $0xFFFFE000  }
0xfa: {  	v1 =	vld [tilespmem:s30+$0x17400];
	_ =	sdelay $0x4  }
0xfb: {  	s16 =	simm.s32 $0x19440;
	v2 =	vshll.u32 v1, $0x10  }
0xfc: {  	v1 =	vand.u32 $0xFFFF0000, v1;
	[tilespmem:s16+$0xFFFFFFC0] =	vst v2  }
0xfd: {  	[tilespmem:s16+$0xFFFFFFD0] =	vst v1  }
0xfe: {  	v1 =	vld [tilespmem:s30+$0x17410];
	_ =	sdelay $0x4  }
0xff: {  	v2 =	vshll.u32 v1, $0x10  }
0x100: {  	v1 =	vand.u32 $0xFFFF0000, v1;
	[tilespmem:s16+$0xFFFFFFE0] =	vst v2  }
0x101: {  	[tilespmem:s16+$0xFFFFFFF0] =	vst v1  }
0x102: {  	v1 =	vld [tilespmem:s30+$0x17420];
	_ =	sdelay $0x4  }
0x103: {  	v2 =	vand.u32 $0xFFFF0000, v1  }
0x104: {  	v1 =	vshll.u32 v1, $0x10;
	[tilespmem:s16+$0x10] =	vst v2  }
0x105: {  	[tilespmem:s16+$0x0] =	vst v1  }
0x106: {  	v1 =	vld [tilespmem:s30+$0x17430];
	_ =	sdelay $0x4  }
0x107: {  	v2 =	vshll.u32 v1, $0x10  }
0x108: {  	v1 =	vand.u32 $0xFFFF0000, v1;
	[tilespmem:s16+$0x20] =	vst v2  }
0x109: {  	s17 =	simm.s32 $0x40;
	[tilespmem:s16+$0x30] =	vst v1  }
0x10a: {  	v1 =	vld [tilespmem:s17+$0x17400]  }
0x10b: {  	s18 =	simm.s32 $0x200  }
.LBB2_9:
0x10c: {  	p5 =	sne.s32 s18, $0x3F00;
	_ =	sdelay $0x2  }
0x10d: {  	s16 =	sadd.s32 $0x80, s16;
	v2 =	vshll.u32 v1, $0x10  }
0x10e: {  	v1 =	vand.u32 $0xFFFF0000, v1;
	[tilespmem:s16+$0xFFFFFFC0] =	vst v2  }
0x10f: {  	[tilespmem:s16+$0xFFFFFFD0] =	vst v1  }
0x110: {  	v1 =	vld [tilespmem:s17+$0x17410];
	_ =	sdelay $0x4  }
0x111: {  	v2 =	vshll.u32 v1, $0x10  }
0x112: {  	v1 =	vand.u32 $0xFFFF0000, v1;
	[tilespmem:s16+$0xFFFFFFE0] =	vst v2  }
0x113: {  	[tilespmem:s16+$0xFFFFFFF0] =	vst v1  }
0x114: {  	v1 =	vld [tilespmem:s17+$0x17420];
	_ =	sdelay $0x4  }
0x115: {  	v2 =	vshll.u32 v1, $0x10;
	v1 =	vand.u32 $0xFFFF0000, v1  }
0x116: {  	[tilespmem:s16+$0x10] =	vst v1  }
0x117: {  	[tilespmem:s16+$0x0] =	vst v2  }
0x118: {  	v1 =	vld [tilespmem:s17+$0x17430];
	_ =	sdelay $0x4  }
.Ltmp5:
0x119: {  	v2 =	vshll.u32 v1, $0x10;
	v1 =	vand.u32 $0xFFFF0000, v1;
	(pc) =	sbr.rel @p5 .LBB2_9-.Ltmp5, $4  }
0x11a: {  	[tilespmem:s16+$0x20] =	vst v2  }
0x11b: {  	s17 =	sshra.s32 s18, $0x2;
	[tilespmem:s16+$0x30] =	vst v1  }
0x11c: {  	v1 =	vld [tilespmem:s17+$0x17400]  }
0x11d: {  	s18 =	sadd.s32 $0x100, s18  }
0x11e: {  	_ =	sdelay $0x2  }
0x11f: {  	s16 =	sadd.s32 $0x80, s16;
	v2 =	vshll.u32 v1, $0x10  }
0x120: {  	v1 =	vand.u32 $0xFFFF0000, v1;
	[tilespmem:s16+$0xFFFFFFC0] =	vst v2  }
0x121: {  	[tilespmem:s16+$0xFFFFFFD0] =	vst v1  }
0x122: {  	v1 =	vld [tilespmem:s17+$0x17410];
	_ =	sdelay $0x4  }
0x123: {  	v2 =	vshll.u32 v1, $0x10  }
0x124: {  	v1 =	vand.u32 $0xFFFF0000, v1;
	[tilespmem:s16+$0xFFFFFFE0] =	vst v2  }
0x125: {  	[tilespmem:s16+$0xFFFFFFF0] =	vst v1  }
0x126: {  	v1 =	vld [tilespmem:s17+$0x17420];
	_ =	sdelay $0x4  }
0x127: {  	v2 =	vand.u32 $0xFFFF0000, v1  }
0x128: {  	v1 =	vshll.u32 v1, $0x10;
	[tilespmem:s16+$0x10] =	vst v2  }
0x129: {  	[tilespmem:s16+$0x0] =	vst v1  }
0x12a: {  	v1 =	vld [tilespmem:s17+$0x17430];
	_ =	sdelay $0x4  }
0x12b: {  	v2 =	vshll.u32 v1, $0x10  }
0x12c: {  	v1 =	vand.u32 $0xFFFF0000, v1;
	[tilespmem:s16+$0x20] =	vst v2  }
0x12d: {  	s18 =	sadd.s32 $0x14A80, s15;
	[tilespmem:s16+$0x30] =	vst v1  }
0x12e: {  	[spmem:s2] =	stream.indirect.scatter.add.f32 [tilespmem:s26], [sflag:$0x3], $0x80, s18, s9, $0xb8;
	[tilespmem:$0x1D400] =	vst v63  }
0x12f: {  	_ =	swait.ge [sflag:s13], $0x2000  }
0x130: {  	[sflag:s13] =	ssyncset.done $0x0  }
0x131: {  	s30 =	simm.s32 $0x0;
	[sflag:s13] =	ssyncadd.s32 $0xFFFFE000  }
0x132: {  	v1 =	vld [tilespmem:s30+$0x18400];
	_ =	sdelay $0x4  }
0x133: {  	s16 =	simm.s32 $0x1B470;
	v2 =	vshll.u32 v1, $0x10  }
0x134: {  	v1 =	vand.u32 $0xFFFF0000, v1;
	[tilespmem:s16+$0xFFFFFF90] =	vst v2  }
0x135: {  	[tilespmem:s16+$0xFFFFFFA0] =	vst v1  }
0x136: {  	v1 =	vld [tilespmem:s30+$0x18410];
	_ =	sdelay $0x4  }
0x137: {  	v2 =	vshll.u32 v1, $0x10  }
0x138: {  	v1 =	vand.u32 $0xFFFF0000, v1;
	[tilespmem:s16+$0xFFFFFFB0] =	vst v2  }
0x139: {  	[tilespmem:s16+$0xFFFFFFC0] =	vst v1  }
0x13a: {  	v1 =	vld [tilespmem:s30+$0x18420];
	_ =	sdelay $0x4  }
0x13b: {  	v2 =	vand.u32 $0xFFFF0000, v1  }
0x13c: {  	v1 =	vshll.u32 v1, $0x10;
	[tilespmem:s16+$0xFFFFFFE0] =	vst v2  }
0x13d: {  	[tilespmem:s16+$0xFFFFFFD0] =	vst v1  }
0x13e: {  	v1 =	vld [tilespmem:s30+$0x18430];
	_ =	sdelay $0x4  }
0x13f: {  	v2 =	vshll.u32 v1, $0x10  }
0x140: {  	v1 =	vand.u32 $0xFFFF0000, v1;
	[tilespmem:s16+$0xFFFFFFF0] =	vst v2  }
0x141: {  	s17 =	simm.s32 $0x40;
	[tilespmem:s16+$0x0] =	vst v1  }
0x142: {  	v1 =	vld [tilespmem:s17+$0x18400]  }
0x143: {  	s18 =	simm.s32 $0x200  }
.LBB2_11:
0x144: {  	p5 =	sne.s32 s18, $0x3F00;
	_ =	sdelay $0x2  }
0x145: {  	s16 =	sadd.s32 $0x80, s16;
	v2 =	vshll.u32 v1, $0x10  }
0x146: {  	v1 =	vand.u32 $0xFFFF0000, v1;
	[tilespmem:s16+$0xFFFFFF90] =	vst v2  }
0x147: {  	[tilespmem:s16+$0xFFFFFFA0] =	vst v1  }
0x148: {  	v1 =	vld [tilespmem:s17+$0x18410];
	_ =	sdelay $0x4  }
0x149: {  	v2 =	vshll.u32 v1, $0x10  }
0x14a: {  	v1 =	vand.u32 $0xFFFF0000, v1;
	[tilespmem:s16+$0xFFFFFFB0] =	vst v2  }
0x14b: {  	[tilespmem:s16+$0xFFFFFFC0] =	vst v1  }
0x14c: {  	v1 =	vld [tilespmem:s17+$0x18420];
	_ =	sdelay $0x4  }
0x14d: {  	v2 =	vshll.u32 v1, $0x10;
	v1 =	vand.u32 $0xFFFF0000, v1  }
0x14e: {  	[tilespmem:s16+$0xFFFFFFE0] =	vst v1  }
0x14f: {  	[tilespmem:s16+$0xFFFFFFD0] =	vst v2  }
0x150: {  	v1 =	vld [tilespmem:s17+$0x18430];
	_ =	sdelay $0x4  }
.Ltmp6:
0x151: {  	v2 =	vshll.u32 v1, $0x10;
	v1 =	vand.u32 $0xFFFF0000, v1;
	(pc) =	sbr.rel @p5 .LBB2_11-.Ltmp6, $4  }
0x152: {  	[tilespmem:s16+$0xFFFFFFF0] =	vst v2  }
0x153: {  	s17 =	sshra.s32 s18, $0x2;
	[tilespmem:s16+$0x0] =	vst v1  }
0x154: {  	v1 =	vld [tilespmem:s17+$0x18400]  }
0x155: {  	s18 =	sadd.s32 $0x100, s18  }
0x156: {  	_ =	sdelay $0x2  }
0x157: {  	s16 =	sadd.s32 $0x80, s16;
	v2 =	vshll.u32 v1, $0x10  }
0x158: {  	v1 =	vand.u32 $0xFFFF0000, v1;
	[tilespmem:s16+$0xFFFFFF90] =	vst v2  }
0x159: {  	[tilespmem:s16+$0xFFFFFFA0] =	vst v1  }
0x15a: {  	v1 =	vld [tilespmem:s17+$0x18410];
	_ =	sdelay $0x4  }
0x15b: {  	v2 =	vshll.u32 v1, $0x10  }
0x15c: {  	v1 =	vand.u32 $0xFFFF0000, v1;
	[tilespmem:s16+$0xFFFFFFB0] =	vst v2  }
0x15d: {  	[tilespmem:s16+$0xFFFFFFC0] =	vst v1  }
0x15e: {  	v1 =	vld [tilespmem:s17+$0x18420];
	_ =	sdelay $0x4  }
0x15f: {  	v2 =	vand.u32 $0xFFFF0000, v1  }
0x160: {  	v1 =	vshll.u32 v1, $0x10;
	[tilespmem:s16+$0xFFFFFFE0] =	vst v2  }
0x161: {  	[tilespmem:s16+$0xFFFFFFD0] =	vst v1  }
0x162: {  	v1 =	vld [tilespmem:s17+$0x18430];
	_ =	sdelay $0x3  }
.Ltmp7:
0x163: {  	_ = 	snop;
	(pc) =	sbr.rel @p4 .LBB2_14-.Ltmp7, $4  }
0x164: {  	v2 =	vshll.u32 v1, $0x10  }
0x165: {  	v1 =	vand.u32 $0xFFFF0000, v1;
	[tilespmem:s16+$0xFFFFFFF0] =	vst v2  }
0x166: {  	s30 =	sadd.s32 $0x14AC0, s15;
	[tilespmem:s16+$0x0] =	vst v1  }
0x167: {  	[spmem:s2] =	stream.indirect.scatter.add.f32 [tilespmem:s10], [sflag:$0x4], $0x80, s30, s9, $0xb8;
	[tilespmem:$0x1D400] =	vst v63  }
.Ltmp8:
0x168: {  	(pc) =	sbr.rel .LBB2_4-.Ltmp8, $3  }
0x169: {  	_ =	sdelay $0x1  }
0x16a: {  	s15 =	sadd.s32 $0x14180, s15;
	s14 =	sadd.s32 $0x1, s14  }
0x16b: {  	[tilespmem:s7], [sflag:$0x2] =	stream.indirect.gather [hbm4b:s4+s31], $0x40, s15, s31, $0xb8;
	[tilespmem:$0x1D400] =	vst v63  }
.LBB2_14:
0x16c: {  	_ =	swait.ge [sflag:s12], $0x2000  }
0x16d: {  	[sflag:s12] =	ssyncset.done $0x0  }
0x16e: {  	[sflag:s12] =	ssyncadd.s32 $0xFFFFE000  }
0x16f: {  	_ =	swait.ge [sflag:s13], $0x2000  }
0x170: {  	[sflag:s13] =	ssyncset.done $0x0  }
0x171: {  	s14 =	simm.s32 $0x0;
	s15 =	rddreg [dreg:$0xe];
	[sflag:s13] =	ssyncadd.s32 $0xFFFFE000  }
0x172: {  	[tilespmem:s29], [sflag:$0x5] =	stream.linear.gather [hbm4b:s15+s14], $0xA00, $0x38;
	[tilespmem:$0x1D400] =	vst v63  }
0x173: {  	_ =	swait.ge [sflag:s28], $0xA00  }
0x174: {  	[sflag:s28] =	ssyncset.done $0x0  }
0x175: {  	s16 =	simm.s32 $0x14A00;
	s30 =	rddreg [dreg:$0xf];
	[sflag:s28] =	ssyncadd.s32 $0xFFFFF600  }
0x176: {  	[tilespmem:s16], [sflag:$0x5] =	stream.linear.gather [hbm4b:s30+s14], $0xA00, $0x38;
	[tilespmem:$0x1D400] =	vst v63  }
0x177: {  	_ =	swait.ge [sflag:s28], $0xA00  }
0x178: {  	[sflag:s28] =	ssyncset.done $0x0  }
0x179: {  	[sflag:s28] =	ssyncadd.s32 $0xFFFFF600  }
0x17a: {  	[tilespmem:s0], [sflag:$0x1] =	stream.indirect.gather [hbm4b:s4+s31], $0x40, s29, s31, $0xb8;
	[tilespmem:$0x1D400] =	vst v63  }
0x17b: {  	_ = 	snop  }
0x17c: {  	[tilespmem:s7], [sflag:$0x2] =	stream.indirect.gather [hbm4b:s4+s31], $0x40, s6, s31, $0xb8;
	[tilespmem:$0x1D400] =	vst v63  }
.LBB2_15:
0x17d: {  	_ =	swait.ge [sflag:s8], $0x2000  }
0x17e: {  	p4 =	seq.s32 s14, $0x0;
	[sflag:s8] =	ssyncset.done $0x0  }
0x17f: {  	s15 =	simm.s32 @!p4 $0x3;
	[sflag:s8] =	ssyncadd.s32 $0xFFFFE000  }
0x180: {  	_ =	swait.ge @!p4 [sflag:s15], $0x2000  }
0x181: {  	[sflag:s15] =	ssyncset.done @!p4 $0x0  }
0x182: {  	s16 =	simm.s32 $0x0;
	[sflag:s15] =	ssyncadd.s32 @!p4 $0xFFFFE000  }
0x183: {  	v1 =	vld [tilespmem:s16+$0x15400];
	_ =	sdelay $0x4  }
0x184: {  	s15 =	simm.s32 $0x19440;
	v2 =	vshll.u32 v1, $0x10  }
0x185: {  	v1 =	vand.u32 $0xFFFF0000, v1;
	[tilespmem:s15+$0xFFFFFFC0] =	vst v2  }
0x186: {  	[tilespmem:s15+$0xFFFFFFD0] =	vst v1  }
0x187: {  	v1 =	vld [tilespmem:s16+$0x15410];
	_ =	sdelay $0x4  }
0x188: {  	v2 =	vshll.u32 v1, $0x10  }
0x189: {  	v1 =	vand.u32 $0xFFFF0000, v1;
	[tilespmem:s15+$0xFFFFFFE0] =	vst v2  }
0x18a: {  	[tilespmem:s15+$0xFFFFFFF0] =	vst v1  }
0x18b: {  	v1 =	vld [tilespmem:s16+$0x15420];
	_ =	sdelay $0x4  }
0x18c: {  	v2 =	vand.u32 $0xFFFF0000, v1  }
0x18d: {  	v1 =	vshll.u32 v1, $0x10;
	[tilespmem:s15+$0x10] =	vst v2  }
0x18e: {  	[tilespmem:s15+$0x0] =	vst v1  }
0x18f: {  	v1 =	vld [tilespmem:s16+$0x15430];
	_ =	sdelay $0x4  }
0x190: {  	v2 =	vshll.u32 v1, $0x10  }
0x191: {  	v1 =	vand.u32 $0xFFFF0000, v1;
	[tilespmem:s15+$0x20] =	vst v2  }
0x192: {  	s17 =	simm.s32 $0x40;
	[tilespmem:s15+$0x30] =	vst v1  }
0x193: {  	v1 =	vld [tilespmem:s17+$0x15400]  }
0x194: {  	s18 =	simm.s32 $0x200;
	s16 =	sshll.u32 s14, $0xA  }
.LBB2_16:
0x195: {  	p5 =	sne.s32 s18, $0x3F00;
	_ =	sdelay $0x2  }
0x196: {  	s15 =	sadd.s32 $0x80, s15;
	v2 =	vshll.u32 v1, $0x10  }
0x197: {  	v1 =	vand.u32 $0xFFFF0000, v1;
	[tilespmem:s15+$0xFFFFFFC0] =	vst v2  }
0x198: {  	[tilespmem:s15+$0xFFFFFFD0] =	vst v1  }
0x199: {  	v1 =	vld [tilespmem:s17+$0x15410];
	_ =	sdelay $0x4  }
0x19a: {  	v2 =	vshll.u32 v1, $0x10  }
0x19b: {  	v1 =	vand.u32 $0xFFFF0000, v1;
	[tilespmem:s15+$0xFFFFFFE0] =	vst v2  }
0x19c: {  	[tilespmem:s15+$0xFFFFFFF0] =	vst v1  }
0x19d: {  	v1 =	vld [tilespmem:s17+$0x15420];
	_ =	sdelay $0x4  }
0x19e: {  	v2 =	vshll.u32 v1, $0x10;
	v1 =	vand.u32 $0xFFFF0000, v1  }
0x19f: {  	[tilespmem:s15+$0x10] =	vst v1  }
0x1a0: {  	[tilespmem:s15+$0x0] =	vst v2  }
0x1a1: {  	v1 =	vld [tilespmem:s17+$0x15430];
	_ =	sdelay $0x4  }
.Ltmp9:
0x1a2: {  	v2 =	vshll.u32 v1, $0x10;
	v1 =	vand.u32 $0xFFFF0000, v1;
	(pc) =	sbr.rel @p5 .LBB2_16-.Ltmp9, $4  }
0x1a3: {  	[tilespmem:s15+$0x20] =	vst v2  }
0x1a4: {  	s17 =	sshra.s32 s18, $0x2;
	[tilespmem:s15+$0x30] =	vst v1  }
0x1a5: {  	v1 =	vld [tilespmem:s17+$0x15400]  }
0x1a6: {  	s18 =	sadd.s32 $0x100, s18  }
0x1a7: {  	_ =	sdelay $0x2  }
0x1a8: {  	s18 =	sadd.s32 $0x80, s15;
	v2 =	vshll.u32 v1, $0x10  }
0x1a9: {  	v1 =	vand.u32 $0xFFFF0000, v1;
	[tilespmem:s18+$0xFFFFFFC0] =	vst v2  }
0x1aa: {  	[tilespmem:s18+$0xFFFFFFD0] =	vst v1  }
0x1ab: {  	v1 =	vld [tilespmem:s17+$0x15410];
	_ =	sdelay $0x4  }
0x1ac: {  	v2 =	vshll.u32 v1, $0x10  }
0x1ad: {  	v1 =	vand.u32 $0xFFFF0000, v1;
	[tilespmem:s18+$0xFFFFFFE0] =	vst v2  }
0x1ae: {  	[tilespmem:s18+$0xFFFFFFF0] =	vst v1  }
0x1af: {  	v1 =	vld [tilespmem:s17+$0x15420];
	_ =	sdelay $0x4  }
0x1b0: {  	v2 =	vand.u32 $0xFFFF0000, v1  }
0x1b1: {  	v1 =	vshll.u32 v1, $0x10;
	[tilespmem:s18+$0x10] =	vst v2  }
0x1b2: {  	[tilespmem:s18+$0x0] =	vst v1  }
0x1b3: {  	v1 =	vld [tilespmem:s17+$0x15430];
	_ =	sdelay $0x4  }
0x1b4: {  	v2 =	vshll.u32 v1, $0x10  }
0x1b5: {  	s15 =	sshrl.u32 s16, $0x2;
	v1 =	vand.u32 $0xFFFF0000, v1;
	[tilespmem:s18+$0x20] =	vst v2  }
0x1b6: {  	s17 =	simm.s32 @!p4 $0x4;
	[tilespmem:s18+$0x30] =	vst v1;
	s18 =	sadd.s32 $0x14A00, s15  }
0x1b7: {  	[spmem:s2] =	stream.indirect.scatter.add.f32 [tilespmem:s26], [sflag:$0x3], $0x80, s18, s9, $0xb8;
	[tilespmem:$0x1D400] =	vst v63  }
0x1b8: {  	_ =	swait.ge @!p4 [sflag:s17], $0x2000  }
0x1b9: {  	[sflag:s17] =	ssyncset.done @!p4 $0x0  }
0x1ba: {  	s18 =	simm.s32 $0x0;
	[sflag:s17] =	ssyncadd.s32 @!p4 $0xFFFFE000  }
0x1bb: {  	v1 =	vld [tilespmem:s18+$0x16400];
	_ =	sdelay $0x4  }
0x1bc: {  	s17 =	simm.s32 $0x1B470;
	v2 =	vshll.u32 v1, $0x10  }
0x1bd: {  	v1 =	vand.u32 $0xFFFF0000, v1;
	[tilespmem:s17+$0xFFFFFF90] =	vst v2  }
0x1be: {  	[tilespmem:s17+$0xFFFFFFA0] =	vst v1  }
0x1bf: {  	v1 =	vld [tilespmem:s18+$0x16410];
	_ =	sdelay $0x4  }
0x1c0: {  	v2 =	vshll.u32 v1, $0x10  }
0x1c1: {  	v1 =	vand.u32 $0xFFFF0000, v1;
	[tilespmem:s17+$0xFFFFFFB0] =	vst v2  }
0x1c2: {  	[tilespmem:s17+$0xFFFFFFC0] =	vst v1  }
0x1c3: {  	v1 =	vld [tilespmem:s18+$0x16420];
	_ =	sdelay $0x4  }
0x1c4: {  	v2 =	vand.u32 $0xFFFF0000, v1  }
0x1c5: {  	v1 =	vshll.u32 v1, $0x10;
	[tilespmem:s17+$0xFFFFFFE0] =	vst v2  }
0x1c6: {  	[tilespmem:s17+$0xFFFFFFD0] =	vst v1  }
0x1c7: {  	v1 =	vld [tilespmem:s18+$0x16430];
	_ =	sdelay $0x4  }
0x1c8: {  	v2 =	vshll.u32 v1, $0x10  }
0x1c9: {  	v1 =	vand.u32 $0xFFFF0000, v1;
	[tilespmem:s17+$0xFFFFFFF0] =	vst v2  }
0x1ca: {  	s18 =	simm.s32 $0x40;
	[tilespmem:s17+$0x0] =	vst v1  }
0x1cb: {  	v1 =	vld [tilespmem:s18+$0x16400]  }
0x1cc: {  	s30 =	simm.s32 $0x200  }
.LBB2_18:
0x1cd: {  	p4 =	sne.s32 s30, $0x3F00;
	_ =	sdelay $0x2  }
0x1ce: {  	s17 =	sadd.s32 $0x80, s17;
	v2 =	vshll.u32 v1, $0x10  }
0x1cf: {  	v1 =	vand.u32 $0xFFFF0000, v1;
	[tilespmem:s17+$0xFFFFFF90] =	vst v2  }
0x1d0: {  	[tilespmem:s17+$0xFFFFFFA0] =	vst v1  }
0x1d1: {  	v1 =	vld [tilespmem:s18+$0x16410];
	_ =	sdelay $0x4  }
0x1d2: {  	v2 =	vshll.u32 v1, $0x10  }
0x1d3: {  	v1 =	vand.u32 $0xFFFF0000, v1;
	[tilespmem:s17+$0xFFFFFFB0] =	vst v2  }
0x1d4: {  	[tilespmem:s17+$0xFFFFFFC0] =	vst v1  }
0x1d5: {  	v1 =	vld [tilespmem:s18+$0x16420];
	_ =	sdelay $0x4  }
0x1d6: {  	v2 =	vshll.u32 v1, $0x10;
	v1 =	vand.u32 $0xFFFF0000, v1  }
0x1d7: {  	[tilespmem:s17+$0xFFFFFFE0] =	vst v1  }
0x1d8: {  	[tilespmem:s17+$0xFFFFFFD0] =	vst v2  }
0x1d9: {  	v1 =	vld [tilespmem:s18+$0x16430];
	_ =	sdelay $0x4  }
.Ltmp10:
0x1da: {  	v2 =	vshll.u32 v1, $0x10;
	v1 =	vand.u32 $0xFFFF0000, v1;
	(pc) =	sbr.rel @p4 .LBB2_18-.Ltmp10, $4  }
0x1db: {  	[tilespmem:s17+$0xFFFFFFF0] =	vst v2  }
0x1dc: {  	s18 =	sshra.s32 s30, $0x2;
	[tilespmem:s17+$0x0] =	vst v1  }
0x1dd: {  	v1 =	vld [tilespmem:s18+$0x16400]  }
0x1de: {  	s30 =	sadd.s32 $0x100, s30  }
0x1df: {  	_ =	sdelay $0x2  }
0x1e0: {  	s17 =	sadd.s32 $0x80, s17;
	v2 =	vshll.u32 v1, $0x10  }
0x1e1: {  	v1 =	vand.u32 $0xFFFF0000, v1;
	[tilespmem:s17+$0xFFFFFF90] =	vst v2  }
0x1e2: {  	[tilespmem:s17+$0xFFFFFFA0] =	vst v1  }
0x1e3: {  	v1 =	vld [tilespmem:s18+$0x16410];
	_ =	sdelay $0x4  }
0x1e4: {  	v2 =	vshll.u32 v1, $0x10  }
0x1e5: {  	v1 =	vand.u32 $0xFFFF0000, v1;
	[tilespmem:s17+$0xFFFFFFB0] =	vst v2  }
0x1e6: {  	[tilespmem:s17+$0xFFFFFFC0] =	vst v1  }
0x1e7: {  	v1 =	vld [tilespmem:s18+$0x16420];
	_ =	sdelay $0x4  }
0x1e8: {  	v2 =	vand.u32 $0xFFFF0000, v1  }
0x1e9: {  	v1 =	vshll.u32 v1, $0x10;
	[tilespmem:s17+$0xFFFFFFE0] =	vst v2  }
0x1ea: {  	[tilespmem:s17+$0xFFFFFFD0] =	vst v1  }
0x1eb: {  	v1 =	vld [tilespmem:s18+$0x16430];
	_ =	sdelay $0x4  }
0x1ec: {  	v2 =	vshll.u32 v1, $0x10  }
0x1ed: {  	p4 =	seq.s32 s14, $0x9;
	v1 =	vand.u32 $0xFFFF0000, v1;
	[tilespmem:s17+$0xFFFFFFF0] =	vst v2  }
0x1ee: {  	s16 =	sshrl.u32 @!p4 s16, $0x2;
	s18 =	sadd.s32 $0x14A40, s15;
	[tilespmem:s17+$0x0] =	vst v1  }
0x1ef: {  	[spmem:s2] =	stream.indirect.scatter.add.f32 [tilespmem:s10], [sflag:$0x4], $0x80, s18, s9, $0xb8;
	[tilespmem:$0x1D400] =	vst v63  }
0x1f0: {  	s16 =	sadd.s32 @!p4 $0x14100, s16;
	s17 =	simm.s32 @!p4 $0x80;
	s18 =	simm.s32 @!p4 $0x15400  }
0x1f1: {  	[tilespmem:s18], [sflag:$0x1] =	stream.indirect.gather @!p4 [hbm4b:s4+s17], $0x40, s16, s17, $0xb8;
	[tilespmem:$0x1D400] =	vst v63  }
0x1f2: {  	_ =	swait.ge [sflag:s11], $0x2000  }
0x1f3: {  	[sflag:s11] =	ssyncset.done $0x0  }
0x1f4: {  	[sflag:s11] =	ssyncadd.s32 $0xFFFFE000  }
0x1f5: {  	_ =	swait.ge [sflag:s12], $0x2000  }
0x1f6: {  	[sflag:s12] =	ssyncset.done $0x0  }
0x1f7: {  	s30 =	simm.s32 $0x0;
	[sflag:s12] =	ssyncadd.s32 $0xFFFFE000  }
0x1f8: {  	v1 =	vld [tilespmem:s30+$0x17400];
	_ =	sdelay $0x4  }
0x1f9: {  	s16 =	simm.s32 $0x19440;
	v2 =	vshll.u32 v1, $0x10  }
0x1fa: {  	v1 =	vand.u32 $0xFFFF0000, v1;
	[tilespmem:s16+$0xFFFFFFC0] =	vst v2  }
0x1fb: {  	[tilespmem:s16+$0xFFFFFFD0] =	vst v1  }
0x1fc: {  	v1 =	vld [tilespmem:s30+$0x17410];
	_ =	sdelay $0x4  }
0x1fd: {  	v2 =	vshll.u32 v1, $0x10  }
0x1fe: {  	v1 =	vand.u32 $0xFFFF0000, v1;
	[tilespmem:s16+$0xFFFFFFE0] =	vst v2  }
0x1ff: {  	[tilespmem:s16+$0xFFFFFFF0] =	vst v1  }
0x200: {  	v1 =	vld [tilespmem:s30+$0x17420];
	_ =	sdelay $0x4  }
0x201: {  	v2 =	vand.u32 $0xFFFF0000, v1  }
0x202: {  	v1 =	vshll.u32 v1, $0x10;
	[tilespmem:s16+$0x10] =	vst v2  }
0x203: {  	[tilespmem:s16+$0x0] =	vst v1  }
0x204: {  	v1 =	vld [tilespmem:s30+$0x17430];
	_ =	sdelay $0x4  }
0x205: {  	v2 =	vshll.u32 v1, $0x10  }
0x206: {  	v1 =	vand.u32 $0xFFFF0000, v1;
	[tilespmem:s16+$0x20] =	vst v2  }
0x207: {  	s17 =	simm.s32 $0x40;
	[tilespmem:s16+$0x30] =	vst v1  }
0x208: {  	v1 =	vld [tilespmem:s17+$0x17400]  }
0x209: {  	s18 =	simm.s32 $0x200  }
.LBB2_20:
0x20a: {  	p5 =	sne.s32 s18, $0x3F00;
	_ =	sdelay $0x2  }
0x20b: {  	s16 =	sadd.s32 $0x80, s16;
	v2 =	vshll.u32 v1, $0x10  }
0x20c: {  	v1 =	vand.u32 $0xFFFF0000, v1;
	[tilespmem:s16+$0xFFFFFFC0] =	vst v2  }
0x20d: {  	[tilespmem:s16+$0xFFFFFFD0] =	vst v1  }
0x20e: {  	v1 =	vld [tilespmem:s17+$0x17410];
	_ =	sdelay $0x4  }
0x20f: {  	v2 =	vshll.u32 v1, $0x10  }
0x210: {  	v1 =	vand.u32 $0xFFFF0000, v1;
	[tilespmem:s16+$0xFFFFFFE0] =	vst v2  }
0x211: {  	[tilespmem:s16+$0xFFFFFFF0] =	vst v1  }
0x212: {  	v1 =	vld [tilespmem:s17+$0x17420];
	_ =	sdelay $0x4  }
0x213: {  	v2 =	vshll.u32 v1, $0x10;
	v1 =	vand.u32 $0xFFFF0000, v1  }
0x214: {  	[tilespmem:s16+$0x10] =	vst v1  }
0x215: {  	[tilespmem:s16+$0x0] =	vst v2  }
0x216: {  	v1 =	vld [tilespmem:s17+$0x17430];
	_ =	sdelay $0x4  }
.Ltmp11:
0x217: {  	v2 =	vshll.u32 v1, $0x10;
	v1 =	vand.u32 $0xFFFF0000, v1;
	(pc) =	sbr.rel @p5 .LBB2_20-.Ltmp11, $4  }
0x218: {  	[tilespmem:s16+$0x20] =	vst v2  }
0x219: {  	s17 =	sshra.s32 s18, $0x2;
	[tilespmem:s16+$0x30] =	vst v1  }
0x21a: {  	v1 =	vld [tilespmem:s17+$0x17400]  }
0x21b: {  	s18 =	sadd.s32 $0x100, s18  }
0x21c: {  	_ =	sdelay $0x2  }
0x21d: {  	s16 =	sadd.s32 $0x80, s16;
	v2 =	vshll.u32 v1, $0x10  }
0x21e: {  	v1 =	vand.u32 $0xFFFF0000, v1;
	[tilespmem:s16+$0xFFFFFFC0] =	vst v2  }
0x21f: {  	[tilespmem:s16+$0xFFFFFFD0] =	vst v1  }
0x220: {  	v1 =	vld [tilespmem:s17+$0x17410];
	_ =	sdelay $0x4  }
0x221: {  	v2 =	vshll.u32 v1, $0x10  }
0x222: {  	v1 =	vand.u32 $0xFFFF0000, v1;
	[tilespmem:s16+$0xFFFFFFE0] =	vst v2  }
0x223: {  	[tilespmem:s16+$0xFFFFFFF0] =	vst v1  }
0x224: {  	v1 =	vld [tilespmem:s17+$0x17420];
	_ =	sdelay $0x4  }
0x225: {  	v2 =	vand.u32 $0xFFFF0000, v1  }
0x226: {  	v1 =	vshll.u32 v1, $0x10;
	[tilespmem:s16+$0x10] =	vst v2  }
0x227: {  	[tilespmem:s16+$0x0] =	vst v1  }
0x228: {  	v1 =	vld [tilespmem:s17+$0x17430];
	_ =	sdelay $0x4  }
0x229: {  	v2 =	vshll.u32 v1, $0x10  }
0x22a: {  	v1 =	vand.u32 $0xFFFF0000, v1;
	[tilespmem:s16+$0x20] =	vst v2  }
0x22b: {  	s18 =	sadd.s32 $0x14A80, s15;
	[tilespmem:s16+$0x30] =	vst v1  }
0x22c: {  	[spmem:s2] =	stream.indirect.scatter.add.f32 [tilespmem:s26], [sflag:$0x3], $0x80, s18, s9, $0xb8;
	[tilespmem:$0x1D400] =	vst v63  }
0x22d: {  	_ =	swait.ge [sflag:s13], $0x2000  }
0x22e: {  	[sflag:s13] =	ssyncset.done $0x0  }
0x22f: {  	s30 =	simm.s32 $0x0;
	[sflag:s13] =	ssyncadd.s32 $0xFFFFE000  }
0x230: {  	v1 =	vld [tilespmem:s30+$0x18400];
	_ =	sdelay $0x4  }
0x231: {  	s16 =	simm.s32 $0x1B470;
	v2 =	vshll.u32 v1, $0x10  }
0x232: {  	v1 =	vand.u32 $0xFFFF0000, v1;
	[tilespmem:s16+$0xFFFFFF90] =	vst v2  }
0x233: {  	[tilespmem:s16+$0xFFFFFFA0] =	vst v1  }
0x234: {  	v1 =	vld [tilespmem:s30+$0x18410];
	_ =	sdelay $0x4  }
0x235: {  	v2 =	vshll.u32 v1, $0x10  }
0x236: {  	v1 =	vand.u32 $0xFFFF0000, v1;
	[tilespmem:s16+$0xFFFFFFB0] =	vst v2  }
0x237: {  	[tilespmem:s16+$0xFFFFFFC0] =	vst v1  }
0x238: {  	v1 =	vld [tilespmem:s30+$0x18420];
	_ =	sdelay $0x4  }
0x239: {  	v2 =	vand.u32 $0xFFFF0000, v1  }
0x23a: {  	v1 =	vshll.u32 v1, $0x10;
	[tilespmem:s16+$0xFFFFFFE0] =	vst v2  }
0x23b: {  	[tilespmem:s16+$0xFFFFFFD0] =	vst v1  }
0x23c: {  	v1 =	vld [tilespmem:s30+$0x18430];
	_ =	sdelay $0x4  }
0x23d: {  	v2 =	vshll.u32 v1, $0x10  }
0x23e: {  	v1 =	vand.u32 $0xFFFF0000, v1;
	[tilespmem:s16+$0xFFFFFFF0] =	vst v2  }
0x23f: {  	s17 =	simm.s32 $0x40;
	[tilespmem:s16+$0x0] =	vst v1  }
0x240: {  	v1 =	vld [tilespmem:s17+$0x18400]  }
0x241: {  	s18 =	simm.s32 $0x200  }
.LBB2_22:
0x242: {  	p5 =	sne.s32 s18, $0x3F00;
	_ =	sdelay $0x2  }
0x243: {  	s16 =	sadd.s32 $0x80, s16;
	v2 =	vshll.u32 v1, $0x10  }
0x244: {  	v1 =	vand.u32 $0xFFFF0000, v1;
	[tilespmem:s16+$0xFFFFFF90] =	vst v2  }
0x245: {  	[tilespmem:s16+$0xFFFFFFA0] =	vst v1  }
0x246: {  	v1 =	vld [tilespmem:s17+$0x18410];
	_ =	sdelay $0x4  }
0x247: {  	v2 =	vshll.u32 v1, $0x10  }
0x248: {  	v1 =	vand.u32 $0xFFFF0000, v1;
	[tilespmem:s16+$0xFFFFFFB0] =	vst v2  }
0x249: {  	[tilespmem:s16+$0xFFFFFFC0] =	vst v1  }
0x24a: {  	v1 =	vld [tilespmem:s17+$0x18420];
	_ =	sdelay $0x4  }
0x24b: {  	v2 =	vshll.u32 v1, $0x10;
	v1 =	vand.u32 $0xFFFF0000, v1  }
0x24c: {  	[tilespmem:s16+$0xFFFFFFE0] =	vst v1  }
0x24d: {  	[tilespmem:s16+$0xFFFFFFD0] =	vst v2  }
0x24e: {  	v1 =	vld [tilespmem:s17+$0x18430];
	_ =	sdelay $0x4  }
.Ltmp12:
0x24f: {  	v2 =	vshll.u32 v1, $0x10;
	v1 =	vand.u32 $0xFFFF0000, v1;
	(pc) =	sbr.rel @p5 .LBB2_22-.Ltmp12, $4  }
0x250: {  	[tilespmem:s16+$0xFFFFFFF0] =	vst v2  }
0x251: {  	s17 =	sshra.s32 s18, $0x2;
	[tilespmem:s16+$0x0] =	vst v1  }
0x252: {  	v1 =	vld [tilespmem:s17+$0x18400]  }
0x253: {  	s18 =	sadd.s32 $0x100, s18  }
0x254: {  	_ =	sdelay $0x2  }
0x255: {  	s16 =	sadd.s32 $0x80, s16;
	v2 =	vshll.u32 v1, $0x10  }
0x256: {  	v1 =	vand.u32 $0xFFFF0000, v1;
	[tilespmem:s16+$0xFFFFFF90] =	vst v2  }
0x257: {  	[tilespmem:s16+$0xFFFFFFA0] =	vst v1  }
0x258: {  	v1 =	vld [tilespmem:s17+$0x18410];
	_ =	sdelay $0x4  }
0x259: {  	v2 =	vshll.u32 v1, $0x10  }
0x25a: {  	v1 =	vand.u32 $0xFFFF0000, v1;
	[tilespmem:s16+$0xFFFFFFB0] =	vst v2  }
0x25b: {  	[tilespmem:s16+$0xFFFFFFC0] =	vst v1  }
0x25c: {  	v1 =	vld [tilespmem:s17+$0x18420];
	_ =	sdelay $0x4  }
0x25d: {  	v2 =	vand.u32 $0xFFFF0000, v1  }
0x25e: {  	v1 =	vshll.u32 v1, $0x10;
	[tilespmem:s16+$0xFFFFFFE0] =	vst v2  }
0x25f: {  	[tilespmem:s16+$0xFFFFFFD0] =	vst v1  }
0x260: {  	v1 =	vld [tilespmem:s17+$0x18430];
	_ =	sdelay $0x3  }
.Ltmp13:
0x261: {  	_ = 	snop;
	(pc) =	sbr.rel @p4 .LBB2_25-.Ltmp13, $4  }
0x262: {  	v2 =	vshll.u32 v1, $0x10  }
0x263: {  	v1 =	vand.u32 $0xFFFF0000, v1;
	[tilespmem:s16+$0xFFFFFFF0] =	vst v2  }
0x264: {  	s30 =	sadd.s32 $0x14AC0, s15;
	[tilespmem:s16+$0x0] =	vst v1  }
0x265: {  	[spmem:s2] =	stream.indirect.scatter.add.f32 [tilespmem:s10], [sflag:$0x4], $0x80, s30, s9, $0xb8;
	[tilespmem:$0x1D400] =	vst v63  }
.Ltmp14:
0x266: {  	(pc) =	sbr.rel .LBB2_15-.Ltmp14, $3  }
0x267: {  	_ =	sdelay $0x1  }
0x268: {  	s15 =	sadd.s32 $0x14180, s15;
	s14 =	sadd.s32 $0x1, s14  }
0x269: {  	[tilespmem:s7], [sflag:$0x2] =	stream.indirect.gather [hbm4b:s4+s31], $0x40, s15, s31, $0xb8;
	[tilespmem:$0x1D400] =	vst v63  }
.LBB2_26:
0x26a: {  	_ =	sfence.sel $0x180000  }
0x26b: {  	[bflag:$0x0] =	sbarrier.arrive $0xFFFF  }
0x26c: {  	_ =	strace $0x9000004A  }
0x26d: {  	[bflag:$0x2] =	sbarrier.arrive $0xFFFF  }
0x26e: {  	p0 =	sne.s32 s1, $0x0;
	s0 =	rddreg [dreg:$0x3]  }
0x26f: {  	s0 =	sadd.s32 @!p0 $0x100000, s0  }
0x270: {  	[sflag:s0] =	ssyncadd.tile.s32 @!p0 $0x1;
	_ =	shalt  }
.Lfunc_end2:
_tile_overlayer_lowered:
.L_overlay_start_2:
0x271: {  	(tag) =	ssettag $0x2  }
0x272: {  	s0 =	rddreg [dreg:$0x0];
	s2 =	stileid.u32  }
0x273: {  	s1 =	rddreg [dreg:$0x1];
	p0 =	sne.s32 s2, $0x0  }
0x274: {  	s3 =	rddreg [dreg:$0x2];
	[bflag:$0x3] =	sbarrier.arrive $0xFFFF;
	s2 =	simm.s32 @!p0 $0x1C05  }
0x275: {  	[timem:s3], [sflag:s2] =	dma.local @!p0 [hbm:s0], s1  }
0x276: {  	s0 =	simm.s32 @!p0 $0x5  }
0x277: {  	_ =	swait.ge @!p0 [sflag:s0], s1  }
0x278: {  	s1 =	ssub.s32 @!p0 $0x0, s1;
	[sflag:s0] =	ssyncset.done @!p0 $0x0  }
0x279: {  	[sflag:s0] =	ssyncadd.s32 @!p0 s1  }
0x27a: {  	[bflag:$0x3] =	sbarrier.arrive $0xFFFF  }
0x27b: {  	_ =	shalt  }

</sc_bundles>
